<compile_context>
chip_gen: v7x
topology: tpu7x:2x2x1
jax: 0.10.2.dev20260603
libtpu: 0.0.44.dev20260713+nightly
codegen_flags: <defaults>
</compile_context>

<pallas_src>
import functools

import jax
import jax.numpy as jnp
from jax import lax
from jax.experimental import pallas as pl
from jax.experimental.pallas import tpu as pltpu
from jax.experimental.pallas import tpu_sc as plsc

_N = 100000
_D = 32
_SPLIT = 50048
_NSUB = 16
_ACC_ROWS = 51200
_TRASH = 51000
_K = 80
_NBUF = 4
_BN = 10000


def _sc_scatter_add(feats, src, dst):
    E = src.shape[0]
    per_sub = E // _NSUB
    assert E % (_NSUB * _K * _NBUF) == 0, "edge count must tile exactly"
    n_outer = per_sub // (_K * _NBUF)
    mesh = plsc.VectorSubcoreMesh(core_axis_name="c", subcore_axis_name="s")

    scratch = [pltpu.VMEM_SHARED((_ACC_ROWS, _D), jnp.float32)]
    scratch += [pltpu.VMEM((_K,), jnp.int32) for _ in range(_NBUF)]
    scratch += [pltpu.VMEM((_K,), jnp.int32) for _ in range(_NBUF)]
    scratch += [pltpu.VMEM((_K,), jnp.int32) for _ in range(_NBUF)]
    scratch += [pltpu.VMEM((_K, _D), jnp.float32) for _ in range(_NBUF)]
    scratch += [pltpu.SemaphoreType.DMA for _ in range(3 * _NBUF)]

    @functools.partial(
        pl.kernel,
        out_type=jax.ShapeDtypeStruct((_N, _D), jnp.float32),
        mesh=mesh,
        scratch_types=scratch,
        compiler_params=pltpu.CompilerParams(use_tc_tiling_on_sc=False),
    )
    def k(feats_hbm, src_hbm, dst_hbm, out_hbm, acc, *sc):
        srcv = sc[0:_NBUF]
        dstraw = sc[_NBUF:2 * _NBUF]
        dstloc = sc[2 * _NBUF:3 * _NBUF]
        rows = sc[3 * _NBUF:4 * _NBUF]
        sem_i = sc[4 * _NBUF:5 * _NBUF]
        sem_g = sc[5 * _NBUF:6 * _NBUF]
        sem_s = sc[6 * _NBUF:7 * _NBUF]
        c = lax.axis_index("c")
        s = lax.axis_index("s")
        cbase = c * _SPLIT
        csize = _SPLIT - c * (2 * _SPLIT - _N)
        zero16 = jnp.zeros((16,), jnp.float32)

        @pl.loop(0, _K)
        def _(r):
            rows[0][r, pl.ds(0, 16)] = zero16
            rows[0][r, pl.ds(16, 16)] = zero16

        zrows = _ACC_ROWS // _NSUB

        @pl.loop(0, zrows // _K)
        def _(t):
            off = pl.multiple_of(s * zrows + t * _K, 8)
            pltpu.sync_copy(rows[0], acc.at[pl.ds(off, _K)])

        plsc.subcore_barrier()
        base_sub = s * per_sub

        @pl.loop(0, n_outer)
        def _(t):
            descs_i = []
            for b in range(_NBUF):
                base = pl.multiple_of(base_sub + (t * _NBUF + b) * _K, 8)
                d1 = pltpu.async_copy(src_hbm.at[pl.ds(base, _K)], srcv[b], sem_i[b])
                d2 = pltpu.async_copy(dst_hbm.at[pl.ds(base, _K)], dstraw[b], sem_i[b])
                descs_i.append((d1, d2))
            descs_g = []
            for b in range(_NBUF):
                d1, d2 = descs_i[b]
                d1.wait()
                d2.wait()
                descs_g.append(
                    pltpu.async_copy(feats_hbm.at[srcv[b]], rows[b], sem_g[b]))
            for b in range(_NBUF):
                @pl.loop(0, _K, step=16)
                def _(i, _b=b):
                    i = pl.multiple_of(i, 8)
                    d = dstraw[_b][pl.ds(i, 16)]
                    l = d - cbase
                    inb = (l >= 0) & (l < csize)
                    dstloc[_b][pl.ds(i, 16)] = jnp.where(inb, l, _TRASH)
            descs_s = []
            for b in range(_NBUF):
                descs_g[b].wait()
                descs_s.append(
                    pltpu.async_copy(rows[b], acc.at[dstloc[b]], sem_s[b], add=True))
            for b in range(_NBUF):
                descs_s[b].wait()

        plsc.subcore_barrier()
        full = 3200

        @pl.when(s < _NSUB - 1)
        def _():
            woff = pl.multiple_of(s * full, 8)
            goff = pl.multiple_of(cbase + s * full, 8)
            pltpu.sync_copy(acc.at[pl.ds(woff, full)], out_hbm.at[pl.ds(goff, full)])

        tail_off = (_NSUB - 1) * full

        @pl.when((s == _NSUB - 1) & (c == 0))
        def _():
            pltpu.sync_copy(acc.at[pl.ds(tail_off, _SPLIT - tail_off)],
                            out_hbm.at[pl.ds(tail_off, _SPLIT - tail_off)])

        @pl.when((s == _NSUB - 1) & (c == 1))
        def _():
            pltpu.sync_copy(acc.at[pl.ds(tail_off, _N - _SPLIT - tail_off)],
                            out_hbm.at[pl.ds(_SPLIT + tail_off, _N - _SPLIT - tail_off)])

    return k(feats, src, dst)


def _expand(x, W1a):
    def body(x_ref, w_ref, y_ref):
        y_ref[...] = x_ref[...] * w_ref[...]

    return pl.pallas_call(
        body,
        grid=(_N // _BN,),
        in_specs=[
            pl.BlockSpec((_BN, 1), lambda i: (i, 0)),
            pl.BlockSpec((1, _D), lambda i: (0, 0)),
        ],
        out_specs=pl.BlockSpec((_BN, _D), lambda i: (i, 0)),
        out_shape=jax.ShapeDtypeStruct((_N, _D), jnp.float32),
    )(x, W1a)


def _mlp(a, b, Wa, ba, Wb, bb, first_dot=True):
    grid = _N // _BN

    def body(a_ref, b_ref, wa_ref, ba_ref, wb_ref, bb_ref, v_ref, sums_ref, acc_ref):
        i = pl.program_id(0)

        @pl.when(i == 0)
        def _():
            acc_ref[...] = jnp.zeros_like(acc_ref)

        z = a_ref[...] + b_ref[...]
        if first_dot:
            t = jnp.maximum(
                jnp.dot(z, wa_ref[...], preferred_element_type=jnp.float32)
                + ba_ref[...], 0.0)
        else:
            t = jnp.maximum(z + ba_ref[...], 0.0)
        u = jnp.dot(t, wb_ref[...], preferred_element_type=jnp.float32) + bb_ref[...]
        v = jnp.maximum(u, 0.0)
        v_ref[...] = v
        acc_ref[0:1, :] += jnp.sum(v, axis=0, keepdims=True)
        acc_ref[1:2, :] += jnp.sum(v * v, axis=0, keepdims=True)

        @pl.when(i == grid - 1)
        def _():
            sums_ref[...] = acc_ref[...]

    return pl.pallas_call(
        body,
        grid=(grid,),
        in_specs=[
            pl.BlockSpec((_BN, _D), lambda i: (i, 0)),
            pl.BlockSpec((_BN, _D), lambda i: (i, 0)),
            pl.BlockSpec((_D, _D), lambda i: (0, 0)),
            pl.BlockSpec((1, _D), lambda i: (0, 0)),
            pl.BlockSpec((_D, _D), lambda i: (0, 0)),
            pl.BlockSpec((1, _D), lambda i: (0, 0)),
        ],
        out_specs=[
            pl.BlockSpec((_BN, _D), lambda i: (i, 0)),
            pl.BlockSpec((8, _D), lambda i: (0, 0)),
        ],
        out_shape=[
            jax.ShapeDtypeStruct((_N, _D), jnp.float32),
            jax.ShapeDtypeStruct((8, _D), jnp.float32),
        ],
        scratch_shapes=[pltpu.VMEM((8, _D), jnp.float32)],
    )(a, b, Wa, ba, Wb, bb)


def _varpass(v, sums):
    grid = _N // _BN

    def body(v_ref, s_ref, var_ref, acc_ref):
        i = pl.program_id(0)

        @pl.when(i == 0)
        def _():
            acc_ref[...] = jnp.zeros_like(acc_ref)

        mu = s_ref[0:1, :] * (1.0 / _N)
        cv = v_ref[...] - mu
        acc_ref[0:1, :] += jnp.sum(cv * cv, axis=0, keepdims=True)

        @pl.when(i == grid - 1)
        def _():
            var_ref[...] = acc_ref[...]

    return pl.pallas_call(
        body,
        grid=(grid,),
        in_specs=[
            pl.BlockSpec((_BN, _D), lambda i: (i, 0)),
            pl.BlockSpec((8, _D), lambda i: (0, 0)),
        ],
        out_specs=pl.BlockSpec((8, _D), lambda i: (0, 0)),
        out_shape=jax.ShapeDtypeStruct((8, _D), jnp.float32),
        scratch_shapes=[pltpu.VMEM((8, _D), jnp.float32)],
    )(v, sums)


def _norm(v, sums, var2, g, be):
    def body(v_ref, s_ref, v2_ref, g_ref, be_ref, h_ref):
        mu = s_ref[0:1, :] * (1.0 / _N)
        var = v2_ref[0:1, :] * (1.0 / _N)
        scale = lax.rsqrt(var + 1e-5) * g_ref[...]
        h_ref[...] = (v_ref[...] - mu) * scale + be_ref[...]

    return pl.pallas_call(
        body,
        grid=(_N // _BN,),
        in_specs=[
            pl.BlockSpec((_BN, _D), lambda i: (i, 0)),
            pl.BlockSpec((8, _D), lambda i: (0, 0)),
            pl.BlockSpec((8, _D), lambda i: (0, 0)),
            pl.BlockSpec((1, _D), lambda i: (0, 0)),
            pl.BlockSpec((1, _D), lambda i: (0, 0)),
        ],
        out_specs=pl.BlockSpec((_BN, _D), lambda i: (i, 0)),
        out_shape=jax.ShapeDtypeStruct((_N, _D), jnp.float32),
    )(v, sums, var2, g, be)


def _final(v, sums, var2, g, be, fc1_W, fc1_b, fc2_W, fc2_b):
    nc = fc2_W.shape[1]

    def body(v_ref, s_ref, v2_ref, g_ref, be_ref, w1_ref, b1_ref, w2_ref, b2_ref,
             o_ref):
        mu = s_ref[0:1, :] * (1.0 / _N)
        var = v2_ref[0:1, :] * (1.0 / _N)
        scale = lax.rsqrt(var + 1e-5) * g_ref[...]
        h = (v_ref[...] - mu) * scale + be_ref[...]
        r = jnp.maximum(
            jnp.dot(h, w1_ref[...], preferred_element_type=jnp.float32) + b1_ref[...],
            0.0)
        o = jnp.dot(r, w2_ref[...], preferred_element_type=jnp.float32) + b2_ref[...]
        m = jnp.max(o, axis=-1, keepdims=True)
        lse = m + jnp.log(jnp.sum(jnp.exp(o - m), axis=-1, keepdims=True))
        o_ref[...] = o - lse

    return pl.pallas_call(
        body,
        grid=(_N // _BN,),
        in_specs=[
            pl.BlockSpec((_BN, _D), lambda i: (i, 0)),
            pl.BlockSpec((8, _D), lambda i: (0, 0)),
            pl.BlockSpec((8, _D), lambda i: (0, 0)),
            pl.BlockSpec((1, _D), lambda i: (0, 0)),
            pl.BlockSpec((1, _D), lambda i: (0, 0)),
            pl.BlockSpec((_D, _D), lambda i: (0, 0)),
            pl.BlockSpec((1, _D), lambda i: (0, 0)),
            pl.BlockSpec((_D, nc), lambda i: (0, 0)),
            pl.BlockSpec((1, nc), lambda i: (0, 0)),
        ],
        out_specs=pl.BlockSpec((_BN, nc), lambda i: (i, 0)),
        out_shape=jax.ShapeDtypeStruct((_N, nc), jnp.float32),
    )(v, sums, var2, g, be, fc1_W, fc1_b, fc2_W, fc2_b)


def kernel(x, edge_index, W1a, b1a, W1b, b1b, g1, be1, W2a, b2a, W2b, b2b, g2,
           be2, W3a, b3a, W3b, b3b, g3, be3, W4a, b4a, W4b, b4b, g4, be4, W5a,
           b5a, W5b, b5b, g5, be5, fc1_W, fc1_b, fc2_W, fc2_b):
    src = edge_index[0]
    dst = edge_index[1]
    eye = jnp.eye(_D, dtype=jnp.float32)

    y1 = _expand(x, W1a)
    aggy = _sc_scatter_add(y1, src, dst)
    v, sums = _mlp(y1, aggy, eye, b1a.reshape(1, _D), W1b, b1b.reshape(1, _D),
                   first_dot=False)
    h = _norm(v, sums, _varpass(v, sums), g1.reshape(1, _D), be1.reshape(1, _D))

    layers = [
        (W2a, b2a, W2b, b2b, g2, be2),
        (W3a, b3a, W3b, b3b, g3, be3),
        (W4a, b4a, W4b, b4b, g4, be4),
        (W5a, b5a, W5b, b5b, g5, be5),
    ]
    for li, (Wa, ba, Wb, bb, g, be) in enumerate(layers):
        agg = _sc_scatter_add(h, src, dst)
        v, sums = _mlp(h, agg, Wa, ba.reshape(1, _D), Wb, bb.reshape(1, _D))
        if li < len(layers) - 1:
            h = _norm(v, sums, _varpass(v, sums), g.reshape(1, _D),
                      be.reshape(1, _D))

    return _final(v, sums, _varpass(v, sums), g5.reshape(1, _D),
                  be5.reshape(1, _D), fc1_W, fc1_b.reshape(1, _D), fc2_W,
                  fc2_b.reshape(1, 2))

# --- scband reference (transcript-rebuilt; emitter-appended) ---
"""Pipeline reference for scband-net-14267881357677 (READ-ONLY COPY).

The authoritative reference and input builder live on the scoring server;
editing this copy changes nothing except your own understanding.
"""

import jax, jax.numpy as jnp
import numpy as np

N = 100000
E = 3200000
DIM = 32
NF = 1
NC = 2

def _lin_init(key, fan_in, fan_out):
    bound = 1.0 / np.sqrt(fan_in)
    kw, kb = jax.random.split(key)
    W = jax.random.uniform(kw, (fan_in, fan_out), dtype=jnp.float32, minval=-bound, maxval=bound)
    b = jax.random.uniform(kb, (fan_out,), dtype=jnp.float32, minval=-bound, maxval=bound)
    return W, b

def setup_inputs(seed: int = 0):
    key = jax.random.key(seed)
    keys = jax.random.split(key, 16)
    inp = {}
    inp["x"] = jax.random.normal(keys[0], (N, NF), dtype=jnp.float32)
    inp["edge_index"] = jax.random.randint(keys[1], (2, E), 0, N, dtype=jnp.int32)
    dims_in = [NF, DIM, DIM, DIM, DIM]
    for i in range(5):
        Wa, ba = _lin_init(keys[2 + 2 * i], dims_in[i], DIM)
        Wb, bb = _lin_init(keys[3 + 2 * i], DIM, DIM)
        inp["W%da" % (i + 1)] = Wa
        inp["b%da" % (i + 1)] = ba
        inp["W%db" % (i + 1)] = Wb
        inp["b%db" % (i + 1)] = bb
        inp["g%d" % (i + 1)] = jnp.ones((DIM,), dtype=jnp.float32)
        inp["be%d" % (i + 1)] = jnp.zeros((DIM,), dtype=jnp.float32)
    fc1_W, fc1_b = _lin_init(keys[12], DIM, DIM)
    fc2_W, fc2_b = _lin_init(keys[13], DIM, NC)
    inp["fc1_W"] = fc1_W
    inp["fc1_b"] = fc1_b
    inp["fc2_W"] = fc2_W
    inp["fc2_b"] = fc2_b
    return inp

def _gin(x, src, dst, Wa, ba, Wb, bb):
    # GINConv with default eps=0: nn((1+eps)*x + sum_{j in N(i)} x_j)
    agg = jnp.zeros_like(x).at[dst].add(x[src])
    h = x + agg
    h = jnp.maximum(h @ Wa + ba, 0.0)
    return h @ Wb + bb

def _bn(x, g, b):
    # BatchNorm1d with batch statistics (training-mode stats), affine params g, b
    mean = jnp.mean(x, axis=0)
    var = jnp.var(x, axis=0)
    return (x - mean) / jnp.sqrt(var + 1e-5) * g + b

def reference(x, edge_index, W1a, b1a, W1b, b1b, g1, be1, W2a, b2a, W2b, b2b, g2, be2, W3a, b3a, W3b, b3b, g3, be3, W4a, b4a, W4b, b4b, g4, be4, W5a, b5a, W5b, b5b, g5, be5, fc1_W, fc1_b, fc2_W, fc2_b):
    src = edge_index[0]
    dst = edge_index[1]
    h = _bn(jnp.maximum(_gin(x, src, dst, W1a, b1a, W1b, b1b), 0.0), g1, be1)
    h = _bn(jnp.maximum(_gin(h, src, dst, W2a, b2a, W2b, b2b), 0.0), g2, be2)
    h = _bn(jnp.maximum(_gin(h, src, dst, W3a, b3a, W3b, b3b), 0.0), g3, be3)
    h = _bn(jnp.maximum(_gin(h, src, dst, W4a, b4a, W4b, b4b), 0.0), g4, be4)
    h = _bn(jnp.maximum(_gin(h, src, dst, W5a, b5a, W5b, b5b), 0.0), g5, be5)
    h = jnp.maximum(h @ fc1_W + fc1_b, 0.0)
    # dropout is identity in eval mode
    h = h @ fc2_W + fc2_b
    return jax.nn.log_softmax(h, axis=-1)

if __name__ == "__main__":
    import jax
    _d = setup_inputs()
    print(jax.jit(kernel)(*tuple(_d.values())))

</pallas_src>

<mosaic_0001>
#map = affine_map<(d0, d1) -> (0, 0)>
#map1 = affine_map<(d0, d1) -> (0)>
module attributes {stable_mosaic.version = 14 : i64} {
  func.func @k(%arg0: i32, %arg1: i32, %arg2: memref<100000x32xf32, #tpu.memory_space<hbm>>, %arg3: memref<3200000xi32, #tpu.memory_space<hbm>>, %arg4: memref<3200000xi32, #tpu.memory_space<hbm>>, %arg5: memref<100000x32xf32, #tpu.memory_space<hbm>>, %arg6: memref<51200x32xf32, #tpu.memory_space<vmem_shared>>, %arg7: memref<80xi32, #tpu.memory_space<vmem>>, %arg8: memref<80xi32, #tpu.memory_space<vmem>>, %arg9: memref<80xi32, #tpu.memory_space<vmem>>, %arg10: memref<80xi32, #tpu.memory_space<vmem>>, %arg11: memref<80xi32, #tpu.memory_space<vmem>>, %arg12: memref<80xi32, #tpu.memory_space<vmem>>, %arg13: memref<80xi32, #tpu.memory_space<vmem>>, %arg14: memref<80xi32, #tpu.memory_space<vmem>>, %arg15: memref<80xi32, #tpu.memory_space<vmem>>, %arg16: memref<80xi32, #tpu.memory_space<vmem>>, %arg17: memref<80xi32, #tpu.memory_space<vmem>>, %arg18: memref<80xi32, #tpu.memory_space<vmem>>, %arg19: memref<80x32xf32, #tpu.memory_space<vmem>>, %arg20: memref<80x32xf32, #tpu.memory_space<vmem>>, %arg21: memref<80x32xf32, #tpu.memory_space<vmem>>, %arg22: memref<80x32xf32, #tpu.memory_space<vmem>>, %arg23: memref<!tpu.dma_semaphore, #tpu.memory_space<semaphore_mem>>, %arg24: memref<!tpu.dma_semaphore, #tpu.memory_space<semaphore_mem>>, %arg25: memref<!tpu.dma_semaphore, #tpu.memory_space<semaphore_mem>>, %arg26: memref<!tpu.dma_semaphore, #tpu.memory_space<semaphore_mem>>, %arg27: memref<!tpu.dma_semaphore, #tpu.memory_space<semaphore_mem>>, %arg28: memref<!tpu.dma_semaphore, #tpu.memory_space<semaphore_mem>>, %arg29: memref<!tpu.dma_semaphore, #tpu.memory_space<semaphore_mem>>, %arg30: memref<!tpu.dma_semaphore, #tpu.memory_space<semaphore_mem>>, %arg31: memref<!tpu.dma_semaphore, #tpu.memory_space<semaphore_mem>>, %arg32: memref<!tpu.dma_semaphore, #tpu.memory_space<semaphore_mem>>, %arg33: memref<!tpu.dma_semaphore, #tpu.memory_space<semaphore_mem>>, %arg34: memref<!tpu.dma_semaphore, #tpu.memory_space<semaphore_mem>>) attributes {dimension_semantics = [#tpu.dimension_semantics<core_parallel>, #tpu.dimension_semantics<subcore_parallel>], iteration_bounds = array<i64: 2, 16>, scalar_prefetch = 0 : i64, scratch_operands = 29 : i64, tpu.core_type = #tpu.core_type<sc_vector_subcore>, window_params = [{transform_indices = #map}, {transform_indices = #map1}, {transform_indices = #map1}, {transform_indices = #map}]} {
    %mul3A = arith.constant 50048 : i32
    %mul3A_0 = arith.muli %arg0, %mul3A : i32
    %mul3A_1 = arith.constant 96 : i32
    %mul3A_2 = arith.muli %arg0, %mul3A_1 : i32
    %sub3A = arith.constant 50048 : i32
    %sub3A_3 = arith.subi %sub3A, %mul3A_2 : i32
    %broadcast_in_dim3A = arith.constant 0.000000e+00 : f32
    %broadcast_in_dim3A_4 = vector.broadcast %broadcast_in_dim3A : f32 to vector<16xf32>
    %scan3A = arith.constant 0 : i32
    %scan3A_5 = arith.constant 80 : i32
    %scan3A_6 = arith.addi %scan3A, %scan3A_5 : i32
    %scan3A_7 = arith.constant 1 : i32
    scf.for %scan3A_38 = %scan3A to %scan3A_6 step %scan3A_7  : i32 {
      %mul3A_39 = arith.constant 1 : i32
      %mul3A_40 = arith.muli %scan3A_38, %mul3A_39 : i32
      %add3A = arith.constant 0 : i32
      %add3A_41 = arith.addi %add3A, %mul3A_40 : i32
      %swap3A = arith.index_cast %add3A_41 : i32 to index
      %swap3A_42 = arith.constant 0 : index
      %swap3A_43 = tpu.vector_load %arg19[%swap3A, %swap3A_42] {strides = array<i32>} : memref<80x32xf32, #tpu.memory_space<vmem>>, vector<1x16xf32>,
      %swap3A_44 = vector.shape_cast %swap3A_43 : vector<1x16xf32> to vector<16xf32>
      %swap3A_45 = vector.shape_cast %broadcast_in_dim3A_4 : vector<16xf32> to vector<1x16xf32>
      tpu.vector_store %arg19[%swap3A, %swap3A_42], %swap3A_45 {strides = array<i32>} : memref<80x32xf32, #tpu.memory_space<vmem>>, vector<1x16xf32>,
      %swap3A_46 = arith.index_cast %add3A_41 : i32 to index
      %swap3A_47 = arith.constant 16 : index
      %swap3A_48 = tpu.vector_load %arg19[%swap3A_46, %swap3A_47] {strides = array<i32>} : memref<80x32xf32, #tpu.memory_space<vmem>>, vector<1x16xf32>,
      %swap3A_49 = vector.shape_cast %swap3A_48 : vector<1x16xf32> to vector<16xf32>
      %swap3A_50 = vector.shape_cast %broadcast_in_dim3A_4 : vector<16xf32> to vector<1x16xf32>
      tpu.vector_store %arg19[%swap3A_46, %swap3A_47], %swap3A_50 {strides = array<i32>} : memref<80x32xf32, #tpu.memory_space<vmem>>, vector<1x16xf32>,
    }
    %scan3A_8 = arith.constant 80 : i32
    %scan3A_9 = arith.constant 0 : i32
    %scan3A_10 = arith.constant 40 : i32
    %scan3A_11 = arith.addi %scan3A_9, %scan3A_10 : i32
    %scan3A_12 = arith.constant 1 : i32
    scf.for %scan3A_38 = %scan3A_9 to %scan3A_11 step %scan3A_12  : i32 {
      %mul3A_39 = arith.constant 1 : i32
      %mul3A_40 = arith.muli %scan3A_38, %mul3A_39 : i32
      %add3A = arith.constant 0 : i32
      %add3A_41 = arith.addi %add3A, %mul3A_40 : i32
      %mul3A_42 = arith.constant 3200 : i32
      %mul3A_43 = arith.muli %arg1, %mul3A_42 : i32
      %mul3A_44 = arith.constant 80 : i32
      %mul3A_45 = arith.muli %add3A_41, %mul3A_44 : i32
      %add3A_46 = arith.addi %mul3A_43, %mul3A_45 : i32
      %multiple_of3A = tpu.assume_multiple %add3A_46, 8 : i32
      "tpu.region"() ({
        %run_scoped3A = tpu.sem_alloc : memref<!tpu.dma_semaphore, #tpu.memory_space<semaphore_mem>>
        %dma_start3A = arith.constant 0 : i32
        %dma_start3A_47 = tpu.memref_slice %arg6[%multiple_of3A, %dma_start3A] : memref<51200x32xf32, #tpu.memory_space<vmem_shared>> -> memref<80x32xf32, #tpu.memory_space<vmem_shared>>
        %dma_start3A_48 = arith.constant 0 : i32
        %dma_start3A_49 = tpu.memref_slice %arg6[%multiple_of3A, %dma_start3A_48] : memref<51200x32xf32, #tpu.memory_space<vmem_shared>> -> memref<80x32xf32, #tpu.memory_space<vmem_shared>>
        tpu.enqueue_dma source(%arg19 : memref<80x32xf32, #tpu.memory_space<vmem>>) target(%dma_start3A_49 : memref<80x32xf32, #tpu.memory_space<vmem_shared>>) target_semaphore(%run_scoped3A : memref<!tpu.dma_semaphore, #tpu.memory_space<semaphore_mem>>)
        %dma_wait3A = arith.constant 0 : i32
        %dma_wait3A_50 = tpu.memref_slice %arg6[%multiple_of3A, %dma_wait3A] : memref<51200x32xf32, #tpu.memory_space<vmem_shared>> -> memref<80x32xf32, #tpu.memory_space<vmem_shared>>
        %dma_wait3A_51 = arith.constant 0 : i32
        %dma_wait3A_52 = tpu.memref_slice %arg6[%multiple_of3A, %dma_wait3A_51] : memref<51200x32xf32, #tpu.memory_space<vmem_shared>> -> memref<80x32xf32, #tpu.memory_space<vmem_shared>>
        tpu.wait_dma2 semaphore(%run_scoped3A : memref<!tpu.dma_semaphore, #tpu.memory_space<semaphore_mem>>) src(%arg19 : memref<80x32xf32, #tpu.memory_space<vmem>>) dst(%dma_wait3A_52 : memref<80x32xf32, #tpu.memory_space<vmem_shared>>)
        tpu.yield
      }) : () -> ()
    }
    %scan3A_13 = arith.constant 40 : i32
    %barrier3A = arith.constant 0 : index
    tpu.barrier barrier_id(%barrier3A)
    %mul3A_14 = arith.constant 200000 : i32
    %mul3A_15 = arith.muli %arg1, %mul3A_14 : i32
    %scan3A_16 = arith.constant 0 : i32
    %scan3A_17 = arith.constant 625 : i32
    %scan3A_18 = arith.addi %scan3A_16, %scan3A_17 : i32
    %scan3A_19 = arith.constant 1 : i32
    scf.for %scan3A_38 = %scan3A_16 to %scan3A_18 step %scan3A_19  : i32 {
      %mul3A_39 = arith.constant 1 : i32
      %mul3A_40 = arith.muli %scan3A_38, %mul3A_39 : i32
      %add3A = arith.constant 0 : i32
      %add3A_41 = arith.addi %add3A, %mul3A_40 : i32
      %mul3A_42 = arith.constant 4 : i32
      %mul3A_43 = arith.muli %add3A_41, %mul3A_42 : i32
      %add3A_44 = arith.constant 0 : i32
      %add3A_45 = arith.addi %mul3A_43, %add3A_44 : i32
      %mul3A_46 = arith.constant 80 : i32
      %mul3A_47 = arith.muli %add3A_45, %mul3A_46 : i32
      %add3A_48 = arith.addi %mul3A_15, %mul3A_47 : i32
      %multiple_of3A = tpu.assume_multiple %add3A_48, 8 : i32
      %dma_start3A = tpu.memref_slice %arg3[%multiple_of3A] : memref<3200000xi32, #tpu.memory_space<hbm>> -> memref<80xi32, #tpu.memory_space<hbm>>
      %dma_start3A_49 = tpu.memref_slice %arg3[%multiple_of3A] : memref<3200000xi32, #tpu.memory_space<hbm>> -> memref<80xi32, #tpu.memory_space<hbm>>
      tpu.enqueue_dma source(%dma_start3A_49 : memref<80xi32, #tpu.memory_space<hbm>>) target(%arg7 : memref<80xi32, #tpu.memory_space<vmem>>) target_semaphore(%arg23 : memref<!tpu.dma_semaphore, #tpu.memory_space<semaphore_mem>>)
      %dma_start3A_50 = tpu.memref_slice %arg4[%multiple_of3A] : memref<3200000xi32, #tpu.memory_space<hbm>> -> memref<80xi32, #tpu.memory_space<hbm>>
      %dma_start3A_51 = tpu.memref_slice %arg4[%multiple_of3A] : memref<3200000xi32, #tpu.memory_space<hbm>> -> memref<80xi32, #tpu.memory_space<hbm>>
      tpu.enqueue_dma source(%dma_start3A_51 : memref<80xi32, #tpu.memory_space<hbm>>) target(%arg11 : memref<80xi32, #tpu.memory_space<vmem>>) target_semaphore(%arg23 : memref<!tpu.dma_semaphore, #tpu.memory_space<semaphore_mem>>)
      %mul3A_52 = arith.constant 4 : i32
      %mul3A_53 = arith.muli %add3A_41, %mul3A_52 : i32
      %add3A_54 = arith.constant 1 : i32
      %add3A_55 = arith.addi %mul3A_53, %add3A_54 : i32
      %mul3A_56 = arith.constant 80 : i32
      %mul3A_57 = arith.muli %add3A_55, %mul3A_56 : i32
      %add3A_58 = arith.addi %mul3A_15, %mul3A_57 : i32
      %multiple_of3A_59 = tpu.assume_multiple %add3A_58, 8 : i32
      %dma_start3A_60 = tpu.memref_slice %arg3[%multiple_of3A_59] : memref<3200000xi32, #tpu.memory_space<hbm>> -> memref<80xi32, #tpu.memory_space<hbm>>
      %dma_start3A_61 = tpu.memref_slice %arg3[%multiple_of3A_59] : memref<3200000xi32, #tpu.memory_space<hbm>> -> memref<80xi32, #tpu.memory_space<hbm>>
      tpu.enqueue_dma source(%dma_start3A_61 : memref<80xi32, #tpu.memory_space<hbm>>) target(%arg8 : memref<80xi32, #tpu.memory_space<vmem>>) target_semaphore(%arg24 : memref<!tpu.dma_semaphore, #tpu.memory_space<semaphore_mem>>)
      %dma_start3A_62 = tpu.memref_slice %arg4[%multiple_of3A_59] : memref<3200000xi32, #tpu.memory_space<hbm>> -> memref<80xi32, #tpu.memory_space<hbm>>
      %dma_start3A_63 = tpu.memref_slice %arg4[%multiple_of3A_59] : memref<3200000xi32, #tpu.memory_space<hbm>> -> memref<80xi32, #tpu.memory_space<hbm>>
      tpu.enqueue_dma source(%dma_start3A_63 : memref<80xi32, #tpu.memory_space<hbm>>) target(%arg12 : memref<80xi32, #tpu.memory_space<vmem>>) target_semaphore(%arg24 : memref<!tpu.dma_semaphore, #tpu.memory_space<semaphore_mem>>)
      %mul3A_64 = arith.constant 4 : i32
      %mul3A_65 = arith.muli %add3A_41, %mul3A_64 : i32
      %add3A_66 = arith.constant 2 : i32
      %add3A_67 = arith.addi %mul3A_65, %add3A_66 : i32
      %mul3A_68 = arith.constant 80 : i32
      %mul3A_69 = arith.muli %add3A_67, %mul3A_68 : i32
      %add3A_70 = arith.addi %mul3A_15, %mul3A_69 : i32
      %multiple_of3A_71 = tpu.assume_multiple %add3A_70, 8 : i32
      %dma_start3A_72 = tpu.memref_slice %arg3[%multiple_of3A_71] : memref<3200000xi32, #tpu.memory_space<hbm>> -> memref<80xi32, #tpu.memory_space<hbm>>
      %dma_start3A_73 = tpu.memref_slice %arg3[%multiple_of3A_71] : memref<3200000xi32, #tpu.memory_space<hbm>> -> memref<80xi32, #tpu.memory_space<hbm>>
      tpu.enqueue_dma source(%dma_start3A_73 : memref<80xi32, #tpu.memory_space<hbm>>) target(%arg9 : memref<80xi32, #tpu.memory_space<vmem>>) target_semaphore(%arg25 : memref<!tpu.dma_semaphore, #tpu.memory_space<semaphore_mem>>)
      %dma_start3A_74 = tpu.memref_slice %arg4[%multiple_of3A_71] : memref<3200000xi32, #tpu.memory_space<hbm>> -> memref<80xi32, #tpu.memory_space<hbm>>
      %dma_start3A_75 = tpu.memref_slice %arg4[%multiple_of3A_71] : memref<3200000xi32, #tpu.memory_space<hbm>> -> memref<80xi32, #tpu.memory_space<hbm>>
      tpu.enqueue_dma source(%dma_start3A_75 : memref<80xi32, #tpu.memory_space<hbm>>) target(%arg13 : memref<80xi32, #tpu.memory_space<vmem>>) target_semaphore(%arg25 : memref<!tpu.dma_semaphore, #tpu.memory_space<semaphore_mem>>)
      %mul3A_76 = arith.constant 4 : i32
      %mul3A_77 = arith.muli %add3A_41, %mul3A_76 : i32
      %add3A_78 = arith.constant 3 : i32
      %add3A_79 = arith.addi %mul3A_77, %add3A_78 : i32
      %mul3A_80 = arith.constant 80 : i32
      %mul3A_81 = arith.muli %add3A_79, %mul3A_80 : i32
      %add3A_82 = arith.addi %mul3A_15, %mul3A_81 : i32
      %multiple_of3A_83 = tpu.assume_multiple %add3A_82, 8 : i32
      %dma_start3A_84 = tpu.memref_slice %arg3[%multiple_of3A_83] : memref<3200000xi32, #tpu.memory_space<hbm>> -> memref<80xi32, #tpu.memory_space<hbm>>
      %dma_start3A_85 = tpu.memref_slice %arg3[%multiple_of3A_83] : memref<3200000xi32, #tpu.memory_space<hbm>> -> memref<80xi32, #tpu.memory_space<hbm>>
      tpu.enqueue_dma source(%dma_start3A_85 : memref<80xi32, #tpu.memory_space<hbm>>) target(%arg10 : memref<80xi32, #tpu.memory_space<vmem>>) target_semaphore(%arg26 : memref<!tpu.dma_semaphore, #tpu.memory_space<semaphore_mem>>)
      %dma_start3A_86 = tpu.memref_slice %arg4[%multiple_of3A_83] : memref<3200000xi32, #tpu.memory_space<hbm>> -> memref<80xi32, #tpu.memory_space<hbm>>
      %dma_start3A_87 = tpu.memref_slice %arg4[%multiple_of3A_83] : memref<3200000xi32, #tpu.memory_space<hbm>> -> memref<80xi32, #tpu.memory_space<hbm>>
      tpu.enqueue_dma source(%dma_start3A_87 : memref<80xi32, #tpu.memory_space<hbm>>) target(%arg14 : memref<80xi32, #tpu.memory_space<vmem>>) target_semaphore(%arg26 : memref<!tpu.dma_semaphore, #tpu.memory_space<semaphore_mem>>)
      %dma_wait3A = tpu.memref_slice %arg3[%multiple_of3A] : memref<3200000xi32, #tpu.memory_space<hbm>> -> memref<80xi32, #tpu.memory_space<hbm>>
      %dma_wait3A_88 = tpu.memref_slice %arg3[%multiple_of3A] : memref<3200000xi32, #tpu.memory_space<hbm>> -> memref<80xi32, #tpu.memory_space<hbm>>
      tpu.wait_dma2 semaphore(%arg23 : memref<!tpu.dma_semaphore, #tpu.memory_space<semaphore_mem>>) src(%dma_wait3A_88 : memref<80xi32, #tpu.memory_space<hbm>>) dst(%arg7 : memref<80xi32, #tpu.memory_space<vmem>>)
      %dma_wait3A_89 = tpu.memref_slice %arg4[%multiple_of3A] : memref<3200000xi32, #tpu.memory_space<hbm>> -> memref<80xi32, #tpu.memory_space<hbm>>
      %dma_wait3A_90 = tpu.memref_slice %arg4[%multiple_of3A] : memref<3200000xi32, #tpu.memory_space<hbm>> -> memref<80xi32, #tpu.memory_space<hbm>>
      tpu.wait_dma2 semaphore(%arg23 : memref<!tpu.dma_semaphore, #tpu.memory_space<semaphore_mem>>) src(%dma_wait3A_90 : memref<80xi32, #tpu.memory_space<hbm>>) dst(%arg11 : memref<80xi32, #tpu.memory_space<vmem>>)
      %dma_start3A_91 = arith.constant 0 : i32
      %dma_start3A_92 = arith.constant 0 : i32
      %dma_start3A_93 = tpu.memref_slice %arg2[%dma_start3A_91, %dma_start3A_92] : memref<100000x32xf32, #tpu.memory_space<hbm>> -> memref<100000x32xf32, #tpu.memory_space<hbm>>
      tpu.enqueue_indirect_dma source(%dma_start3A_93 : memref<100000x32xf32, #tpu.memory_space<hbm>>) target(%arg19 : memref<80x32xf32, #tpu.memory_space<vmem>>) offsets(%arg7 : memref<80xi32, #tpu.memory_space<vmem>>) semaphore(%arg27 : memref<!tpu.dma_semaphore, #tpu.memory_space<semaphore_mem>>)
      %dma_wait3A_94 = tpu.memref_slice %arg3[%multiple_of3A_59] : memref<3200000xi32, #tpu.memory_space<hbm>> -> memref<80xi32, #tpu.memory_space<hbm>>
      %dma_wait3A_95 = tpu.memref_slice %arg3[%multiple_of3A_59] : memref<3200000xi32, #tpu.memory_space<hbm>> -> memref<80xi32, #tpu.memory_space<hbm>>
      tpu.wait_dma2 semaphore(%arg24 : memref<!tpu.dma_semaphore, #tpu.memory_space<semaphore_mem>>) src(%dma_wait3A_95 : memref<80xi32, #tpu.memory_space<hbm>>) dst(%arg8 : memref<80xi32, #tpu.memory_space<vmem>>)
      %dma_wait3A_96 = tpu.memref_slice %arg4[%multiple_of3A_59] : memref<3200000xi32, #tpu.memory_space<hbm>> -> memref<80xi32, #tpu.memory_space<hbm>>
      %dma_wait3A_97 = tpu.memref_slice %arg4[%multiple_of3A_59] : memref<3200000xi32, #tpu.memory_space<hbm>> -> memref<80xi32, #tpu.memory_space<hbm>>
      tpu.wait_dma2 semaphore(%arg24 : memref<!tpu.dma_semaphore, #tpu.memory_space<semaphore_mem>>) src(%dma_wait3A_97 : memref<80xi32, #tpu.memory_space<hbm>>) dst(%arg12 : memref<80xi32, #tpu.memory_space<vmem>>)
      %dma_start3A_98 = arith.constant 0 : i32
      %dma_start3A_99 = arith.constant 0 : i32
      %dma_start3A_100 = tpu.memref_slice %arg2[%dma_start3A_98, %dma_start3A_99] : memref<100000x32xf32, #tpu.memory_space<hbm>> -> memref<100000x32xf32, #tpu.memory_space<hbm>>
      tpu.enqueue_indirect_dma source(%dma_start3A_100 : memref<100000x32xf32, #tpu.memory_space<hbm>>) target(%arg20 : memref<80x32xf32, #tpu.memory_space<vmem>>) offsets(%arg8 : memref<80xi32, #tpu.memory_space<vmem>>) semaphore(%arg28 : memref<!tpu.dma_semaphore, #tpu.memory_space<semaphore_mem>>)
      %dma_wait3A_101 = tpu.memref_slice %arg3[%multiple_of3A_71] : memref<3200000xi32, #tpu.memory_space<hbm>> -> memref<80xi32, #tpu.memory_space<hbm>>
      %dma_wait3A_102 = tpu.memref_slice %arg3[%multiple_of3A_71] : memref<3200000xi32, #tpu.memory_space<hbm>> -> memref<80xi32, #tpu.memory_space<hbm>>
      tpu.wait_dma2 semaphore(%arg25 : memref<!tpu.dma_semaphore, #tpu.memory_space<semaphore_mem>>) src(%dma_wait3A_102 : memref<80xi32, #tpu.memory_space<hbm>>) dst(%arg9 : memref<80xi32, #tpu.memory_space<vmem>>)
      %dma_wait3A_103 = tpu.memref_slice %arg4[%multiple_of3A_71] : memref<3200000xi32, #tpu.memory_space<hbm>> -> memref<80xi32, #tpu.memory_space<hbm>>
      %dma_wait3A_104 = tpu.memref_slice %arg4[%multiple_of3A_71] : memref<3200000xi32, #tpu.memory_space<hbm>> -> memref<80xi32, #tpu.memory_space<hbm>>
      tpu.wait_dma2 semaphore(%arg25 : memref<!tpu.dma_semaphore, #tpu.memory_space<semaphore_mem>>) src(%dma_wait3A_104 : memref<80xi32, #tpu.memory_space<hbm>>) dst(%arg13 : memref<80xi32, #tpu.memory_space<vmem>>)
      %dma_start3A_105 = arith.constant 0 : i32
      %dma_start3A_106 = arith.constant 0 : i32
      %dma_start3A_107 = tpu.memref_slice %arg2[%dma_start3A_105, %dma_start3A_106] : memref<100000x32xf32, #tpu.memory_space<hbm>> -> memref<100000x32xf32, #tpu.memory_space<hbm>>
      tpu.enqueue_indirect_dma source(%dma_start3A_107 : memref<100000x32xf32, #tpu.memory_space<hbm>>) target(%arg21 : memref<80x32xf32, #tpu.memory_space<vmem>>) offsets(%arg9 : memref<80xi32, #tpu.memory_space<vmem>>) semaphore(%arg29 : memref<!tpu.dma_semaphore, #tpu.memory_space<semaphore_mem>>)
      %dma_wait3A_108 = tpu.memref_slice %arg3[%multiple_of3A_83] : memref<3200000xi32, #tpu.memory_space<hbm>> -> memref<80xi32, #tpu.memory_space<hbm>>
      %dma_wait3A_109 = tpu.memref_slice %arg3[%multiple_of3A_83] : memref<3200000xi32, #tpu.memory_space<hbm>> -> memref<80xi32, #tpu.memory_space<hbm>>
      tpu.wait_dma2 semaphore(%arg26 : memref<!tpu.dma_semaphore, #tpu.memory_space<semaphore_mem>>) src(%dma_wait3A_109 : memref<80xi32, #tpu.memory_space<hbm>>) dst(%arg10 : memref<80xi32, #tpu.memory_space<vmem>>)
      %dma_wait3A_110 = tpu.memref_slice %arg4[%multiple_of3A_83] : memref<3200000xi32, #tpu.memory_space<hbm>> -> memref<80xi32, #tpu.memory_space<hbm>>
      %dma_wait3A_111 = tpu.memref_slice %arg4[%multiple_of3A_83] : memref<3200000xi32, #tpu.memory_space<hbm>> -> memref<80xi32, #tpu.memory_space<hbm>>
      tpu.wait_dma2 semaphore(%arg26 : memref<!tpu.dma_semaphore, #tpu.memory_space<semaphore_mem>>) src(%dma_wait3A_111 : memref<80xi32, #tpu.memory_space<hbm>>) dst(%arg14 : memref<80xi32, #tpu.memory_space<vmem>>)
      %dma_start3A_112 = arith.constant 0 : i32
      %dma_start3A_113 = arith.constant 0 : i32
      %dma_start3A_114 = tpu.memref_slice %arg2[%dma_start3A_112, %dma_start3A_113] : memref<100000x32xf32, #tpu.memory_space<hbm>> -> memref<100000x32xf32, #tpu.memory_space<hbm>>
      tpu.enqueue_indirect_dma source(%dma_start3A_114 : memref<100000x32xf32, #tpu.memory_space<hbm>>) target(%arg22 : memref<80x32xf32, #tpu.memory_space<vmem>>) offsets(%arg10 : memref<80xi32, #tpu.memory_space<vmem>>) semaphore(%arg30 : memref<!tpu.dma_semaphore, #tpu.memory_space<semaphore_mem>>)
      %scan3A_115 = arith.constant 0 : i32
      %scan3A_116 = arith.constant 5 : i32
      %scan3A_117 = arith.addi %scan3A_115, %scan3A_116 : i32
      %scan3A_118 = arith.constant 1 : i32
      scf.for %scan3A_171 = %scan3A_115 to %scan3A_117 step %scan3A_118  : i32 {
        %mul3A_172 = arith.constant 16 : i32
        %mul3A_173 = arith.muli %scan3A_171, %mul3A_172 : i32
        %add3A_174 = arith.constant 0 : i32
        %add3A_175 = arith.addi %add3A_174, %mul3A_173 : i32
        %multiple_of3A_176 = tpu.assume_multiple %add3A_175, 8 : i32
        %get3A = arith.index_cast %multiple_of3A_176 : i32 to index
        %get3A_177 = tpu.vector_load %arg11[%get3A] {strides = array<i32>} : memref<80xi32, #tpu.memory_space<vmem>>, vector<16xi32>,
        %get3A_178 = vector.shape_cast %get3A_177 : vector<16xi32> to vector<16xi32>
        %sub3A_179 = vector.broadcast %mul3A_0 : i32 to vector<16xi32>
        %sub3A_180 = arith.subi %get3A_178, %sub3A_179 : vector<16xi32>
        %ge3A = arith.constant 0 : i32
        %ge3A_181 = vector.broadcast %ge3A : i32 to vector<16xi32>
        %ge3A_182 = arith.cmpi sge, %sub3A_180, %ge3A_181 : vector<16xi32>
        %lt3A_183 = vector.broadcast %sub3A_3 : i32 to vector<16xi32>
        %lt3A_184 = arith.cmpi slt, %sub3A_180, %lt3A_183 : vector<16xi32>
        %and3A_185 = arith.andi %ge3A_182, %lt3A_184 : vector<16xi1>
        %jit3A = arith.constant 51000 : i32
        %broadcast_in_dim3A_186 = vector.broadcast %jit3A : i32 to vector<16xi32>
        %select_n3A = arith.select %and3A_185, %sub3A_180, %broadcast_in_dim3A_186 : vector<16xi1>, vector<16xi32>
        %swap3A = arith.index_cast %multiple_of3A_176 : i32 to index
        %swap3A_187 = tpu.vector_load %arg15[%swap3A] {strides = array<i32>} : memref<80xi32, #tpu.memory_space<vmem>>, vector<16xi32>,
        %swap3A_188 = vector.shape_cast %swap3A_187 : vector<16xi32> to vector<16xi32>
        %swap3A_189 = vector.shape_cast %select_n3A : vector<16xi32> to vector<16xi32>
        tpu.vector_store %arg15[%swap3A], %swap3A_189 {strides = array<i32>} : memref<80xi32, #tpu.memory_space<vmem>>, vector<16xi32>,
      }
      %scan3A_119 = arith.constant 5 : i32
      %scan3A_120 = arith.constant 0 : i32
      %scan3A_121 = arith.constant 5 : i32
      %scan3A_122 = arith.addi %scan3A_120, %scan3A_121 : i32
      %scan3A_123 = arith.constant 1 : i32
      scf.for %scan3A_171 = %scan3A_120 to %scan3A_122 step %scan3A_123  : i32 {
        %mul3A_172 = arith.constant 16 : i32
        %mul3A_173 = arith.muli %scan3A_171, %mul3A_172 : i32
        %add3A_174 = arith.constant 0 : i32
        %add3A_175 = arith.addi %add3A_174, %mul3A_173 : i32
        %multiple_of3A_176 = tpu.assume_multiple %add3A_175, 8 : i32
        %get3A = arith.index_cast %multiple_of3A_176 : i32 to index
        %get3A_177 = tpu.vector_load %arg12[%get3A] {strides = array<i32>} : memref<80xi32, #tpu.memory_space<vmem>>, vector<16xi32>,
        %get3A_178 = vector.shape_cast %get3A_177 : vector<16xi32> to vector<16xi32>
        %sub3A_179 = vector.broadcast %mul3A_0 : i32 to vector<16xi32>
        %sub3A_180 = arith.subi %get3A_178, %sub3A_179 : vector<16xi32>
        %ge3A = arith.constant 0 : i32
        %ge3A_181 = vector.broadcast %ge3A : i32 to vector<16xi32>
        %ge3A_182 = arith.cmpi sge, %sub3A_180, %ge3A_181 : vector<16xi32>
        %lt3A_183 = vector.broadcast %sub3A_3 : i32 to vector<16xi32>
        %lt3A_184 = arith.cmpi slt, %sub3A_180, %lt3A_183 : vector<16xi32>
        %and3A_185 = arith.andi %ge3A_182, %lt3A_184 : vector<16xi1>
        %jit3A = arith.constant 51000 : i32
        %broadcast_in_dim3A_186 = vector.broadcast %jit3A : i32 to vector<16xi32>
        %select_n3A = arith.select %and3A_185, %sub3A_180, %broadcast_in_dim3A_186 : vector<16xi1>, vector<16xi32>
        %swap3A = arith.index_cast %multiple_of3A_176 : i32 to index
        %swap3A_187 = tpu.vector_load %arg16[%swap3A] {strides = array<i32>} : memref<80xi32, #tpu.memory_space<vmem>>, vector<16xi32>,
        %swap3A_188 = vector.shape_cast %swap3A_187 : vector<16xi32> to vector<16xi32>
        %swap3A_189 = vector.shape_cast %select_n3A : vector<16xi32> to vector<16xi32>
        tpu.vector_store %arg16[%swap3A], %swap3A_189 {strides = array<i32>} : memref<80xi32, #tpu.memory_space<vmem>>, vector<16xi32>,
      }
      %scan3A_124 = arith.constant 5 : i32
      %scan3A_125 = arith.constant 0 : i32
      %scan3A_126 = arith.constant 5 : i32
      %scan3A_127 = arith.addi %scan3A_125, %scan3A_126 : i32
      %scan3A_128 = arith.constant 1 : i32
      scf.for %scan3A_171 = %scan3A_125 to %scan3A_127 step %scan3A_128  : i32 {
        %mul3A_172 = arith.constant 16 : i32
        %mul3A_173 = arith.muli %scan3A_171, %mul3A_172 : i32
        %add3A_174 = arith.constant 0 : i32
        %add3A_175 = arith.addi %add3A_174, %mul3A_173 : i32
        %multiple_of3A_176 = tpu.assume_multiple %add3A_175, 8 : i32
        %get3A = arith.index_cast %multiple_of3A_176 : i32 to index
        %get3A_177 = tpu.vector_load %arg13[%get3A] {strides = array<i32>} : memref<80xi32, #tpu.memory_space<vmem>>, vector<16xi32>,
        %get3A_178 = vector.shape_cast %get3A_177 : vector<16xi32> to vector<16xi32>
        %sub3A_179 = vector.broadcast %mul3A_0 : i32 to vector<16xi32>
        %sub3A_180 = arith.subi %get3A_178, %sub3A_179 : vector<16xi32>
        %ge3A = arith.constant 0 : i32
        %ge3A_181 = vector.broadcast %ge3A : i32 to vector<16xi32>
        %ge3A_182 = arith.cmpi sge, %sub3A_180, %ge3A_181 : vector<16xi32>
        %lt3A_183 = vector.broadcast %sub3A_3 : i32 to vector<16xi32>
        %lt3A_184 = arith.cmpi slt, %sub3A_180, %lt3A_183 : vector<16xi32>
        %and3A_185 = arith.andi %ge3A_182, %lt3A_184 : vector<16xi1>
        %jit3A = arith.constant 51000 : i32
        %broadcast_in_dim3A_186 = vector.broadcast %jit3A : i32 to vector<16xi32>
        %select_n3A = arith.select %and3A_185, %sub3A_180, %broadcast_in_dim3A_186 : vector<16xi1>, vector<16xi32>
        %swap3A = arith.index_cast %multiple_of3A_176 : i32 to index
        %swap3A_187 = tpu.vector_load %arg17[%swap3A] {strides = array<i32>} : memref<80xi32, #tpu.memory_space<vmem>>, vector<16xi32>,
        %swap3A_188 = vector.shape_cast %swap3A_187 : vector<16xi32> to vector<16xi32>
        %swap3A_189 = vector.shape_cast %select_n3A : vector<16xi32> to vector<16xi32>
        tpu.vector_store %arg17[%swap3A], %swap3A_189 {strides = array<i32>} : memref<80xi32, #tpu.memory_space<vmem>>, vector<16xi32>,
      }
      %scan3A_129 = arith.constant 5 : i32
      %scan3A_130 = arith.constant 0 : i32
      %scan3A_131 = arith.constant 5 : i32
      %scan3A_132 = arith.addi %scan3A_130, %scan3A_131 : i32
      %scan3A_133 = arith.constant 1 : i32
      scf.for %scan3A_171 = %scan3A_130 to %scan3A_132 step %scan3A_133  : i32 {
        %mul3A_172 = arith.constant 16 : i32
        %mul3A_173 = arith.muli %scan3A_171, %mul3A_172 : i32
        %add3A_174 = arith.constant 0 : i32
        %add3A_175 = arith.addi %add3A_174, %mul3A_173 : i32
        %multiple_of3A_176 = tpu.assume_multiple %add3A_175, 8 : i32
        %get3A = arith.index_cast %multiple_of3A_176 : i32 to index
        %get3A_177 = tpu.vector_load %arg14[%get3A] {strides = array<i32>} : memref<80xi32, #tpu.memory_space<vmem>>, vector<16xi32>,
        %get3A_178 = vector.shape_cast %get3A_177 : vector<16xi32> to vector<16xi32>
        %sub3A_179 = vector.broadcast %mul3A_0 : i32 to vector<16xi32>
        %sub3A_180 = arith.subi %get3A_178, %sub3A_179 : vector<16xi32>
        %ge3A = arith.constant 0 : i32
        %ge3A_181 = vector.broadcast %ge3A : i32 to vector<16xi32>
        %ge3A_182 = arith.cmpi sge, %sub3A_180, %ge3A_181 : vector<16xi32>
        %lt3A_183 = vector.broadcast %sub3A_3 : i32 to vector<16xi32>
        %lt3A_184 = arith.cmpi slt, %sub3A_180, %lt3A_183 : vector<16xi32>
        %and3A_185 = arith.andi %ge3A_182, %lt3A_184 : vector<16xi1>
        %jit3A = arith.constant 51000 : i32
        %broadcast_in_dim3A_186 = vector.broadcast %jit3A : i32 to vector<16xi32>
        %select_n3A = arith.select %and3A_185, %sub3A_180, %broadcast_in_dim3A_186 : vector<16xi1>, vector<16xi32>
        %swap3A = arith.index_cast %multiple_of3A_176 : i32 to index
        %swap3A_187 = tpu.vector_load %arg18[%swap3A] {strides = array<i32>} : memref<80xi32, #tpu.memory_space<vmem>>, vector<16xi32>,
        %swap3A_188 = vector.shape_cast %swap3A_187 : vector<16xi32> to vector<16xi32>
        %swap3A_189 = vector.shape_cast %select_n3A : vector<16xi32> to vector<16xi32>
        tpu.vector_store %arg18[%swap3A], %swap3A_189 {strides = array<i32>} : memref<80xi32, #tpu.memory_space<vmem>>, vector<16xi32>,
      }
      %scan3A_134 = arith.constant 5 : i32
      %dma_wait3A_135 = arith.constant 0 : i32
      %dma_wait3A_136 = arith.constant 0 : i32
      %dma_wait3A_137 = tpu.memref_slice %arg2[%dma_wait3A_135, %dma_wait3A_136] : memref<100000x32xf32, #tpu.memory_space<hbm>> -> memref<100000x32xf32, #tpu.memory_space<hbm>>
      tpu.wait_indirect_dma semaphore(%arg27 : memref<!tpu.dma_semaphore, #tpu.memory_space<semaphore_mem>>) src(%dma_wait3A_137 : memref<100000x32xf32, #tpu.memory_space<hbm>>) dst(%arg19 : memref<80x32xf32, #tpu.memory_space<vmem>>)
      %dma_start3A_138 = arith.constant 0 : i32
      %dma_start3A_139 = arith.constant 0 : i32
      %dma_start3A_140 = tpu.memref_slice %arg6[%dma_start3A_138, %dma_start3A_139] : memref<51200x32xf32, #tpu.memory_space<vmem_shared>> -> memref<51200x32xf32, #tpu.memory_space<vmem_shared>>
      tpu.enqueue_indirect_dma source(%arg19 : memref<80x32xf32, #tpu.memory_space<vmem>>) target(%dma_start3A_140 : memref<51200x32xf32, #tpu.memory_space<vmem_shared>>) offsets(%arg15 : memref<80xi32, #tpu.memory_space<vmem>>) semaphore(%arg31 : memref<!tpu.dma_semaphore, #tpu.memory_space<semaphore_mem>>) {add = true}
      %dma_wait3A_141 = arith.constant 0 : i32
      %dma_wait3A_142 = arith.constant 0 : i32
      %dma_wait3A_143 = tpu.memref_slice %arg2[%dma_wait3A_141, %dma_wait3A_142] : memref<100000x32xf32, #tpu.memory_space<hbm>> -> memref<100000x32xf32, #tpu.memory_space<hbm>>
      tpu.wait_indirect_dma semaphore(%arg28 : memref<!tpu.dma_semaphore, #tpu.memory_space<semaphore_mem>>) src(%dma_wait3A_143 : memref<100000x32xf32, #tpu.memory_space<hbm>>) dst(%arg20 : memref<80x32xf32, #tpu.memory_space<vmem>>)
      %dma_start3A_144 = arith.constant 0 : i32
      %dma_start3A_145 = arith.constant 0 : i32
      %dma_start3A_146 = tpu.memref_slice %arg6[%dma_start3A_144, %dma_start3A_145] : memref<51200x32xf32, #tpu.memory_space<vmem_shared>> -> memref<51200x32xf32, #tpu.memory_space<vmem_shared>>
      tpu.enqueue_indirect_dma source(%arg20 : memref<80x32xf32, #tpu.memory_space<vmem>>) target(%dma_start3A_146 : memref<51200x32xf32, #tpu.memory_space<vmem_shared>>) offsets(%arg16 : memref<80xi32, #tpu.memory_space<vmem>>) semaphore(%arg32 : memref<!tpu.dma_semaphore, #tpu.memory_space<semaphore_mem>>) {add = true}
      %dma_wait3A_147 = arith.constant 0 : i32
      %dma_wait3A_148 = arith.constant 0 : i32
      %dma_wait3A_149 = tpu.memref_slice %arg2[%dma_wait3A_147, %dma_wait3A_148] : memref<100000x32xf32, #tpu.memory_space<hbm>> -> memref<100000x32xf32, #tpu.memory_space<hbm>>
      tpu.wait_indirect_dma semaphore(%arg29 : memref<!tpu.dma_semaphore, #tpu.memory_space<semaphore_mem>>) src(%dma_wait3A_149 : memref<100000x32xf32, #tpu.memory_space<hbm>>) dst(%arg21 : memref<80x32xf32, #tpu.memory_space<vmem>>)
      %dma_start3A_150 = arith.constant 0 : i32
      %dma_start3A_151 = arith.constant 0 : i32
      %dma_start3A_152 = tpu.memref_slice %arg6[%dma_start3A_150, %dma_start3A_151] : memref<51200x32xf32, #tpu.memory_space<vmem_shared>> -> memref<51200x32xf32, #tpu.memory_space<vmem_shared>>
      tpu.enqueue_indirect_dma source(%arg21 : memref<80x32xf32, #tpu.memory_space<vmem>>) target(%dma_start3A_152 : memref<51200x32xf32, #tpu.memory_space<vmem_shared>>) offsets(%arg17 : memref<80xi32, #tpu.memory_space<vmem>>) semaphore(%arg33 : memref<!tpu.dma_semaphore, #tpu.memory_space<semaphore_mem>>) {add = true}
      %dma_wait3A_153 = arith.constant 0 : i32
      %dma_wait3A_154 = arith.constant 0 : i32
      %dma_wait3A_155 = tpu.memref_slice %arg2[%dma_wait3A_153, %dma_wait3A_154] : memref<100000x32xf32, #tpu.memory_space<hbm>> -> memref<100000x32xf32, #tpu.memory_space<hbm>>
      tpu.wait_indirect_dma semaphore(%arg30 : memref<!tpu.dma_semaphore, #tpu.memory_space<semaphore_mem>>) src(%dma_wait3A_155 : memref<100000x32xf32, #tpu.memory_space<hbm>>) dst(%arg22 : memref<80x32xf32, #tpu.memory_space<vmem>>)
      %dma_start3A_156 = arith.constant 0 : i32
      %dma_start3A_157 = arith.constant 0 : i32
      %dma_start3A_158 = tpu.memref_slice %arg6[%dma_start3A_156, %dma_start3A_157] : memref<51200x32xf32, #tpu.memory_space<vmem_shared>> -> memref<51200x32xf32, #tpu.memory_space<vmem_shared>>
      tpu.enqueue_indirect_dma source(%arg22 : memref<80x32xf32, #tpu.memory_space<vmem>>) target(%dma_start3A_158 : memref<51200x32xf32, #tpu.memory_space<vmem_shared>>) offsets(%arg18 : memref<80xi32, #tpu.memory_space<vmem>>) semaphore(%arg34 : memref<!tpu.dma_semaphore, #tpu.memory_space<semaphore_mem>>) {add = true}
      %dma_wait3A_159 = arith.constant 0 : i32
      %dma_wait3A_160 = arith.constant 0 : i32
      %dma_wait3A_161 = tpu.memref_slice %arg6[%dma_wait3A_159, %dma_wait3A_160] : memref<51200x32xf32, #tpu.memory_space<vmem_shared>> -> memref<51200x32xf32, #tpu.memory_space<vmem_shared>>
      tpu.wait_indirect_dma semaphore(%arg31 : memref<!tpu.dma_semaphore, #tpu.memory_space<semaphore_mem>>) src(%arg19 : memref<80x32xf32, #tpu.memory_space<vmem>>) dst(%dma_wait3A_161 : memref<51200x32xf32, #tpu.memory_space<vmem_shared>>)
      %dma_wait3A_162 = arith.constant 0 : i32
      %dma_wait3A_163 = arith.constant 0 : i32
      %dma_wait3A_164 = tpu.memref_slice %arg6[%dma_wait3A_162, %dma_wait3A_163] : memref<51200x32xf32, #tpu.memory_space<vmem_shared>> -> memref<51200x32xf32, #tpu.memory_space<vmem_shared>>
      tpu.wait_indirect_dma semaphore(%arg32 : memref<!tpu.dma_semaphore, #tpu.memory_space<semaphore_mem>>) src(%arg20 : memref<80x32xf32, #tpu.memory_space<vmem>>) dst(%dma_wait3A_164 : memref<51200x32xf32, #tpu.memory_space<vmem_shared>>)
      %dma_wait3A_165 = arith.constant 0 : i32
      %dma_wait3A_166 = arith.constant 0 : i32
      %dma_wait3A_167 = tpu.memref_slice %arg6[%dma_wait3A_165, %dma_wait3A_166] : memref<51200x32xf32, #tpu.memory_space<vmem_shared>> -> memref<51200x32xf32, #tpu.memory_space<vmem_shared>>
      tpu.wait_indirect_dma semaphore(%arg33 : memref<!tpu.dma_semaphore, #tpu.memory_space<semaphore_mem>>) src(%arg21 : memref<80x32xf32, #tpu.memory_space<vmem>>) dst(%dma_wait3A_167 : memref<51200x32xf32, #tpu.memory_space<vmem_shared>>)
      %dma_wait3A_168 = arith.constant 0 : i32
      %dma_wait3A_169 = arith.constant 0 : i32
      %dma_wait3A_170 = tpu.memref_slice %arg6[%dma_wait3A_168, %dma_wait3A_169] : memref<51200x32xf32, #tpu.memory_space<vmem_shared>> -> memref<51200x32xf32, #tpu.memory_space<vmem_shared>>
      tpu.wait_indirect_dma semaphore(%arg34 : memref<!tpu.dma_semaphore, #tpu.memory_space<semaphore_mem>>) src(%arg22 : memref<80x32xf32, #tpu.memory_space<vmem>>) dst(%dma_wait3A_170 : memref<51200x32xf32, #tpu.memory_space<vmem_shared>>)
    }
    %scan3A_20 = arith.constant 625 : i32
    %barrier3A_21 = arith.constant 0 : index
    tpu.barrier barrier_id(%barrier3A_21)
    %lt3A = arith.constant 15 : i32
    %lt3A_22 = arith.cmpi slt, %arg1, %lt3A : i32
    %convert_element_type3A = arith.extui %lt3A_22 : i1 to i32
    %cond3A = arith.constant 0 : i32
    %cond3A_23 = arith.cmpi ne, %convert_element_type3A, %cond3A : i32
    scf.if %cond3A_23 {
      %mul3A_38 = arith.constant 3200 : i32
      %mul3A_39 = arith.muli %arg1, %mul3A_38 : i32
      %multiple_of3A = tpu.assume_multiple %mul3A_39, 8 : i32
      %mul3A_40 = arith.constant 3200 : i32
      %mul3A_41 = arith.muli %arg1, %mul3A_40 : i32
      %add3A = arith.addi %mul3A_0, %mul3A_41 : i32
      %multiple_of3A_42 = tpu.assume_multiple %add3A, 8 : i32
      "tpu.region"() ({
        %run_scoped3A = tpu.sem_alloc : memref<!tpu.dma_semaphore, #tpu.memory_space<semaphore_mem>>
        %dma_start3A = arith.constant 0 : i32
        %dma_start3A_43 = tpu.memref_slice %arg5[%multiple_of3A_42, %dma_start3A] : memref<100000x32xf32, #tpu.memory_space<hbm>> -> memref<3200x32xf32, #tpu.memory_space<hbm>>
        %dma_start3A_44 = arith.constant 0 : i32
        %dma_start3A_45 = tpu.memref_slice %arg6[%multiple_of3A, %dma_start3A_44] : memref<51200x32xf32, #tpu.memory_space<vmem_shared>> -> memref<3200x32xf32, #tpu.memory_space<vmem_shared>>
        tpu.enqueue_dma source(%dma_start3A_45 : memref<3200x32xf32, #tpu.memory_space<vmem_shared>>) target(%dma_start3A_43 : memref<3200x32xf32, #tpu.memory_space<hbm>>) target_semaphore(%run_scoped3A : memref<!tpu.dma_semaphore, #tpu.memory_space<semaphore_mem>>)
        %dma_wait3A = arith.constant 0 : i32
        %dma_wait3A_46 = tpu.memref_slice %arg5[%multiple_of3A_42, %dma_wait3A] : memref<100000x32xf32, #tpu.memory_space<hbm>> -> memref<3200x32xf32, #tpu.memory_space<hbm>>
        %dma_wait3A_47 = arith.constant 0 : i32
        %dma_wait3A_48 = tpu.memref_slice %arg6[%multiple_of3A, %dma_wait3A_47] : memref<51200x32xf32, #tpu.memory_space<vmem_shared>> -> memref<3200x32xf32, #tpu.memory_space<vmem_shared>>
        tpu.wait_dma2 semaphore(%run_scoped3A : memref<!tpu.dma_semaphore, #tpu.memory_space<semaphore_mem>>) src(%dma_wait3A_48 : memref<3200x32xf32, #tpu.memory_space<vmem_shared>>) dst(%dma_wait3A_46 : memref<3200x32xf32, #tpu.memory_space<hbm>>)
        tpu.yield
      }) : () -> ()
    } else {
    }
    %eq3A = arith.constant 15 : i32
    %eq3A_24 = arith.cmpi eq, %arg1, %eq3A : i32
    %eq3A_25 = arith.constant 0 : i32
    %eq3A_26 = arith.cmpi eq, %arg0, %eq3A_25 : i32
    %and3A = arith.andi %eq3A_24, %eq3A_26 : i1
    %convert_element_type3A_27 = arith.extui %and3A : i1 to i32
    %cond3A_28 = arith.constant 0 : i32
    %cond3A_29 = arith.cmpi ne, %convert_element_type3A_27, %cond3A_28 : i32
    scf.if %cond3A_29 {
      "tpu.region"() ({
        %run_scoped3A = tpu.sem_alloc : memref<!tpu.dma_semaphore, #tpu.memory_space<semaphore_mem>>
        %dma_start3A = arith.constant 48000 : i32
        %dma_start3A_38 = arith.constant 0 : i32
        %dma_start3A_39 = tpu.memref_slice %arg5[%dma_start3A, %dma_start3A_38] : memref<100000x32xf32, #tpu.memory_space<hbm>> -> memref<2048x32xf32, #tpu.memory_space<hbm>>
        %dma_start3A_40 = arith.constant 48000 : i32
        %dma_start3A_41 = arith.constant 0 : i32
        %dma_start3A_42 = tpu.memref_slice %arg6[%dma_start3A_40, %dma_start3A_41] : memref<51200x32xf32, #tpu.memory_space<vmem_shared>> -> memref<2048x32xf32, #tpu.memory_space<vmem_shared>>
        tpu.enqueue_dma source(%dma_start3A_42 : memref<2048x32xf32, #tpu.memory_space<vmem_shared>>) target(%dma_start3A_39 : memref<2048x32xf32, #tpu.memory_space<hbm>>) target_semaphore(%run_scoped3A : memref<!tpu.dma_semaphore, #tpu.memory_space<semaphore_mem>>)
        %dma_wait3A = arith.constant 48000 : i32
        %dma_wait3A_43 = arith.constant 0 : i32
        %dma_wait3A_44 = tpu.memref_slice %arg5[%dma_wait3A, %dma_wait3A_43] : memref<100000x32xf32, #tpu.memory_space<hbm>> -> memref<2048x32xf32, #tpu.memory_space<hbm>>
        %dma_wait3A_45 = arith.constant 48000 : i32
        %dma_wait3A_46 = arith.constant 0 : i32
        %dma_wait3A_47 = tpu.memref_slice %arg6[%dma_wait3A_45, %dma_wait3A_46] : memref<51200x32xf32, #tpu.memory_space<vmem_shared>> -> memref<2048x32xf32, #tpu.memory_space<vmem_shared>>
        tpu.wait_dma2 semaphore(%run_scoped3A : memref<!tpu.dma_semaphore, #tpu.memory_space<semaphore_mem>>) src(%dma_wait3A_47 : memref<2048x32xf32, #tpu.memory_space<vmem_shared>>) dst(%dma_wait3A_44 : memref<2048x32xf32, #tpu.memory_space<hbm>>)
        tpu.yield
      }) : () -> ()
    } else {
    }
    %eq3A_30 = arith.constant 15 : i32
    %eq3A_31 = arith.cmpi eq, %arg1, %eq3A_30 : i32
    %eq3A_32 = arith.constant 1 : i32
    %eq3A_33 = arith.cmpi eq, %arg0, %eq3A_32 : i32
    %and3A_34 = arith.andi %eq3A_31, %eq3A_33 : i1
    %convert_element_type3A_35 = arith.extui %and3A_34 : i1 to i32
    %cond3A_36 = arith.constant 0 : i32
    %cond3A_37 = arith.cmpi ne, %convert_element_type3A_35, %cond3A_36 : i32
    scf.if %cond3A_37 {
      "tpu.region"() ({
        %run_scoped3A = tpu.sem_alloc : memref<!tpu.dma_semaphore, #tpu.memory_space<semaphore_mem>>
        %dma_start3A = arith.constant 98048 : i32
        %dma_start3A_38 = arith.constant 0 : i32
        %dma_start3A_39 = tpu.memref_slice %arg5[%dma_start3A, %dma_start3A_38] : memref<100000x32xf32, #tpu.memory_space<hbm>> -> memref<1952x32xf32, #tpu.memory_space<hbm>>
        %dma_start3A_40 = arith.constant 48000 : i32
        %dma_start3A_41 = arith.constant 0 : i32
        %dma_start3A_42 = tpu.memref_slice %arg6[%dma_start3A_40, %dma_start3A_41] : memref<51200x32xf32, #tpu.memory_space<vmem_shared>> -> memref<1952x32xf32, #tpu.memory_space<vmem_shared>>
        tpu.enqueue_dma source(%dma_start3A_42 : memref<1952x32xf32, #tpu.memory_space<vmem_shared>>) target(%dma_start3A_39 : memref<1952x32xf32, #tpu.memory_space<hbm>>) target_semaphore(%run_scoped3A : memref<!tpu.dma_semaphore, #tpu.memory_space<semaphore_mem>>)
        %dma_wait3A = arith.constant 98048 : i32
        %dma_wait3A_43 = arith.constant 0 : i32
        %dma_wait3A_44 = tpu.memref_slice %arg5[%dma_wait3A, %dma_wait3A_43] : memref<100000x32xf32, #tpu.memory_space<hbm>> -> memref<1952x32xf32, #tpu.memory_space<hbm>>
        %dma_wait3A_45 = arith.constant 48000 : i32
        %dma_wait3A_46 = arith.constant 0 : i32
        %dma_wait3A_47 = tpu.memref_slice %arg6[%dma_wait3A_45, %dma_wait3A_46] : memref<51200x32xf32, #tpu.memory_space<vmem_shared>> -> memref<1952x32xf32, #tpu.memory_space<vmem_shared>>
        tpu.wait_dma2 semaphore(%run_scoped3A : memref<!tpu.dma_semaphore, #tpu.memory_space<semaphore_mem>>) src(%dma_wait3A_47 : memref<1952x32xf32, #tpu.memory_space<vmem_shared>>) dst(%dma_wait3A_44 : memref<1952x32xf32, #tpu.memory_space<hbm>>)
        tpu.yield
      }) : () -> ()
    } else {
    }
    return
  }
}

#map = affine_map<(d0, d1) -> (0, 0)>
#map1 = affine_map<(d0, d1) -> (0)>
module attributes {stable_mosaic.version = 14 : i64} {
  func.func @k(%arg0: i32, %arg1: i32, %arg2: memref<100000x32xf32, #tpu.memory_space<hbm>>, %arg3: memref<3200000xi32, #tpu.memory_space<hbm>>, %arg4: memref<3200000xi32, #tpu.memory_space<hbm>>, %arg5: memref<100000x32xf32, #tpu.memory_space<hbm>>, %arg6: memref<51200x32xf32, #tpu.memory_space<vmem_shared>>, %arg7: memref<80xi32, #tpu.memory_space<vmem>>, %arg8: memref<80xi32, #tpu.memory_space<vmem>>, %arg9: memref<80xi32, #tpu.memory_space<vmem>>, %arg10: memref<80xi32, #tpu.memory_space<vmem>>, %arg11: memref<80xi32, #tpu.memory_space<vmem>>, %arg12: memref<80xi32, #tpu.memory_space<vmem>>, %arg13: memref<80xi32, #tpu.memory_space<vmem>>, %arg14: memref<80xi32, #tpu.memory_space<vmem>>, %arg15: memref<80xi32, #tpu.memory_space<vmem>>, %arg16: memref<80xi32, #tpu.memory_space<vmem>>, %arg17: memref<80xi32, #tpu.memory_space<vmem>>, %arg18: memref<80xi32, #tpu.memory_space<vmem>>, %arg19: memref<80x32xf32, #tpu.memory_space<vmem>>, %arg20: memref<80x32xf32, #tpu.memory_space<vmem>>, %arg21: memref<80x32xf32, #tpu.memory_space<vmem>>, %arg22: memref<80x32xf32, #tpu.memory_space<vmem>>, %arg23: memref<!tpu.dma_semaphore, #tpu.memory_space<semaphore_mem>>, %arg24: memref<!tpu.dma_semaphore, #tpu.memory_space<semaphore_mem>>, %arg25: memref<!tpu.dma_semaphore, #tpu.memory_space<semaphore_mem>>, %arg26: memref<!tpu.dma_semaphore, #tpu.memory_space<semaphore_mem>>, %arg27: memref<!tpu.dma_semaphore, #tpu.memory_space<semaphore_mem>>, %arg28: memref<!tpu.dma_semaphore, #tpu.memory_space<semaphore_mem>>, %arg29: memref<!tpu.dma_semaphore, #tpu.memory_space<semaphore_mem>>, %arg30: memref<!tpu.dma_semaphore, #tpu.memory_space<semaphore_mem>>, %arg31: memref<!tpu.dma_semaphore, #tpu.memory_space<semaphore_mem>>, %arg32: memref<!tpu.dma_semaphore, #tpu.memory_space<semaphore_mem>>, %arg33: memref<!tpu.dma_semaphore, #tpu.memory_space<semaphore_mem>>, %arg34: memref<!tpu.dma_semaphore, #tpu.memory_space<semaphore_mem>>) attributes {dimension_semantics = [#tpu.dimension_semantics<core_parallel>, #tpu.dimension_semantics<subcore_parallel>], iteration_bounds = array<i64: 2, 16>, scalar_prefetch = 0 : i64, scratch_operands = 29 : i64, tpu.core_type = #tpu.core_type<sc_vector_subcore>, window_params = [{transform_indices = #map}, {transform_indices = #map1}, {transform_indices = #map1}, {transform_indices = #map}]} {
    %mul3A = arith.constant 50048 : i32
    %mul3A_0 = arith.muli %arg0, %mul3A : i32
    %mul3A_1 = arith.constant 96 : i32
    %mul3A_2 = arith.muli %arg0, %mul3A_1 : i32
    %sub3A = arith.constant 50048 : i32
    %sub3A_3 = arith.subi %sub3A, %mul3A_2 : i32
    %broadcast_in_dim3A = arith.constant 0.000000e+00 : f32
    %broadcast_in_dim3A_4 = vector.broadcast %broadcast_in_dim3A : f32 to vector<16xf32>
    %scan3A = arith.constant 0 : i32
    %scan3A_5 = arith.constant 80 : i32
    %scan3A_6 = arith.addi %scan3A, %scan3A_5 : i32
    %scan3A_7 = arith.constant 1 : i32
    scf.for %scan3A_38 = %scan3A to %scan3A_6 step %scan3A_7  : i32 {
      %mul3A_39 = arith.constant 1 : i32
      %mul3A_40 = arith.muli %scan3A_38, %mul3A_39 : i32
      %add3A = arith.constant 0 : i32
      %add3A_41 = arith.addi %add3A, %mul3A_40 : i32
      %swap3A = arith.index_cast %add3A_41 : i32 to index
      %swap3A_42 = arith.constant 0 : index
      %swap3A_43 = tpu.vector_load %arg19[%swap3A, %swap3A_42] {strides = array<i32>} : memref<80x32xf32, #tpu.memory_space<vmem>>, vector<1x16xf32>,
      %swap3A_44 = vector.shape_cast %swap3A_43 : vector<1x16xf32> to vector<16xf32>
      %swap3A_45 = vector.shape_cast %broadcast_in_dim3A_4 : vector<16xf32> to vector<1x16xf32>
      tpu.vector_store %arg19[%swap3A, %swap3A_42], %swap3A_45 {strides = array<i32>} : memref<80x32xf32, #tpu.memory_space<vmem>>, vector<1x16xf32>,
      %swap3A_46 = arith.index_cast %add3A_41 : i32 to index
      %swap3A_47 = arith.constant 16 : index
      %swap3A_48 = tpu.vector_load %arg19[%swap3A_46, %swap3A_47] {strides = array<i32>} : memref<80x32xf32, #tpu.memory_space<vmem>>, vector<1x16xf32>,
      %swap3A_49 = vector.shape_cast %swap3A_48 : vector<1x16xf32> to vector<16xf32>
      %swap3A_50 = vector.shape_cast %broadcast_in_dim3A_4 : vector<16xf32> to vector<1x16xf32>
      tpu.vector_store %arg19[%swap3A_46, %swap3A_47], %swap3A_50 {strides = array<i32>} : memref<80x32xf32, #tpu.memory_space<vmem>>, vector<1x16xf32>,
    }
    %scan3A_8 = arith.constant 80 : i32
    %scan3A_9 = arith.constant 0 : i32
    %scan3A_10 = arith.constant 40 : i32
    %scan3A_11 = arith.addi %scan3A_9, %scan3A_10 : i32
    %scan3A_12 = arith.constant 1 : i32
    scf.for %scan3A_38 = %scan3A_9 to %scan3A_11 step %scan3A_12  : i32 {
      %mul3A_39 = arith.constant 1 : i32
      %mul3A_40 = arith.muli %scan3A_38, %mul3A_39 : i32
      %add3A = arith.constant 0 : i32
      %add3A_41 = arith.addi %add3A, %mul3A_40 : i32
      %mul3A_42 = arith.constant 3200 : i32
      %mul3A_43 = arith.muli %arg1, %mul3A_42 : i32
      %mul3A_44 = arith.constant 80 : i32
      %mul3A_45 = arith.muli %add3A_41, %mul3A_44 : i32
      %add3A_46 = arith.addi %mul3A_43, %mul3A_45 : i32
      %multiple_of3A = tpu.assume_multiple %add3A_46, 8 : i32
      "tpu.region"() ({
        %run_scoped3A = tpu.sem_alloc : memref<!tpu.dma_semaphore, #tpu.memory_space<semaphore_mem>>
        %dma_start3A = arith.constant 0 : i32
        %dma_start3A_47 = tpu.memref_slice %arg6[%multiple_of3A, %dma_start3A] : memref<51200x32xf32, #tpu.memory_space<vmem_shared>> -> memref<80x32xf32, #tpu.memory_space<vmem_shared>>
        %dma_start3A_48 = arith.constant 0 : i32
        %dma_start3A_49 = tpu.memref_slice %arg6[%multiple_of3A, %dma_start3A_48] : memref<51200x32xf32, #tpu.memory_space<vmem_shared>> -> memref<80x32xf32, #tpu.memory_space<vmem_shared>>
        tpu.enqueue_dma source(%arg19 : memref<80x32xf32, #tpu.memory_space<vmem>>) target(%dma_start3A_49 : memref<80x32xf32, #tpu.memory_space<vmem_shared>>) target_semaphore(%run_scoped3A : memref<!tpu.dma_semaphore, #tpu.memory_space<semaphore_mem>>)
        %dma_wait3A = arith.constant 0 : i32
        %dma_wait3A_50 = tpu.memref_slice %arg6[%multiple_of3A, %dma_wait3A] : memref<51200x32xf32, #tpu.memory_space<vmem_shared>> -> memref<80x32xf32, #tpu.memory_space<vmem_shared>>
        %dma_wait3A_51 = arith.constant 0 : i32
        %dma_wait3A_52 = tpu.memref_slice %arg6[%multiple_of3A, %dma_wait3A_51] : memref<51200x32xf32, #tpu.memory_space<vmem_shared>> -> memref<80x32xf32, #tpu.memory_space<vmem_shared>>
        tpu.wait_dma2 semaphore(%run_scoped3A : memref<!tpu.dma_semaphore, #tpu.memory_space<semaphore_mem>>) src(%arg19 : memref<80x32xf32, #tpu.memory_space<vmem>>) dst(%dma_wait3A_52 : memref<80x32xf32, #tpu.memory_space<vmem_shared>>)
        tpu.yield
      }) : () -> ()
    }
    %scan3A_13 = arith.constant 40 : i32
    %barrier3A = arith.constant 0 : index
    tpu.barrier barrier_id(%barrier3A)
    %mul3A_14 = arith.constant 200000 : i32
    %mul3A_15 = arith.muli %arg1, %mul3A_14 : i32
    %scan3A_16 = arith.constant 0 : i32
    %scan3A_17 = arith.constant 625 : i32
    %scan3A_18 = arith.addi %scan3A_16, %scan3A_17 : i32
    %scan3A_19 = arith.constant 1 : i32
    scf.for %scan3A_38 = %scan3A_16 to %scan3A_18 step %scan3A_19  : i32 {
      %mul3A_39 = arith.constant 1 : i32
      %mul3A_40 = arith.muli %scan3A_38, %mul3A_39 : i32
      %add3A = arith.constant 0 : i32
      %add3A_41 = arith.addi %add3A, %mul3A_40 : i32
      %mul3A_42 = arith.constant 4 : i32
      %mul3A_43 = arith.muli %add3A_41, %mul3A_42 : i32
      %add3A_44 = arith.constant 0 : i32
      %add3A_45 = arith.addi %mul3A_43, %add3A_44 : i32
      %mul3A_46 = arith.constant 80 : i32
      %mul3A_47 = arith.muli %add3A_45, %mul3A_46 : i32
      %add3A_48 = arith.addi %mul3A_15, %mul3A_47 : i32
      %multiple_of3A = tpu.assume_multiple %add3A_48, 8 : i32
      %dma_start3A = tpu.memref_slice %arg3[%multiple_of3A] : memref<3200000xi32, #tpu.memory_space<hbm>> -> memref<80xi32, #tpu.memory_space<hbm>>
      %dma_start3A_49 = tpu.memref_slice %arg3[%multiple_of3A] : memref<3200000xi32, #tpu.memory_space<hbm>> -> memref<80xi32, #tpu.memory_space<hbm>>
      tpu.enqueue_dma source(%dma_start3A_49 : memref<80xi32, #tpu.memory_space<hbm>>) target(%arg7 : memref<80xi32, #tpu.memory_space<vmem>>) target_semaphore(%arg23 : memref<!tpu.dma_semaphore, #tpu.memory_space<semaphore_mem>>)
      %dma_start3A_50 = tpu.memref_slice %arg4[%multiple_of3A] : memref<3200000xi32, #tpu.memory_space<hbm>> -> memref<80xi32, #tpu.memory_space<hbm>>
      %dma_start3A_51 = tpu.memref_slice %arg4[%multiple_of3A] : memref<3200000xi32, #tpu.memory_space<hbm>> -> memref<80xi32, #tpu.memory_space<hbm>>
      tpu.enqueue_dma source(%dma_start3A_51 : memref<80xi32, #tpu.memory_space<hbm>>) target(%arg11 : memref<80xi32, #tpu.memory_space<vmem>>) target_semaphore(%arg23 : memref<!tpu.dma_semaphore, #tpu.memory_space<semaphore_mem>>)
      %mul3A_52 = arith.constant 4 : i32
      %mul3A_53 = arith.muli %add3A_41, %mul3A_52 : i32
      %add3A_54 = arith.constant 1 : i32
      %add3A_55 = arith.addi %mul3A_53, %add3A_54 : i32
      %mul3A_56 = arith.constant 80 : i32
      %mul3A_57 = arith.muli %add3A_55, %mul3A_56 : i32
      %add3A_58 = arith.addi %mul3A_15, %mul3A_57 : i32
      %multiple_of3A_59 = tpu.assume_multiple %add3A_58, 8 : i32
      %dma_start3A_60 = tpu.memref_slice %arg3[%multiple_of3A_59] : memref<3200000xi32, #tpu.memory_space<hbm>> -> memref<80xi32, #tpu.memory_space<hbm>>
      %dma_start3A_61 = tpu.memref_slice %arg3[%multiple_of3A_59] : memref<3200000xi32, #tpu.memory_space<hbm>> -> memref<80xi32, #tpu.memory_space<hbm>>
      tpu.enqueue_dma source(%dma_start3A_61 : memref<80xi32, #tpu.memory_space<hbm>>) target(%arg8 : memref<80xi32, #tpu.memory_space<vmem>>) target_semaphore(%arg24 : memref<!tpu.dma_semaphore, #tpu.memory_space<semaphore_mem>>)
      %dma_start3A_62 = tpu.memref_slice %arg4[%multiple_of3A_59] : memref<3200000xi32, #tpu.memory_space<hbm>> -> memref<80xi32, #tpu.memory_space<hbm>>
      %dma_start3A_63 = tpu.memref_slice %arg4[%multiple_of3A_59] : memref<3200000xi32, #tpu.memory_space<hbm>> -> memref<80xi32, #tpu.memory_space<hbm>>
      tpu.enqueue_dma source(%dma_start3A_63 : memref<80xi32, #tpu.memory_space<hbm>>) target(%arg12 : memref<80xi32, #tpu.memory_space<vmem>>) target_semaphore(%arg24 : memref<!tpu.dma_semaphore, #tpu.memory_space<semaphore_mem>>)
      %mul3A_64 = arith.constant 4 : i32
      %mul3A_65 = arith.muli %add3A_41, %mul3A_64 : i32
      %add3A_66 = arith.constant 2 : i32
      %add3A_67 = arith.addi %mul3A_65, %add3A_66 : i32
      %mul3A_68 = arith.constant 80 : i32
      %mul3A_69 = arith.muli %add3A_67, %mul3A_68 : i32
      %add3A_70 = arith.addi %mul3A_15, %mul3A_69 : i32
      %multiple_of3A_71 = tpu.assume_multiple %add3A_70, 8 : i32
      %dma_start3A_72 = tpu.memref_slice %arg3[%multiple_of3A_71] : memref<3200000xi32, #tpu.memory_space<hbm>> -> memref<80xi32, #tpu.memory_space<hbm>>
      %dma_start3A_73 = tpu.memref_slice %arg3[%multiple_of3A_71] : memref<3200000xi32, #tpu.memory_space<hbm>> -> memref<80xi32, #tpu.memory_space<hbm>>
      tpu.enqueue_dma source(%dma_start3A_73 : memref<80xi32, #tpu.memory_space<hbm>>) target(%arg9 : memref<80xi32, #tpu.memory_space<vmem>>) target_semaphore(%arg25 : memref<!tpu.dma_semaphore, #tpu.memory_space<semaphore_mem>>)
      %dma_start3A_74 = tpu.memref_slice %arg4[%multiple_of3A_71] : memref<3200000xi32, #tpu.memory_space<hbm>> -> memref<80xi32, #tpu.memory_space<hbm>>
      %dma_start3A_75 = tpu.memref_slice %arg4[%multiple_of3A_71] : memref<3200000xi32, #tpu.memory_space<hbm>> -> memref<80xi32, #tpu.memory_space<hbm>>
      tpu.enqueue_dma source(%dma_start3A_75 : memref<80xi32, #tpu.memory_space<hbm>>) target(%arg13 : memref<80xi32, #tpu.memory_space<vmem>>) target_semaphore(%arg25 : memref<!tpu.dma_semaphore, #tpu.memory_space<semaphore_mem>>)
      %mul3A_76 = arith.constant 4 : i32
      %mul3A_77 = arith.muli %add3A_41, %mul3A_76 : i32
      %add3A_78 = arith.constant 3 : i32
      %add3A_79 = arith.addi %mul3A_77, %add3A_78 : i32
      %mul3A_80 = arith.constant 80 : i32
      %mul3A_81 = arith.muli %add3A_79, %mul3A_80 : i32
      %add3A_82 = arith.addi %mul3A_15, %mul3A_81 : i32
      %multiple_of3A_83 = tpu.assume_multiple %add3A_82, 8 : i32
      %dma_start3A_84 = tpu.memref_slice %arg3[%multiple_of3A_83] : memref<3200000xi32, #tpu.memory_space<hbm>> -> memref<80xi32, #tpu.memory_space<hbm>>
      %dma_start3A_85 = tpu.memref_slice %arg3[%multiple_of3A_83] : memref<3200000xi32, #tpu.memory_space<hbm>> -> memref<80xi32, #tpu.memory_space<hbm>>
      tpu.enqueue_dma source(%dma_start3A_85 : memref<80xi32, #tpu.memory_space<hbm>>) target(%arg10 : memref<80xi32, #tpu.memory_space<vmem>>) target_semaphore(%arg26 : memref<!tpu.dma_semaphore, #tpu.memory_space<semaphore_mem>>)
      %dma_start3A_86 = tpu.memref_slice %arg4[%multiple_of3A_83] : memref<3200000xi32, #tpu.memory_space<hbm>> -> memref<80xi32, #tpu.memory_space<hbm>>
      %dma_start3A_87 = tpu.memref_slice %arg4[%multiple_of3A_83] : memref<3200000xi32, #tpu.memory_space<hbm>> -> memref<80xi32, #tpu.memory_space<hbm>>
      tpu.enqueue_dma source(%dma_start3A_87 : memref<80xi32, #tpu.memory_space<hbm>>) target(%arg14 : memref<80xi32, #tpu.memory_space<vmem>>) target_semaphore(%arg26 : memref<!tpu.dma_semaphore, #tpu.memory_space<semaphore_mem>>)
      %dma_wait3A = tpu.memref_slice %arg3[%multiple_of3A] : memref<3200000xi32, #tpu.memory_space<hbm>> -> memref<80xi32, #tpu.memory_space<hbm>>
      %dma_wait3A_88 = tpu.memref_slice %arg3[%multiple_of3A] : memref<3200000xi32, #tpu.memory_space<hbm>> -> memref<80xi32, #tpu.memory_space<hbm>>
      tpu.wait_dma2 semaphore(%arg23 : memref<!tpu.dma_semaphore, #tpu.memory_space<semaphore_mem>>) src(%dma_wait3A_88 : memref<80xi32, #tpu.memory_space<hbm>>) dst(%arg7 : memref<80xi32, #tpu.memory_space<vmem>>)
      %dma_wait3A_89 = tpu.memref_slice %arg4[%multiple_of3A] : memref<3200000xi32, #tpu.memory_space<hbm>> -> memref<80xi32, #tpu.memory_space<hbm>>
      %dma_wait3A_90 = tpu.memref_slice %arg4[%multiple_of3A] : memref<3200000xi32, #tpu.memory_space<hbm>> -> memref<80xi32, #tpu.memory_space<hbm>>
      tpu.wait_dma2 semaphore(%arg23 : memref<!tpu.dma_semaphore, #tpu.memory_space<semaphore_mem>>) src(%dma_wait3A_90 : memref<80xi32, #tpu.memory_space<hbm>>) dst(%arg11 : memref<80xi32, #tpu.memory_space<vmem>>)
      %dma_start3A_91 = arith.constant 0 : i32
      %dma_start3A_92 = arith.constant 0 : i32
      %dma_start3A_93 = tpu.memref_slice %arg2[%dma_start3A_91, %dma_start3A_92] : memref<100000x32xf32, #tpu.memory_space<hbm>> -> memref<100000x32xf32, #tpu.memory_space<hbm>>
      tpu.enqueue_indirect_dma source(%dma_start3A_93 : memref<100000x32xf32, #tpu.memory_space<hbm>>) target(%arg19 : memref<80x32xf32, #tpu.memory_space<vmem>>) offsets(%arg7 : memref<80xi32, #tpu.memory_space<vmem>>) semaphore(%arg27 : memref<!tpu.dma_semaphore, #tpu.memory_space<semaphore_mem>>)
      %dma_wait3A_94 = tpu.memref_slice %arg3[%multiple_of3A_59] : memref<3200000xi32, #tpu.memory_space<hbm>> -> memref<80xi32, #tpu.memory_space<hbm>>
      %dma_wait3A_95 = tpu.memref_slice %arg3[%multiple_of3A_59] : memref<3200000xi32, #tpu.memory_space<hbm>> -> memref<80xi32, #tpu.memory_space<hbm>>
      tpu.wait_dma2 semaphore(%arg24 : memref<!tpu.dma_semaphore, #tpu.memory_space<semaphore_mem>>) src(%dma_wait3A_95 : memref<80xi32, #tpu.memory_space<hbm>>) dst(%arg8 : memref<80xi32, #tpu.memory_space<vmem>>)
      %dma_wait3A_96 = tpu.memref_slice %arg4[%multiple_of3A_59] : memref<3200000xi32, #tpu.memory_space<hbm>> -> memref<80xi32, #tpu.memory_space<hbm>>
      %dma_wait3A_97 = tpu.memref_slice %arg4[%multiple_of3A_59] : memref<3200000xi32, #tpu.memory_space<hbm>> -> memref<80xi32, #tpu.memory_space<hbm>>
      tpu.wait_dma2 semaphore(%arg24 : memref<!tpu.dma_semaphore, #tpu.memory_space<semaphore_mem>>) src(%dma_wait3A_97 : memref<80xi32, #tpu.memory_space<hbm>>) dst(%arg12 : memref<80xi32, #tpu.memory_space<vmem>>)
      %dma_start3A_98 = arith.constant 0 : i32
      %dma_start3A_99 = arith.constant 0 : i32
      %dma_start3A_100 = tpu.memref_slice %arg2[%dma_start3A_98, %dma_start3A_99] : memref<100000x32xf32, #tpu.memory_space<hbm>> -> memref<100000x32xf32, #tpu.memory_space<hbm>>
      tpu.enqueue_indirect_dma source(%dma_start3A_100 : memref<100000x32xf32, #tpu.memory_space<hbm>>) target(%arg20 : memref<80x32xf32, #tpu.memory_space<vmem>>) offsets(%arg8 : memref<80xi32, #tpu.memory_space<vmem>>) semaphore(%arg28 : memref<!tpu.dma_semaphore, #tpu.memory_space<semaphore_mem>>)
      %dma_wait3A_101 = tpu.memref_slice %arg3[%multiple_of3A_71] : memref<3200000xi32, #tpu.memory_space<hbm>> -> memref<80xi32, #tpu.memory_space<hbm>>
      %dma_wait3A_102 = tpu.memref_slice %arg3[%multiple_of3A_71] : memref<3200000xi32, #tpu.memory_space<hbm>> -> memref<80xi32, #tpu.memory_space<hbm>>
      tpu.wait_dma2 semaphore(%arg25 : memref<!tpu.dma_semaphore, #tpu.memory_space<semaphore_mem>>) src(%dma_wait3A_102 : memref<80xi32, #tpu.memory_space<hbm>>) dst(%arg9 : memref<80xi32, #tpu.memory_space<vmem>>)
      %dma_wait3A_103 = tpu.memref_slice %arg4[%multiple_of3A_71] : memref<3200000xi32, #tpu.memory_space<hbm>> -> memref<80xi32, #tpu.memory_space<hbm>>
      %dma_wait3A_104 = tpu.memref_slice %arg4[%multiple_of3A_71] : memref<3200000xi32, #tpu.memory_space<hbm>> -> memref<80xi32, #tpu.memory_space<hbm>>
      tpu.wait_dma2 semaphore(%arg25 : memref<!tpu.dma_semaphore, #tpu.memory_space<semaphore_mem>>) src(%dma_wait3A_104 : memref<80xi32, #tpu.memory_space<hbm>>) dst(%arg13 : memref<80xi32, #tpu.memory_space<vmem>>)
      %dma_start3A_105 = arith.constant 0 : i32
      %dma_start3A_106 = arith.constant 0 : i32
      %dma_start3A_107 = tpu.memref_slice %arg2[%dma_start3A_105, %dma_start3A_106] : memref<100000x32xf32, #tpu.memory_space<hbm>> -> memref<100000x32xf32, #tpu.memory_space<hbm>>
      tpu.enqueue_indirect_dma source(%dma_start3A_107 : memref<100000x32xf32, #tpu.memory_space<hbm>>) target(%arg21 : memref<80x32xf32, #tpu.memory_space<vmem>>) offsets(%arg9 : memref<80xi32, #tpu.memory_space<vmem>>) semaphore(%arg29 : memref<!tpu.dma_semaphore, #tpu.memory_space<semaphore_mem>>)
      %dma_wait3A_108 = tpu.memref_slice %arg3[%multiple_of3A_83] : memref<3200000xi32, #tpu.memory_space<hbm>> -> memref<80xi32, #tpu.memory_space<hbm>>
      %dma_wait3A_109 = tpu.memref_slice %arg3[%multiple_of3A_83] : memref<3200000xi32, #tpu.memory_space<hbm>> -> memref<80xi32, #tpu.memory_space<hbm>>
      tpu.wait_dma2 semaphore(%arg26 : memref<!tpu.dma_semaphore, #tpu.memory_space<semaphore_mem>>) src(%dma_wait3A_109 : memref<80xi32, #tpu.memory_space<hbm>>) dst(%arg10 : memref<80xi32, #tpu.memory_space<vmem>>)
      %dma_wait3A_110 = tpu.memref_slice %arg4[%multiple_of3A_83] : memref<3200000xi32, #tpu.memory_space<hbm>> -> memref<80xi32, #tpu.memory_space<hbm>>
      %dma_wait3A_111 = tpu.memref_slice %arg4[%multiple_of3A_83] : memref<3200000xi32, #tpu.memory_space<hbm>> -> memref<80xi32, #tpu.memory_space<hbm>>
      tpu.wait_dma2 semaphore(%arg26 : memref<!tpu.dma_semaphore, #tpu.memory_space<semaphore_mem>>) src(%dma_wait3A_111 : memref<80xi32, #tpu.memory_space<hbm>>) dst(%arg14 : memref<80xi32, #tpu.memory_space<vmem>>)
      %dma_start3A_112 = arith.constant 0 : i32
      %dma_start3A_113 = arith.constant 0 : i32
      %dma_start3A_114 = tpu.memref_slice %arg2[%dma_start3A_112, %dma_start3A_113] : memref<100000x32xf32, #tpu.memory_space<hbm>> -> memref<100000x32xf32, #tpu.memory_space<hbm>>
      tpu.enqueue_indirect_dma source(%dma_start3A_114 : memref<100000x32xf32, #tpu.memory_space<hbm>>) target(%arg22 : memref<80x32xf32, #tpu.memory_space<vmem>>) offsets(%arg10 : memref<80xi32, #tpu.memory_space<vmem>>) semaphore(%arg30 : memref<!tpu.dma_semaphore, #tpu.memory_space<semaphore_mem>>)
      %scan3A_115 = arith.constant 0 : i32
      %scan3A_116 = arith.constant 5 : i32
      %scan3A_117 = arith.addi %scan3A_115, %scan3A_116 : i32
      %scan3A_118 = arith.constant 1 : i32
      scf.for %scan3A_171 = %scan3A_115 to %scan3A_117 step %scan3A_118  : i32 {
        %mul3A_172 = arith.constant 16 : i32
        %mul3A_173 = arith.muli %scan3A_171, %mul3A_172 : i32
        %add3A_174 = arith.constant 0 : i32
        %add3A_175 = arith.addi %add3A_174, %mul3A_173 : i32
        %multiple_of3A_176 = tpu.assume_multiple %add3A_175, 8 : i32
        %get3A = arith.index_cast %multiple_of3A_176 : i32 to index
        %get3A_177 = tpu.vector_load %arg11[%get3A] {strides = array<i32>} : memref<80xi32, #tpu.memory_space<vmem>>, vector<16xi32>,
        %get3A_178 = vector.shape_cast %get3A_177 : vector<16xi32> to vector<16xi32>
        %sub3A_179 = vector.broadcast %mul3A_0 : i32 to vector<16xi32>
        %sub3A_180 = arith.subi %get3A_178, %sub3A_179 : vector<16xi32>
        %ge3A = arith.constant 0 : i32
        %ge3A_181 = vector.broadcast %ge3A : i32 to vector<16xi32>
        %ge3A_182 = arith.cmpi sge, %sub3A_180, %ge3A_181 : vector<16xi32>
        %lt3A_183 = vector.broadcast %sub3A_3 : i32 to vector<16xi32>
        %lt3A_184 = arith.cmpi slt, %sub3A_180, %lt3A_183 : vector<16xi32>
        %and3A_185 = arith.andi %ge3A_182, %lt3A_184 : vector<16xi1>
        %jit3A = arith.constant 51000 : i32
        %broadcast_in_dim3A_186 = vector.broadcast %jit3A : i32 to vector<16xi32>
        %select_n3A = arith.select %and3A_185, %sub3A_180, %broadcast_in_dim3A_186 : vector<16xi1>, vector<16xi32>
        %swap3A = arith.index_cast %multiple_of3A_176 : i32 to index
        %swap3A_187 = tpu.vector_load %arg15[%swap3A] {strides = array<i32>} : memref<80xi32, #tpu.memory_space<vmem>>, vector<16xi32>,
        %swap3A_188 = vector.shape_cast %swap3A_187 : vector<16xi32> to vector<16xi32>
        %swap3A_189 = vector.shape_cast %select_n3A : vector<16xi32> to vector<16xi32>
        tpu.vector_store %arg15[%swap3A], %swap3A_189 {strides = array<i32>} : memref<80xi32, #tpu.memory_space<vmem>>, vector<16xi32>,
      }
      %scan3A_119 = arith.constant 5 : i32
      %scan3A_120 = arith.constant 0 : i32
      %scan3A_121 = arith.constant 5 : i32
      %scan3A_122 = arith.addi %scan3A_120, %scan3A_121 : i32
      %scan3A_123 = arith.constant 1 : i32
      scf.for %scan3A_171 = %scan3A_120 to %scan3A_122 step %scan3A_123  : i32 {
        %mul3A_172 = arith.constant 16 : i32
        %mul3A_173 = arith.muli %scan3A_171, %mul3A_172 : i32
        %add3A_174 = arith.constant 0 : i32
        %add3A_175 = arith.addi %add3A_174, %mul3A_173 : i32
        %multiple_of3A_176 = tpu.assume_multiple %add3A_175, 8 : i32
        %get3A = arith.index_cast %multiple_of3A_176 : i32 to index
        %get3A_177 = tpu.vector_load %arg12[%get3A] {strides = array<i32>} : memref<80xi32, #tpu.memory_space<vmem>>, vector<16xi32>,
        %get3A_178 = vector.shape_cast %get3A_177 : vector<16xi32> to vector<16xi32>
        %sub3A_179 = vector.broadcast %mul3A_0 : i32 to vector<16xi32>
        %sub3A_180 = arith.subi %get3A_178, %sub3A_179 : vector<16xi32>
        %ge3A = arith.constant 0 : i32
        %ge3A_181 = vector.broadcast %ge3A : i32 to vector<16xi32>
        %ge3A_182 = arith.cmpi sge, %sub3A_180, %ge3A_181 : vector<16xi32>
        %lt3A_183 = vector.broadcast %sub3A_3 : i32 to vector<16xi32>
        %lt3A_184 = arith.cmpi slt, %sub3A_180, %lt3A_183 : vector<16xi32>
        %and3A_185 = arith.andi %ge3A_182, %lt3A_184 : vector<16xi1>
        %jit3A = arith.constant 51000 : i32
        %broadcast_in_dim3A_186 = vector.broadcast %jit3A : i32 to vector<16xi32>
        %select_n3A = arith.select %and3A_185, %sub3A_180, %broadcast_in_dim3A_186 : vector<16xi1>, vector<16xi32>
        %swap3A = arith.index_cast %multiple_of3A_176 : i32 to index
        %swap3A_187 = tpu.vector_load %arg16[%swap3A] {strides = array<i32>} : memref<80xi32, #tpu.memory_space<vmem>>, vector<16xi32>,
        %swap3A_188 = vector.shape_cast %swap3A_187 : vector<16xi32> to vector<16xi32>
        %swap3A_189 = vector.shape_cast %select_n3A : vector<16xi32> to vector<16xi32>
        tpu.vector_store %arg16[%swap3A], %swap3A_189 {strides = array<i32>} : memref<80xi32, #tpu.memory_space<vmem>>, vector<16xi32>,
      }
      %scan3A_124 = arith.constant 5 : i32
      %scan3A_125 = arith.constant 0 : i32
      %scan3A_126 = arith.constant 5 : i32
      %scan3A_127 = arith.addi %scan3A_125, %scan3A_126 : i32
      %scan3A_128 = arith.constant 1 : i32
      scf.for %scan3A_171 = %scan3A_125 to %scan3A_127 step %scan3A_128  : i32 {
        %mul3A_172 = arith.constant 16 : i32
        %mul3A_173 = arith.muli %scan3A_171, %mul3A_172 : i32
        %add3A_174 = arith.constant 0 : i32
        %add3A_175 = arith.addi %add3A_174, %mul3A_173 : i32
        %multiple_of3A_176 = tpu.assume_multiple %add3A_175, 8 : i32
        %get3A = arith.index_cast %multiple_of3A_176 : i32 to index
        %get3A_177 = tpu.vector_load %arg13[%get3A] {strides = array<i32>} : memref<80xi32, #tpu.memory_space<vmem>>, vector<16xi32>,
        %get3A_178 = vector.shape_cast %get3A_177 : vector<16xi32> to vector<16xi32>
        %sub3A_179 = vector.broadcast %mul3A_0 : i32 to vector<16xi32>
        %sub3A_180 = arith.subi %get3A_178, %sub3A_179 : vector<16xi32>
        %ge3A = arith.constant 0 : i32
        %ge3A_181 = vector.broadcast %ge3A : i32 to vector<16xi32>
        %ge3A_182 = arith.cmpi sge, %sub3A_180, %ge3A_181 : vector<16xi32>
        %lt3A_183 = vector.broadcast %sub3A_3 : i32 to vector<16xi32>
        %lt3A_184 = arith.cmpi slt, %sub3A_180, %lt3A_183 : vector<16xi32>
        %and3A_185 = arith.andi %ge3A_182, %lt3A_184 : vector<16xi1>
        %jit3A = arith.constant 51000 : i32
        %broadcast_in_dim3A_186 = vector.broadcast %jit3A : i32 to vector<16xi32>
        %select_n3A = arith.select %and3A_185, %sub3A_180, %broadcast_in_dim3A_186 : vector<16xi1>, vector<16xi32>
        %swap3A = arith.index_cast %multiple_of3A_176 : i32 to index
        %swap3A_187 = tpu.vector_load %arg17[%swap3A] {strides = array<i32>} : memref<80xi32, #tpu.memory_space<vmem>>, vector<16xi32>,
        %swap3A_188 = vector.shape_cast %swap3A_187 : vector<16xi32> to vector<16xi32>
        %swap3A_189 = vector.shape_cast %select_n3A : vector<16xi32> to vector<16xi32>
        tpu.vector_store %arg17[%swap3A], %swap3A_189 {strides = array<i32>} : memref<80xi32, #tpu.memory_space<vmem>>, vector<16xi32>,
      }
      %scan3A_129 = arith.constant 5 : i32
      %scan3A_130 = arith.constant 0 : i32
      %scan3A_131 = arith.constant 5 : i32
      %scan3A_132 = arith.addi %scan3A_130, %scan3A_131 : i32
      %scan3A_133 = arith.constant 1 : i32
      scf.for %scan3A_171 = %scan3A_130 to %scan3A_132 step %scan3A_133  : i32 {
        %mul3A_172 = arith.constant 16 : i32
        %mul3A_173 = arith.muli %scan3A_171, %mul3A_172 : i32
        %add3A_174 = arith.constant 0 : i32
        %add3A_175 = arith.addi %add3A_174, %mul3A_173 : i32
        %multiple_of3A_176 = tpu.assume_multiple %add3A_175, 8 : i32
        %get3A = arith.index_cast %multiple_of3A_176 : i32 to index
        %get3A_177 = tpu.vector_load %arg14[%get3A] {strides = array<i32>} : memref<80xi32, #tpu.memory_space<vmem>>, vector<16xi32>,
        %get3A_178 = vector.shape_cast %get3A_177 : vector<16xi32> to vector<16xi32>
        %sub3A_179 = vector.broadcast %mul3A_0 : i32 to vector<16xi32>
        %sub3A_180 = arith.subi %get3A_178, %sub3A_179 : vector<16xi32>
        %ge3A = arith.constant 0 : i32
        %ge3A_181 = vector.broadcast %ge3A : i32 to vector<16xi32>
        %ge3A_182 = arith.cmpi sge, %sub3A_180, %ge3A_181 : vector<16xi32>
        %lt3A_183 = vector.broadcast %sub3A_3 : i32 to vector<16xi32>
        %lt3A_184 = arith.cmpi slt, %sub3A_180, %lt3A_183 : vector<16xi32>
        %and3A_185 = arith.andi %ge3A_182, %lt3A_184 : vector<16xi1>
        %jit3A = arith.constant 51000 : i32
        %broadcast_in_dim3A_186 = vector.broadcast %jit3A : i32 to vector<16xi32>
        %select_n3A = arith.select %and3A_185, %sub3A_180, %broadcast_in_dim3A_186 : vector<16xi1>, vector<16xi32>
        %swap3A = arith.index_cast %multiple_of3A_176 : i32 to index
        %swap3A_187 = tpu.vector_load %arg18[%swap3A] {strides = array<i32>} : memref<80xi32, #tpu.memory_space<vmem>>, vector<16xi32>,
        %swap3A_188 = vector.shape_cast %swap3A_187 : vector<16xi32> to vector<16xi32>
        %swap3A_189 = vector.shape_cast %select_n3A : vector<16xi32> to vector<16xi32>
        tpu.vector_store %arg18[%swap3A], %swap3A_189 {strides = array<i32>} : memref<80xi32, #tpu.memory_space<vmem>>, vector<16xi32>,
      }
      %scan3A_134 = arith.constant 5 : i32
      %dma_wait3A_135 = arith.constant 0 : i32
      %dma_wait3A_136 = arith.constant 0 : i32
      %dma_wait3A_137 = tpu.memref_slice %arg2[%dma_wait3A_135, %dma_wait3A_136] : memref<100000x32xf32, #tpu.memory_space<hbm>> -> memref<100000x32xf32, #tpu.memory_space<hbm>>
      tpu.wait_indirect_dma semaphore(%arg27 : memref<!tpu.dma_semaphore, #tpu.memory_space<semaphore_mem>>) src(%dma_wait3A_137 : memref<100000x32xf32, #tpu.memory_space<hbm>>) dst(%arg19 : memref<80x32xf32, #tpu.memory_space<vmem>>)
      %dma_start3A_138 = arith.constant 0 : i32
      %dma_start3A_139 = arith.constant 0 : i32
      %dma_start3A_140 = tpu.memref_slice %arg6[%dma_start3A_138, %dma_start3A_139] : memref<51200x32xf32, #tpu.memory_space<vmem_shared>> -> memref<51200x32xf32, #tpu.memory_space<vmem_shared>>
      tpu.enqueue_indirect_dma source(%arg19 : memref<80x32xf32, #tpu.memory_space<vmem>>) target(%dma_start3A_140 : memref<51200x32xf32, #tpu.memory_space<vmem_shared>>) offsets(%arg15 : memref<80xi32, #tpu.memory_space<vmem>>) semaphore(%arg31 : memref<!tpu.dma_semaphore, #tpu.memory_space<semaphore_mem>>) {add = true}
      %dma_wait3A_141 = arith.constant 0 : i32
      %dma_wait3A_142 = arith.constant 0 : i32
      %dma_wait3A_143 = tpu.memref_slice %arg2[%dma_wait3A_141, %dma_wait3A_142] : memref<100000x32xf32, #tpu.memory_space<hbm>> -> memref<100000x32xf32, #tpu.memory_space<hbm>>
      tpu.wait_indirect_dma semaphore(%arg28 : memref<!tpu.dma_semaphore, #tpu.memory_space<semaphore_mem>>) src(%dma_wait3A_143 : memref<100000x32xf32, #tpu.memory_space<hbm>>) dst(%arg20 : memref<80x32xf32, #tpu.memory_space<vmem>>)
      %dma_start3A_144 = arith.constant 0 : i32
      %dma_start3A_145 = arith.constant 0 : i32
      %dma_start3A_146 = tpu.memref_slice %arg6[%dma_start3A_144, %dma_start3A_145] : memref<51200x32xf32, #tpu.memory_space<vmem_shared>> -> memref<51200x32xf32, #tpu.memory_space<vmem_shared>>
      tpu.enqueue_indirect_dma source(%arg20 : memref<80x32xf32, #tpu.memory_space<vmem>>) target(%dma_start3A_146 : memref<51200x32xf32, #tpu.memory_space<vmem_shared>>) offsets(%arg16 : memref<80xi32, #tpu.memory_space<vmem>>) semaphore(%arg32 : memref<!tpu.dma_semaphore, #tpu.memory_space<semaphore_mem>>) {add = true}
      %dma_wait3A_147 = arith.constant 0 : i32
      %dma_wait3A_148 = arith.constant 0 : i32
      %dma_wait3A_149 = tpu.memref_slice %arg2[%dma_wait3A_147, %dma_wait3A_148] : memref<100000x32xf32, #tpu.memory_space<hbm>> -> memref<100000x32xf32, #tpu.memory_space<hbm>>
      tpu.wait_indirect_dma semaphore(%arg29 : memref<!tpu.dma_semaphore, #tpu.memory_space<semaphore_mem>>) src(%dma_wait3A_149 : memref<100000x32xf32, #tpu.memory_space<hbm>>) dst(%arg21 : memref<80x32xf32, #tpu.memory_space<vmem>>)
      %dma_start3A_150 = arith.constant 0 : i32
      %dma_start3A_151 = arith.constant 0 : i32
      %dma_start3A_152 = tpu.memref_slice %arg6[%dma_start3A_150, %dma_start3A_151] : memref<51200x32xf32, #tpu.memory_space<vmem_shared>> -> memref<51200x32xf32, #tpu.memory_space<vmem_shared>>
      tpu.enqueue_indirect_dma source(%arg21 : memref<80x32xf32, #tpu.memory_space<vmem>>) target(%dma_start3A_152 : memref<51200x32xf32, #tpu.memory_space<vmem_shared>>) offsets(%arg17 : memref<80xi32, #tpu.memory_space<vmem>>) semaphore(%arg33 : memref<!tpu.dma_semaphore, #tpu.memory_space<semaphore_mem>>) {add = true}
      %dma_wait3A_153 = arith.constant 0 : i32
      %dma_wait3A_154 = arith.constant 0 : i32
      %dma_wait3A_155 = tpu.memref_slice %arg2[%dma_wait3A_153, %dma_wait3A_154] : memref<100000x32xf32, #tpu.memory_space<hbm>> -> memref<100000x32xf32, #tpu.memory_space<hbm>>
      tpu.wait_indirect_dma semaphore(%arg30 : memref<!tpu.dma_semaphore, #tpu.memory_space<semaphore_mem>>) src(%dma_wait3A_155 : memref<100000x32xf32, #tpu.memory_space<hbm>>) dst(%arg22 : memref<80x32xf32, #tpu.memory_space<vmem>>)
      %dma_start3A_156 = arith.constant 0 : i32
      %dma_start3A_157 = arith.constant 0 : i32
      %dma_start3A_158 = tpu.memref_slice %arg6[%dma_start3A_156, %dma_start3A_157] : memref<51200x32xf32, #tpu.memory_space<vmem_shared>> -> memref<51200x32xf32, #tpu.memory_space<vmem_shared>>
      tpu.enqueue_indirect_dma source(%arg22 : memref<80x32xf32, #tpu.memory_space<vmem>>) target(%dma_start3A_158 : memref<51200x32xf32, #tpu.memory_space<vmem_shared>>) offsets(%arg18 : memref<80xi32, #tpu.memory_space<vmem>>) semaphore(%arg34 : memref<!tpu.dma_semaphore, #tpu.memory_space<semaphore_mem>>) {add = true}
      %dma_wait3A_159 = arith.constant 0 : i32
      %dma_wait3A_160 = arith.constant 0 : i32
      %dma_wait3A_161 = tpu.memref_slice %arg6[%dma_wait3A_159, %dma_wait3A_160] : memref<51200x32xf32, #tpu.memory_space<vmem_shared>> -> memref<51200x32xf32, #tpu.memory_space<vmem_shared>>
      tpu.wait_indirect_dma semaphore(%arg31 : memref<!tpu.dma_semaphore, #tpu.memory_space<semaphore_mem>>) src(%arg19 : memref<80x32xf32, #tpu.memory_space<vmem>>) dst(%dma_wait3A_161 : memref<51200x32xf32, #tpu.memory_space<vmem_shared>>)
      %dma_wait3A_162 = arith.constant 0 : i32
      %dma_wait3A_163 = arith.constant 0 : i32
      %dma_wait3A_164 = tpu.memref_slice %arg6[%dma_wait3A_162, %dma_wait3A_163] : memref<51200x32xf32, #tpu.memory_space<vmem_shared>> -> memref<51200x32xf32, #tpu.memory_space<vmem_shared>>
      tpu.wait_indirect_dma semaphore(%arg32 : memref<!tpu.dma_semaphore, #tpu.memory_space<semaphore_mem>>) src(%arg20 : memref<80x32xf32, #tpu.memory_space<vmem>>) dst(%dma_wait3A_164 : memref<51200x32xf32, #tpu.memory_space<vmem_shared>>)
      %dma_wait3A_165 = arith.constant 0 : i32
      %dma_wait3A_166 = arith.constant 0 : i32
      %dma_wait3A_167 = tpu.memref_slice %arg6[%dma_wait3A_165, %dma_wait3A_166] : memref<51200x32xf32, #tpu.memory_space<vmem_shared>> -> memref<51200x32xf32, #tpu.memory_space<vmem_shared>>
      tpu.wait_indirect_dma semaphore(%arg33 : memref<!tpu.dma_semaphore, #tpu.memory_space<semaphore_mem>>) src(%arg21 : memref<80x32xf32, #tpu.memory_space<vmem>>) dst(%dma_wait3A_167 : memref<51200x32xf32, #tpu.memory_space<vmem_shared>>)
      %dma_wait3A_168 = arith.constant 0 : i32
      %dma_wait3A_169 = arith.constant 0 : i32
      %dma_wait3A_170 = tpu.memref_slice %arg6[%dma_wait3A_168, %dma_wait3A_169] : memref<51200x32xf32, #tpu.memory_space<vmem_shared>> -> memref<51200x32xf32, #tpu.memory_space<vmem_shared>>
      tpu.wait_indirect_dma semaphore(%arg34 : memref<!tpu.dma_semaphore, #tpu.memory_space<semaphore_mem>>) src(%arg22 : memref<80x32xf32, #tpu.memory_space<vmem>>) dst(%dma_wait3A_170 : memref<51200x32xf32, #tpu.memory_space<vmem_shared>>)
    }
    %scan3A_20 = arith.constant 625 : i32
    %barrier3A_21 = arith.constant 0 : index
    tpu.barrier barrier_id(%barrier3A_21)
    %lt3A = arith.constant 15 : i32
    %lt3A_22 = arith.cmpi slt, %arg1, %lt3A : i32
    %convert_element_type3A = arith.extui %lt3A_22 : i1 to i32
    %cond3A = arith.constant 0 : i32
    %cond3A_23 = arith.cmpi ne, %convert_element_type3A, %cond3A : i32
    scf.if %cond3A_23 {
      %mul3A_38 = arith.constant 3200 : i32
      %mul3A_39 = arith.muli %arg1, %mul3A_38 : i32
      %multiple_of3A = tpu.assume_multiple %mul3A_39, 8 : i32
      %mul3A_40 = arith.constant 3200 : i32
      %mul3A_41 = arith.muli %arg1, %mul3A_40 : i32
      %add3A = arith.addi %mul3A_0, %mul3A_41 : i32
      %multiple_of3A_42 = tpu.assume_multiple %add3A, 8 : i32
      "tpu.region"() ({
        %run_scoped3A = tpu.sem_alloc : memref<!tpu.dma_semaphore, #tpu.memory_space<semaphore_mem>>
        %dma_start3A = arith.constant 0 : i32
        %dma_start3A_43 = tpu.memref_slice %arg5[%multiple_of3A_42, %dma_start3A] : memref<100000x32xf32, #tpu.memory_space<hbm>> -> memref<3200x32xf32, #tpu.memory_space<hbm>>
        %dma_start3A_44 = arith.constant 0 : i32
        %dma_start3A_45 = tpu.memref_slice %arg6[%multiple_of3A, %dma_start3A_44] : memref<51200x32xf32, #tpu.memory_space<vmem_shared>> -> memref<3200x32xf32, #tpu.memory_space<vmem_shared>>
        tpu.enqueue_dma source(%dma_start3A_45 : memref<3200x32xf32, #tpu.memory_space<vmem_shared>>) target(%dma_start3A_43 : memref<3200x32xf32, #tpu.memory_space<hbm>>) target_semaphore(%run_scoped3A : memref<!tpu.dma_semaphore, #tpu.memory_space<semaphore_mem>>)
        %dma_wait3A = arith.constant 0 : i32
        %dma_wait3A_46 = tpu.memref_slice %arg5[%multiple_of3A_42, %dma_wait3A] : memref<100000x32xf32, #tpu.memory_space<hbm>> -> memref<3200x32xf32, #tpu.memory_space<hbm>>
        %dma_wait3A_47 = arith.constant 0 : i32
        %dma_wait3A_48 = tpu.memref_slice %arg6[%multiple_of3A, %dma_wait3A_47] : memref<51200x32xf32, #tpu.memory_space<vmem_shared>> -> memref<3200x32xf32, #tpu.memory_space<vmem_shared>>
        tpu.wait_dma2 semaphore(%run_scoped3A : memref<!tpu.dma_semaphore, #tpu.memory_space<semaphore_mem>>) src(%dma_wait3A_48 : memref<3200x32xf32, #tpu.memory_space<vmem_shared>>) dst(%dma_wait3A_46 : memref<3200x32xf32, #tpu.memory_space<hbm>>)
        tpu.yield
      }) : () -> ()
    } else {
    }
    %eq3A = arith.constant 15 : i32
    %eq3A_24 = arith.cmpi eq, %arg1, %eq3A : i32
    %eq3A_25 = arith.constant 0 : i32
    %eq3A_26 = arith.cmpi eq, %arg0, %eq3A_25 : i32
    %and3A = arith.andi %eq3A_24, %eq3A_26 : i1
    %convert_element_type3A_27 = arith.extui %and3A : i1 to i32
    %cond3A_28 = arith.constant 0 : i32
    %cond3A_29 = arith.cmpi ne, %convert_element_type3A_27, %cond3A_28 : i32
    scf.if %cond3A_29 {
      "tpu.region"() ({
        %run_scoped3A = tpu.sem_alloc : memref<!tpu.dma_semaphore, #tpu.memory_space<semaphore_mem>>
        %dma_start3A = arith.constant 48000 : i32
        %dma_start3A_38 = arith.constant 0 : i32
        %dma_start3A_39 = tpu.memref_slice %arg5[%dma_start3A, %dma_start3A_38] : memref<100000x32xf32, #tpu.memory_space<hbm>> -> memref<2048x32xf32, #tpu.memory_space<hbm>>
        %dma_start3A_40 = arith.constant 48000 : i32
        %dma_start3A_41 = arith.constant 0 : i32
        %dma_start3A_42 = tpu.memref_slice %arg6[%dma_start3A_40, %dma_start3A_41] : memref<51200x32xf32, #tpu.memory_space<vmem_shared>> -> memref<2048x32xf32, #tpu.memory_space<vmem_shared>>
        tpu.enqueue_dma source(%dma_start3A_42 : memref<2048x32xf32, #tpu.memory_space<vmem_shared>>) target(%dma_start3A_39 : memref<2048x32xf32, #tpu.memory_space<hbm>>) target_semaphore(%run_scoped3A : memref<!tpu.dma_semaphore, #tpu.memory_space<semaphore_mem>>)
        %dma_wait3A = arith.constant 48000 : i32
        %dma_wait3A_43 = arith.constant 0 : i32
        %dma_wait3A_44 = tpu.memref_slice %arg5[%dma_wait3A, %dma_wait3A_43] : memref<100000x32xf32, #tpu.memory_space<hbm>> -> memref<2048x32xf32, #tpu.memory_space<hbm>>
        %dma_wait3A_45 = arith.constant 48000 : i32
        %dma_wait3A_46 = arith.constant 0 : i32
        %dma_wait3A_47 = tpu.memref_slice %arg6[%dma_wait3A_45, %dma_wait3A_46] : memref<51200x32xf32, #tpu.memory_space<vmem_shared>> -> memref<2048x32xf32, #tpu.memory_space<vmem_shared>>
        tpu.wait_dma2 semaphore(%run_scoped3A : memref<!tpu.dma_semaphore, #tpu.memory_space<semaphore_mem>>) src(%dma_wait3A_47 : memref<2048x32xf32, #tpu.memory_space<vmem_shared>>) dst(%dma_wait3A_44 : memref<2048x32xf32, #tpu.memory_space<hbm>>)
        tpu.yield
      }) : () -> ()
    } else {
    }
    %eq3A_30 = arith.constant 15 : i32
    %eq3A_31 = arith.cmpi eq, %arg1, %eq3A_30 : i32
    %eq3A_32 = arith.constant 1 : i32
    %eq3A_33 = arith.cmpi eq, %arg0, %eq3A_32 : i32
    %and3A_34 = arith.andi %eq3A_31, %eq3A_33 : i1
    %convert_element_type3A_35 = arith.extui %and3A_34 : i1 to i32
    %cond3A_36 = arith.constant 0 : i32
    %cond3A_37 = arith.cmpi ne, %convert_element_type3A_35, %cond3A_36 : i32
    scf.if %cond3A_37 {
      "tpu.region"() ({
        %run_scoped3A = tpu.sem_alloc : memref<!tpu.dma_semaphore, #tpu.memory_space<semaphore_mem>>
        %dma_start3A = arith.constant 98048 : i32
        %dma_start3A_38 = arith.constant 0 : i32
        %dma_start3A_39 = tpu.memref_slice %arg5[%dma_start3A, %dma_start3A_38] : memref<100000x32xf32, #tpu.memory_space<hbm>> -> memref<1952x32xf32, #tpu.memory_space<hbm>>
        %dma_start3A_40 = arith.constant 48000 : i32
        %dma_start3A_41 = arith.constant 0 : i32
        %dma_start3A_42 = tpu.memref_slice %arg6[%dma_start3A_40, %dma_start3A_41] : memref<51200x32xf32, #tpu.memory_space<vmem_shared>> -> memref<1952x32xf32, #tpu.memory_space<vmem_shared>>
        tpu.enqueue_dma source(%dma_start3A_42 : memref<1952x32xf32, #tpu.memory_space<vmem_shared>>) target(%dma_start3A_39 : memref<1952x32xf32, #tpu.memory_space<hbm>>) target_semaphore(%run_scoped3A : memref<!tpu.dma_semaphore, #tpu.memory_space<semaphore_mem>>)
        %dma_wait3A = arith.constant 98048 : i32
        %dma_wait3A_43 = arith.constant 0 : i32
        %dma_wait3A_44 = tpu.memref_slice %arg5[%dma_wait3A, %dma_wait3A_43] : memref<100000x32xf32, #tpu.memory_space<hbm>> -> memref<1952x32xf32, #tpu.memory_space<hbm>>
        %dma_wait3A_45 = arith.constant 48000 : i32
        %dma_wait3A_46 = arith.constant 0 : i32
        %dma_wait3A_47 = tpu.memref_slice %arg6[%dma_wait3A_45, %dma_wait3A_46] : memref<51200x32xf32, #tpu.memory_space<vmem_shared>> -> memref<1952x32xf32, #tpu.memory_space<vmem_shared>>
        tpu.wait_dma2 semaphore(%run_scoped3A : memref<!tpu.dma_semaphore, #tpu.memory_space<semaphore_mem>>) src(%dma_wait3A_47 : memref<1952x32xf32, #tpu.memory_space<vmem_shared>>) dst(%dma_wait3A_44 : memref<1952x32xf32, #tpu.memory_space<hbm>>)
        tpu.yield
      }) : () -> ()
    } else {
    }
    return
  }
}

#map = affine_map<(d0, d1) -> (0, 0)>
#map1 = affine_map<(d0, d1) -> (0)>
module attributes {stable_mosaic.version = 14 : i64} {
  func.func @k(%arg0: i32, %arg1: i32, %arg2: memref<100000x32xf32, #tpu.memory_space<hbm>>, %arg3: memref<3200000xi32, #tpu.memory_space<hbm>>, %arg4: memref<3200000xi32, #tpu.memory_space<hbm>>, %arg5: memref<100000x32xf32, #tpu.memory_space<hbm>>, %arg6: memref<51200x32xf32, #tpu.memory_space<vmem_shared>>, %arg7: memref<80xi32, #tpu.memory_space<vmem>>, %arg8: memref<80xi32, #tpu.memory_space<vmem>>, %arg9: memref<80xi32, #tpu.memory_space<vmem>>, %arg10: memref<80xi32, #tpu.memory_space<vmem>>, %arg11: memref<80xi32, #tpu.memory_space<vmem>>, %arg12: memref<80xi32, #tpu.memory_space<vmem>>, %arg13: memref<80xi32, #tpu.memory_space<vmem>>, %arg14: memref<80xi32, #tpu.memory_space<vmem>>, %arg15: memref<80xi32, #tpu.memory_space<vmem>>, %arg16: memref<80xi32, #tpu.memory_space<vmem>>, %arg17: memref<80xi32, #tpu.memory_space<vmem>>, %arg18: memref<80xi32, #tpu.memory_space<vmem>>, %arg19: memref<80x32xf32, #tpu.memory_space<vmem>>, %arg20: memref<80x32xf32, #tpu.memory_space<vmem>>, %arg21: memref<80x32xf32, #tpu.memory_space<vmem>>, %arg22: memref<80x32xf32, #tpu.memory_space<vmem>>, %arg23: memref<!tpu.dma_semaphore, #tpu.memory_space<semaphore_mem>>, %arg24: memref<!tpu.dma_semaphore, #tpu.memory_space<semaphore_mem>>, %arg25: memref<!tpu.dma_semaphore, #tpu.memory_space<semaphore_mem>>, %arg26: memref<!tpu.dma_semaphore, #tpu.memory_space<semaphore_mem>>, %arg27: memref<!tpu.dma_semaphore, #tpu.memory_space<semaphore_mem>>, %arg28: memref<!tpu.dma_semaphore, #tpu.memory_space<semaphore_mem>>, %arg29: memref<!tpu.dma_semaphore, #tpu.memory_space<semaphore_mem>>, %arg30: memref<!tpu.dma_semaphore, #tpu.memory_space<semaphore_mem>>, %arg31: memref<!tpu.dma_semaphore, #tpu.memory_space<semaphore_mem>>, %arg32: memref<!tpu.dma_semaphore, #tpu.memory_space<semaphore_mem>>, %arg33: memref<!tpu.dma_semaphore, #tpu.memory_space<semaphore_mem>>, %arg34: memref<!tpu.dma_semaphore, #tpu.memory_space<semaphore_mem>>) attributes {dimension_semantics = [#tpu.dimension_semantics<core_parallel>, #tpu.dimension_semantics<subcore_parallel>], iteration_bounds = array<i64: 2, 16>, scalar_prefetch = 0 : i64, scratch_operands = 29 : i64, tpu.core_type = #tpu.core_type<sc_vector_subcore>, window_params = [{transform_indices = #map}, {transform_indices = #map1}, {transform_indices = #map1}, {transform_indices = #map}]} {
    %mul3A = arith.constant 50048 : i32
    %mul3A_0 = arith.muli %arg0, %mul3A : i32
    %mul3A_1 = arith.constant 96 : i32
    %mul3A_2 = arith.muli %arg0, %mul3A_1 : i32
    %sub3A = arith.constant 50048 : i32
    %sub3A_3 = arith.subi %sub3A, %mul3A_2 : i32
    %broadcast_in_dim3A = arith.constant 0.000000e+00 : f32
    %broadcast_in_dim3A_4 = vector.broadcast %broadcast_in_dim3A : f32 to vector<16xf32>
    %scan3A = arith.constant 0 : i32
    %scan3A_5 = arith.constant 80 : i32
    %scan3A_6 = arith.addi %scan3A, %scan3A_5 : i32
    %scan3A_7 = arith.constant 1 : i32
    scf.for %scan3A_38 = %scan3A to %scan3A_6 step %scan3A_7  : i32 {
      %mul3A_39 = arith.constant 1 : i32
      %mul3A_40 = arith.muli %scan3A_38, %mul3A_39 : i32
      %add3A = arith.constant 0 : i32
      %add3A_41 = arith.addi %add3A, %mul3A_40 : i32
      %swap3A = arith.index_cast %add3A_41 : i32 to index
      %swap3A_42 = arith.constant 0 : index
      %swap3A_43 = tpu.vector_load %arg19[%swap3A, %swap3A_42] {strides = array<i32>} : memref<80x32xf32, #tpu.memory_space<vmem>>, vector<1x16xf32>,
      %swap3A_44 = vector.shape_cast %swap3A_43 : vector<1x16xf32> to vector<16xf32>
      %swap3A_45 = vector.shape_cast %broadcast_in_dim3A_4 : vector<16xf32> to vector<1x16xf32>
      tpu.vector_store %arg19[%swap3A, %swap3A_42], %swap3A_45 {strides = array<i32>} : memref<80x32xf32, #tpu.memory_space<vmem>>, vector<1x16xf32>,
      %swap3A_46 = arith.index_cast %add3A_41 : i32 to index
      %swap3A_47 = arith.constant 16 : index
      %swap3A_48 = tpu.vector_load %arg19[%swap3A_46, %swap3A_47] {strides = array<i32>} : memref<80x32xf32, #tpu.memory_space<vmem>>, vector<1x16xf32>,
      %swap3A_49 = vector.shape_cast %swap3A_48 : vector<1x16xf32> to vector<16xf32>
      %swap3A_50 = vector.shape_cast %broadcast_in_dim3A_4 : vector<16xf32> to vector<1x16xf32>
      tpu.vector_store %arg19[%swap3A_46, %swap3A_47], %swap3A_50 {strides = array<i32>} : memref<80x32xf32, #tpu.memory_space<vmem>>, vector<1x16xf32>,
    }
    %scan3A_8 = arith.constant 80 : i32
    %scan3A_9 = arith.constant 0 : i32
    %scan3A_10 = arith.constant 40 : i32
    %scan3A_11 = arith.addi %scan3A_9, %scan3A_10 : i32
    %scan3A_12 = arith.constant 1 : i32
    scf.for %scan3A_38 = %scan3A_9 to %scan3A_11 step %scan3A_12  : i32 {
      %mul3A_39 = arith.constant 1 : i32
      %mul3A_40 = arith.muli %scan3A_38, %mul3A_39 : i32
      %add3A = arith.constant 0 : i32
      %add3A_41 = arith.addi %add3A, %mul3A_40 : i32
      %mul3A_42 = arith.constant 3200 : i32
      %mul3A_43 = arith.muli %arg1, %mul3A_42 : i32
      %mul3A_44 = arith.constant 80 : i32
      %mul3A_45 = arith.muli %add3A_41, %mul3A_44 : i32
      %add3A_46 = arith.addi %mul3A_43, %mul3A_45 : i32
      %multiple_of3A = tpu.assume_multiple %add3A_46, 8 : i32
      "tpu.region"() ({
        %run_scoped3A = tpu.sem_alloc : memref<!tpu.dma_semaphore, #tpu.memory_space<semaphore_mem>>
        %dma_start3A = arith.constant 0 : i32
        %dma_start3A_47 = tpu.memref_slice %arg6[%multiple_of3A, %dma_start3A] : memref<51200x32xf32, #tpu.memory_space<vmem_shared>> -> memref<80x32xf32, #tpu.memory_space<vmem_shared>>
        %dma_start3A_48 = arith.constant 0 : i32
        %dma_start3A_49 = tpu.memref_slice %arg6[%multiple_of3A, %dma_start3A_48] : memref<51200x32xf32, #tpu.memory_space<vmem_shared>> -> memref<80x32xf32, #tpu.memory_space<vmem_shared>>
        tpu.enqueue_dma source(%arg19 : memref<80x32xf32, #tpu.memory_space<vmem>>) target(%dma_start3A_49 : memref<80x32xf32, #tpu.memory_space<vmem_shared>>) target_semaphore(%run_scoped3A : memref<!tpu.dma_semaphore, #tpu.memory_space<semaphore_mem>>)
        %dma_wait3A = arith.constant 0 : i32
        %dma_wait3A_50 = tpu.memref_slice %arg6[%multiple_of3A, %dma_wait3A] : memref<51200x32xf32, #tpu.memory_space<vmem_shared>> -> memref<80x32xf32, #tpu.memory_space<vmem_shared>>
        %dma_wait3A_51 = arith.constant 0 : i32
        %dma_wait3A_52 = tpu.memref_slice %arg6[%multiple_of3A, %dma_wait3A_51] : memref<51200x32xf32, #tpu.memory_space<vmem_shared>> -> memref<80x32xf32, #tpu.memory_space<vmem_shared>>
        tpu.wait_dma2 semaphore(%run_scoped3A : memref<!tpu.dma_semaphore, #tpu.memory_space<semaphore_mem>>) src(%arg19 : memref<80x32xf32, #tpu.memory_space<vmem>>) dst(%dma_wait3A_52 : memref<80x32xf32, #tpu.memory_space<vmem_shared>>)
        tpu.yield
      }) : () -> ()
    }
    %scan3A_13 = arith.constant 40 : i32
    %barrier3A = arith.constant 0 : index
    tpu.barrier barrier_id(%barrier3A)
    %mul3A_14 = arith.constant 200000 : i32
    %mul3A_15 = arith.muli %arg1, %mul3A_14 : i32
    %scan3A_16 = arith.constant 0 : i32
    %scan3A_17 = arith.constant 625 : i32
    %scan3A_18 = arith.addi %scan3A_16, %scan3A_17 : i32
    %scan3A_19 = arith.constant 1 : i32
    scf.for %scan3A_38 = %scan3A_16 to %scan3A_18 step %scan3A_19  : i32 {
      %mul3A_39 = arith.constant 1 : i32
      %mul3A_40 = arith.muli %scan3A_38, %mul3A_39 : i32
      %add3A = arith.constant 0 : i32
      %add3A_41 = arith.addi %add3A, %mul3A_40 : i32
      %mul3A_42 = arith.constant 4 : i32
      %mul3A_43 = arith.muli %add3A_41, %mul3A_42 : i32
      %add3A_44 = arith.constant 0 : i32
      %add3A_45 = arith.addi %mul3A_43, %add3A_44 : i32
      %mul3A_46 = arith.constant 80 : i32
      %mul3A_47 = arith.muli %add3A_45, %mul3A_46 : i32
      %add3A_48 = arith.addi %mul3A_15, %mul3A_47 : i32
      %multiple_of3A = tpu.assume_multiple %add3A_48, 8 : i32
      %dma_start3A = tpu.memref_slice %arg3[%multiple_of3A] : memref<3200000xi32, #tpu.memory_space<hbm>> -> memref<80xi32, #tpu.memory_space<hbm>>
      %dma_start3A_49 = tpu.memref_slice %arg3[%multiple_of3A] : memref<3200000xi32, #tpu.memory_space<hbm>> -> memref<80xi32, #tpu.memory_space<hbm>>
      tpu.enqueue_dma source(%dma_start3A_49 : memref<80xi32, #tpu.memory_space<hbm>>) target(%arg7 : memref<80xi32, #tpu.memory_space<vmem>>) target_semaphore(%arg23 : memref<!tpu.dma_semaphore, #tpu.memory_space<semaphore_mem>>)
      %dma_start3A_50 = tpu.memref_slice %arg4[%multiple_of3A] : memref<3200000xi32, #tpu.memory_space<hbm>> -> memref<80xi32, #tpu.memory_space<hbm>>
      %dma_start3A_51 = tpu.memref_slice %arg4[%multiple_of3A] : memref<3200000xi32, #tpu.memory_space<hbm>> -> memref<80xi32, #tpu.memory_space<hbm>>
      tpu.enqueue_dma source(%dma_start3A_51 : memref<80xi32, #tpu.memory_space<hbm>>) target(%arg11 : memref<80xi32, #tpu.memory_space<vmem>>) target_semaphore(%arg23 : memref<!tpu.dma_semaphore, #tpu.memory_space<semaphore_mem>>)
      %mul3A_52 = arith.constant 4 : i32
      %mul3A_53 = arith.muli %add3A_41, %mul3A_52 : i32
      %add3A_54 = arith.constant 1 : i32
      %add3A_55 = arith.addi %mul3A_53, %add3A_54 : i32
      %mul3A_56 = arith.constant 80 : i32
      %mul3A_57 = arith.muli %add3A_55, %mul3A_56 : i32
      %add3A_58 = arith.addi %mul3A_15, %mul3A_57 : i32
      %multiple_of3A_59 = tpu.assume_multiple %add3A_58, 8 : i32
      %dma_start3A_60 = tpu.memref_slice %arg3[%multiple_of3A_59] : memref<3200000xi32, #tpu.memory_space<hbm>> -> memref<80xi32, #tpu.memory_space<hbm>>
      %dma_start3A_61 = tpu.memref_slice %arg3[%multiple_of3A_59] : memref<3200000xi32, #tpu.memory_space<hbm>> -> memref<80xi32, #tpu.memory_space<hbm>>
      tpu.enqueue_dma source(%dma_start3A_61 : memref<80xi32, #tpu.memory_space<hbm>>) target(%arg8 : memref<80xi32, #tpu.memory_space<vmem>>) target_semaphore(%arg24 : memref<!tpu.dma_semaphore, #tpu.memory_space<semaphore_mem>>)
      %dma_start3A_62 = tpu.memref_slice %arg4[%multiple_of3A_59] : memref<3200000xi32, #tpu.memory_space<hbm>> -> memref<80xi32, #tpu.memory_space<hbm>>
      %dma_start3A_63 = tpu.memref_slice %arg4[%multiple_of3A_59] : memref<3200000xi32, #tpu.memory_space<hbm>> -> memref<80xi32, #tpu.memory_space<hbm>>
      tpu.enqueue_dma source(%dma_start3A_63 : memref<80xi32, #tpu.memory_space<hbm>>) target(%arg12 : memref<80xi32, #tpu.memory_space<vmem>>) target_semaphore(%arg24 : memref<!tpu.dma_semaphore, #tpu.memory_space<semaphore_mem>>)
      %mul3A_64 = arith.constant 4 : i32
      %mul3A_65 = arith.muli %add3A_41, %mul3A_64 : i32
      %add3A_66 = arith.constant 2 : i32
      %add3A_67 = arith.addi %mul3A_65, %add3A_66 : i32
      %mul3A_68 = arith.constant 80 : i32
      %mul3A_69 = arith.muli %add3A_67, %mul3A_68 : i32
      %add3A_70 = arith.addi %mul3A_15, %mul3A_69 : i32
      %multiple_of3A_71 = tpu.assume_multiple %add3A_70, 8 : i32
      %dma_start3A_72 = tpu.memref_slice %arg3[%multiple_of3A_71] : memref<3200000xi32, #tpu.memory_space<hbm>> -> memref<80xi32, #tpu.memory_space<hbm>>
      %dma_start3A_73 = tpu.memref_slice %arg3[%multiple_of3A_71] : memref<3200000xi32, #tpu.memory_space<hbm>> -> memref<80xi32, #tpu.memory_space<hbm>>
      tpu.enqueue_dma source(%dma_start3A_73 : memref<80xi32, #tpu.memory_space<hbm>>) target(%arg9 : memref<80xi32, #tpu.memory_space<vmem>>) target_semaphore(%arg25 : memref<!tpu.dma_semaphore, #tpu.memory_space<semaphore_mem>>)
      %dma_start3A_74 = tpu.memref_slice %arg4[%multiple_of3A_71] : memref<3200000xi32, #tpu.memory_space<hbm>> -> memref<80xi32, #tpu.memory_space<hbm>>
      %dma_start3A_75 = tpu.memref_slice %arg4[%multiple_of3A_71] : memref<3200000xi32, #tpu.memory_space<hbm>> -> memref<80xi32, #tpu.memory_space<hbm>>
      tpu.enqueue_dma source(%dma_start3A_75 : memref<80xi32, #tpu.memory_space<hbm>>) target(%arg13 : memref<80xi32, #tpu.memory_space<vmem>>) target_semaphore(%arg25 : memref<!tpu.dma_semaphore, #tpu.memory_space<semaphore_mem>>)
      %mul3A_76 = arith.constant 4 : i32
      %mul3A_77 = arith.muli %add3A_41, %mul3A_76 : i32
      %add3A_78 = arith.constant 3 : i32
      %add3A_79 = arith.addi %mul3A_77, %add3A_78 : i32
      %mul3A_80 = arith.constant 80 : i32
      %mul3A_81 = arith.muli %add3A_79, %mul3A_80 : i32
      %add3A_82 = arith.addi %mul3A_15, %mul3A_81 : i32
      %multiple_of3A_83 = tpu.assume_multiple %add3A_82, 8 : i32
      %dma_start3A_84 = tpu.memref_slice %arg3[%multiple_of3A_83] : memref<3200000xi32, #tpu.memory_space<hbm>> -> memref<80xi32, #tpu.memory_space<hbm>>
      %dma_start3A_85 = tpu.memref_slice %arg3[%multiple_of3A_83] : memref<3200000xi32, #tpu.memory_space<hbm>> -> memref<80xi32, #tpu.memory_space<hbm>>
      tpu.enqueue_dma source(%dma_start3A_85 : memref<80xi32, #tpu.memory_space<hbm>>) target(%arg10 : memref<80xi32, #tpu.memory_space<vmem>>) target_semaphore(%arg26 : memref<!tpu.dma_semaphore, #tpu.memory_space<semaphore_mem>>)
      %dma_start3A_86 = tpu.memref_slice %arg4[%multiple_of3A_83] : memref<3200000xi32, #tpu.memory_space<hbm>> -> memref<80xi32, #tpu.memory_space<hbm>>
      %dma_start3A_87 = tpu.memref_slice %arg4[%multiple_of3A_83] : memref<3200000xi32, #tpu.memory_space<hbm>> -> memref<80xi32, #tpu.memory_space<hbm>>
      tpu.enqueue_dma source(%dma_start3A_87 : memref<80xi32, #tpu.memory_space<hbm>>) target(%arg14 : memref<80xi32, #tpu.memory_space<vmem>>) target_semaphore(%arg26 : memref<!tpu.dma_semaphore, #tpu.memory_space<semaphore_mem>>)
      %dma_wait3A = tpu.memref_slice %arg3[%multiple_of3A] : memref<3200000xi32, #tpu.memory_space<hbm>> -> memref<80xi32, #tpu.memory_space<hbm>>
      %dma_wait3A_88 = tpu.memref_slice %arg3[%multiple_of3A] : memref<3200000xi32, #tpu.memory_space<hbm>> -> memref<80xi32, #tpu.memory_space<hbm>>
      tpu.wait_dma2 semaphore(%arg23 : memref<!tpu.dma_semaphore, #tpu.memory_space<semaphore_mem>>) src(%dma_wait3A_88 : memref<80xi32, #tpu.memory_space<hbm>>) dst(%arg7 : memref<80xi32, #tpu.memory_space<vmem>>)
      %dma_wait3A_89 = tpu.memref_slice %arg4[%multiple_of3A] : memref<3200000xi32, #tpu.memory_space<hbm>> -> memref<80xi32, #tpu.memory_space<hbm>>
      %dma_wait3A_90 = tpu.memref_slice %arg4[%multiple_of3A] : memref<3200000xi32, #tpu.memory_space<hbm>> -> memref<80xi32, #tpu.memory_space<hbm>>
      tpu.wait_dma2 semaphore(%arg23 : memref<!tpu.dma_semaphore, #tpu.memory_space<semaphore_mem>>) src(%dma_wait3A_90 : memref<80xi32, #tpu.memory_space<hbm>>) dst(%arg11 : memref<80xi32, #tpu.memory_space<vmem>>)
      %dma_start3A_91 = arith.constant 0 : i32
      %dma_start3A_92 = arith.constant 0 : i32
      %dma_start3A_93 = tpu.memref_slice %arg2[%dma_start3A_91, %dma_start3A_92] : memref<100000x32xf32, #tpu.memory_space<hbm>> -> memref<100000x32xf32, #tpu.memory_space<hbm>>
      tpu.enqueue_indirect_dma source(%dma_start3A_93 : memref<100000x32xf32, #tpu.memory_space<hbm>>) target(%arg19 : memref<80x32xf32, #tpu.memory_space<vmem>>) offsets(%arg7 : memref<80xi32, #tpu.memory_space<vmem>>) semaphore(%arg27 : memref<!tpu.dma_semaphore, #tpu.memory_space<semaphore_mem>>)
      %dma_wait3A_94 = tpu.memref_slice %arg3[%multiple_of3A_59] : memref<3200000xi32, #tpu.memory_space<hbm>> -> memref<80xi32, #tpu.memory_space<hbm>>
      %dma_wait3A_95 = tpu.memref_slice %arg3[%multiple_of3A_59] : memref<3200000xi32, #tpu.memory_space<hbm>> -> memref<80xi32, #tpu.memory_space<hbm>>
      tpu.wait_dma2 semaphore(%arg24 : memref<!tpu.dma_semaphore, #tpu.memory_space<semaphore_mem>>) src(%dma_wait3A_95 : memref<80xi32, #tpu.memory_space<hbm>>) dst(%arg8 : memref<80xi32, #tpu.memory_space<vmem>>)
      %dma_wait3A_96 = tpu.memref_slice %arg4[%multiple_of3A_59] : memref<3200000xi32, #tpu.memory_space<hbm>> -> memref<80xi32, #tpu.memory_space<hbm>>
      %dma_wait3A_97 = tpu.memref_slice %arg4[%multiple_of3A_59] : memref<3200000xi32, #tpu.memory_space<hbm>> -> memref<80xi32, #tpu.memory_space<hbm>>
      tpu.wait_dma2 semaphore(%arg24 : memref<!tpu.dma_semaphore, #tpu.memory_space<semaphore_mem>>) src(%dma_wait3A_97 : memref<80xi32, #tpu.memory_space<hbm>>) dst(%arg12 : memref<80xi32, #tpu.memory_space<vmem>>)
      %dma_start3A_98 = arith.constant 0 : i32
      %dma_start3A_99 = arith.constant 0 : i32
      %dma_start3A_100 = tpu.memref_slice %arg2[%dma_start3A_98, %dma_start3A_99] : memref<100000x32xf32, #tpu.memory_space<hbm>> -> memref<100000x32xf32, #tpu.memory_space<hbm>>
      tpu.enqueue_indirect_dma source(%dma_start3A_100 : memref<100000x32xf32, #tpu.memory_space<hbm>>) target(%arg20 : memref<80x32xf32, #tpu.memory_space<vmem>>) offsets(%arg8 : memref<80xi32, #tpu.memory_space<vmem>>) semaphore(%arg28 : memref<!tpu.dma_semaphore, #tpu.memory_space<semaphore_mem>>)
      %dma_wait3A_101 = tpu.memref_slice %arg3[%multiple_of3A_71] : memref<3200000xi32, #tpu.memory_space<hbm>> -> memref<80xi32, #tpu.memory_space<hbm>>
      %dma_wait3A_102 = tpu.memref_slice %arg3[%multiple_of3A_71] : memref<3200000xi32, #tpu.memory_space<hbm>> -> memref<80xi32, #tpu.memory_space<hbm>>
      tpu.wait_dma2 semaphore(%arg25 : memref<!tpu.dma_semaphore, #tpu.memory_space<semaphore_mem>>) src(%dma_wait3A_102 : memref<80xi32, #tpu.memory_space<hbm>>) dst(%arg9 : memref<80xi32, #tpu.memory_space<vmem>>)
      %dma_wait3A_103 = tpu.memref_slice %arg4[%multiple_of3A_71] : memref<3200000xi32, #tpu.memory_space<hbm>> -> memref<80xi32, #tpu.memory_space<hbm>>
      %dma_wait3A_104 = tpu.memref_slice %arg4[%multiple_of3A_71] : memref<3200000xi32, #tpu.memory_space<hbm>> -> memref<80xi32, #tpu.memory_space<hbm>>
      tpu.wait_dma2 semaphore(%arg25 : memref<!tpu.dma_semaphore, #tpu.memory_space<semaphore_mem>>) src(%dma_wait3A_104 : memref<80xi32, #tpu.memory_space<hbm>>) dst(%arg13 : memref<80xi32, #tpu.memory_space<vmem>>)
      %dma_start3A_105 = arith.constant 0 : i32
      %dma_start3A_106 = arith.constant 0 : i32
      %dma_start3A_107 = tpu.memref_slice %arg2[%dma_start3A_105, %dma_start3A_106] : memref<100000x32xf32, #tpu.memory_space<hbm>> -> memref<100000x32xf32, #tpu.memory_space<hbm>>
      tpu.enqueue_indirect_dma source(%dma_start3A_107 : memref<100000x32xf32, #tpu.memory_space<hbm>>) target(%arg21 : memref<80x32xf32, #tpu.memory_space<vmem>>) offsets(%arg9 : memref<80xi32, #tpu.memory_space<vmem>>) semaphore(%arg29 : memref<!tpu.dma_semaphore, #tpu.memory_space<semaphore_mem>>)
      %dma_wait3A_108 = tpu.memref_slice %arg3[%multiple_of3A_83] : memref<3200000xi32, #tpu.memory_space<hbm>> -> memref<80xi32, #tpu.memory_space<hbm>>
      %dma_wait3A_109 = tpu.memref_slice %arg3[%multiple_of3A_83] : memref<3200000xi32, #tpu.memory_space<hbm>> -> memref<80xi32, #tpu.memory_space<hbm>>
      tpu.wait_dma2 semaphore(%arg26 : memref<!tpu.dma_semaphore, #tpu.memory_space<semaphore_mem>>) src(%dma_wait3A_109 : memref<80xi32, #tpu.memory_space<hbm>>) dst(%arg10 : memref<80xi32, #tpu.memory_space<vmem>>)
      %dma_wait3A_110 = tpu.memref_slice %arg4[%multiple_of3A_83] : memref<3200000xi32, #tpu.memory_space<hbm>> -> memref<80xi32, #tpu.memory_space<hbm>>
      %dma_wait3A_111 = tpu.memref_slice %arg4[%multiple_of3A_83] : memref<3200000xi32, #tpu.memory_space<hbm>> -> memref<80xi32, #tpu.memory_space<hbm>>
      tpu.wait_dma2 semaphore(%arg26 : memref<!tpu.dma_semaphore, #tpu.memory_space<semaphore_mem>>) src(%dma_wait3A_111 : memref<80xi32, #tpu.memory_space<hbm>>) dst(%arg14 : memref<80xi32, #tpu.memory_space<vmem>>)
      %dma_start3A_112 = arith.constant 0 : i32
      %dma_start3A_113 = arith.constant 0 : i32
      %dma_start3A_114 = tpu.memref_slice %arg2[%dma_start3A_112, %dma_start3A_113] : memref<100000x32xf32, #tpu.memory_space<hbm>> -> memref<100000x32xf32, #tpu.memory_space<hbm>>
      tpu.enqueue_indirect_dma source(%dma_start3A_114 : memref<100000x32xf32, #tpu.memory_space<hbm>>) target(%arg22 : memref<80x32xf32, #tpu.memory_space<vmem>>) offsets(%arg10 : memref<80xi32, #tpu.memory_space<vmem>>) semaphore(%arg30 : memref<!tpu.dma_semaphore, #tpu.memory_space<semaphore_mem>>)
      %scan3A_115 = arith.constant 0 : i32
      %scan3A_116 = arith.constant 5 : i32
      %scan3A_117 = arith.addi %scan3A_115, %scan3A_116 : i32
      %scan3A_118 = arith.constant 1 : i32
      scf.for %scan3A_171 = %scan3A_115 to %scan3A_117 step %scan3A_118  : i32 {
        %mul3A_172 = arith.constant 16 : i32
        %mul3A_173 = arith.muli %scan3A_171, %mul3A_172 : i32
        %add3A_174 = arith.constant 0 : i32
        %add3A_175 = arith.addi %add3A_174, %mul3A_173 : i32
        %multiple_of3A_176 = tpu.assume_multiple %add3A_175, 8 : i32
        %get3A = arith.index_cast %multiple_of3A_176 : i32 to index
        %get3A_177 = tpu.vector_load %arg11[%get3A] {strides = array<i32>} : memref<80xi32, #tpu.memory_space<vmem>>, vector<16xi32>,
        %get3A_178 = vector.shape_cast %get3A_177 : vector<16xi32> to vector<16xi32>
        %sub3A_179 = vector.broadcast %mul3A_0 : i32 to vector<16xi32>
        %sub3A_180 = arith.subi %get3A_178, %sub3A_179 : vector<16xi32>
        %ge3A = arith.constant 0 : i32
        %ge3A_181 = vector.broadcast %ge3A : i32 to vector<16xi32>
        %ge3A_182 = arith.cmpi sge, %sub3A_180, %ge3A_181 : vector<16xi32>
        %lt3A_183 = vector.broadcast %sub3A_3 : i32 to vector<16xi32>
        %lt3A_184 = arith.cmpi slt, %sub3A_180, %lt3A_183 : vector<16xi32>
        %and3A_185 = arith.andi %ge3A_182, %lt3A_184 : vector<16xi1>
        %jit3A = arith.constant 51000 : i32
        %broadcast_in_dim3A_186 = vector.broadcast %jit3A : i32 to vector<16xi32>
        %select_n3A = arith.select %and3A_185, %sub3A_180, %broadcast_in_dim3A_186 : vector<16xi1>, vector<16xi32>
        %swap3A = arith.index_cast %multiple_of3A_176 : i32 to index
        %swap3A_187 = tpu.vector_load %arg15[%swap3A] {strides = array<i32>} : memref<80xi32, #tpu.memory_space<vmem>>, vector<16xi32>,
        %swap3A_188 = vector.shape_cast %swap3A_187 : vector<16xi32> to vector<16xi32>
        %swap3A_189 = vector.shape_cast %select_n3A : vector<16xi32> to vector<16xi32>
        tpu.vector_store %arg15[%swap3A], %swap3A_189 {strides = array<i32>} : memref<80xi32, #tpu.memory_space<vmem>>, vector<16xi32>,
      }
      %scan3A_119 = arith.constant 5 : i32
      %scan3A_120 = arith.constant 0 : i32
      %scan3A_121 = arith.constant 5 : i32
      %scan3A_122 = arith.addi %scan3A_120, %scan3A_121 : i32
      %scan3A_123 = arith.constant 1 : i32
      scf.for %scan3A_171 = %scan3A_120 to %scan3A_122 step %scan3A_123  : i32 {
        %mul3A_172 = arith.constant 16 : i32
        %mul3A_173 = arith.muli %scan3A_171, %mul3A_172 : i32
        %add3A_174 = arith.constant 0 : i32
        %add3A_175 = arith.addi %add3A_174, %mul3A_173 : i32
        %multiple_of3A_176 = tpu.assume_multiple %add3A_175, 8 : i32
        %get3A = arith.index_cast %multiple_of3A_176 : i32 to index
        %get3A_177 = tpu.vector_load %arg12[%get3A] {strides = array<i32>} : memref<80xi32, #tpu.memory_space<vmem>>, vector<16xi32>,
        %get3A_178 = vector.shape_cast %get3A_177 : vector<16xi32> to vector<16xi32>
        %sub3A_179 = vector.broadcast %mul3A_0 : i32 to vector<16xi32>
        %sub3A_180 = arith.subi %get3A_178, %sub3A_179 : vector<16xi32>
        %ge3A = arith.constant 0 : i32
        %ge3A_181 = vector.broadcast %ge3A : i32 to vector<16xi32>
        %ge3A_182 = arith.cmpi sge, %sub3A_180, %ge3A_181 : vector<16xi32>
        %lt3A_183 = vector.broadcast %sub3A_3 : i32 to vector<16xi32>
        %lt3A_184 = arith.cmpi slt, %sub3A_180, %lt3A_183 : vector<16xi32>
        %and3A_185 = arith.andi %ge3A_182, %lt3A_184 : vector<16xi1>
        %jit3A = arith.constant 51000 : i32
        %broadcast_in_dim3A_186 = vector.broadcast %jit3A : i32 to vector<16xi32>
        %select_n3A = arith.select %and3A_185, %sub3A_180, %broadcast_in_dim3A_186 : vector<16xi1>, vector<16xi32>
        %swap3A = arith.index_cast %multiple_of3A_176 : i32 to index
        %swap3A_187 = tpu.vector_load %arg16[%swap3A] {strides = array<i32>} : memref<80xi32, #tpu.memory_space<vmem>>, vector<16xi32>,
        %swap3A_188 = vector.shape_cast %swap3A_187 : vector<16xi32> to vector<16xi32>
        %swap3A_189 = vector.shape_cast %select_n3A : vector<16xi32> to vector<16xi32>
        tpu.vector_store %arg16[%swap3A], %swap3A_189 {strides = array<i32>} : memref<80xi32, #tpu.memory_space<vmem>>, vector<16xi32>,
      }
      %scan3A_124 = arith.constant 5 : i32
      %scan3A_125 = arith.constant 0 : i32
      %scan3A_126 = arith.constant 5 : i32
      %scan3A_127 = arith.addi %scan3A_125, %scan3A_126 : i32
      %scan3A_128 = arith.constant 1 : i32
      scf.for %scan3A_171 = %scan3A_125 to %scan3A_127 step %scan3A_128  : i32 {
        %mul3A_172 = arith.constant 16 : i32
        %mul3A_173 = arith.muli %scan3A_171, %mul3A_172 : i32
        %add3A_174 = arith.constant 0 : i32
        %add3A_175 = arith.addi %add3A_174, %mul3A_173 : i32
        %multiple_of3A_176 = tpu.assume_multiple %add3A_175, 8 : i32
        %get3A = arith.index_cast %multiple_of3A_176 : i32 to index
        %get3A_177 = tpu.vector_load %arg13[%get3A] {strides = array<i32>} : memref<80xi32, #tpu.memory_space<vmem>>, vector<16xi32>,
        %get3A_178 = vector.shape_cast %get3A_177 : vector<16xi32> to vector<16xi32>
        %sub3A_179 = vector.broadcast %mul3A_0 : i32 to vector<16xi32>
        %sub3A_180 = arith.subi %get3A_178, %sub3A_179 : vector<16xi32>
        %ge3A = arith.constant 0 : i32
        %ge3A_181 = vector.broadcast %ge3A : i32 to vector<16xi32>
        %ge3A_182 = arith.cmpi sge, %sub3A_180, %ge3A_181 : vector<16xi32>
        %lt3A_183 = vector.broadcast %sub3A_3 : i32 to vector<16xi32>
        %lt3A_184 = arith.cmpi slt, %sub3A_180, %lt3A_183 : vector<16xi32>
        %and3A_185 = arith.andi %ge3A_182, %lt3A_184 : vector<16xi1>
        %jit3A = arith.constant 51000 : i32
        %broadcast_in_dim3A_186 = vector.broadcast %jit3A : i32 to vector<16xi32>
        %select_n3A = arith.select %and3A_185, %sub3A_180, %broadcast_in_dim3A_186 : vector<16xi1>, vector<16xi32>
        %swap3A = arith.index_cast %multiple_of3A_176 : i32 to index
        %swap3A_187 = tpu.vector_load %arg17[%swap3A] {strides = array<i32>} : memref<80xi32, #tpu.memory_space<vmem>>, vector<16xi32>,
        %swap3A_188 = vector.shape_cast %swap3A_187 : vector<16xi32> to vector<16xi32>
        %swap3A_189 = vector.shape_cast %select_n3A : vector<16xi32> to vector<16xi32>
        tpu.vector_store %arg17[%swap3A], %swap3A_189 {strides = array<i32>} : memref<80xi32, #tpu.memory_space<vmem>>, vector<16xi32>,
      }
      %scan3A_129 = arith.constant 5 : i32
      %scan3A_130 = arith.constant 0 : i32
      %scan3A_131 = arith.constant 5 : i32
      %scan3A_132 = arith.addi %scan3A_130, %scan3A_131 : i32
      %scan3A_133 = arith.constant 1 : i32
      scf.for %scan3A_171 = %scan3A_130 to %scan3A_132 step %scan3A_133  : i32 {
        %mul3A_172 = arith.constant 16 : i32
        %mul3A_173 = arith.muli %scan3A_171, %mul3A_172 : i32
        %add3A_174 = arith.constant 0 : i32
        %add3A_175 = arith.addi %add3A_174, %mul3A_173 : i32
        %multiple_of3A_176 = tpu.assume_multiple %add3A_175, 8 : i32
        %get3A = arith.index_cast %multiple_of3A_176 : i32 to index
        %get3A_177 = tpu.vector_load %arg14[%get3A] {strides = array<i32>} : memref<80xi32, #tpu.memory_space<vmem>>, vector<16xi32>,
        %get3A_178 = vector.shape_cast %get3A_177 : vector<16xi32> to vector<16xi32>
        %sub3A_179 = vector.broadcast %mul3A_0 : i32 to vector<16xi32>
        %sub3A_180 = arith.subi %get3A_178, %sub3A_179 : vector<16xi32>
        %ge3A = arith.constant 0 : i32
        %ge3A_181 = vector.broadcast %ge3A : i32 to vector<16xi32>
        %ge3A_182 = arith.cmpi sge, %sub3A_180, %ge3A_181 : vector<16xi32>
        %lt3A_183 = vector.broadcast %sub3A_3 : i32 to vector<16xi32>
        %lt3A_184 = arith.cmpi slt, %sub3A_180, %lt3A_183 : vector<16xi32>
        %and3A_185 = arith.andi %ge3A_182, %lt3A_184 : vector<16xi1>
        %jit3A = arith.constant 51000 : i32
        %broadcast_in_dim3A_186 = vector.broadcast %jit3A : i32 to vector<16xi32>
        %select_n3A = arith.select %and3A_185, %sub3A_180, %broadcast_in_dim3A_186 : vector<16xi1>, vector<16xi32>
        %swap3A = arith.index_cast %multiple_of3A_176 : i32 to index
        %swap3A_187 = tpu.vector_load %arg18[%swap3A] {strides = array<i32>} : memref<80xi32, #tpu.memory_space<vmem>>, vector<16xi32>,
        %swap3A_188 = vector.shape_cast %swap3A_187 : vector<16xi32> to vector<16xi32>
        %swap3A_189 = vector.shape_cast %select_n3A : vector<16xi32> to vector<16xi32>
        tpu.vector_store %arg18[%swap3A], %swap3A_189 {strides = array<i32>} : memref<80xi32, #tpu.memory_space<vmem>>, vector<16xi32>,
      }
      %scan3A_134 = arith.constant 5 : i32
      %dma_wait3A_135 = arith.constant 0 : i32
      %dma_wait3A_136 = arith.constant 0 : i32
      %dma_wait3A_137 = tpu.memref_slice %arg2[%dma_wait3A_135, %dma_wait3A_136] : memref<100000x32xf32, #tpu.memory_space<hbm>> -> memref<100000x32xf32, #tpu.memory_space<hbm>>
      tpu.wait_indirect_dma semaphore(%arg27 : memref<!tpu.dma_semaphore, #tpu.memory_space<semaphore_mem>>) src(%dma_wait3A_137 : memref<100000x32xf32, #tpu.memory_space<hbm>>) dst(%arg19 : memref<80x32xf32, #tpu.memory_space<vmem>>)
      %dma_start3A_138 = arith.constant 0 : i32
      %dma_start3A_139 = arith.constant 0 : i32
      %dma_start3A_140 = tpu.memref_slice %arg6[%dma_start3A_138, %dma_start3A_139] : memref<51200x32xf32, #tpu.memory_space<vmem_shared>> -> memref<51200x32xf32, #tpu.memory_space<vmem_shared>>
      tpu.enqueue_indirect_dma source(%arg19 : memref<80x32xf32, #tpu.memory_space<vmem>>) target(%dma_start3A_140 : memref<51200x32xf32, #tpu.memory_space<vmem_shared>>) offsets(%arg15 : memref<80xi32, #tpu.memory_space<vmem>>) semaphore(%arg31 : memref<!tpu.dma_semaphore, #tpu.memory_space<semaphore_mem>>) {add = true}
      %dma_wait3A_141 = arith.constant 0 : i32
      %dma_wait3A_142 = arith.constant 0 : i32
      %dma_wait3A_143 = tpu.memref_slice %arg2[%dma_wait3A_141, %dma_wait3A_142] : memref<100000x32xf32, #tpu.memory_space<hbm>> -> memref<100000x32xf32, #tpu.memory_space<hbm>>
      tpu.wait_indirect_dma semaphore(%arg28 : memref<!tpu.dma_semaphore, #tpu.memory_space<semaphore_mem>>) src(%dma_wait3A_143 : memref<100000x32xf32, #tpu.memory_space<hbm>>) dst(%arg20 : memref<80x32xf32, #tpu.memory_space<vmem>>)
      %dma_start3A_144 = arith.constant 0 : i32
      %dma_start3A_145 = arith.constant 0 : i32
      %dma_start3A_146 = tpu.memref_slice %arg6[%dma_start3A_144, %dma_start3A_145] : memref<51200x32xf32, #tpu.memory_space<vmem_shared>> -> memref<51200x32xf32, #tpu.memory_space<vmem_shared>>
      tpu.enqueue_indirect_dma source(%arg20 : memref<80x32xf32, #tpu.memory_space<vmem>>) target(%dma_start3A_146 : memref<51200x32xf32, #tpu.memory_space<vmem_shared>>) offsets(%arg16 : memref<80xi32, #tpu.memory_space<vmem>>) semaphore(%arg32 : memref<!tpu.dma_semaphore, #tpu.memory_space<semaphore_mem>>) {add = true}
      %dma_wait3A_147 = arith.constant 0 : i32
      %dma_wait3A_148 = arith.constant 0 : i32
      %dma_wait3A_149 = tpu.memref_slice %arg2[%dma_wait3A_147, %dma_wait3A_148] : memref<100000x32xf32, #tpu.memory_space<hbm>> -> memref<100000x32xf32, #tpu.memory_space<hbm>>
      tpu.wait_indirect_dma semaphore(%arg29 : memref<!tpu.dma_semaphore, #tpu.memory_space<semaphore_mem>>) src(%dma_wait3A_149 : memref<100000x32xf32, #tpu.memory_space<hbm>>) dst(%arg21 : memref<80x32xf32, #tpu.memory_space<vmem>>)
      %dma_start3A_150 = arith.constant 0 : i32
      %dma_start3A_151 = arith.constant 0 : i32
      %dma_start3A_152 = tpu.memref_slice %arg6[%dma_start3A_150, %dma_start3A_151] : memref<51200x32xf32, #tpu.memory_space<vmem_shared>> -> memref<51200x32xf32, #tpu.memory_space<vmem_shared>>
      tpu.enqueue_indirect_dma source(%arg21 : memref<80x32xf32, #tpu.memory_space<vmem>>) target(%dma_start3A_152 : memref<51200x32xf32, #tpu.memory_space<vmem_shared>>) offsets(%arg17 : memref<80xi32, #tpu.memory_space<vmem>>) semaphore(%arg33 : memref<!tpu.dma_semaphore, #tpu.memory_space<semaphore_mem>>) {add = true}
      %dma_wait3A_153 = arith.constant 0 : i32
      %dma_wait3A_154 = arith.constant 0 : i32
      %dma_wait3A_155 = tpu.memref_slice %arg2[%dma_wait3A_153, %dma_wait3A_154] : memref<100000x32xf32, #tpu.memory_space<hbm>> -> memref<100000x32xf32, #tpu.memory_space<hbm>>
      tpu.wait_indirect_dma semaphore(%arg30 : memref<!tpu.dma_semaphore, #tpu.memory_space<semaphore_mem>>) src(%dma_wait3A_155 : memref<100000x32xf32, #tpu.memory_space<hbm>>) dst(%arg22 : memref<80x32xf32, #tpu.memory_space<vmem>>)
      %dma_start3A_156 = arith.constant 0 : i32
      %dma_start3A_157 = arith.constant 0 : i32
      %dma_start3A_158 = tpu.memref_slice %arg6[%dma_start3A_156, %dma_start3A_157] : memref<51200x32xf32, #tpu.memory_space<vmem_shared>> -> memref<51200x32xf32, #tpu.memory_space<vmem_shared>>
      tpu.enqueue_indirect_dma source(%arg22 : memref<80x32xf32, #tpu.memory_space<vmem>>) target(%dma_start3A_158 : memref<51200x32xf32, #tpu.memory_space<vmem_shared>>) offsets(%arg18 : memref<80xi32, #tpu.memory_space<vmem>>) semaphore(%arg34 : memref<!tpu.dma_semaphore, #tpu.memory_space<semaphore_mem>>) {add = true}
      %dma_wait3A_159 = arith.constant 0 : i32
      %dma_wait3A_160 = arith.constant 0 : i32
      %dma_wait3A_161 = tpu.memref_slice %arg6[%dma_wait3A_159, %dma_wait3A_160] : memref<51200x32xf32, #tpu.memory_space<vmem_shared>> -> memref<51200x32xf32, #tpu.memory_space<vmem_shared>>
      tpu.wait_indirect_dma semaphore(%arg31 : memref<!tpu.dma_semaphore, #tpu.memory_space<semaphore_mem>>) src(%arg19 : memref<80x32xf32, #tpu.memory_space<vmem>>) dst(%dma_wait3A_161 : memref<51200x32xf32, #tpu.memory_space<vmem_shared>>)
      %dma_wait3A_162 = arith.constant 0 : i32
      %dma_wait3A_163 = arith.constant 0 : i32
      %dma_wait3A_164 = tpu.memref_slice %arg6[%dma_wait3A_162, %dma_wait3A_163] : memref<51200x32xf32, #tpu.memory_space<vmem_shared>> -> memref<51200x32xf32, #tpu.memory_space<vmem_shared>>
      tpu.wait_indirect_dma semaphore(%arg32 : memref<!tpu.dma_semaphore, #tpu.memory_space<semaphore_mem>>) src(%arg20 : memref<80x32xf32, #tpu.memory_space<vmem>>) dst(%dma_wait3A_164 : memref<51200x32xf32, #tpu.memory_space<vmem_shared>>)
      %dma_wait3A_165 = arith.constant 0 : i32
      %dma_wait3A_166 = arith.constant 0 : i32
      %dma_wait3A_167 = tpu.memref_slice %arg6[%dma_wait3A_165, %dma_wait3A_166] : memref<51200x32xf32, #tpu.memory_space<vmem_shared>> -> memref<51200x32xf32, #tpu.memory_space<vmem_shared>>
      tpu.wait_indirect_dma semaphore(%arg33 : memref<!tpu.dma_semaphore, #tpu.memory_space<semaphore_mem>>) src(%arg21 : memref<80x32xf32, #tpu.memory_space<vmem>>) dst(%dma_wait3A_167 : memref<51200x32xf32, #tpu.memory_space<vmem_shared>>)
      %dma_wait3A_168 = arith.constant 0 : i32
      %dma_wait3A_169 = arith.constant 0 : i32
      %dma_wait3A_170 = tpu.memref_slice %arg6[%dma_wait3A_168, %dma_wait3A_169] : memref<51200x32xf32, #tpu.memory_space<vmem_shared>> -> memref<51200x32xf32, #tpu.memory_space<vmem_shared>>
      tpu.wait_indirect_dma semaphore(%arg34 : memref<!tpu.dma_semaphore, #tpu.memory_space<semaphore_mem>>) src(%arg22 : memref<80x32xf32, #tpu.memory_space<vmem>>) dst(%dma_wait3A_170 : memref<51200x32xf32, #tpu.memory_space<vmem_shared>>)
    }
    %scan3A_20 = arith.constant 625 : i32
    %barrier3A_21 = arith.constant 0 : index
    tpu.barrier barrier_id(%barrier3A_21)
    %lt3A = arith.constant 15 : i32
    %lt3A_22 = arith.cmpi slt, %arg1, %lt3A : i32
    %convert_element_type3A = arith.extui %lt3A_22 : i1 to i32
    %cond3A = arith.constant 0 : i32
    %cond3A_23 = arith.cmpi ne, %convert_element_type3A, %cond3A : i32
    scf.if %cond3A_23 {
      %mul3A_38 = arith.constant 3200 : i32
      %mul3A_39 = arith.muli %arg1, %mul3A_38 : i32
      %multiple_of3A = tpu.assume_multiple %mul3A_39, 8 : i32
      %mul3A_40 = arith.constant 3200 : i32
      %mul3A_41 = arith.muli %arg1, %mul3A_40 : i32
      %add3A = arith.addi %mul3A_0, %mul3A_41 : i32
      %multiple_of3A_42 = tpu.assume_multiple %add3A, 8 : i32
      "tpu.region"() ({
        %run_scoped3A = tpu.sem_alloc : memref<!tpu.dma_semaphore, #tpu.memory_space<semaphore_mem>>
        %dma_start3A = arith.constant 0 : i32
        %dma_start3A_43 = tpu.memref_slice %arg5[%multiple_of3A_42, %dma_start3A] : memref<100000x32xf32, #tpu.memory_space<hbm>> -> memref<3200x32xf32, #tpu.memory_space<hbm>>
        %dma_start3A_44 = arith.constant 0 : i32
        %dma_start3A_45 = tpu.memref_slice %arg6[%multiple_of3A, %dma_start3A_44] : memref<51200x32xf32, #tpu.memory_space<vmem_shared>> -> memref<3200x32xf32, #tpu.memory_space<vmem_shared>>
        tpu.enqueue_dma source(%dma_start3A_45 : memref<3200x32xf32, #tpu.memory_space<vmem_shared>>) target(%dma_start3A_43 : memref<3200x32xf32, #tpu.memory_space<hbm>>) target_semaphore(%run_scoped3A : memref<!tpu.dma_semaphore, #tpu.memory_space<semaphore_mem>>)
        %dma_wait3A = arith.constant 0 : i32
        %dma_wait3A_46 = tpu.memref_slice %arg5[%multiple_of3A_42, %dma_wait3A] : memref<100000x32xf32, #tpu.memory_space<hbm>> -> memref<3200x32xf32, #tpu.memory_space<hbm>>
        %dma_wait3A_47 = arith.constant 0 : i32
        %dma_wait3A_48 = tpu.memref_slice %arg6[%multiple_of3A, %dma_wait3A_47] : memref<51200x32xf32, #tpu.memory_space<vmem_shared>> -> memref<3200x32xf32, #tpu.memory_space<vmem_shared>>
        tpu.wait_dma2 semaphore(%run_scoped3A : memref<!tpu.dma_semaphore, #tpu.memory_space<semaphore_mem>>) src(%dma_wait3A_48 : memref<3200x32xf32, #tpu.memory_space<vmem_shared>>) dst(%dma_wait3A_46 : memref<3200x32xf32, #tpu.memory_space<hbm>>)
        tpu.yield
      }) : () -> ()
    } else {
    }
    %eq3A = arith.constant 15 : i32
    %eq3A_24 = arith.cmpi eq, %arg1, %eq3A : i32
    %eq3A_25 = arith.constant 0 : i32
    %eq3A_26 = arith.cmpi eq, %arg0, %eq3A_25 : i32
    %and3A = arith.andi %eq3A_24, %eq3A_26 : i1
    %convert_element_type3A_27 = arith.extui %and3A : i1 to i32
    %cond3A_28 = arith.constant 0 : i32
    %cond3A_29 = arith.cmpi ne, %convert_element_type3A_27, %cond3A_28 : i32
    scf.if %cond3A_29 {
      "tpu.region"() ({
        %run_scoped3A = tpu.sem_alloc : memref<!tpu.dma_semaphore, #tpu.memory_space<semaphore_mem>>
        %dma_start3A = arith.constant 48000 : i32
        %dma_start3A_38 = arith.constant 0 : i32
        %dma_start3A_39 = tpu.memref_slice %arg5[%dma_start3A, %dma_start3A_38] : memref<100000x32xf32, #tpu.memory_space<hbm>> -> memref<2048x32xf32, #tpu.memory_space<hbm>>
        %dma_start3A_40 = arith.constant 48000 : i32
        %dma_start3A_41 = arith.constant 0 : i32
        %dma_start3A_42 = tpu.memref_slice %arg6[%dma_start3A_40, %dma_start3A_41] : memref<51200x32xf32, #tpu.memory_space<vmem_shared>> -> memref<2048x32xf32, #tpu.memory_space<vmem_shared>>
        tpu.enqueue_dma source(%dma_start3A_42 : memref<2048x32xf32, #tpu.memory_space<vmem_shared>>) target(%dma_start3A_39 : memref<2048x32xf32, #tpu.memory_space<hbm>>) target_semaphore(%run_scoped3A : memref<!tpu.dma_semaphore, #tpu.memory_space<semaphore_mem>>)
        %dma_wait3A = arith.constant 48000 : i32
        %dma_wait3A_43 = arith.constant 0 : i32
        %dma_wait3A_44 = tpu.memref_slice %arg5[%dma_wait3A, %dma_wait3A_43] : memref<100000x32xf32, #tpu.memory_space<hbm>> -> memref<2048x32xf32, #tpu.memory_space<hbm>>
        %dma_wait3A_45 = arith.constant 48000 : i32
        %dma_wait3A_46 = arith.constant 0 : i32
        %dma_wait3A_47 = tpu.memref_slice %arg6[%dma_wait3A_45, %dma_wait3A_46] : memref<51200x32xf32, #tpu.memory_space<vmem_shared>> -> memref<2048x32xf32, #tpu.memory_space<vmem_shared>>
        tpu.wait_dma2 semaphore(%run_scoped3A : memref<!tpu.dma_semaphore, #tpu.memory_space<semaphore_mem>>) src(%dma_wait3A_47 : memref<2048x32xf32, #tpu.memory_space<vmem_shared>>) dst(%dma_wait3A_44 : memref<2048x32xf32, #tpu.memory_space<hbm>>)
        tpu.yield
      }) : () -> ()
    } else {
    }
    %eq3A_30 = arith.constant 15 : i32
    %eq3A_31 = arith.cmpi eq, %arg1, %eq3A_30 : i32
    %eq3A_32 = arith.constant 1 : i32
    %eq3A_33 = arith.cmpi eq, %arg0, %eq3A_32 : i32
    %and3A_34 = arith.andi %eq3A_31, %eq3A_33 : i1
    %convert_element_type3A_35 = arith.extui %and3A_34 : i1 to i32
    %cond3A_36 = arith.constant 0 : i32
    %cond3A_37 = arith.cmpi ne, %convert_element_type3A_35, %cond3A_36 : i32
    scf.if %cond3A_37 {
      "tpu.region"() ({
        %run_scoped3A = tpu.sem_alloc : memref<!tpu.dma_semaphore, #tpu.memory_space<semaphore_mem>>
        %dma_start3A = arith.constant 98048 : i32
        %dma_start3A_38 = arith.constant 0 : i32
        %dma_start3A_39 = tpu.memref_slice %arg5[%dma_start3A, %dma_start3A_38] : memref<100000x32xf32, #tpu.memory_space<hbm>> -> memref<1952x32xf32, #tpu.memory_space<hbm>>
        %dma_start3A_40 = arith.constant 48000 : i32
        %dma_start3A_41 = arith.constant 0 : i32
        %dma_start3A_42 = tpu.memref_slice %arg6[%dma_start3A_40, %dma_start3A_41] : memref<51200x32xf32, #tpu.memory_space<vmem_shared>> -> memref<1952x32xf32, #tpu.memory_space<vmem_shared>>
        tpu.enqueue_dma source(%dma_start3A_42 : memref<1952x32xf32, #tpu.memory_space<vmem_shared>>) target(%dma_start3A_39 : memref<1952x32xf32, #tpu.memory_space<hbm>>) target_semaphore(%run_scoped3A : memref<!tpu.dma_semaphore, #tpu.memory_space<semaphore_mem>>)
        %dma_wait3A = arith.constant 98048 : i32
        %dma_wait3A_43 = arith.constant 0 : i32
        %dma_wait3A_44 = tpu.memref_slice %arg5[%dma_wait3A, %dma_wait3A_43] : memref<100000x32xf32, #tpu.memory_space<hbm>> -> memref<1952x32xf32, #tpu.memory_space<hbm>>
        %dma_wait3A_45 = arith.constant 48000 : i32
        %dma_wait3A_46 = arith.constant 0 : i32
        %dma_wait3A_47 = tpu.memref_slice %arg6[%dma_wait3A_45, %dma_wait3A_46] : memref<51200x32xf32, #tpu.memory_space<vmem_shared>> -> memref<1952x32xf32, #tpu.memory_space<vmem_shared>>
        tpu.wait_dma2 semaphore(%run_scoped3A : memref<!tpu.dma_semaphore, #tpu.memory_space<semaphore_mem>>) src(%dma_wait3A_47 : memref<1952x32xf32, #tpu.memory_space<vmem_shared>>) dst(%dma_wait3A_44 : memref<1952x32xf32, #tpu.memory_space<hbm>>)
        tpu.yield
      }) : () -> ()
    } else {
    }
    return
  }
}

#map = affine_map<(d0, d1) -> (0, 0)>
#map1 = affine_map<(d0, d1) -> (0)>
module attributes {stable_mosaic.version = 14 : i64} {
  func.func @k(%arg0: i32, %arg1: i32, %arg2: memref<100000x32xf32, #tpu.memory_space<hbm>>, %arg3: memref<3200000xi32, #tpu.memory_space<hbm>>, %arg4: memref<3200000xi32, #tpu.memory_space<hbm>>, %arg5: memref<100000x32xf32, #tpu.memory_space<hbm>>, %arg6: memref<51200x32xf32, #tpu.memory_space<vmem_shared>>, %arg7: memref<80xi32, #tpu.memory_space<vmem>>, %arg8: memref<80xi32, #tpu.memory_space<vmem>>, %arg9: memref<80xi32, #tpu.memory_space<vmem>>, %arg10: memref<80xi32, #tpu.memory_space<vmem>>, %arg11: memref<80xi32, #tpu.memory_space<vmem>>, %arg12: memref<80xi32, #tpu.memory_space<vmem>>, %arg13: memref<80xi32, #tpu.memory_space<vmem>>, %arg14: memref<80xi32, #tpu.memory_space<vmem>>, %arg15: memref<80xi32, #tpu.memory_space<vmem>>, %arg16: memref<80xi32, #tpu.memory_space<vmem>>, %arg17: memref<80xi32, #tpu.memory_space<vmem>>, %arg18: memref<80xi32, #tpu.memory_space<vmem>>, %arg19: memref<80x32xf32, #tpu.memory_space<vmem>>, %arg20: memref<80x32xf32, #tpu.memory_space<vmem>>, %arg21: memref<80x32xf32, #tpu.memory_space<vmem>>, %arg22: memref<80x32xf32, #tpu.memory_space<vmem>>, %arg23: memref<!tpu.dma_semaphore, #tpu.memory_space<semaphore_mem>>, %arg24: memref<!tpu.dma_semaphore, #tpu.memory_space<semaphore_mem>>, %arg25: memref<!tpu.dma_semaphore, #tpu.memory_space<semaphore_mem>>, %arg26: memref<!tpu.dma_semaphore, #tpu.memory_space<semaphore_mem>>, %arg27: memref<!tpu.dma_semaphore, #tpu.memory_space<semaphore_mem>>, %arg28: memref<!tpu.dma_semaphore, #tpu.memory_space<semaphore_mem>>, %arg29: memref<!tpu.dma_semaphore, #tpu.memory_space<semaphore_mem>>, %arg30: memref<!tpu.dma_semaphore, #tpu.memory_space<semaphore_mem>>, %arg31: memref<!tpu.dma_semaphore, #tpu.memory_space<semaphore_mem>>, %arg32: memref<!tpu.dma_semaphore, #tpu.memory_space<semaphore_mem>>, %arg33: memref<!tpu.dma_semaphore, #tpu.memory_space<semaphore_mem>>, %arg34: memref<!tpu.dma_semaphore, #tpu.memory_space<semaphore_mem>>) attributes {dimension_semantics = [#tpu.dimension_semantics<core_parallel>, #tpu.dimension_semantics<subcore_parallel>], iteration_bounds = array<i64: 2, 16>, scalar_prefetch = 0 : i64, scratch_operands = 29 : i64, tpu.core_type = #tpu.core_type<sc_vector_subcore>, window_params = [{transform_indices = #map}, {transform_indices = #map1}, {transform_indices = #map1}, {transform_indices = #map}]} {
    %mul3A = arith.constant 50048 : i32
    %mul3A_0 = arith.muli %arg0, %mul3A : i32
    %mul3A_1 = arith.constant 96 : i32
    %mul3A_2 = arith.muli %arg0, %mul3A_1 : i32
    %sub3A = arith.constant 50048 : i32
    %sub3A_3 = arith.subi %sub3A, %mul3A_2 : i32
    %broadcast_in_dim3A = arith.constant 0.000000e+00 : f32
    %broadcast_in_dim3A_4 = vector.broadcast %broadcast_in_dim3A : f32 to vector<16xf32>
    %scan3A = arith.constant 0 : i32
    %scan3A_5 = arith.constant 80 : i32
    %scan3A_6 = arith.addi %scan3A, %scan3A_5 : i32
    %scan3A_7 = arith.constant 1 : i32
    scf.for %scan3A_38 = %scan3A to %scan3A_6 step %scan3A_7  : i32 {
      %mul3A_39 = arith.constant 1 : i32
      %mul3A_40 = arith.muli %scan3A_38, %mul3A_39 : i32
      %add3A = arith.constant 0 : i32
      %add3A_41 = arith.addi %add3A, %mul3A_40 : i32
      %swap3A = arith.index_cast %add3A_41 : i32 to index
      %swap3A_42 = arith.constant 0 : index
      %swap3A_43 = tpu.vector_load %arg19[%swap3A, %swap3A_42] {strides = array<i32>} : memref<80x32xf32, #tpu.memory_space<vmem>>, vector<1x16xf32>,
      %swap3A_44 = vector.shape_cast %swap3A_43 : vector<1x16xf32> to vector<16xf32>
      %swap3A_45 = vector.shape_cast %broadcast_in_dim3A_4 : vector<16xf32> to vector<1x16xf32>
      tpu.vector_store %arg19[%swap3A, %swap3A_42], %swap3A_45 {strides = array<i32>} : memref<80x32xf32, #tpu.memory_space<vmem>>, vector<1x16xf32>,
      %swap3A_46 = arith.index_cast %add3A_41 : i32 to index
      %swap3A_47 = arith.constant 16 : index
      %swap3A_48 = tpu.vector_load %arg19[%swap3A_46, %swap3A_47] {strides = array<i32>} : memref<80x32xf32, #tpu.memory_space<vmem>>, vector<1x16xf32>,
      %swap3A_49 = vector.shape_cast %swap3A_48 : vector<1x16xf32> to vector<16xf32>
      %swap3A_50 = vector.shape_cast %broadcast_in_dim3A_4 : vector<16xf32> to vector<1x16xf32>
      tpu.vector_store %arg19[%swap3A_46, %swap3A_47], %swap3A_50 {strides = array<i32>} : memref<80x32xf32, #tpu.memory_space<vmem>>, vector<1x16xf32>,
    }
    %scan3A_8 = arith.constant 80 : i32
    %scan3A_9 = arith.constant 0 : i32
    %scan3A_10 = arith.constant 40 : i32
    %scan3A_11 = arith.addi %scan3A_9, %scan3A_10 : i32
    %scan3A_12 = arith.constant 1 : i32
    scf.for %scan3A_38 = %scan3A_9 to %scan3A_11 step %scan3A_12  : i32 {
      %mul3A_39 = arith.constant 1 : i32
      %mul3A_40 = arith.muli %scan3A_38, %mul3A_39 : i32
      %add3A = arith.constant 0 : i32
      %add3A_41 = arith.addi %add3A, %mul3A_40 : i32
      %mul3A_42 = arith.constant 3200 : i32
      %mul3A_43 = arith.muli %arg1, %mul3A_42 : i32
      %mul3A_44 = arith.constant 80 : i32
      %mul3A_45 = arith.muli %add3A_41, %mul3A_44 : i32
      %add3A_46 = arith.addi %mul3A_43, %mul3A_45 : i32
      %multiple_of3A = tpu.assume_multiple %add3A_46, 8 : i32
      "tpu.region"() ({
        %run_scoped3A = tpu.sem_alloc : memref<!tpu.dma_semaphore, #tpu.memory_space<semaphore_mem>>
        %dma_start3A = arith.constant 0 : i32
        %dma_start3A_47 = tpu.memref_slice %arg6[%multiple_of3A, %dma_start3A] : memref<51200x32xf32, #tpu.memory_space<vmem_shared>> -> memref<80x32xf32, #tpu.memory_space<vmem_shared>>
        %dma_start3A_48 = arith.constant 0 : i32
        %dma_start3A_49 = tpu.memref_slice %arg6[%multiple_of3A, %dma_start3A_48] : memref<51200x32xf32, #tpu.memory_space<vmem_shared>> -> memref<80x32xf32, #tpu.memory_space<vmem_shared>>
        tpu.enqueue_dma source(%arg19 : memref<80x32xf32, #tpu.memory_space<vmem>>) target(%dma_start3A_49 : memref<80x32xf32, #tpu.memory_space<vmem_shared>>) target_semaphore(%run_scoped3A : memref<!tpu.dma_semaphore, #tpu.memory_space<semaphore_mem>>)
        %dma_wait3A = arith.constant 0 : i32
        %dma_wait3A_50 = tpu.memref_slice %arg6[%multiple_of3A, %dma_wait3A] : memref<51200x32xf32, #tpu.memory_space<vmem_shared>> -> memref<80x32xf32, #tpu.memory_space<vmem_shared>>
        %dma_wait3A_51 = arith.constant 0 : i32
        %dma_wait3A_52 = tpu.memref_slice %arg6[%multiple_of3A, %dma_wait3A_51] : memref<51200x32xf32, #tpu.memory_space<vmem_shared>> -> memref<80x32xf32, #tpu.memory_space<vmem_shared>>
        tpu.wait_dma2 semaphore(%run_scoped3A : memref<!tpu.dma_semaphore, #tpu.memory_space<semaphore_mem>>) src(%arg19 : memref<80x32xf32, #tpu.memory_space<vmem>>) dst(%dma_wait3A_52 : memref<80x32xf32, #tpu.memory_space<vmem_shared>>)
        tpu.yield
      }) : () -> ()
    }
    %scan3A_13 = arith.constant 40 : i32
    %barrier3A = arith.constant 0 : index
    tpu.barrier barrier_id(%barrier3A)
    %mul3A_14 = arith.constant 200000 : i32
    %mul3A_15 = arith.muli %arg1, %mul3A_14 : i32
    %scan3A_16 = arith.constant 0 : i32
    %scan3A_17 = arith.constant 625 : i32
    %scan3A_18 = arith.addi %scan3A_16, %scan3A_17 : i32
    %scan3A_19 = arith.constant 1 : i32
    scf.for %scan3A_38 = %scan3A_16 to %scan3A_18 step %scan3A_19  : i32 {
      %mul3A_39 = arith.constant 1 : i32
      %mul3A_40 = arith.muli %scan3A_38, %mul3A_39 : i32
      %add3A = arith.constant 0 : i32
      %add3A_41 = arith.addi %add3A, %mul3A_40 : i32
      %mul3A_42 = arith.constant 4 : i32
      %mul3A_43 = arith.muli %add3A_41, %mul3A_42 : i32
      %add3A_44 = arith.constant 0 : i32
      %add3A_45 = arith.addi %mul3A_43, %add3A_44 : i32
      %mul3A_46 = arith.constant 80 : i32
      %mul3A_47 = arith.muli %add3A_45, %mul3A_46 : i32
      %add3A_48 = arith.addi %mul3A_15, %mul3A_47 : i32
      %multiple_of3A = tpu.assume_multiple %add3A_48, 8 : i32
      %dma_start3A = tpu.memref_slice %arg3[%multiple_of3A] : memref<3200000xi32, #tpu.memory_space<hbm>> -> memref<80xi32, #tpu.memory_space<hbm>>
      %dma_start3A_49 = tpu.memref_slice %arg3[%multiple_of3A] : memref<3200000xi32, #tpu.memory_space<hbm>> -> memref<80xi32, #tpu.memory_space<hbm>>
      tpu.enqueue_dma source(%dma_start3A_49 : memref<80xi32, #tpu.memory_space<hbm>>) target(%arg7 : memref<80xi32, #tpu.memory_space<vmem>>) target_semaphore(%arg23 : memref<!tpu.dma_semaphore, #tpu.memory_space<semaphore_mem>>)
      %dma_start3A_50 = tpu.memref_slice %arg4[%multiple_of3A] : memref<3200000xi32, #tpu.memory_space<hbm>> -> memref<80xi32, #tpu.memory_space<hbm>>
      %dma_start3A_51 = tpu.memref_slice %arg4[%multiple_of3A] : memref<3200000xi32, #tpu.memory_space<hbm>> -> memref<80xi32, #tpu.memory_space<hbm>>
      tpu.enqueue_dma source(%dma_start3A_51 : memref<80xi32, #tpu.memory_space<hbm>>) target(%arg11 : memref<80xi32, #tpu.memory_space<vmem>>) target_semaphore(%arg23 : memref<!tpu.dma_semaphore, #tpu.memory_space<semaphore_mem>>)
      %mul3A_52 = arith.constant 4 : i32
      %mul3A_53 = arith.muli %add3A_41, %mul3A_52 : i32
      %add3A_54 = arith.constant 1 : i32
      %add3A_55 = arith.addi %mul3A_53, %add3A_54 : i32
      %mul3A_56 = arith.constant 80 : i32
      %mul3A_57 = arith.muli %add3A_55, %mul3A_56 : i32
      %add3A_58 = arith.addi %mul3A_15, %mul3A_57 : i32
      %multiple_of3A_59 = tpu.assume_multiple %add3A_58, 8 : i32
      %dma_start3A_60 = tpu.memref_slice %arg3[%multiple_of3A_59] : memref<3200000xi32, #tpu.memory_space<hbm>> -> memref<80xi32, #tpu.memory_space<hbm>>
      %dma_start3A_61 = tpu.memref_slice %arg3[%multiple_of3A_59] : memref<3200000xi32, #tpu.memory_space<hbm>> -> memref<80xi32, #tpu.memory_space<hbm>>
      tpu.enqueue_dma source(%dma_start3A_61 : memref<80xi32, #tpu.memory_space<hbm>>) target(%arg8 : memref<80xi32, #tpu.memory_space<vmem>>) target_semaphore(%arg24 : memref<!tpu.dma_semaphore, #tpu.memory_space<semaphore_mem>>)
      %dma_start3A_62 = tpu.memref_slice %arg4[%multiple_of3A_59] : memref<3200000xi32, #tpu.memory_space<hbm>> -> memref<80xi32, #tpu.memory_space<hbm>>
      %dma_start3A_63 = tpu.memref_slice %arg4[%multiple_of3A_59] : memref<3200000xi32, #tpu.memory_space<hbm>> -> memref<80xi32, #tpu.memory_space<hbm>>
      tpu.enqueue_dma source(%dma_start3A_63 : memref<80xi32, #tpu.memory_space<hbm>>) target(%arg12 : memref<80xi32, #tpu.memory_space<vmem>>) target_semaphore(%arg24 : memref<!tpu.dma_semaphore, #tpu.memory_space<semaphore_mem>>)
      %mul3A_64 = arith.constant 4 : i32
      %mul3A_65 = arith.muli %add3A_41, %mul3A_64 : i32
      %add3A_66 = arith.constant 2 : i32
      %add3A_67 = arith.addi %mul3A_65, %add3A_66 : i32
      %mul3A_68 = arith.constant 80 : i32
      %mul3A_69 = arith.muli %add3A_67, %mul3A_68 : i32
      %add3A_70 = arith.addi %mul3A_15, %mul3A_69 : i32
      %multiple_of3A_71 = tpu.assume_multiple %add3A_70, 8 : i32
      %dma_start3A_72 = tpu.memref_slice %arg3[%multiple_of3A_71] : memref<3200000xi32, #tpu.memory_space<hbm>> -> memref<80xi32, #tpu.memory_space<hbm>>
      %dma_start3A_73 = tpu.memref_slice %arg3[%multiple_of3A_71] : memref<3200000xi32, #tpu.memory_space<hbm>> -> memref<80xi32, #tpu.memory_space<hbm>>
      tpu.enqueue_dma source(%dma_start3A_73 : memref<80xi32, #tpu.memory_space<hbm>>) target(%arg9 : memref<80xi32, #tpu.memory_space<vmem>>) target_semaphore(%arg25 : memref<!tpu.dma_semaphore, #tpu.memory_space<semaphore_mem>>)
      %dma_start3A_74 = tpu.memref_slice %arg4[%multiple_of3A_71] : memref<3200000xi32, #tpu.memory_space<hbm>> -> memref<80xi32, #tpu.memory_space<hbm>>
      %dma_start3A_75 = tpu.memref_slice %arg4[%multiple_of3A_71] : memref<3200000xi32, #tpu.memory_space<hbm>> -> memref<80xi32, #tpu.memory_space<hbm>>
      tpu.enqueue_dma source(%dma_start3A_75 : memref<80xi32, #tpu.memory_space<hbm>>) target(%arg13 : memref<80xi32, #tpu.memory_space<vmem>>) target_semaphore(%arg25 : memref<!tpu.dma_semaphore, #tpu.memory_space<semaphore_mem>>)
      %mul3A_76 = arith.constant 4 : i32
      %mul3A_77 = arith.muli %add3A_41, %mul3A_76 : i32
      %add3A_78 = arith.constant 3 : i32
      %add3A_79 = arith.addi %mul3A_77, %add3A_78 : i32
      %mul3A_80 = arith.constant 80 : i32
      %mul3A_81 = arith.muli %add3A_79, %mul3A_80 : i32
      %add3A_82 = arith.addi %mul3A_15, %mul3A_81 : i32
      %multiple_of3A_83 = tpu.assume_multiple %add3A_82, 8 : i32
      %dma_start3A_84 = tpu.memref_slice %arg3[%multiple_of3A_83] : memref<3200000xi32, #tpu.memory_space<hbm>> -> memref<80xi32, #tpu.memory_space<hbm>>
      %dma_start3A_85 = tpu.memref_slice %arg3[%multiple_of3A_83] : memref<3200000xi32, #tpu.memory_space<hbm>> -> memref<80xi32, #tpu.memory_space<hbm>>
      tpu.enqueue_dma source(%dma_start3A_85 : memref<80xi32, #tpu.memory_space<hbm>>) target(%arg10 : memref<80xi32, #tpu.memory_space<vmem>>) target_semaphore(%arg26 : memref<!tpu.dma_semaphore, #tpu.memory_space<semaphore_mem>>)
      %dma_start3A_86 = tpu.memref_slice %arg4[%multiple_of3A_83] : memref<3200000xi32, #tpu.memory_space<hbm>> -> memref<80xi32, #tpu.memory_space<hbm>>
      %dma_start3A_87 = tpu.memref_slice %arg4[%multiple_of3A_83] : memref<3200000xi32, #tpu.memory_space<hbm>> -> memref<80xi32, #tpu.memory_space<hbm>>
      tpu.enqueue_dma source(%dma_start3A_87 : memref<80xi32, #tpu.memory_space<hbm>>) target(%arg14 : memref<80xi32, #tpu.memory_space<vmem>>) target_semaphore(%arg26 : memref<!tpu.dma_semaphore, #tpu.memory_space<semaphore_mem>>)
      %dma_wait3A = tpu.memref_slice %arg3[%multiple_of3A] : memref<3200000xi32, #tpu.memory_space<hbm>> -> memref<80xi32, #tpu.memory_space<hbm>>
      %dma_wait3A_88 = tpu.memref_slice %arg3[%multiple_of3A] : memref<3200000xi32, #tpu.memory_space<hbm>> -> memref<80xi32, #tpu.memory_space<hbm>>
      tpu.wait_dma2 semaphore(%arg23 : memref<!tpu.dma_semaphore, #tpu.memory_space<semaphore_mem>>) src(%dma_wait3A_88 : memref<80xi32, #tpu.memory_space<hbm>>) dst(%arg7 : memref<80xi32, #tpu.memory_space<vmem>>)
      %dma_wait3A_89 = tpu.memref_slice %arg4[%multiple_of3A] : memref<3200000xi32, #tpu.memory_space<hbm>> -> memref<80xi32, #tpu.memory_space<hbm>>
      %dma_wait3A_90 = tpu.memref_slice %arg4[%multiple_of3A] : memref<3200000xi32, #tpu.memory_space<hbm>> -> memref<80xi32, #tpu.memory_space<hbm>>
      tpu.wait_dma2 semaphore(%arg23 : memref<!tpu.dma_semaphore, #tpu.memory_space<semaphore_mem>>) src(%dma_wait3A_90 : memref<80xi32, #tpu.memory_space<hbm>>) dst(%arg11 : memref<80xi32, #tpu.memory_space<vmem>>)
      %dma_start3A_91 = arith.constant 0 : i32
      %dma_start3A_92 = arith.constant 0 : i32
      %dma_start3A_93 = tpu.memref_slice %arg2[%dma_start3A_91, %dma_start3A_92] : memref<100000x32xf32, #tpu.memory_space<hbm>> -> memref<100000x32xf32, #tpu.memory_space<hbm>>
      tpu.enqueue_indirect_dma source(%dma_start3A_93 : memref<100000x32xf32, #tpu.memory_space<hbm>>) target(%arg19 : memref<80x32xf32, #tpu.memory_space<vmem>>) offsets(%arg7 : memref<80xi32, #tpu.memory_space<vmem>>) semaphore(%arg27 : memref<!tpu.dma_semaphore, #tpu.memory_space<semaphore_mem>>)
      %dma_wait3A_94 = tpu.memref_slice %arg3[%multiple_of3A_59] : memref<3200000xi32, #tpu.memory_space<hbm>> -> memref<80xi32, #tpu.memory_space<hbm>>
      %dma_wait3A_95 = tpu.memref_slice %arg3[%multiple_of3A_59] : memref<3200000xi32, #tpu.memory_space<hbm>> -> memref<80xi32, #tpu.memory_space<hbm>>
      tpu.wait_dma2 semaphore(%arg24 : memref<!tpu.dma_semaphore, #tpu.memory_space<semaphore_mem>>) src(%dma_wait3A_95 : memref<80xi32, #tpu.memory_space<hbm>>) dst(%arg8 : memref<80xi32, #tpu.memory_space<vmem>>)
      %dma_wait3A_96 = tpu.memref_slice %arg4[%multiple_of3A_59] : memref<3200000xi32, #tpu.memory_space<hbm>> -> memref<80xi32, #tpu.memory_space<hbm>>
      %dma_wait3A_97 = tpu.memref_slice %arg4[%multiple_of3A_59] : memref<3200000xi32, #tpu.memory_space<hbm>> -> memref<80xi32, #tpu.memory_space<hbm>>
      tpu.wait_dma2 semaphore(%arg24 : memref<!tpu.dma_semaphore, #tpu.memory_space<semaphore_mem>>) src(%dma_wait3A_97 : memref<80xi32, #tpu.memory_space<hbm>>) dst(%arg12 : memref<80xi32, #tpu.memory_space<vmem>>)
      %dma_start3A_98 = arith.constant 0 : i32
      %dma_start3A_99 = arith.constant 0 : i32
      %dma_start3A_100 = tpu.memref_slice %arg2[%dma_start3A_98, %dma_start3A_99] : memref<100000x32xf32, #tpu.memory_space<hbm>> -> memref<100000x32xf32, #tpu.memory_space<hbm>>
      tpu.enqueue_indirect_dma source(%dma_start3A_100 : memref<100000x32xf32, #tpu.memory_space<hbm>>) target(%arg20 : memref<80x32xf32, #tpu.memory_space<vmem>>) offsets(%arg8 : memref<80xi32, #tpu.memory_space<vmem>>) semaphore(%arg28 : memref<!tpu.dma_semaphore, #tpu.memory_space<semaphore_mem>>)
      %dma_wait3A_101 = tpu.memref_slice %arg3[%multiple_of3A_71] : memref<3200000xi32, #tpu.memory_space<hbm>> -> memref<80xi32, #tpu.memory_space<hbm>>
      %dma_wait3A_102 = tpu.memref_slice %arg3[%multiple_of3A_71] : memref<3200000xi32, #tpu.memory_space<hbm>> -> memref<80xi32, #tpu.memory_space<hbm>>
      tpu.wait_dma2 semaphore(%arg25 : memref<!tpu.dma_semaphore, #tpu.memory_space<semaphore_mem>>) src(%dma_wait3A_102 : memref<80xi32, #tpu.memory_space<hbm>>) dst(%arg9 : memref<80xi32, #tpu.memory_space<vmem>>)
      %dma_wait3A_103 = tpu.memref_slice %arg4[%multiple_of3A_71] : memref<3200000xi32, #tpu.memory_space<hbm>> -> memref<80xi32, #tpu.memory_space<hbm>>
      %dma_wait3A_104 = tpu.memref_slice %arg4[%multiple_of3A_71] : memref<3200000xi32, #tpu.memory_space<hbm>> -> memref<80xi32, #tpu.memory_space<hbm>>
      tpu.wait_dma2 semaphore(%arg25 : memref<!tpu.dma_semaphore, #tpu.memory_space<semaphore_mem>>) src(%dma_wait3A_104 : memref<80xi32, #tpu.memory_space<hbm>>) dst(%arg13 : memref<80xi32, #tpu.memory_space<vmem>>)
      %dma_start3A_105 = arith.constant 0 : i32
      %dma_start3A_106 = arith.constant 0 : i32
      %dma_start3A_107 = tpu.memref_slice %arg2[%dma_start3A_105, %dma_start3A_106] : memref<100000x32xf32, #tpu.memory_space<hbm>> -> memref<100000x32xf32, #tpu.memory_space<hbm>>
      tpu.enqueue_indirect_dma source(%dma_start3A_107 : memref<100000x32xf32, #tpu.memory_space<hbm>>) target(%arg21 : memref<80x32xf32, #tpu.memory_space<vmem>>) offsets(%arg9 : memref<80xi32, #tpu.memory_space<vmem>>) semaphore(%arg29 : memref<!tpu.dma_semaphore, #tpu.memory_space<semaphore_mem>>)
      %dma_wait3A_108 = tpu.memref_slice %arg3[%multiple_of3A_83] : memref<3200000xi32, #tpu.memory_space<hbm>> -> memref<80xi32, #tpu.memory_space<hbm>>
      %dma_wait3A_109 = tpu.memref_slice %arg3[%multiple_of3A_83] : memref<3200000xi32, #tpu.memory_space<hbm>> -> memref<80xi32, #tpu.memory_space<hbm>>
      tpu.wait_dma2 semaphore(%arg26 : memref<!tpu.dma_semaphore, #tpu.memory_space<semaphore_mem>>) src(%dma_wait3A_109 : memref<80xi32, #tpu.memory_space<hbm>>) dst(%arg10 : memref<80xi32, #tpu.memory_space<vmem>>)
      %dma_wait3A_110 = tpu.memref_slice %arg4[%multiple_of3A_83] : memref<3200000xi32, #tpu.memory_space<hbm>> -> memref<80xi32, #tpu.memory_space<hbm>>
      %dma_wait3A_111 = tpu.memref_slice %arg4[%multiple_of3A_83] : memref<3200000xi32, #tpu.memory_space<hbm>> -> memref<80xi32, #tpu.memory_space<hbm>>
      tpu.wait_dma2 semaphore(%arg26 : memref<!tpu.dma_semaphore, #tpu.memory_space<semaphore_mem>>) src(%dma_wait3A_111 : memref<80xi32, #tpu.memory_space<hbm>>) dst(%arg14 : memref<80xi32, #tpu.memory_space<vmem>>)
      %dma_start3A_112 = arith.constant 0 : i32
      %dma_start3A_113 = arith.constant 0 : i32
      %dma_start3A_114 = tpu.memref_slice %arg2[%dma_start3A_112, %dma_start3A_113] : memref<100000x32xf32, #tpu.memory_space<hbm>> -> memref<100000x32xf32, #tpu.memory_space<hbm>>
      tpu.enqueue_indirect_dma source(%dma_start3A_114 : memref<100000x32xf32, #tpu.memory_space<hbm>>) target(%arg22 : memref<80x32xf32, #tpu.memory_space<vmem>>) offsets(%arg10 : memref<80xi32, #tpu.memory_space<vmem>>) semaphore(%arg30 : memref<!tpu.dma_semaphore, #tpu.memory_space<semaphore_mem>>)
      %scan3A_115 = arith.constant 0 : i32
      %scan3A_116 = arith.constant 5 : i32
      %scan3A_117 = arith.addi %scan3A_115, %scan3A_116 : i32
      %scan3A_118 = arith.constant 1 : i32
      scf.for %scan3A_171 = %scan3A_115 to %scan3A_117 step %scan3A_118  : i32 {
        %mul3A_172 = arith.constant 16 : i32
        %mul3A_173 = arith.muli %scan3A_171, %mul3A_172 : i32
        %add3A_174 = arith.constant 0 : i32
        %add3A_175 = arith.addi %add3A_174, %mul3A_173 : i32
        %multiple_of3A_176 = tpu.assume_multiple %add3A_175, 8 : i32
        %get3A = arith.index_cast %multiple_of3A_176 : i32 to index
        %get3A_177 = tpu.vector_load %arg11[%get3A] {strides = array<i32>} : memref<80xi32, #tpu.memory_space<vmem>>, vector<16xi32>,
        %get3A_178 = vector.shape_cast %get3A_177 : vector<16xi32> to vector<16xi32>
        %sub3A_179 = vector.broadcast %mul3A_0 : i32 to vector<16xi32>
        %sub3A_180 = arith.subi %get3A_178, %sub3A_179 : vector<16xi32>
        %ge3A = arith.constant 0 : i32
        %ge3A_181 = vector.broadcast %ge3A : i32 to vector<16xi32>
        %ge3A_182 = arith.cmpi sge, %sub3A_180, %ge3A_181 : vector<16xi32>
        %lt3A_183 = vector.broadcast %sub3A_3 : i32 to vector<16xi32>
        %lt3A_184 = arith.cmpi slt, %sub3A_180, %lt3A_183 : vector<16xi32>
        %and3A_185 = arith.andi %ge3A_182, %lt3A_184 : vector<16xi1>
        %jit3A = arith.constant 51000 : i32
        %broadcast_in_dim3A_186 = vector.broadcast %jit3A : i32 to vector<16xi32>
        %select_n3A = arith.select %and3A_185, %sub3A_180, %broadcast_in_dim3A_186 : vector<16xi1>, vector<16xi32>
        %swap3A = arith.index_cast %multiple_of3A_176 : i32 to index
        %swap3A_187 = tpu.vector_load %arg15[%swap3A] {strides = array<i32>} : memref<80xi32, #tpu.memory_space<vmem>>, vector<16xi32>,
        %swap3A_188 = vector.shape_cast %swap3A_187 : vector<16xi32> to vector<16xi32>
        %swap3A_189 = vector.shape_cast %select_n3A : vector<16xi32> to vector<16xi32>
        tpu.vector_store %arg15[%swap3A], %swap3A_189 {strides = array<i32>} : memref<80xi32, #tpu.memory_space<vmem>>, vector<16xi32>,
      }
      %scan3A_119 = arith.constant 5 : i32
      %scan3A_120 = arith.constant 0 : i32
      %scan3A_121 = arith.constant 5 : i32
      %scan3A_122 = arith.addi %scan3A_120, %scan3A_121 : i32
      %scan3A_123 = arith.constant 1 : i32
      scf.for %scan3A_171 = %scan3A_120 to %scan3A_122 step %scan3A_123  : i32 {
        %mul3A_172 = arith.constant 16 : i32
        %mul3A_173 = arith.muli %scan3A_171, %mul3A_172 : i32
        %add3A_174 = arith.constant 0 : i32
        %add3A_175 = arith.addi %add3A_174, %mul3A_173 : i32
        %multiple_of3A_176 = tpu.assume_multiple %add3A_175, 8 : i32
        %get3A = arith.index_cast %multiple_of3A_176 : i32 to index
        %get3A_177 = tpu.vector_load %arg12[%get3A] {strides = array<i32>} : memref<80xi32, #tpu.memory_space<vmem>>, vector<16xi32>,
        %get3A_178 = vector.shape_cast %get3A_177 : vector<16xi32> to vector<16xi32>
        %sub3A_179 = vector.broadcast %mul3A_0 : i32 to vector<16xi32>
        %sub3A_180 = arith.subi %get3A_178, %sub3A_179 : vector<16xi32>
        %ge3A = arith.constant 0 : i32
        %ge3A_181 = vector.broadcast %ge3A : i32 to vector<16xi32>
        %ge3A_182 = arith.cmpi sge, %sub3A_180, %ge3A_181 : vector<16xi32>
        %lt3A_183 = vector.broadcast %sub3A_3 : i32 to vector<16xi32>
        %lt3A_184 = arith.cmpi slt, %sub3A_180, %lt3A_183 : vector<16xi32>
        %and3A_185 = arith.andi %ge3A_182, %lt3A_184 : vector<16xi1>
        %jit3A = arith.constant 51000 : i32
        %broadcast_in_dim3A_186 = vector.broadcast %jit3A : i32 to vector<16xi32>
        %select_n3A = arith.select %and3A_185, %sub3A_180, %broadcast_in_dim3A_186 : vector<16xi1>, vector<16xi32>
        %swap3A = arith.index_cast %multiple_of3A_176 : i32 to index
        %swap3A_187 = tpu.vector_load %arg16[%swap3A] {strides = array<i32>} : memref<80xi32, #tpu.memory_space<vmem>>, vector<16xi32>,
        %swap3A_188 = vector.shape_cast %swap3A_187 : vector<16xi32> to vector<16xi32>
        %swap3A_189 = vector.shape_cast %select_n3A : vector<16xi32> to vector<16xi32>
        tpu.vector_store %arg16[%swap3A], %swap3A_189 {strides = array<i32>} : memref<80xi32, #tpu.memory_space<vmem>>, vector<16xi32>,
      }
      %scan3A_124 = arith.constant 5 : i32
      %scan3A_125 = arith.constant 0 : i32
      %scan3A_126 = arith.constant 5 : i32
      %scan3A_127 = arith.addi %scan3A_125, %scan3A_126 : i32
      %scan3A_128 = arith.constant 1 : i32
      scf.for %scan3A_171 = %scan3A_125 to %scan3A_127 step %scan3A_128  : i32 {
        %mul3A_172 = arith.constant 16 : i32
        %mul3A_173 = arith.muli %scan3A_171, %mul3A_172 : i32
        %add3A_174 = arith.constant 0 : i32
        %add3A_175 = arith.addi %add3A_174, %mul3A_173 : i32
        %multiple_of3A_176 = tpu.assume_multiple %add3A_175, 8 : i32
        %get3A = arith.index_cast %multiple_of3A_176 : i32 to index
        %get3A_177 = tpu.vector_load %arg13[%get3A] {strides = array<i32>} : memref<80xi32, #tpu.memory_space<vmem>>, vector<16xi32>,
        %get3A_178 = vector.shape_cast %get3A_177 : vector<16xi32> to vector<16xi32>
        %sub3A_179 = vector.broadcast %mul3A_0 : i32 to vector<16xi32>
        %sub3A_180 = arith.subi %get3A_178, %sub3A_179 : vector<16xi32>
        %ge3A = arith.constant 0 : i32
        %ge3A_181 = vector.broadcast %ge3A : i32 to vector<16xi32>
        %ge3A_182 = arith.cmpi sge, %sub3A_180, %ge3A_181 : vector<16xi32>
        %lt3A_183 = vector.broadcast %sub3A_3 : i32 to vector<16xi32>
        %lt3A_184 = arith.cmpi slt, %sub3A_180, %lt3A_183 : vector<16xi32>
        %and3A_185 = arith.andi %ge3A_182, %lt3A_184 : vector<16xi1>
        %jit3A = arith.constant 51000 : i32
        %broadcast_in_dim3A_186 = vector.broadcast %jit3A : i32 to vector<16xi32>
        %select_n3A = arith.select %and3A_185, %sub3A_180, %broadcast_in_dim3A_186 : vector<16xi1>, vector<16xi32>
        %swap3A = arith.index_cast %multiple_of3A_176 : i32 to index
        %swap3A_187 = tpu.vector_load %arg17[%swap3A] {strides = array<i32>} : memref<80xi32, #tpu.memory_space<vmem>>, vector<16xi32>,
        %swap3A_188 = vector.shape_cast %swap3A_187 : vector<16xi32> to vector<16xi32>
        %swap3A_189 = vector.shape_cast %select_n3A : vector<16xi32> to vector<16xi32>
        tpu.vector_store %arg17[%swap3A], %swap3A_189 {strides = array<i32>} : memref<80xi32, #tpu.memory_space<vmem>>, vector<16xi32>,
      }
      %scan3A_129 = arith.constant 5 : i32
      %scan3A_130 = arith.constant 0 : i32
      %scan3A_131 = arith.constant 5 : i32
      %scan3A_132 = arith.addi %scan3A_130, %scan3A_131 : i32
      %scan3A_133 = arith.constant 1 : i32
      scf.for %scan3A_171 = %scan3A_130 to %scan3A_132 step %scan3A_133  : i32 {
        %mul3A_172 = arith.constant 16 : i32
        %mul3A_173 = arith.muli %scan3A_171, %mul3A_172 : i32
        %add3A_174 = arith.constant 0 : i32
        %add3A_175 = arith.addi %add3A_174, %mul3A_173 : i32
        %multiple_of3A_176 = tpu.assume_multiple %add3A_175, 8 : i32
        %get3A = arith.index_cast %multiple_of3A_176 : i32 to index
        %get3A_177 = tpu.vector_load %arg14[%get3A] {strides = array<i32>} : memref<80xi32, #tpu.memory_space<vmem>>, vector<16xi32>,
        %get3A_178 = vector.shape_cast %get3A_177 : vector<16xi32> to vector<16xi32>
        %sub3A_179 = vector.broadcast %mul3A_0 : i32 to vector<16xi32>
        %sub3A_180 = arith.subi %get3A_178, %sub3A_179 : vector<16xi32>
        %ge3A = arith.constant 0 : i32
        %ge3A_181 = vector.broadcast %ge3A : i32 to vector<16xi32>
        %ge3A_182 = arith.cmpi sge, %sub3A_180, %ge3A_181 : vector<16xi32>
        %lt3A_183 = vector.broadcast %sub3A_3 : i32 to vector<16xi32>
        %lt3A_184 = arith.cmpi slt, %sub3A_180, %lt3A_183 : vector<16xi32>
        %and3A_185 = arith.andi %ge3A_182, %lt3A_184 : vector<16xi1>
        %jit3A = arith.constant 51000 : i32
        %broadcast_in_dim3A_186 = vector.broadcast %jit3A : i32 to vector<16xi32>
        %select_n3A = arith.select %and3A_185, %sub3A_180, %broadcast_in_dim3A_186 : vector<16xi1>, vector<16xi32>
        %swap3A = arith.index_cast %multiple_of3A_176 : i32 to index
        %swap3A_187 = tpu.vector_load %arg18[%swap3A] {strides = array<i32>} : memref<80xi32, #tpu.memory_space<vmem>>, vector<16xi32>,
        %swap3A_188 = vector.shape_cast %swap3A_187 : vector<16xi32> to vector<16xi32>
        %swap3A_189 = vector.shape_cast %select_n3A : vector<16xi32> to vector<16xi32>
        tpu.vector_store %arg18[%swap3A], %swap3A_189 {strides = array<i32>} : memref<80xi32, #tpu.memory_space<vmem>>, vector<16xi32>,
      }
      %scan3A_134 = arith.constant 5 : i32
      %dma_wait3A_135 = arith.constant 0 : i32
      %dma_wait3A_136 = arith.constant 0 : i32
      %dma_wait3A_137 = tpu.memref_slice %arg2[%dma_wait3A_135, %dma_wait3A_136] : memref<100000x32xf32, #tpu.memory_space<hbm>> -> memref<100000x32xf32, #tpu.memory_space<hbm>>
      tpu.wait_indirect_dma semaphore(%arg27 : memref<!tpu.dma_semaphore, #tpu.memory_space<semaphore_mem>>) src(%dma_wait3A_137 : memref<100000x32xf32, #tpu.memory_space<hbm>>) dst(%arg19 : memref<80x32xf32, #tpu.memory_space<vmem>>)
      %dma_start3A_138 = arith.constant 0 : i32
      %dma_start3A_139 = arith.constant 0 : i32
      %dma_start3A_140 = tpu.memref_slice %arg6[%dma_start3A_138, %dma_start3A_139] : memref<51200x32xf32, #tpu.memory_space<vmem_shared>> -> memref<51200x32xf32, #tpu.memory_space<vmem_shared>>
      tpu.enqueue_indirect_dma source(%arg19 : memref<80x32xf32, #tpu.memory_space<vmem>>) target(%dma_start3A_140 : memref<51200x32xf32, #tpu.memory_space<vmem_shared>>) offsets(%arg15 : memref<80xi32, #tpu.memory_space<vmem>>) semaphore(%arg31 : memref<!tpu.dma_semaphore, #tpu.memory_space<semaphore_mem>>) {add = true}
      %dma_wait3A_141 = arith.constant 0 : i32
      %dma_wait3A_142 = arith.constant 0 : i32
      %dma_wait3A_143 = tpu.memref_slice %arg2[%dma_wait3A_141, %dma_wait3A_142] : memref<100000x32xf32, #tpu.memory_space<hbm>> -> memref<100000x32xf32, #tpu.memory_space<hbm>>
      tpu.wait_indirect_dma semaphore(%arg28 : memref<!tpu.dma_semaphore, #tpu.memory_space<semaphore_mem>>) src(%dma_wait3A_143 : memref<100000x32xf32, #tpu.memory_space<hbm>>) dst(%arg20 : memref<80x32xf32, #tpu.memory_space<vmem>>)
      %dma_start3A_144 = arith.constant 0 : i32
      %dma_start3A_145 = arith.constant 0 : i32
      %dma_start3A_146 = tpu.memref_slice %arg6[%dma_start3A_144, %dma_start3A_145] : memref<51200x32xf32, #tpu.memory_space<vmem_shared>> -> memref<51200x32xf32, #tpu.memory_space<vmem_shared>>
      tpu.enqueue_indirect_dma source(%arg20 : memref<80x32xf32, #tpu.memory_space<vmem>>) target(%dma_start3A_146 : memref<51200x32xf32, #tpu.memory_space<vmem_shared>>) offsets(%arg16 : memref<80xi32, #tpu.memory_space<vmem>>) semaphore(%arg32 : memref<!tpu.dma_semaphore, #tpu.memory_space<semaphore_mem>>) {add = true}
      %dma_wait3A_147 = arith.constant 0 : i32
      %dma_wait3A_148 = arith.constant 0 : i32
      %dma_wait3A_149 = tpu.memref_slice %arg2[%dma_wait3A_147, %dma_wait3A_148] : memref<100000x32xf32, #tpu.memory_space<hbm>> -> memref<100000x32xf32, #tpu.memory_space<hbm>>
      tpu.wait_indirect_dma semaphore(%arg29 : memref<!tpu.dma_semaphore, #tpu.memory_space<semaphore_mem>>) src(%dma_wait3A_149 : memref<100000x32xf32, #tpu.memory_space<hbm>>) dst(%arg21 : memref<80x32xf32, #tpu.memory_space<vmem>>)
      %dma_start3A_150 = arith.constant 0 : i32
      %dma_start3A_151 = arith.constant 0 : i32
      %dma_start3A_152 = tpu.memref_slice %arg6[%dma_start3A_150, %dma_start3A_151] : memref<51200x32xf32, #tpu.memory_space<vmem_shared>> -> memref<51200x32xf32, #tpu.memory_space<vmem_shared>>
      tpu.enqueue_indirect_dma source(%arg21 : memref<80x32xf32, #tpu.memory_space<vmem>>) target(%dma_start3A_152 : memref<51200x32xf32, #tpu.memory_space<vmem_shared>>) offsets(%arg17 : memref<80xi32, #tpu.memory_space<vmem>>) semaphore(%arg33 : memref<!tpu.dma_semaphore, #tpu.memory_space<semaphore_mem>>) {add = true}
      %dma_wait3A_153 = arith.constant 0 : i32
      %dma_wait3A_154 = arith.constant 0 : i32
      %dma_wait3A_155 = tpu.memref_slice %arg2[%dma_wait3A_153, %dma_wait3A_154] : memref<100000x32xf32, #tpu.memory_space<hbm>> -> memref<100000x32xf32, #tpu.memory_space<hbm>>
      tpu.wait_indirect_dma semaphore(%arg30 : memref<!tpu.dma_semaphore, #tpu.memory_space<semaphore_mem>>) src(%dma_wait3A_155 : memref<100000x32xf32, #tpu.memory_space<hbm>>) dst(%arg22 : memref<80x32xf32, #tpu.memory_space<vmem>>)
      %dma_start3A_156 = arith.constant 0 : i32
      %dma_start3A_157 = arith.constant 0 : i32
      %dma_start3A_158 = tpu.memref_slice %arg6[%dma_start3A_156, %dma_start3A_157] : memref<51200x32xf32, #tpu.memory_space<vmem_shared>> -> memref<51200x32xf32, #tpu.memory_space<vmem_shared>>
      tpu.enqueue_indirect_dma source(%arg22 : memref<80x32xf32, #tpu.memory_space<vmem>>) target(%dma_start3A_158 : memref<51200x32xf32, #tpu.memory_space<vmem_shared>>) offsets(%arg18 : memref<80xi32, #tpu.memory_space<vmem>>) semaphore(%arg34 : memref<!tpu.dma_semaphore, #tpu.memory_space<semaphore_mem>>) {add = true}
      %dma_wait3A_159 = arith.constant 0 : i32
      %dma_wait3A_160 = arith.constant 0 : i32
      %dma_wait3A_161 = tpu.memref_slice %arg6[%dma_wait3A_159, %dma_wait3A_160] : memref<51200x32xf32, #tpu.memory_space<vmem_shared>> -> memref<51200x32xf32, #tpu.memory_space<vmem_shared>>
      tpu.wait_indirect_dma semaphore(%arg31 : memref<!tpu.dma_semaphore, #tpu.memory_space<semaphore_mem>>) src(%arg19 : memref<80x32xf32, #tpu.memory_space<vmem>>) dst(%dma_wait3A_161 : memref<51200x32xf32, #tpu.memory_space<vmem_shared>>)
      %dma_wait3A_162 = arith.constant 0 : i32
      %dma_wait3A_163 = arith.constant 0 : i32
      %dma_wait3A_164 = tpu.memref_slice %arg6[%dma_wait3A_162, %dma_wait3A_163] : memref<51200x32xf32, #tpu.memory_space<vmem_shared>> -> memref<51200x32xf32, #tpu.memory_space<vmem_shared>>
      tpu.wait_indirect_dma semaphore(%arg32 : memref<!tpu.dma_semaphore, #tpu.memory_space<semaphore_mem>>) src(%arg20 : memref<80x32xf32, #tpu.memory_space<vmem>>) dst(%dma_wait3A_164 : memref<51200x32xf32, #tpu.memory_space<vmem_shared>>)
      %dma_wait3A_165 = arith.constant 0 : i32
      %dma_wait3A_166 = arith.constant 0 : i32
      %dma_wait3A_167 = tpu.memref_slice %arg6[%dma_wait3A_165, %dma_wait3A_166] : memref<51200x32xf32, #tpu.memory_space<vmem_shared>> -> memref<51200x32xf32, #tpu.memory_space<vmem_shared>>
      tpu.wait_indirect_dma semaphore(%arg33 : memref<!tpu.dma_semaphore, #tpu.memory_space<semaphore_mem>>) src(%arg21 : memref<80x32xf32, #tpu.memory_space<vmem>>) dst(%dma_wait3A_167 : memref<51200x32xf32, #tpu.memory_space<vmem_shared>>)
      %dma_wait3A_168 = arith.constant 0 : i32
      %dma_wait3A_169 = arith.constant 0 : i32
      %dma_wait3A_170 = tpu.memref_slice %arg6[%dma_wait3A_168, %dma_wait3A_169] : memref<51200x32xf32, #tpu.memory_space<vmem_shared>> -> memref<51200x32xf32, #tpu.memory_space<vmem_shared>>
      tpu.wait_indirect_dma semaphore(%arg34 : memref<!tpu.dma_semaphore, #tpu.memory_space<semaphore_mem>>) src(%arg22 : memref<80x32xf32, #tpu.memory_space<vmem>>) dst(%dma_wait3A_170 : memref<51200x32xf32, #tpu.memory_space<vmem_shared>>)
    }
    %scan3A_20 = arith.constant 625 : i32
    %barrier3A_21 = arith.constant 0 : index
    tpu.barrier barrier_id(%barrier3A_21)
    %lt3A = arith.constant 15 : i32
    %lt3A_22 = arith.cmpi slt, %arg1, %lt3A : i32
    %convert_element_type3A = arith.extui %lt3A_22 : i1 to i32
    %cond3A = arith.constant 0 : i32
    %cond3A_23 = arith.cmpi ne, %convert_element_type3A, %cond3A : i32
    scf.if %cond3A_23 {
      %mul3A_38 = arith.constant 3200 : i32
      %mul3A_39 = arith.muli %arg1, %mul3A_38 : i32
      %multiple_of3A = tpu.assume_multiple %mul3A_39, 8 : i32
      %mul3A_40 = arith.constant 3200 : i32
      %mul3A_41 = arith.muli %arg1, %mul3A_40 : i32
      %add3A = arith.addi %mul3A_0, %mul3A_41 : i32
      %multiple_of3A_42 = tpu.assume_multiple %add3A, 8 : i32
      "tpu.region"() ({
        %run_scoped3A = tpu.sem_alloc : memref<!tpu.dma_semaphore, #tpu.memory_space<semaphore_mem>>
        %dma_start3A = arith.constant 0 : i32
        %dma_start3A_43 = tpu.memref_slice %arg5[%multiple_of3A_42, %dma_start3A] : memref<100000x32xf32, #tpu.memory_space<hbm>> -> memref<3200x32xf32, #tpu.memory_space<hbm>>
        %dma_start3A_44 = arith.constant 0 : i32
        %dma_start3A_45 = tpu.memref_slice %arg6[%multiple_of3A, %dma_start3A_44] : memref<51200x32xf32, #tpu.memory_space<vmem_shared>> -> memref<3200x32xf32, #tpu.memory_space<vmem_shared>>
        tpu.enqueue_dma source(%dma_start3A_45 : memref<3200x32xf32, #tpu.memory_space<vmem_shared>>) target(%dma_start3A_43 : memref<3200x32xf32, #tpu.memory_space<hbm>>) target_semaphore(%run_scoped3A : memref<!tpu.dma_semaphore, #tpu.memory_space<semaphore_mem>>)
        %dma_wait3A = arith.constant 0 : i32
        %dma_wait3A_46 = tpu.memref_slice %arg5[%multiple_of3A_42, %dma_wait3A] : memref<100000x32xf32, #tpu.memory_space<hbm>> -> memref<3200x32xf32, #tpu.memory_space<hbm>>
        %dma_wait3A_47 = arith.constant 0 : i32
        %dma_wait3A_48 = tpu.memref_slice %arg6[%multiple_of3A, %dma_wait3A_47] : memref<51200x32xf32, #tpu.memory_space<vmem_shared>> -> memref<3200x32xf32, #tpu.memory_space<vmem_shared>>
        tpu.wait_dma2 semaphore(%run_scoped3A : memref<!tpu.dma_semaphore, #tpu.memory_space<semaphore_mem>>) src(%dma_wait3A_48 : memref<3200x32xf32, #tpu.memory_space<vmem_shared>>) dst(%dma_wait3A_46 : memref<3200x32xf32, #tpu.memory_space<hbm>>)
        tpu.yield
      }) : () -> ()
    } else {
    }
    %eq3A = arith.constant 15 : i32
    %eq3A_24 = arith.cmpi eq, %arg1, %eq3A : i32
    %eq3A_25 = arith.constant 0 : i32
    %eq3A_26 = arith.cmpi eq, %arg0, %eq3A_25 : i32
    %and3A = arith.andi %eq3A_24, %eq3A_26 : i1
    %convert_element_type3A_27 = arith.extui %and3A : i1 to i32
    %cond3A_28 = arith.constant 0 : i32
    %cond3A_29 = arith.cmpi ne, %convert_element_type3A_27, %cond3A_28 : i32
    scf.if %cond3A_29 {
      "tpu.region"() ({
        %run_scoped3A = tpu.sem_alloc : memref<!tpu.dma_semaphore, #tpu.memory_space<semaphore_mem>>
        %dma_start3A = arith.constant 48000 : i32
        %dma_start3A_38 = arith.constant 0 : i32
        %dma_start3A_39 = tpu.memref_slice %arg5[%dma_start3A, %dma_start3A_38] : memref<100000x32xf32, #tpu.memory_space<hbm>> -> memref<2048x32xf32, #tpu.memory_space<hbm>>
        %dma_start3A_40 = arith.constant 48000 : i32
        %dma_start3A_41 = arith.constant 0 : i32
        %dma_start3A_42 = tpu.memref_slice %arg6[%dma_start3A_40, %dma_start3A_41] : memref<51200x32xf32, #tpu.memory_space<vmem_shared>> -> memref<2048x32xf32, #tpu.memory_space<vmem_shared>>
        tpu.enqueue_dma source(%dma_start3A_42 : memref<2048x32xf32, #tpu.memory_space<vmem_shared>>) target(%dma_start3A_39 : memref<2048x32xf32, #tpu.memory_space<hbm>>) target_semaphore(%run_scoped3A : memref<!tpu.dma_semaphore, #tpu.memory_space<semaphore_mem>>)
        %dma_wait3A = arith.constant 48000 : i32
        %dma_wait3A_43 = arith.constant 0 : i32
        %dma_wait3A_44 = tpu.memref_slice %arg5[%dma_wait3A, %dma_wait3A_43] : memref<100000x32xf32, #tpu.memory_space<hbm>> -> memref<2048x32xf32, #tpu.memory_space<hbm>>
        %dma_wait3A_45 = arith.constant 48000 : i32
        %dma_wait3A_46 = arith.constant 0 : i32
        %dma_wait3A_47 = tpu.memref_slice %arg6[%dma_wait3A_45, %dma_wait3A_46] : memref<51200x32xf32, #tpu.memory_space<vmem_shared>> -> memref<2048x32xf32, #tpu.memory_space<vmem_shared>>
        tpu.wait_dma2 semaphore(%run_scoped3A : memref<!tpu.dma_semaphore, #tpu.memory_space<semaphore_mem>>) src(%dma_wait3A_47 : memref<2048x32xf32, #tpu.memory_space<vmem_shared>>) dst(%dma_wait3A_44 : memref<2048x32xf32, #tpu.memory_space<hbm>>)
        tpu.yield
      }) : () -> ()
    } else {
    }
    %eq3A_30 = arith.constant 15 : i32
    %eq3A_31 = arith.cmpi eq, %arg1, %eq3A_30 : i32
    %eq3A_32 = arith.constant 1 : i32
    %eq3A_33 = arith.cmpi eq, %arg0, %eq3A_32 : i32
    %and3A_34 = arith.andi %eq3A_31, %eq3A_33 : i1
    %convert_element_type3A_35 = arith.extui %and3A_34 : i1 to i32
    %cond3A_36 = arith.constant 0 : i32
    %cond3A_37 = arith.cmpi ne, %convert_element_type3A_35, %cond3A_36 : i32
    scf.if %cond3A_37 {
      "tpu.region"() ({
        %run_scoped3A = tpu.sem_alloc : memref<!tpu.dma_semaphore, #tpu.memory_space<semaphore_mem>>
        %dma_start3A = arith.constant 98048 : i32
        %dma_start3A_38 = arith.constant 0 : i32
        %dma_start3A_39 = tpu.memref_slice %arg5[%dma_start3A, %dma_start3A_38] : memref<100000x32xf32, #tpu.memory_space<hbm>> -> memref<1952x32xf32, #tpu.memory_space<hbm>>
        %dma_start3A_40 = arith.constant 48000 : i32
        %dma_start3A_41 = arith.constant 0 : i32
        %dma_start3A_42 = tpu.memref_slice %arg6[%dma_start3A_40, %dma_start3A_41] : memref<51200x32xf32, #tpu.memory_space<vmem_shared>> -> memref<1952x32xf32, #tpu.memory_space<vmem_shared>>
        tpu.enqueue_dma source(%dma_start3A_42 : memref<1952x32xf32, #tpu.memory_space<vmem_shared>>) target(%dma_start3A_39 : memref<1952x32xf32, #tpu.memory_space<hbm>>) target_semaphore(%run_scoped3A : memref<!tpu.dma_semaphore, #tpu.memory_space<semaphore_mem>>)
        %dma_wait3A = arith.constant 98048 : i32
        %dma_wait3A_43 = arith.constant 0 : i32
        %dma_wait3A_44 = tpu.memref_slice %arg5[%dma_wait3A, %dma_wait3A_43] : memref<100000x32xf32, #tpu.memory_space<hbm>> -> memref<1952x32xf32, #tpu.memory_space<hbm>>
        %dma_wait3A_45 = arith.constant 48000 : i32
        %dma_wait3A_46 = arith.constant 0 : i32
        %dma_wait3A_47 = tpu.memref_slice %arg6[%dma_wait3A_45, %dma_wait3A_46] : memref<51200x32xf32, #tpu.memory_space<vmem_shared>> -> memref<1952x32xf32, #tpu.memory_space<vmem_shared>>
        tpu.wait_dma2 semaphore(%run_scoped3A : memref<!tpu.dma_semaphore, #tpu.memory_space<semaphore_mem>>) src(%dma_wait3A_47 : memref<1952x32xf32, #tpu.memory_space<vmem_shared>>) dst(%dma_wait3A_44 : memref<1952x32xf32, #tpu.memory_space<hbm>>)
        tpu.yield
      }) : () -> ()
    } else {
    }
    return
  }
}

#map = affine_map<(d0, d1) -> (0, 0)>
#map1 = affine_map<(d0, d1) -> (0)>
module attributes {stable_mosaic.version = 14 : i64} {
  func.func @k(%arg0: i32, %arg1: i32, %arg2: memref<100000x32xf32, #tpu.memory_space<hbm>>, %arg3: memref<3200000xi32, #tpu.memory_space<hbm>>, %arg4: memref<3200000xi32, #tpu.memory_space<hbm>>, %arg5: memref<100000x32xf32, #tpu.memory_space<hbm>>, %arg6: memref<51200x32xf32, #tpu.memory_space<vmem_shared>>, %arg7: memref<80xi32, #tpu.memory_space<vmem>>, %arg8: memref<80xi32, #tpu.memory_space<vmem>>, %arg9: memref<80xi32, #tpu.memory_space<vmem>>, %arg10: memref<80xi32, #tpu.memory_space<vmem>>, %arg11: memref<80xi32, #tpu.memory_space<vmem>>, %arg12: memref<80xi32, #tpu.memory_space<vmem>>, %arg13: memref<80xi32, #tpu.memory_space<vmem>>, %arg14: memref<80xi32, #tpu.memory_space<vmem>>, %arg15: memref<80xi32, #tpu.memory_space<vmem>>, %arg16: memref<80xi32, #tpu.memory_space<vmem>>, %arg17: memref<80xi32, #tpu.memory_space<vmem>>, %arg18: memref<80xi32, #tpu.memory_space<vmem>>, %arg19: memref<80x32xf32, #tpu.memory_space<vmem>>, %arg20: memref<80x32xf32, #tpu.memory_space<vmem>>, %arg21: memref<80x32xf32, #tpu.memory_space<vmem>>, %arg22: memref<80x32xf32, #tpu.memory_space<vmem>>, %arg23: memref<!tpu.dma_semaphore, #tpu.memory_space<semaphore_mem>>, %arg24: memref<!tpu.dma_semaphore, #tpu.memory_space<semaphore_mem>>, %arg25: memref<!tpu.dma_semaphore, #tpu.memory_space<semaphore_mem>>, %arg26: memref<!tpu.dma_semaphore, #tpu.memory_space<semaphore_mem>>, %arg27: memref<!tpu.dma_semaphore, #tpu.memory_space<semaphore_mem>>, %arg28: memref<!tpu.dma_semaphore, #tpu.memory_space<semaphore_mem>>, %arg29: memref<!tpu.dma_semaphore, #tpu.memory_space<semaphore_mem>>, %arg30: memref<!tpu.dma_semaphore, #tpu.memory_space<semaphore_mem>>, %arg31: memref<!tpu.dma_semaphore, #tpu.memory_space<semaphore_mem>>, %arg32: memref<!tpu.dma_semaphore, #tpu.memory_space<semaphore_mem>>, %arg33: memref<!tpu.dma_semaphore, #tpu.memory_space<semaphore_mem>>, %arg34: memref<!tpu.dma_semaphore, #tpu.memory_space<semaphore_mem>>) attributes {dimension_semantics = [#tpu.dimension_semantics<core_parallel>, #tpu.dimension_semantics<subcore_parallel>], iteration_bounds = array<i64: 2, 16>, scalar_prefetch = 0 : i64, scratch_operands = 29 : i64, tpu.core_type = #tpu.core_type<sc_vector_subcore>, window_params = [{transform_indices = #map}, {transform_indices = #map1}, {transform_indices = #map1}, {transform_indices = #map}]} {
    %mul3A = arith.constant 50048 : i32
    %mul3A_0 = arith.muli %arg0, %mul3A : i32
    %mul3A_1 = arith.constant 96 : i32
    %mul3A_2 = arith.muli %arg0, %mul3A_1 : i32
    %sub3A = arith.constant 50048 : i32
    %sub3A_3 = arith.subi %sub3A, %mul3A_2 : i32
    %broadcast_in_dim3A = arith.constant 0.000000e+00 : f32
    %broadcast_in_dim3A_4 = vector.broadcast %broadcast_in_dim3A : f32 to vector<16xf32>
    %scan3A = arith.constant 0 : i32
    %scan3A_5 = arith.constant 80 : i32
    %scan3A_6 = arith.addi %scan3A, %scan3A_5 : i32
    %scan3A_7 = arith.constant 1 : i32
    scf.for %scan3A_38 = %scan3A to %scan3A_6 step %scan3A_7  : i32 {
      %mul3A_39 = arith.constant 1 : i32
      %mul3A_40 = arith.muli %scan3A_38, %mul3A_39 : i32
      %add3A = arith.constant 0 : i32
      %add3A_41 = arith.addi %add3A, %mul3A_40 : i32
      %swap3A = arith.index_cast %add3A_41 : i32 to index
      %swap3A_42 = arith.constant 0 : index
      %swap3A_43 = tpu.vector_load %arg19[%swap3A, %swap3A_42] {strides = array<i32>} : memref<80x32xf32, #tpu.memory_space<vmem>>, vector<1x16xf32>,
      %swap3A_44 = vector.shape_cast %swap3A_43 : vector<1x16xf32> to vector<16xf32>
      %swap3A_45 = vector.shape_cast %broadcast_in_dim3A_4 : vector<16xf32> to vector<1x16xf32>
      tpu.vector_store %arg19[%swap3A, %swap3A_42], %swap3A_45 {strides = array<i32>} : memref<80x32xf32, #tpu.memory_space<vmem>>, vector<1x16xf32>,
      %swap3A_46 = arith.index_cast %add3A_41 : i32 to index
      %swap3A_47 = arith.constant 16 : index
      %swap3A_48 = tpu.vector_load %arg19[%swap3A_46, %swap3A_47] {strides = array<i32>} : memref<80x32xf32, #tpu.memory_space<vmem>>, vector<1x16xf32>,
      %swap3A_49 = vector.shape_cast %swap3A_48 : vector<1x16xf32> to vector<16xf32>
      %swap3A_50 = vector.shape_cast %broadcast_in_dim3A_4 : vector<16xf32> to vector<1x16xf32>
      tpu.vector_store %arg19[%swap3A_46, %swap3A_47], %swap3A_50 {strides = array<i32>} : memref<80x32xf32, #tpu.memory_space<vmem>>, vector<1x16xf32>,
    }
    %scan3A_8 = arith.constant 80 : i32
    %scan3A_9 = arith.constant 0 : i32
    %scan3A_10 = arith.constant 40 : i32
    %scan3A_11 = arith.addi %scan3A_9, %scan3A_10 : i32
    %scan3A_12 = arith.constant 1 : i32
    scf.for %scan3A_38 = %scan3A_9 to %scan3A_11 step %scan3A_12  : i32 {
      %mul3A_39 = arith.constant 1 : i32
      %mul3A_40 = arith.muli %scan3A_38, %mul3A_39 : i32
      %add3A = arith.constant 0 : i32
      %add3A_41 = arith.addi %add3A, %mul3A_40 : i32
      %mul3A_42 = arith.constant 3200 : i32
      %mul3A_43 = arith.muli %arg1, %mul3A_42 : i32
      %mul3A_44 = arith.constant 80 : i32
      %mul3A_45 = arith.muli %add3A_41, %mul3A_44 : i32
      %add3A_46 = arith.addi %mul3A_43, %mul3A_45 : i32
      %multiple_of3A = tpu.assume_multiple %add3A_46, 8 : i32
      "tpu.region"() ({
        %run_scoped3A = tpu.sem_alloc : memref<!tpu.dma_semaphore, #tpu.memory_space<semaphore_mem>>
        %dma_start3A = arith.constant 0 : i32
        %dma_start3A_47 = tpu.memref_slice %arg6[%multiple_of3A, %dma_start3A] : memref<51200x32xf32, #tpu.memory_space<vmem_shared>> -> memref<80x32xf32, #tpu.memory_space<vmem_shared>>
        %dma_start3A_48 = arith.constant 0 : i32
        %dma_start3A_49 = tpu.memref_slice %arg6[%multiple_of3A, %dma_start3A_48] : memref<51200x32xf32, #tpu.memory_space<vmem_shared>> -> memref<80x32xf32, #tpu.memory_space<vmem_shared>>
        tpu.enqueue_dma source(%arg19 : memref<80x32xf32, #tpu.memory_space<vmem>>) target(%dma_start3A_49 : memref<80x32xf32, #tpu.memory_space<vmem_shared>>) target_semaphore(%run_scoped3A : memref<!tpu.dma_semaphore, #tpu.memory_space<semaphore_mem>>)
        %dma_wait3A = arith.constant 0 : i32
        %dma_wait3A_50 = tpu.memref_slice %arg6[%multiple_of3A, %dma_wait3A] : memref<51200x32xf32, #tpu.memory_space<vmem_shared>> -> memref<80x32xf32, #tpu.memory_space<vmem_shared>>
        %dma_wait3A_51 = arith.constant 0 : i32
        %dma_wait3A_52 = tpu.memref_slice %arg6[%multiple_of3A, %dma_wait3A_51] : memref<51200x32xf32, #tpu.memory_space<vmem_shared>> -> memref<80x32xf32, #tpu.memory_space<vmem_shared>>
        tpu.wait_dma2 semaphore(%run_scoped3A : memref<!tpu.dma_semaphore, #tpu.memory_space<semaphore_mem>>) src(%arg19 : memref<80x32xf32, #tpu.memory_space<vmem>>) dst(%dma_wait3A_52 : memref<80x32xf32, #tpu.memory_space<vmem_shared>>)
        tpu.yield
      }) : () -> ()
    }
    %scan3A_13 = arith.constant 40 : i32
    %barrier3A = arith.constant 0 : index
    tpu.barrier barrier_id(%barrier3A)
    %mul3A_14 = arith.constant 200000 : i32
    %mul3A_15 = arith.muli %arg1, %mul3A_14 : i32
    %scan3A_16 = arith.constant 0 : i32
    %scan3A_17 = arith.constant 625 : i32
    %scan3A_18 = arith.addi %scan3A_16, %scan3A_17 : i32
    %scan3A_19 = arith.constant 1 : i32
    scf.for %scan3A_38 = %scan3A_16 to %scan3A_18 step %scan3A_19  : i32 {
      %mul3A_39 = arith.constant 1 : i32
      %mul3A_40 = arith.muli %scan3A_38, %mul3A_39 : i32
      %add3A = arith.constant 0 : i32
      %add3A_41 = arith.addi %add3A, %mul3A_40 : i32
      %mul3A_42 = arith.constant 4 : i32
      %mul3A_43 = arith.muli %add3A_41, %mul3A_42 : i32
      %add3A_44 = arith.constant 0 : i32
      %add3A_45 = arith.addi %mul3A_43, %add3A_44 : i32
      %mul3A_46 = arith.constant 80 : i32
      %mul3A_47 = arith.muli %add3A_45, %mul3A_46 : i32
      %add3A_48 = arith.addi %mul3A_15, %mul3A_47 : i32
      %multiple_of3A = tpu.assume_multiple %add3A_48, 8 : i32
      %dma_start3A = tpu.memref_slice %arg3[%multiple_of3A] : memref<3200000xi32, #tpu.memory_space<hbm>> -> memref<80xi32, #tpu.memory_space<hbm>>
      %dma_start3A_49 = tpu.memref_slice %arg3[%multiple_of3A] : memref<3200000xi32, #tpu.memory_space<hbm>> -> memref<80xi32, #tpu.memory_space<hbm>>
      tpu.enqueue_dma source(%dma_start3A_49 : memref<80xi32, #tpu.memory_space<hbm>>) target(%arg7 : memref<80xi32, #tpu.memory_space<vmem>>) target_semaphore(%arg23 : memref<!tpu.dma_semaphore, #tpu.memory_space<semaphore_mem>>)
      %dma_start3A_50 = tpu.memref_slice %arg4[%multiple_of3A] : memref<3200000xi32, #tpu.memory_space<hbm>> -> memref<80xi32, #tpu.memory_space<hbm>>
      %dma_start3A_51 = tpu.memref_slice %arg4[%multiple_of3A] : memref<3200000xi32, #tpu.memory_space<hbm>> -> memref<80xi32, #tpu.memory_space<hbm>>
      tpu.enqueue_dma source(%dma_start3A_51 : memref<80xi32, #tpu.memory_space<hbm>>) target(%arg11 : memref<80xi32, #tpu.memory_space<vmem>>) target_semaphore(%arg23 : memref<!tpu.dma_semaphore, #tpu.memory_space<semaphore_mem>>)
      %mul3A_52 = arith.constant 4 : i32
      %mul3A_53 = arith.muli %add3A_41, %mul3A_52 : i32
      %add3A_54 = arith.constant 1 : i32
      %add3A_55 = arith.addi %mul3A_53, %add3A_54 : i32
      %mul3A_56 = arith.constant 80 : i32
      %mul3A_57 = arith.muli %add3A_55, %mul3A_56 : i32
      %add3A_58 = arith.addi %mul3A_15, %mul3A_57 : i32
      %multiple_of3A_59 = tpu.assume_multiple %add3A_58, 8 : i32
      %dma_start3A_60 = tpu.memref_slice %arg3[%multiple_of3A_59] : memref<3200000xi32, #tpu.memory_space<hbm>> -> memref<80xi32, #tpu.memory_space<hbm>>
      %dma_start3A_61 = tpu.memref_slice %arg3[%multiple_of3A_59] : memref<3200000xi32, #tpu.memory_space<hbm>> -> memref<80xi32, #tpu.memory_space<hbm>>
      tpu.enqueue_dma source(%dma_start3A_61 : memref<80xi32, #tpu.memory_space<hbm>>) target(%arg8 : memref<80xi32, #tpu.memory_space<vmem>>) target_semaphore(%arg24 : memref<!tpu.dma_semaphore, #tpu.memory_space<semaphore_mem>>)
      %dma_start3A_62 = tpu.memref_slice %arg4[%multiple_of3A_59] : memref<3200000xi32, #tpu.memory_space<hbm>> -> memref<80xi32, #tpu.memory_space<hbm>>
      %dma_start3A_63 = tpu.memref_slice %arg4[%multiple_of3A_59] : memref<3200000xi32, #tpu.memory_space<hbm>> -> memref<80xi32, #tpu.memory_space<hbm>>
      tpu.enqueue_dma source(%dma_start3A_63 : memref<80xi32, #tpu.memory_space<hbm>>) target(%arg12 : memref<80xi32, #tpu.memory_space<vmem>>) target_semaphore(%arg24 : memref<!tpu.dma_semaphore, #tpu.memory_space<semaphore_mem>>)
      %mul3A_64 = arith.constant 4 : i32
      %mul3A_65 = arith.muli %add3A_41, %mul3A_64 : i32
      %add3A_66 = arith.constant 2 : i32
      %add3A_67 = arith.addi %mul3A_65, %add3A_66 : i32
      %mul3A_68 = arith.constant 80 : i32
      %mul3A_69 = arith.muli %add3A_67, %mul3A_68 : i32
      %add3A_70 = arith.addi %mul3A_15, %mul3A_69 : i32
      %multiple_of3A_71 = tpu.assume_multiple %add3A_70, 8 : i32
      %dma_start3A_72 = tpu.memref_slice %arg3[%multiple_of3A_71] : memref<3200000xi32, #tpu.memory_space<hbm>> -> memref<80xi32, #tpu.memory_space<hbm>>
      %dma_start3A_73 = tpu.memref_slice %arg3[%multiple_of3A_71] : memref<3200000xi32, #tpu.memory_space<hbm>> -> memref<80xi32, #tpu.memory_space<hbm>>
      tpu.enqueue_dma source(%dma_start3A_73 : memref<80xi32, #tpu.memory_space<hbm>>) target(%arg9 : memref<80xi32, #tpu.memory_space<vmem>>) target_semaphore(%arg25 : memref<!tpu.dma_semaphore, #tpu.memory_space<semaphore_mem>>)
      %dma_start3A_74 = tpu.memref_slice %arg4[%multiple_of3A_71] : memref<3200000xi32, #tpu.memory_space<hbm>> -> memref<80xi32, #tpu.memory_space<hbm>>
      %dma_start3A_75 = tpu.memref_slice %arg4[%multiple_of3A_71] : memref<3200000xi32, #tpu.memory_space<hbm>> -> memref<80xi32, #tpu.memory_space<hbm>>
      tpu.enqueue_dma source(%dma_start3A_75 : memref<80xi32, #tpu.memory_space<hbm>>) target(%arg13 : memref<80xi32, #tpu.memory_space<vmem>>) target_semaphore(%arg25 : memref<!tpu.dma_semaphore, #tpu.memory_space<semaphore_mem>>)
      %mul3A_76 = arith.constant 4 : i32
      %mul3A_77 = arith.muli %add3A_41, %mul3A_76 : i32
      %add3A_78 = arith.constant 3 : i32
      %add3A_79 = arith.addi %mul3A_77, %add3A_78 : i32
      %mul3A_80 = arith.constant 80 : i32
      %mul3A_81 = arith.muli %add3A_79, %mul3A_80 : i32
      %add3A_82 = arith.addi %mul3A_15, %mul3A_81 : i32
      %multiple_of3A_83 = tpu.assume_multiple %add3A_82, 8 : i32
      %dma_start3A_84 = tpu.memref_slice %arg3[%multiple_of3A_83] : memref<3200000xi32, #tpu.memory_space<hbm>> -> memref<80xi32, #tpu.memory_space<hbm>>
      %dma_start3A_85 = tpu.memref_slice %arg3[%multiple_of3A_83] : memref<3200000xi32, #tpu.memory_space<hbm>> -> memref<80xi32, #tpu.memory_space<hbm>>
      tpu.enqueue_dma source(%dma_start3A_85 : memref<80xi32, #tpu.memory_space<hbm>>) target(%arg10 : memref<80xi32, #tpu.memory_space<vmem>>) target_semaphore(%arg26 : memref<!tpu.dma_semaphore, #tpu.memory_space<semaphore_mem>>)
      %dma_start3A_86 = tpu.memref_slice %arg4[%multiple_of3A_83] : memref<3200000xi32, #tpu.memory_space<hbm>> -> memref<80xi32, #tpu.memory_space<hbm>>
      %dma_start3A_87 = tpu.memref_slice %arg4[%multiple_of3A_83] : memref<3200000xi32, #tpu.memory_space<hbm>> -> memref<80xi32, #tpu.memory_space<hbm>>
      tpu.enqueue_dma source(%dma_start3A_87 : memref<80xi32, #tpu.memory_space<hbm>>) target(%arg14 : memref<80xi32, #tpu.memory_space<vmem>>) target_semaphore(%arg26 : memref<!tpu.dma_semaphore, #tpu.memory_space<semaphore_mem>>)
      %dma_wait3A = tpu.memref_slice %arg3[%multiple_of3A] : memref<3200000xi32, #tpu.memory_space<hbm>> -> memref<80xi32, #tpu.memory_space<hbm>>
      %dma_wait3A_88 = tpu.memref_slice %arg3[%multiple_of3A] : memref<3200000xi32, #tpu.memory_space<hbm>> -> memref<80xi32, #tpu.memory_space<hbm>>
      tpu.wait_dma2 semaphore(%arg23 : memref<!tpu.dma_semaphore, #tpu.memory_space<semaphore_mem>>) src(%dma_wait3A_88 : memref<80xi32, #tpu.memory_space<hbm>>) dst(%arg7 : memref<80xi32, #tpu.memory_space<vmem>>)
      %dma_wait3A_89 = tpu.memref_slice %arg4[%multiple_of3A] : memref<3200000xi32, #tpu.memory_space<hbm>> -> memref<80xi32, #tpu.memory_space<hbm>>
      %dma_wait3A_90 = tpu.memref_slice %arg4[%multiple_of3A] : memref<3200000xi32, #tpu.memory_space<hbm>> -> memref<80xi32, #tpu.memory_space<hbm>>
      tpu.wait_dma2 semaphore(%arg23 : memref<!tpu.dma_semaphore, #tpu.memory_space<semaphore_mem>>) src(%dma_wait3A_90 : memref<80xi32, #tpu.memory_space<hbm>>) dst(%arg11 : memref<80xi32, #tpu.memory_space<vmem>>)
      %dma_start3A_91 = arith.constant 0 : i32
      %dma_start3A_92 = arith.constant 0 : i32
      %dma_start3A_93 = tpu.memref_slice %arg2[%dma_start3A_91, %dma_start3A_92] : memref<100000x32xf32, #tpu.memory_space<hbm>> -> memref<100000x32xf32, #tpu.memory_space<hbm>>
      tpu.enqueue_indirect_dma source(%dma_start3A_93 : memref<100000x32xf32, #tpu.memory_space<hbm>>) target(%arg19 : memref<80x32xf32, #tpu.memory_space<vmem>>) offsets(%arg7 : memref<80xi32, #tpu.memory_space<vmem>>) semaphore(%arg27 : memref<!tpu.dma_semaphore, #tpu.memory_space<semaphore_mem>>)
      %dma_wait3A_94 = tpu.memref_slice %arg3[%multiple_of3A_59] : memref<3200000xi32, #tpu.memory_space<hbm>> -> memref<80xi32, #tpu.memory_space<hbm>>
      %dma_wait3A_95 = tpu.memref_slice %arg3[%multiple_of3A_59] : memref<3200000xi32, #tpu.memory_space<hbm>> -> memref<80xi32, #tpu.memory_space<hbm>>
      tpu.wait_dma2 semaphore(%arg24 : memref<!tpu.dma_semaphore, #tpu.memory_space<semaphore_mem>>) src(%dma_wait3A_95 : memref<80xi32, #tpu.memory_space<hbm>>) dst(%arg8 : memref<80xi32, #tpu.memory_space<vmem>>)
      %dma_wait3A_96 = tpu.memref_slice %arg4[%multiple_of3A_59] : memref<3200000xi32, #tpu.memory_space<hbm>> -> memref<80xi32, #tpu.memory_space<hbm>>
      %dma_wait3A_97 = tpu.memref_slice %arg4[%multiple_of3A_59] : memref<3200000xi32, #tpu.memory_space<hbm>> -> memref<80xi32, #tpu.memory_space<hbm>>
      tpu.wait_dma2 semaphore(%arg24 : memref<!tpu.dma_semaphore, #tpu.memory_space<semaphore_mem>>) src(%dma_wait3A_97 : memref<80xi32, #tpu.memory_space<hbm>>) dst(%arg12 : memref<80xi32, #tpu.memory_space<vmem>>)
      %dma_start3A_98 = arith.constant 0 : i32
      %dma_start3A_99 = arith.constant 0 : i32
      %dma_start3A_100 = tpu.memref_slice %arg2[%dma_start3A_98, %dma_start3A_99] : memref<100000x32xf32, #tpu.memory_space<hbm>> -> memref<100000x32xf32, #tpu.memory_space<hbm>>
      tpu.enqueue_indirect_dma source(%dma_start3A_100 : memref<100000x32xf32, #tpu.memory_space<hbm>>) target(%arg20 : memref<80x32xf32, #tpu.memory_space<vmem>>) offsets(%arg8 : memref<80xi32, #tpu.memory_space<vmem>>) semaphore(%arg28 : memref<!tpu.dma_semaphore, #tpu.memory_space<semaphore_mem>>)
      %dma_wait3A_101 = tpu.memref_slice %arg3[%multiple_of3A_71] : memref<3200000xi32, #tpu.memory_space<hbm>> -> memref<80xi32, #tpu.memory_space<hbm>>
      %dma_wait3A_102 = tpu.memref_slice %arg3[%multiple_of3A_71] : memref<3200000xi32, #tpu.memory_space<hbm>> -> memref<80xi32, #tpu.memory_space<hbm>>
      tpu.wait_dma2 semaphore(%arg25 : memref<!tpu.dma_semaphore, #tpu.memory_space<semaphore_mem>>) src(%dma_wait3A_102 : memref<80xi32, #tpu.memory_space<hbm>>) dst(%arg9 : memref<80xi32, #tpu.memory_space<vmem>>)
      %dma_wait3A_103 = tpu.memref_slice %arg4[%multiple_of3A_71] : memref<3200000xi32, #tpu.memory_space<hbm>> -> memref<80xi32, #tpu.memory_space<hbm>>
      %dma_wait3A_104 = tpu.memref_slice %arg4[%multiple_of3A_71] : memref<3200000xi32, #tpu.memory_space<hbm>> -> memref<80xi32, #tpu.memory_space<hbm>>
      tpu.wait_dma2 semaphore(%arg25 : memref<!tpu.dma_semaphore, #tpu.memory_space<semaphore_mem>>) src(%dma_wait3A_104 : memref<80xi32, #tpu.memory_space<hbm>>) dst(%arg13 : memref<80xi32, #tpu.memory_space<vmem>>)
      %dma_start3A_105 = arith.constant 0 : i32
      %dma_start3A_106 = arith.constant 0 : i32
      %dma_start3A_107 = tpu.memref_slice %arg2[%dma_start3A_105, %dma_start3A_106] : memref<100000x32xf32, #tpu.memory_space<hbm>> -> memref<100000x32xf32, #tpu.memory_space<hbm>>
      tpu.enqueue_indirect_dma source(%dma_start3A_107 : memref<100000x32xf32, #tpu.memory_space<hbm>>) target(%arg21 : memref<80x32xf32, #tpu.memory_space<vmem>>) offsets(%arg9 : memref<80xi32, #tpu.memory_space<vmem>>) semaphore(%arg29 : memref<!tpu.dma_semaphore, #tpu.memory_space<semaphore_mem>>)
      %dma_wait3A_108 = tpu.memref_slice %arg3[%multiple_of3A_83] : memref<3200000xi32, #tpu.memory_space<hbm>> -> memref<80xi32, #tpu.memory_space<hbm>>
      %dma_wait3A_109 = tpu.memref_slice %arg3[%multiple_of3A_83] : memref<3200000xi32, #tpu.memory_space<hbm>> -> memref<80xi32, #tpu.memory_space<hbm>>
      tpu.wait_dma2 semaphore(%arg26 : memref<!tpu.dma_semaphore, #tpu.memory_space<semaphore_mem>>) src(%dma_wait3A_109 : memref<80xi32, #tpu.memory_space<hbm>>) dst(%arg10 : memref<80xi32, #tpu.memory_space<vmem>>)
      %dma_wait3A_110 = tpu.memref_slice %arg4[%multiple_of3A_83] : memref<3200000xi32, #tpu.memory_space<hbm>> -> memref<80xi32, #tpu.memory_space<hbm>>
      %dma_wait3A_111 = tpu.memref_slice %arg4[%multiple_of3A_83] : memref<3200000xi32, #tpu.memory_space<hbm>> -> memref<80xi32, #tpu.memory_space<hbm>>
      tpu.wait_dma2 semaphore(%arg26 : memref<!tpu.dma_semaphore, #tpu.memory_space<semaphore_mem>>) src(%dma_wait3A_111 : memref<80xi32, #tpu.memory_space<hbm>>) dst(%arg14 : memref<80xi32, #tpu.memory_space<vmem>>)
      %dma_start3A_112 = arith.constant 0 : i32
      %dma_start3A_113 = arith.constant 0 : i32
      %dma_start3A_114 = tpu.memref_slice %arg2[%dma_start3A_112, %dma_start3A_113] : memref<100000x32xf32, #tpu.memory_space<hbm>> -> memref<100000x32xf32, #tpu.memory_space<hbm>>
      tpu.enqueue_indirect_dma source(%dma_start3A_114 : memref<100000x32xf32, #tpu.memory_space<hbm>>) target(%arg22 : memref<80x32xf32, #tpu.memory_space<vmem>>) offsets(%arg10 : memref<80xi32, #tpu.memory_space<vmem>>) semaphore(%arg30 : memref<!tpu.dma_semaphore, #tpu.memory_space<semaphore_mem>>)
      %scan3A_115 = arith.constant 0 : i32
      %scan3A_116 = arith.constant 5 : i32
      %scan3A_117 = arith.addi %scan3A_115, %scan3A_116 : i32
      %scan3A_118 = arith.constant 1 : i32
      scf.for %scan3A_171 = %scan3A_115 to %scan3A_117 step %scan3A_118  : i32 {
        %mul3A_172 = arith.constant 16 : i32
        %mul3A_173 = arith.muli %scan3A_171, %mul3A_172 : i32
        %add3A_174 = arith.constant 0 : i32
        %add3A_175 = arith.addi %add3A_174, %mul3A_173 : i32
        %multiple_of3A_176 = tpu.assume_multiple %add3A_175, 8 : i32
        %get3A = arith.index_cast %multiple_of3A_176 : i32 to index
        %get3A_177 = tpu.vector_load %arg11[%get3A] {strides = array<i32>} : memref<80xi32, #tpu.memory_space<vmem>>, vector<16xi32>,
        %get3A_178 = vector.shape_cast %get3A_177 : vector<16xi32> to vector<16xi32>
        %sub3A_179 = vector.broadcast %mul3A_0 : i32 to vector<16xi32>
        %sub3A_180 = arith.subi %get3A_178, %sub3A_179 : vector<16xi32>
        %ge3A = arith.constant 0 : i32
        %ge3A_181 = vector.broadcast %ge3A : i32 to vector<16xi32>
        %ge3A_182 = arith.cmpi sge, %sub3A_180, %ge3A_181 : vector<16xi32>
        %lt3A_183 = vector.broadcast %sub3A_3 : i32 to vector<16xi32>
        %lt3A_184 = arith.cmpi slt, %sub3A_180, %lt3A_183 : vector<16xi32>
        %and3A_185 = arith.andi %ge3A_182, %lt3A_184 : vector<16xi1>
        %jit3A = arith.constant 51000 : i32
        %broadcast_in_dim3A_186 = vector.broadcast %jit3A : i32 to vector<16xi32>
        %select_n3A = arith.select %and3A_185, %sub3A_180, %broadcast_in_dim3A_186 : vector<16xi1>, vector<16xi32>
        %swap3A = arith.index_cast %multiple_of3A_176 : i32 to index
        %swap3A_187 = tpu.vector_load %arg15[%swap3A] {strides = array<i32>} : memref<80xi32, #tpu.memory_space<vmem>>, vector<16xi32>,
        %swap3A_188 = vector.shape_cast %swap3A_187 : vector<16xi32> to vector<16xi32>
        %swap3A_189 = vector.shape_cast %select_n3A : vector<16xi32> to vector<16xi32>
        tpu.vector_store %arg15[%swap3A], %swap3A_189 {strides = array<i32>} : memref<80xi32, #tpu.memory_space<vmem>>, vector<16xi32>,
      }
      %scan3A_119 = arith.constant 5 : i32
      %scan3A_120 = arith.constant 0 : i32
      %scan3A_121 = arith.constant 5 : i32
      %scan3A_122 = arith.addi %scan3A_120, %scan3A_121 : i32
      %scan3A_123 = arith.constant 1 : i32
      scf.for %scan3A_171 = %scan3A_120 to %scan3A_122 step %scan3A_123  : i32 {
        %mul3A_172 = arith.constant 16 : i32
        %mul3A_173 = arith.muli %scan3A_171, %mul3A_172 : i32
        %add3A_174 = arith.constant 0 : i32
        %add3A_175 = arith.addi %add3A_174, %mul3A_173 : i32
        %multiple_of3A_176 = tpu.assume_multiple %add3A_175, 8 : i32
        %get3A = arith.index_cast %multiple_of3A_176 : i32 to index
        %get3A_177 = tpu.vector_load %arg12[%get3A] {strides = array<i32>} : memref<80xi32, #tpu.memory_space<vmem>>, vector<16xi32>,
        %get3A_178 = vector.shape_cast %get3A_177 : vector<16xi32> to vector<16xi32>
        %sub3A_179 = vector.broadcast %mul3A_0 : i32 to vector<16xi32>
        %sub3A_180 = arith.subi %get3A_178, %sub3A_179 : vector<16xi32>
        %ge3A = arith.constant 0 : i32
        %ge3A_181 = vector.broadcast %ge3A : i32 to vector<16xi32>
        %ge3A_182 = arith.cmpi sge, %sub3A_180, %ge3A_181 : vector<16xi32>
        %lt3A_183 = vector.broadcast %sub3A_3 : i32 to vector<16xi32>
        %lt3A_184 = arith.cmpi slt, %sub3A_180, %lt3A_183 : vector<16xi32>
        %and3A_185 = arith.andi %ge3A_182, %lt3A_184 : vector<16xi1>
        %jit3A = arith.constant 51000 : i32
        %broadcast_in_dim3A_186 = vector.broadcast %jit3A : i32 to vector<16xi32>
        %select_n3A = arith.select %and3A_185, %sub3A_180, %broadcast_in_dim3A_186 : vector<16xi1>, vector<16xi32>
        %swap3A = arith.index_cast %multiple_of3A_176 : i32 to index
        %swap3A_187 = tpu.vector_load %arg16[%swap3A] {strides = array<i32>} : memref<80xi32, #tpu.memory_space<vmem>>, vector<16xi32>,
        %swap3A_188 = vector.shape_cast %swap3A_187 : vector<16xi32> to vector<16xi32>
        %swap3A_189 = vector.shape_cast %select_n3A : vector<16xi32> to vector<16xi32>
        tpu.vector_store %arg16[%swap3A], %swap3A_189 {strides = array<i32>} : memref<80xi32, #tpu.memory_space<vmem>>, vector<16xi32>,
      }
      %scan3A_124 = arith.constant 5 : i32
      %scan3A_125 = arith.constant 0 : i32
      %scan3A_126 = arith.constant 5 : i32
      %scan3A_127 = arith.addi %scan3A_125, %scan3A_126 : i32
      %scan3A_128 = arith.constant 1 : i32
      scf.for %scan3A_171 = %scan3A_125 to %scan3A_127 step %scan3A_128  : i32 {
        %mul3A_172 = arith.constant 16 : i32
        %mul3A_173 = arith.muli %scan3A_171, %mul3A_172 : i32
        %add3A_174 = arith.constant 0 : i32
        %add3A_175 = arith.addi %add3A_174, %mul3A_173 : i32
        %multiple_of3A_176 = tpu.assume_multiple %add3A_175, 8 : i32
        %get3A = arith.index_cast %multiple_of3A_176 : i32 to index
        %get3A_177 = tpu.vector_load %arg13[%get3A] {strides = array<i32>} : memref<80xi32, #tpu.memory_space<vmem>>, vector<16xi32>,
        %get3A_178 = vector.shape_cast %get3A_177 : vector<16xi32> to vector<16xi32>
        %sub3A_179 = vector.broadcast %mul3A_0 : i32 to vector<16xi32>
        %sub3A_180 = arith.subi %get3A_178, %sub3A_179 : vector<16xi32>
        %ge3A = arith.constant 0 : i32
        %ge3A_181 = vector.broadcast %ge3A : i32 to vector<16xi32>
        %ge3A_182 = arith.cmpi sge, %sub3A_180, %ge3A_181 : vector<16xi32>
        %lt3A_183 = vector.broadcast %sub3A_3 : i32 to vector<16xi32>
        %lt3A_184 = arith.cmpi slt, %sub3A_180, %lt3A_183 : vector<16xi32>
        %and3A_185 = arith.andi %ge3A_182, %lt3A_184 : vector<16xi1>
        %jit3A = arith.constant 51000 : i32
        %broadcast_in_dim3A_186 = vector.broadcast %jit3A : i32 to vector<16xi32>
        %select_n3A = arith.select %and3A_185, %sub3A_180, %broadcast_in_dim3A_186 : vector<16xi1>, vector<16xi32>
        %swap3A = arith.index_cast %multiple_of3A_176 : i32 to index
        %swap3A_187 = tpu.vector_load %arg17[%swap3A] {strides = array<i32>} : memref<80xi32, #tpu.memory_space<vmem>>, vector<16xi32>,
        %swap3A_188 = vector.shape_cast %swap3A_187 : vector<16xi32> to vector<16xi32>
        %swap3A_189 = vector.shape_cast %select_n3A : vector<16xi32> to vector<16xi32>
        tpu.vector_store %arg17[%swap3A], %swap3A_189 {strides = array<i32>} : memref<80xi32, #tpu.memory_space<vmem>>, vector<16xi32>,
      }
      %scan3A_129 = arith.constant 5 : i32
      %scan3A_130 = arith.constant 0 : i32
      %scan3A_131 = arith.constant 5 : i32
      %scan3A_132 = arith.addi %scan3A_130, %scan3A_131 : i32
      %scan3A_133 = arith.constant 1 : i32
      scf.for %scan3A_171 = %scan3A_130 to %scan3A_132 step %scan3A_133  : i32 {
        %mul3A_172 = arith.constant 16 : i32
        %mul3A_173 = arith.muli %scan3A_171, %mul3A_172 : i32
        %add3A_174 = arith.constant 0 : i32
        %add3A_175 = arith.addi %add3A_174, %mul3A_173 : i32
        %multiple_of3A_176 = tpu.assume_multiple %add3A_175, 8 : i32
        %get3A = arith.index_cast %multiple_of3A_176 : i32 to index
        %get3A_177 = tpu.vector_load %arg14[%get3A] {strides = array<i32>} : memref<80xi32, #tpu.memory_space<vmem>>, vector<16xi32>,
        %get3A_178 = vector.shape_cast %get3A_177 : vector<16xi32> to vector<16xi32>
        %sub3A_179 = vector.broadcast %mul3A_0 : i32 to vector<16xi32>
        %sub3A_180 = arith.subi %get3A_178, %sub3A_179 : vector<16xi32>
        %ge3A = arith.constant 0 : i32
        %ge3A_181 = vector.broadcast %ge3A : i32 to vector<16xi32>
        %ge3A_182 = arith.cmpi sge, %sub3A_180, %ge3A_181 : vector<16xi32>
        %lt3A_183 = vector.broadcast %sub3A_3 : i32 to vector<16xi32>
        %lt3A_184 = arith.cmpi slt, %sub3A_180, %lt3A_183 : vector<16xi32>
        %and3A_185 = arith.andi %ge3A_182, %lt3A_184 : vector<16xi1>
        %jit3A = arith.constant 51000 : i32
        %broadcast_in_dim3A_186 = vector.broadcast %jit3A : i32 to vector<16xi32>
        %select_n3A = arith.select %and3A_185, %sub3A_180, %broadcast_in_dim3A_186 : vector<16xi1>, vector<16xi32>
        %swap3A = arith.index_cast %multiple_of3A_176 : i32 to index
        %swap3A_187 = tpu.vector_load %arg18[%swap3A] {strides = array<i32>} : memref<80xi32, #tpu.memory_space<vmem>>, vector<16xi32>,
        %swap3A_188 = vector.shape_cast %swap3A_187 : vector<16xi32> to vector<16xi32>
        %swap3A_189 = vector.shape_cast %select_n3A : vector<16xi32> to vector<16xi32>
        tpu.vector_store %arg18[%swap3A], %swap3A_189 {strides = array<i32>} : memref<80xi32, #tpu.memory_space<vmem>>, vector<16xi32>,
      }
      %scan3A_134 = arith.constant 5 : i32
      %dma_wait3A_135 = arith.constant 0 : i32
      %dma_wait3A_136 = arith.constant 0 : i32
      %dma_wait3A_137 = tpu.memref_slice %arg2[%dma_wait3A_135, %dma_wait3A_136] : memref<100000x32xf32, #tpu.memory_space<hbm>> -> memref<100000x32xf32, #tpu.memory_space<hbm>>
      tpu.wait_indirect_dma semaphore(%arg27 : memref<!tpu.dma_semaphore, #tpu.memory_space<semaphore_mem>>) src(%dma_wait3A_137 : memref<100000x32xf32, #tpu.memory_space<hbm>>) dst(%arg19 : memref<80x32xf32, #tpu.memory_space<vmem>>)
      %dma_start3A_138 = arith.constant 0 : i32
      %dma_start3A_139 = arith.constant 0 : i32
      %dma_start3A_140 = tpu.memref_slice %arg6[%dma_start3A_138, %dma_start3A_139] : memref<51200x32xf32, #tpu.memory_space<vmem_shared>> -> memref<51200x32xf32, #tpu.memory_space<vmem_shared>>
      tpu.enqueue_indirect_dma source(%arg19 : memref<80x32xf32, #tpu.memory_space<vmem>>) target(%dma_start3A_140 : memref<51200x32xf32, #tpu.memory_space<vmem_shared>>) offsets(%arg15 : memref<80xi32, #tpu.memory_space<vmem>>) semaphore(%arg31 : memref<!tpu.dma_semaphore, #tpu.memory_space<semaphore_mem>>) {add = true}
      %dma_wait3A_141 = arith.constant 0 : i32
      %dma_wait3A_142 = arith.constant 0 : i32
      %dma_wait3A_143 = tpu.memref_slice %arg2[%dma_wait3A_141, %dma_wait3A_142] : memref<100000x32xf32, #tpu.memory_space<hbm>> -> memref<100000x32xf32, #tpu.memory_space<hbm>>
      tpu.wait_indirect_dma semaphore(%arg28 : memref<!tpu.dma_semaphore, #tpu.memory_space<semaphore_mem>>) src(%dma_wait3A_143 : memref<100000x32xf32, #tpu.memory_space<hbm>>) dst(%arg20 : memref<80x32xf32, #tpu.memory_space<vmem>>)
      %dma_start3A_144 = arith.constant 0 : i32
      %dma_start3A_145 = arith.constant 0 : i32
      %dma_start3A_146 = tpu.memref_slice %arg6[%dma_start3A_144, %dma_start3A_145] : memref<51200x32xf32, #tpu.memory_space<vmem_shared>> -> memref<51200x32xf32, #tpu.memory_space<vmem_shared>>
      tpu.enqueue_indirect_dma source(%arg20 : memref<80x32xf32, #tpu.memory_space<vmem>>) target(%dma_start3A_146 : memref<51200x32xf32, #tpu.memory_space<vmem_shared>>) offsets(%arg16 : memref<80xi32, #tpu.memory_space<vmem>>) semaphore(%arg32 : memref<!tpu.dma_semaphore, #tpu.memory_space<semaphore_mem>>) {add = true}
      %dma_wait3A_147 = arith.constant 0 : i32
      %dma_wait3A_148 = arith.constant 0 : i32
      %dma_wait3A_149 = tpu.memref_slice %arg2[%dma_wait3A_147, %dma_wait3A_148] : memref<100000x32xf32, #tpu.memory_space<hbm>> -> memref<100000x32xf32, #tpu.memory_space<hbm>>
      tpu.wait_indirect_dma semaphore(%arg29 : memref<!tpu.dma_semaphore, #tpu.memory_space<semaphore_mem>>) src(%dma_wait3A_149 : memref<100000x32xf32, #tpu.memory_space<hbm>>) dst(%arg21 : memref<80x32xf32, #tpu.memory_space<vmem>>)
      %dma_start3A_150 = arith.constant 0 : i32
      %dma_start3A_151 = arith.constant 0 : i32
      %dma_start3A_152 = tpu.memref_slice %arg6[%dma_start3A_150, %dma_start3A_151] : memref<51200x32xf32, #tpu.memory_space<vmem_shared>> -> memref<51200x32xf32, #tpu.memory_space<vmem_shared>>
      tpu.enqueue_indirect_dma source(%arg21 : memref<80x32xf32, #tpu.memory_space<vmem>>) target(%dma_start3A_152 : memref<51200x32xf32, #tpu.memory_space<vmem_shared>>) offsets(%arg17 : memref<80xi32, #tpu.memory_space<vmem>>) semaphore(%arg33 : memref<!tpu.dma_semaphore, #tpu.memory_space<semaphore_mem>>) {add = true}
      %dma_wait3A_153 = arith.constant 0 : i32
      %dma_wait3A_154 = arith.constant 0 : i32
      %dma_wait3A_155 = tpu.memref_slice %arg2[%dma_wait3A_153, %dma_wait3A_154] : memref<100000x32xf32, #tpu.memory_space<hbm>> -> memref<100000x32xf32, #tpu.memory_space<hbm>>
      tpu.wait_indirect_dma semaphore(%arg30 : memref<!tpu.dma_semaphore, #tpu.memory_space<semaphore_mem>>) src(%dma_wait3A_155 : memref<100000x32xf32, #tpu.memory_space<hbm>>) dst(%arg22 : memref<80x32xf32, #tpu.memory_space<vmem>>)
      %dma_start3A_156 = arith.constant 0 : i32
      %dma_start3A_157 = arith.constant 0 : i32
      %dma_start3A_158 = tpu.memref_slice %arg6[%dma_start3A_156, %dma_start3A_157] : memref<51200x32xf32, #tpu.memory_space<vmem_shared>> -> memref<51200x32xf32, #tpu.memory_space<vmem_shared>>
      tpu.enqueue_indirect_dma source(%arg22 : memref<80x32xf32, #tpu.memory_space<vmem>>) target(%dma_start3A_158 : memref<51200x32xf32, #tpu.memory_space<vmem_shared>>) offsets(%arg18 : memref<80xi32, #tpu.memory_space<vmem>>) semaphore(%arg34 : memref<!tpu.dma_semaphore, #tpu.memory_space<semaphore_mem>>) {add = true}
      %dma_wait3A_159 = arith.constant 0 : i32
      %dma_wait3A_160 = arith.constant 0 : i32
      %dma_wait3A_161 = tpu.memref_slice %arg6[%dma_wait3A_159, %dma_wait3A_160] : memref<51200x32xf32, #tpu.memory_space<vmem_shared>> -> memref<51200x32xf32, #tpu.memory_space<vmem_shared>>
      tpu.wait_indirect_dma semaphore(%arg31 : memref<!tpu.dma_semaphore, #tpu.memory_space<semaphore_mem>>) src(%arg19 : memref<80x32xf32, #tpu.memory_space<vmem>>) dst(%dma_wait3A_161 : memref<51200x32xf32, #tpu.memory_space<vmem_shared>>)
      %dma_wait3A_162 = arith.constant 0 : i32
      %dma_wait3A_163 = arith.constant 0 : i32
      %dma_wait3A_164 = tpu.memref_slice %arg6[%dma_wait3A_162, %dma_wait3A_163] : memref<51200x32xf32, #tpu.memory_space<vmem_shared>> -> memref<51200x32xf32, #tpu.memory_space<vmem_shared>>
      tpu.wait_indirect_dma semaphore(%arg32 : memref<!tpu.dma_semaphore, #tpu.memory_space<semaphore_mem>>) src(%arg20 : memref<80x32xf32, #tpu.memory_space<vmem>>) dst(%dma_wait3A_164 : memref<51200x32xf32, #tpu.memory_space<vmem_shared>>)
      %dma_wait3A_165 = arith.constant 0 : i32
      %dma_wait3A_166 = arith.constant 0 : i32
      %dma_wait3A_167 = tpu.memref_slice %arg6[%dma_wait3A_165, %dma_wait3A_166] : memref<51200x32xf32, #tpu.memory_space<vmem_shared>> -> memref<51200x32xf32, #tpu.memory_space<vmem_shared>>
      tpu.wait_indirect_dma semaphore(%arg33 : memref<!tpu.dma_semaphore, #tpu.memory_space<semaphore_mem>>) src(%arg21 : memref<80x32xf32, #tpu.memory_space<vmem>>) dst(%dma_wait3A_167 : memref<51200x32xf32, #tpu.memory_space<vmem_shared>>)
      %dma_wait3A_168 = arith.constant 0 : i32
      %dma_wait3A_169 = arith.constant 0 : i32
      %dma_wait3A_170 = tpu.memref_slice %arg6[%dma_wait3A_168, %dma_wait3A_169] : memref<51200x32xf32, #tpu.memory_space<vmem_shared>> -> memref<51200x32xf32, #tpu.memory_space<vmem_shared>>
      tpu.wait_indirect_dma semaphore(%arg34 : memref<!tpu.dma_semaphore, #tpu.memory_space<semaphore_mem>>) src(%arg22 : memref<80x32xf32, #tpu.memory_space<vmem>>) dst(%dma_wait3A_170 : memref<51200x32xf32, #tpu.memory_space<vmem_shared>>)
    }
    %scan3A_20 = arith.constant 625 : i32
    %barrier3A_21 = arith.constant 0 : index
    tpu.barrier barrier_id(%barrier3A_21)
    %lt3A = arith.constant 15 : i32
    %lt3A_22 = arith.cmpi slt, %arg1, %lt3A : i32
    %convert_element_type3A = arith.extui %lt3A_22 : i1 to i32
    %cond3A = arith.constant 0 : i32
    %cond3A_23 = arith.cmpi ne, %convert_element_type3A, %cond3A : i32
    scf.if %cond3A_23 {
      %mul3A_38 = arith.constant 3200 : i32
      %mul3A_39 = arith.muli %arg1, %mul3A_38 : i32
      %multiple_of3A = tpu.assume_multiple %mul3A_39, 8 : i32
      %mul3A_40 = arith.constant 3200 : i32
      %mul3A_41 = arith.muli %arg1, %mul3A_40 : i32
      %add3A = arith.addi %mul3A_0, %mul3A_41 : i32
      %multiple_of3A_42 = tpu.assume_multiple %add3A, 8 : i32
      "tpu.region"() ({
        %run_scoped3A = tpu.sem_alloc : memref<!tpu.dma_semaphore, #tpu.memory_space<semaphore_mem>>
        %dma_start3A = arith.constant 0 : i32
        %dma_start3A_43 = tpu.memref_slice %arg5[%multiple_of3A_42, %dma_start3A] : memref<100000x32xf32, #tpu.memory_space<hbm>> -> memref<3200x32xf32, #tpu.memory_space<hbm>>
        %dma_start3A_44 = arith.constant 0 : i32
        %dma_start3A_45 = tpu.memref_slice %arg6[%multiple_of3A, %dma_start3A_44] : memref<51200x32xf32, #tpu.memory_space<vmem_shared>> -> memref<3200x32xf32, #tpu.memory_space<vmem_shared>>
        tpu.enqueue_dma source(%dma_start3A_45 : memref<3200x32xf32, #tpu.memory_space<vmem_shared>>) target(%dma_start3A_43 : memref<3200x32xf32, #tpu.memory_space<hbm>>) target_semaphore(%run_scoped3A : memref<!tpu.dma_semaphore, #tpu.memory_space<semaphore_mem>>)
        %dma_wait3A = arith.constant 0 : i32
        %dma_wait3A_46 = tpu.memref_slice %arg5[%multiple_of3A_42, %dma_wait3A] : memref<100000x32xf32, #tpu.memory_space<hbm>> -> memref<3200x32xf32, #tpu.memory_space<hbm>>
        %dma_wait3A_47 = arith.constant 0 : i32
        %dma_wait3A_48 = tpu.memref_slice %arg6[%multiple_of3A, %dma_wait3A_47] : memref<51200x32xf32, #tpu.memory_space<vmem_shared>> -> memref<3200x32xf32, #tpu.memory_space<vmem_shared>>
        tpu.wait_dma2 semaphore(%run_scoped3A : memref<!tpu.dma_semaphore, #tpu.memory_space<semaphore_mem>>) src(%dma_wait3A_48 : memref<3200x32xf32, #tpu.memory_space<vmem_shared>>) dst(%dma_wait3A_46 : memref<3200x32xf32, #tpu.memory_space<hbm>>)
        tpu.yield
      }) : () -> ()
    } else {
    }
    %eq3A = arith.constant 15 : i32
    %eq3A_24 = arith.cmpi eq, %arg1, %eq3A : i32
    %eq3A_25 = arith.constant 0 : i32
    %eq3A_26 = arith.cmpi eq, %arg0, %eq3A_25 : i32
    %and3A = arith.andi %eq3A_24, %eq3A_26 : i1
    %convert_element_type3A_27 = arith.extui %and3A : i1 to i32
    %cond3A_28 = arith.constant 0 : i32
    %cond3A_29 = arith.cmpi ne, %convert_element_type3A_27, %cond3A_28 : i32
    scf.if %cond3A_29 {
      "tpu.region"() ({
        %run_scoped3A = tpu.sem_alloc : memref<!tpu.dma_semaphore, #tpu.memory_space<semaphore_mem>>
        %dma_start3A = arith.constant 48000 : i32
        %dma_start3A_38 = arith.constant 0 : i32
        %dma_start3A_39 = tpu.memref_slice %arg5[%dma_start3A, %dma_start3A_38] : memref<100000x32xf32, #tpu.memory_space<hbm>> -> memref<2048x32xf32, #tpu.memory_space<hbm>>
        %dma_start3A_40 = arith.constant 48000 : i32
        %dma_start3A_41 = arith.constant 0 : i32
        %dma_start3A_42 = tpu.memref_slice %arg6[%dma_start3A_40, %dma_start3A_41] : memref<51200x32xf32, #tpu.memory_space<vmem_shared>> -> memref<2048x32xf32, #tpu.memory_space<vmem_shared>>
        tpu.enqueue_dma source(%dma_start3A_42 : memref<2048x32xf32, #tpu.memory_space<vmem_shared>>) target(%dma_start3A_39 : memref<2048x32xf32, #tpu.memory_space<hbm>>) target_semaphore(%run_scoped3A : memref<!tpu.dma_semaphore, #tpu.memory_space<semaphore_mem>>)
        %dma_wait3A = arith.constant 48000 : i32
        %dma_wait3A_43 = arith.constant 0 : i32
        %dma_wait3A_44 = tpu.memref_slice %arg5[%dma_wait3A, %dma_wait3A_43] : memref<100000x32xf32, #tpu.memory_space<hbm>> -> memref<2048x32xf32, #tpu.memory_space<hbm>>
        %dma_wait3A_45 = arith.constant 48000 : i32
        %dma_wait3A_46 = arith.constant 0 : i32
        %dma_wait3A_47 = tpu.memref_slice %arg6[%dma_wait3A_45, %dma_wait3A_46] : memref<51200x32xf32, #tpu.memory_space<vmem_shared>> -> memref<2048x32xf32, #tpu.memory_space<vmem_shared>>
        tpu.wait_dma2 semaphore(%run_scoped3A : memref<!tpu.dma_semaphore, #tpu.memory_space<semaphore_mem>>) src(%dma_wait3A_47 : memref<2048x32xf32, #tpu.memory_space<vmem_shared>>) dst(%dma_wait3A_44 : memref<2048x32xf32, #tpu.memory_space<hbm>>)
        tpu.yield
      }) : () -> ()
    } else {
    }
    %eq3A_30 = arith.constant 15 : i32
    %eq3A_31 = arith.cmpi eq, %arg1, %eq3A_30 : i32
    %eq3A_32 = arith.constant 1 : i32
    %eq3A_33 = arith.cmpi eq, %arg0, %eq3A_32 : i32
    %and3A_34 = arith.andi %eq3A_31, %eq3A_33 : i1
    %convert_element_type3A_35 = arith.extui %and3A_34 : i1 to i32
    %cond3A_36 = arith.constant 0 : i32
    %cond3A_37 = arith.cmpi ne, %convert_element_type3A_35, %cond3A_36 : i32
    scf.if %cond3A_37 {
      "tpu.region"() ({
        %run_scoped3A = tpu.sem_alloc : memref<!tpu.dma_semaphore, #tpu.memory_space<semaphore_mem>>
        %dma_start3A = arith.constant 98048 : i32
        %dma_start3A_38 = arith.constant 0 : i32
        %dma_start3A_39 = tpu.memref_slice %arg5[%dma_start3A, %dma_start3A_38] : memref<100000x32xf32, #tpu.memory_space<hbm>> -> memref<1952x32xf32, #tpu.memory_space<hbm>>
        %dma_start3A_40 = arith.constant 48000 : i32
        %dma_start3A_41 = arith.constant 0 : i32
        %dma_start3A_42 = tpu.memref_slice %arg6[%dma_start3A_40, %dma_start3A_41] : memref<51200x32xf32, #tpu.memory_space<vmem_shared>> -> memref<1952x32xf32, #tpu.memory_space<vmem_shared>>
        tpu.enqueue_dma source(%dma_start3A_42 : memref<1952x32xf32, #tpu.memory_space<vmem_shared>>) target(%dma_start3A_39 : memref<1952x32xf32, #tpu.memory_space<hbm>>) target_semaphore(%run_scoped3A : memref<!tpu.dma_semaphore, #tpu.memory_space<semaphore_mem>>)
        %dma_wait3A = arith.constant 98048 : i32
        %dma_wait3A_43 = arith.constant 0 : i32
        %dma_wait3A_44 = tpu.memref_slice %arg5[%dma_wait3A, %dma_wait3A_43] : memref<100000x32xf32, #tpu.memory_space<hbm>> -> memref<1952x32xf32, #tpu.memory_space<hbm>>
        %dma_wait3A_45 = arith.constant 48000 : i32
        %dma_wait3A_46 = arith.constant 0 : i32
        %dma_wait3A_47 = tpu.memref_slice %arg6[%dma_wait3A_45, %dma_wait3A_46] : memref<51200x32xf32, #tpu.memory_space<vmem_shared>> -> memref<1952x32xf32, #tpu.memory_space<vmem_shared>>
        tpu.wait_dma2 semaphore(%run_scoped3A : memref<!tpu.dma_semaphore, #tpu.memory_space<semaphore_mem>>) src(%dma_wait3A_47 : memref<1952x32xf32, #tpu.memory_space<vmem_shared>>) dst(%dma_wait3A_44 : memref<1952x32xf32, #tpu.memory_space<hbm>>)
        tpu.yield
      }) : () -> ()
    } else {
    }
    return
  }
}

module attributes {stable_mosaic.version = 14 : i64} {
  func.func @body(%arg0: i32, %arg1: memref<10000x1xf32, #tpu.memory_space<vmem>>, %arg2: memref<1x32xf32, #tpu.memory_space<vmem>>, %arg3: memref<10000x32xf32, #tpu.memory_space<vmem>>) attributes {dimension_semantics = [#tpu.dimension_semantics<arbitrary>], iteration_bounds = array<i64: 10>, scalar_prefetch = 0 : i64, scratch_operands = 0 : i64, tpu.core_type = #tpu.core_type<tc>, window_params = [{transform_indices = @transform_0, window_bounds = array<i64: 10000, 1>}, {pipeline_mode = #tpu.pipeline_mode<synchronous>, transform_indices = @transform_1, window_bounds = array<i64: 1, 32>}, {transform_indices = @transform_2, window_bounds = array<i64: 10000, 32>}]} {
    %get3A = arith.constant 0 : index
    %get3A_0 = arith.constant 0 : index
    %get3A_1 = vector.load %arg1[%get3A, %get3A_0] : memref<10000x1xf32, #tpu.memory_space<vmem>>, vector<10000x1xf32>
    %get3A_2 = arith.constant 0 : index
    %get3A_3 = arith.constant 0 : index
    %get3A_4 = vector.load %arg2[%get3A_2, %get3A_3] : memref<1x32xf32, #tpu.memory_space<vmem>>, vector<1x32xf32>
    %mul3A = vector.broadcast %get3A_1 : vector<10000x1xf32> to vector<10000x32xf32>
    %mul3A_5 = vector.broadcast %get3A_4 : vector<1x32xf32> to vector<10000x32xf32>
    %mul3A_6 = arith.mulf %mul3A, %mul3A_5 : vector<10000x32xf32>
    %swap3A = arith.constant 0 : index
    %swap3A_7 = arith.constant 0 : index
    %swap3A_8 = vector.load %arg3[%swap3A, %swap3A_7] : memref<10000x32xf32, #tpu.memory_space<vmem>>, vector<10000x32xf32>
    tpu.vector_store %arg3[%swap3A, %swap3A_7], %mul3A_6 {strides = array<i32>} : memref<10000x32xf32, #tpu.memory_space<vmem>>, vector<10000x32xf32>,
    return
  }
  func.func @transform_0(%arg0: i32) -> (i32, i32) {
    %c0_i32 = arith.constant 0 : i32
    %c0_i32_0 = arith.constant 0 : i32
    return %arg0, %c0_i32 : i32, i32
  }
  func.func @transform_1(%arg0: i32) -> (i32, i32) {
    %c0_i32 = arith.constant 0 : i32
    %c0_i32_0 = arith.constant 0 : i32
    %c0_i32_1 = arith.constant 0 : i32
    return %c0_i32, %c0_i32_0 : i32, i32
  }
  func.func @transform_2(%arg0: i32) -> (i32, i32) {
    %c0_i32 = arith.constant 0 : i32
    %c0_i32_0 = arith.constant 0 : i32
    return %arg0, %c0_i32 : i32, i32
  }
}

module attributes {stable_mosaic.version = 14 : i64} {
  func.func @body(%arg0: i32, %arg1: memref<10000x32xf32, #tpu.memory_space<vmem>>, %arg2: memref<10000x32xf32, #tpu.memory_space<vmem>>, %arg3: memref<32x32xf32, #tpu.memory_space<vmem>>, %arg4: memref<1x32xf32, #tpu.memory_space<vmem>>, %arg5: memref<32x32xf32, #tpu.memory_space<vmem>>, %arg6: memref<1x32xf32, #tpu.memory_space<vmem>>, %arg7: memref<10000x32xf32, #tpu.memory_space<vmem>>, %arg8: memref<8x32xf32, #tpu.memory_space<vmem>>, %arg9: memref<8x32xf32, #tpu.memory_space<vmem>>) attributes {dimension_semantics = [#tpu.dimension_semantics<arbitrary>], iteration_bounds = array<i64: 10>, scalar_prefetch = 0 : i64, scratch_operands = 1 : i64, tpu.core_type = #tpu.core_type<tc>, window_params = [{transform_indices = @transform_0, window_bounds = array<i64: 10000, 32>}, {transform_indices = @transform_1, window_bounds = array<i64: 10000, 32>}, {pipeline_mode = #tpu.pipeline_mode<synchronous>, transform_indices = @transform_2, window_bounds = array<i64: 32, 32>}, {pipeline_mode = #tpu.pipeline_mode<synchronous>, transform_indices = @transform_3, window_bounds = array<i64: 1, 32>}, {pipeline_mode = #tpu.pipeline_mode<synchronous>, transform_indices = @transform_4, window_bounds = array<i64: 32, 32>}, {pipeline_mode = #tpu.pipeline_mode<synchronous>, transform_indices = @transform_5, window_bounds = array<i64: 1, 32>}, {transform_indices = @transform_6, window_bounds = array<i64: 10000, 32>}, {pipeline_mode = #tpu.pipeline_mode<synchronous>, transform_indices = @transform_7, window_bounds = array<i64: 8, 32>}]} {
    %eq3A = arith.constant 0 : i32
    %eq3A_0 = arith.cmpi eq, %arg0, %eq3A : i32
    %convert_element_type3A = arith.extui %eq3A_0 : i1 to i32
    %cond3A = arith.constant 0 : i32
    %cond3A_1 = arith.cmpi ne, %convert_element_type3A, %cond3A : i32
    scf.if %cond3A_1 {
      %broadcast_in_dim3A_51 = arith.constant 0.000000e+00 : f32
      %broadcast_in_dim3A_52 = vector.broadcast %broadcast_in_dim3A_51 : f32 to vector<8x32xf32>
      %swap3A_53 = arith.constant 0 : index
      %swap3A_54 = arith.constant 0 : index
      %swap3A_55 = vector.load %arg9[%swap3A_53, %swap3A_54] : memref<8x32xf32, #tpu.memory_space<vmem>>, vector<8x32xf32>
      tpu.vector_store %arg9[%swap3A_53, %swap3A_54], %broadcast_in_dim3A_52 {strides = array<i32>} : memref<8x32xf32, #tpu.memory_space<vmem>>, vector<8x32xf32>,
    } else {
    }
    %get3A = arith.constant 0 : index
    %get3A_2 = arith.constant 0 : index
    %get3A_3 = vector.load %arg1[%get3A, %get3A_2] : memref<10000x32xf32, #tpu.memory_space<vmem>>, vector<10000x32xf32>
    %get3A_4 = arith.constant 0 : index
    %get3A_5 = arith.constant 0 : index
    %get3A_6 = vector.load %arg2[%get3A_4, %get3A_5] : memref<10000x32xf32, #tpu.memory_space<vmem>>, vector<10000x32xf32>
    %add3A = arith.addf %get3A_3, %get3A_6 : vector<10000x32xf32>
    %get3A_7 = arith.constant 0 : index
    %get3A_8 = arith.constant 0 : index
    %get3A_9 = vector.load %arg4[%get3A_7, %get3A_8] : memref<1x32xf32, #tpu.memory_space<vmem>>, vector<1x32xf32>
    %add3A_10 = vector.broadcast %get3A_9 : vector<1x32xf32> to vector<10000x32xf32>
    %add3A_11 = arith.addf %add3A, %add3A_10 : vector<10000x32xf32>
    %max3A = arith.constant 0.000000e+00 : f32
    %max3A_12 = vector.broadcast %max3A : f32 to vector<10000x32xf32>
    %max3A_13 = arith.maximumf %add3A_11, %max3A_12 : vector<10000x32xf32>
    %get3A_14 = arith.constant 0 : index
    %get3A_15 = arith.constant 0 : index
    %get3A_16 = vector.load %arg5[%get3A_14, %get3A_15] : memref<32x32xf32, #tpu.memory_space<vmem>>, vector<32x32xf32>
    %dot_general3A = arith.constant dense<0.000000e+00> : vector<10000x32xf32>
    %dot_general3A_17 = tpu.matmul %max3A_13, %get3A_16, %dot_general3A {dimension_numbers = #tpu.dot_dimension_numbers<[1], [0], [0], [1], [0, 0, 1, 1], [], []>, transpose_lhs_hint = false} : vector<10000x32xf32>, vector<32x32xf32>, vector<10000x32xf32> -> vector<10000x32xf32>
    %get3A_18 = arith.constant 0 : index
    %get3A_19 = arith.constant 0 : index
    %get3A_20 = vector.load %arg6[%get3A_18, %get3A_19] : memref<1x32xf32, #tpu.memory_space<vmem>>, vector<1x32xf32>
    %add3A_21 = vector.broadcast %get3A_20 : vector<1x32xf32> to vector<10000x32xf32>
    %add3A_22 = arith.addf %dot_general3A_17, %add3A_21 : vector<10000x32xf32>
    %max3A_23 = arith.constant 0.000000e+00 : f32
    %max3A_24 = vector.broadcast %max3A_23 : f32 to vector<10000x32xf32>
    %max3A_25 = arith.maximumf %add3A_22, %max3A_24 : vector<10000x32xf32>
    %swap3A = arith.constant 0 : index
    %swap3A_26 = arith.constant 0 : index
    %swap3A_27 = vector.load %arg7[%swap3A, %swap3A_26] : memref<10000x32xf32, #tpu.memory_space<vmem>>, vector<10000x32xf32>
    tpu.vector_store %arg7[%swap3A, %swap3A_26], %max3A_25 {strides = array<i32>} : memref<10000x32xf32, #tpu.memory_space<vmem>>, vector<10000x32xf32>,
    %get3A_28 = arith.constant 0 : index
    %get3A_29 = arith.constant 0 : index
    %get3A_30 = vector.load %arg9[%get3A_28, %get3A_29] : memref<8x32xf32, #tpu.memory_space<vmem>>, vector<1x32xf32>
    %reduce_sum3A = arith.constant dense<0.000000e+00> : vector<32xf32>
    %reduce_sum3A_31 = vector.multi_reduction <add>, %max3A_25, %reduce_sum3A [0] : vector<10000x32xf32> to vector<32xf32>
    %broadcast_in_dim3A = vector.shape_cast %reduce_sum3A_31 : vector<32xf32> to vector<1x32xf32>
    %add3A_32 = arith.addf %get3A_30, %broadcast_in_dim3A : vector<1x32xf32>
    %swap3A_33 = arith.constant 0 : index
    %swap3A_34 = arith.constant 0 : index
    %swap3A_35 = vector.load %arg9[%swap3A_33, %swap3A_34] : memref<8x32xf32, #tpu.memory_space<vmem>>, vector<1x32xf32>
    tpu.vector_store %arg9[%swap3A_33, %swap3A_34], %add3A_32 {strides = array<i32>} : memref<8x32xf32, #tpu.memory_space<vmem>>, vector<1x32xf32>,
    %get3A_36 = arith.constant 1 : index
    %get3A_37 = arith.constant 0 : index
    %get3A_38 = vector.load %arg9[%get3A_36, %get3A_37] : memref<8x32xf32, #tpu.memory_space<vmem>>, vector<1x32xf32>
    %mul3A = arith.mulf %max3A_25, %max3A_25 : vector<10000x32xf32>
    %reduce_sum3A_39 = arith.constant dense<0.000000e+00> : vector<32xf32>
    %reduce_sum3A_40 = vector.multi_reduction <add>, %mul3A, %reduce_sum3A_39 [0] : vector<10000x32xf32> to vector<32xf32>
    %broadcast_in_dim3A_41 = vector.shape_cast %reduce_sum3A_40 : vector<32xf32> to vector<1x32xf32>
    %add3A_42 = arith.addf %get3A_38, %broadcast_in_dim3A_41 : vector<1x32xf32>
    %swap3A_43 = arith.constant 1 : index
    %swap3A_44 = arith.constant 0 : index
    %swap3A_45 = vector.load %arg9[%swap3A_43, %swap3A_44] : memref<8x32xf32, #tpu.memory_space<vmem>>, vector<1x32xf32>
    tpu.vector_store %arg9[%swap3A_43, %swap3A_44], %add3A_42 {strides = array<i32>} : memref<8x32xf32, #tpu.memory_space<vmem>>, vector<1x32xf32>,
    %eq3A_46 = arith.constant 9 : i32
    %eq3A_47 = arith.cmpi eq, %arg0, %eq3A_46 : i32
    %convert_element_type3A_48 = arith.extui %eq3A_47 : i1 to i32
    %cond3A_49 = arith.constant 0 : i32
    %cond3A_50 = arith.cmpi ne, %convert_element_type3A_48, %cond3A_49 : i32
    scf.if %cond3A_50 {
      %get3A_51 = arith.constant 0 : index
      %get3A_52 = arith.constant 0 : index
      %get3A_53 = vector.load %arg9[%get3A_51, %get3A_52] : memref<8x32xf32, #tpu.memory_space<vmem>>, vector<8x32xf32>
      %swap3A_54 = arith.constant 0 : index
      %swap3A_55 = arith.constant 0 : index
      %swap3A_56 = vector.load %arg8[%swap3A_54, %swap3A_55] : memref<8x32xf32, #tpu.memory_space<vmem>>, vector<8x32xf32>
      tpu.vector_store %arg8[%swap3A_54, %swap3A_55], %get3A_53 {strides = array<i32>} : memref<8x32xf32, #tpu.memory_space<vmem>>, vector<8x32xf32>,
    } else {
    }
    return
  }
  func.func @transform_0(%arg0: i32) -> (i32, i32) {
    %c0_i32 = arith.constant 0 : i32
    %c0_i32_0 = arith.constant 0 : i32
    return %arg0, %c0_i32 : i32, i32
  }
  func.func @transform_1(%arg0: i32) -> (i32, i32) {
    %c0_i32 = arith.constant 0 : i32
    %c0_i32_0 = arith.constant 0 : i32
    return %arg0, %c0_i32 : i32, i32
  }
  func.func @transform_2(%arg0: i32) -> (i32, i32) {
    %c0_i32 = arith.constant 0 : i32
    %c0_i32_0 = arith.constant 0 : i32
    %c0_i32_1 = arith.constant 0 : i32
    return %c0_i32, %c0_i32_0 : i32, i32
  }
  func.func @transform_3(%arg0: i32) -> (i32, i32) {
    %c0_i32 = arith.constant 0 : i32
    %c0_i32_0 = arith.constant 0 : i32
    %c0_i32_1 = arith.constant 0 : i32
    return %c0_i32, %c0_i32_0 : i32, i32
  }
  func.func @transform_4(%arg0: i32) -> (i32, i32) {
    %c0_i32 = arith.constant 0 : i32
    %c0_i32_0 = arith.constant 0 : i32
    %c0_i32_1 = arith.constant 0 : i32
    return %c0_i32, %c0_i32_0 : i32, i32
  }
  func.func @transform_5(%arg0: i32) -> (i32, i32) {
    %c0_i32 = arith.constant 0 : i32
    %c0_i32_0 = arith.constant 0 : i32
    %c0_i32_1 = arith.constant 0 : i32
    return %c0_i32, %c0_i32_0 : i32, i32
  }
  func.func @transform_6(%arg0: i32) -> (i32, i32) {
    %c0_i32 = arith.constant 0 : i32
    %c0_i32_0 = arith.constant 0 : i32
    return %arg0, %c0_i32 : i32, i32
  }
  func.func @transform_7(%arg0: i32) -> (i32, i32) {
    %c0_i32 = arith.constant 0 : i32
    %c0_i32_0 = arith.constant 0 : i32
    %c0_i32_1 = arith.constant 0 : i32
    return %c0_i32, %c0_i32_0 : i32, i32
  }
}

module attributes {stable_mosaic.version = 14 : i64} {
  func.func @body(%arg0: i32, %arg1: memref<10000x32xf32, #tpu.memory_space<vmem>>, %arg2: memref<8x32xf32, #tpu.memory_space<vmem>>, %arg3: memref<8x32xf32, #tpu.memory_space<vmem>>, %arg4: memref<8x32xf32, #tpu.memory_space<vmem>>) attributes {dimension_semantics = [#tpu.dimension_semantics<arbitrary>], iteration_bounds = array<i64: 10>, scalar_prefetch = 0 : i64, scratch_operands = 1 : i64, tpu.core_type = #tpu.core_type<tc>, window_params = [{transform_indices = @transform_0, window_bounds = array<i64: 10000, 32>}, {pipeline_mode = #tpu.pipeline_mode<synchronous>, transform_indices = @transform_1, window_bounds = array<i64: 8, 32>}, {pipeline_mode = #tpu.pipeline_mode<synchronous>, transform_indices = @transform_2, window_bounds = array<i64: 8, 32>}]} {
    %eq3A = arith.constant 0 : i32
    %eq3A_0 = arith.cmpi eq, %arg0, %eq3A : i32
    %convert_element_type3A = arith.extui %eq3A_0 : i1 to i32
    %cond3A = arith.constant 0 : i32
    %cond3A_1 = arith.cmpi ne, %convert_element_type3A, %cond3A : i32
    scf.if %cond3A_1 {
      %broadcast_in_dim3A_22 = arith.constant 0.000000e+00 : f32
      %broadcast_in_dim3A_23 = vector.broadcast %broadcast_in_dim3A_22 : f32 to vector<8x32xf32>
      %swap3A_24 = arith.constant 0 : index
      %swap3A_25 = arith.constant 0 : index
      %swap3A_26 = vector.load %arg4[%swap3A_24, %swap3A_25] : memref<8x32xf32, #tpu.memory_space<vmem>>, vector<8x32xf32>
      tpu.vector_store %arg4[%swap3A_24, %swap3A_25], %broadcast_in_dim3A_23 {strides = array<i32>} : memref<8x32xf32, #tpu.memory_space<vmem>>, vector<8x32xf32>,
    } else {
    }
    %get3A = arith.constant 0 : index
    %get3A_2 = arith.constant 0 : index
    %get3A_3 = vector.load %arg2[%get3A, %get3A_2] : memref<8x32xf32, #tpu.memory_space<vmem>>, vector<1x32xf32>
    %mul3A = arith.constant 9.99999974E-6 : f32
    %mul3A_4 = vector.broadcast %mul3A : f32 to vector<1x32xf32>
    %mul3A_5 = arith.mulf %get3A_3, %mul3A_4 : vector<1x32xf32>
    %get3A_6 = arith.constant 0 : index
    %get3A_7 = arith.constant 0 : index
    %get3A_8 = vector.load %arg1[%get3A_6, %get3A_7] : memref<10000x32xf32, #tpu.memory_space<vmem>>, vector<10000x32xf32>
    %sub3A = vector.broadcast %mul3A_5 : vector<1x32xf32> to vector<10000x32xf32>
    %sub3A_9 = arith.subf %get3A_8, %sub3A : vector<10000x32xf32>
    %get3A_10 = arith.constant 0 : index
    %get3A_11 = arith.constant 0 : index
    %get3A_12 = vector.load %arg4[%get3A_10, %get3A_11] : memref<8x32xf32, #tpu.memory_space<vmem>>, vector<1x32xf32>
    %mul3A_13 = arith.mulf %sub3A_9, %sub3A_9 : vector<10000x32xf32>
    %reduce_sum3A = arith.constant dense<0.000000e+00> : vector<32xf32>
    %reduce_sum3A_14 = vector.multi_reduction <add>, %mul3A_13, %reduce_sum3A [0] : vector<10000x32xf32> to vector<32xf32>
    %broadcast_in_dim3A = vector.shape_cast %reduce_sum3A_14 : vector<32xf32> to vector<1x32xf32>
    %add3A = arith.addf %get3A_12, %broadcast_in_dim3A : vector<1x32xf32>
    %swap3A = arith.constant 0 : index
    %swap3A_15 = arith.constant 0 : index
    %swap3A_16 = vector.load %arg4[%swap3A, %swap3A_15] : memref<8x32xf32, #tpu.memory_space<vmem>>, vector<1x32xf32>
    tpu.vector_store %arg4[%swap3A, %swap3A_15], %add3A {strides = array<i32>} : memref<8x32xf32, #tpu.memory_space<vmem>>, vector<1x32xf32>,
    %eq3A_17 = arith.constant 9 : i32
    %eq3A_18 = arith.cmpi eq, %arg0, %eq3A_17 : i32
    %convert_element_type3A_19 = arith.extui %eq3A_18 : i1 to i32
    %cond3A_20 = arith.constant 0 : i32
    %cond3A_21 = arith.cmpi ne, %convert_element_type3A_19, %cond3A_20 : i32
    scf.if %cond3A_21 {
      %get3A_22 = arith.constant 0 : index
      %get3A_23 = arith.constant 0 : index
      %get3A_24 = vector.load %arg4[%get3A_22, %get3A_23] : memref<8x32xf32, #tpu.memory_space<vmem>>, vector<8x32xf32>
      %swap3A_25 = arith.constant 0 : index
      %swap3A_26 = arith.constant 0 : index
      %swap3A_27 = vector.load %arg3[%swap3A_25, %swap3A_26] : memref<8x32xf32, #tpu.memory_space<vmem>>, vector<8x32xf32>
      tpu.vector_store %arg3[%swap3A_25, %swap3A_26], %get3A_24 {strides = array<i32>} : memref<8x32xf32, #tpu.memory_space<vmem>>, vector<8x32xf32>,
    } else {
    }
    return
  }
  func.func @transform_0(%arg0: i32) -> (i32, i32) {
    %c0_i32 = arith.constant 0 : i32
    %c0_i32_0 = arith.constant 0 : i32
    return %arg0, %c0_i32 : i32, i32
  }
  func.func @transform_1(%arg0: i32) -> (i32, i32) {
    %c0_i32 = arith.constant 0 : i32
    %c0_i32_0 = arith.constant 0 : i32
    %c0_i32_1 = arith.constant 0 : i32
    return %c0_i32, %c0_i32_0 : i32, i32
  }
  func.func @transform_2(%arg0: i32) -> (i32, i32) {
    %c0_i32 = arith.constant 0 : i32
    %c0_i32_0 = arith.constant 0 : i32
    %c0_i32_1 = arith.constant 0 : i32
    return %c0_i32, %c0_i32_0 : i32, i32
  }
}

module attributes {stable_mosaic.version = 14 : i64} {
  func.func @body(%arg0: i32, %arg1: memref<10000x32xf32, #tpu.memory_space<vmem>>, %arg2: memref<8x32xf32, #tpu.memory_space<vmem>>, %arg3: memref<8x32xf32, #tpu.memory_space<vmem>>, %arg4: memref<1x32xf32, #tpu.memory_space<vmem>>, %arg5: memref<1x32xf32, #tpu.memory_space<vmem>>, %arg6: memref<10000x32xf32, #tpu.memory_space<vmem>>) attributes {dimension_semantics = [#tpu.dimension_semantics<arbitrary>], iteration_bounds = array<i64: 10>, scalar_prefetch = 0 : i64, scratch_operands = 0 : i64, tpu.core_type = #tpu.core_type<tc>, window_params = [{transform_indices = @transform_0, window_bounds = array<i64: 10000, 32>}, {pipeline_mode = #tpu.pipeline_mode<synchronous>, transform_indices = @transform_1, window_bounds = array<i64: 8, 32>}, {pipeline_mode = #tpu.pipeline_mode<synchronous>, transform_indices = @transform_2, window_bounds = array<i64: 8, 32>}, {pipeline_mode = #tpu.pipeline_mode<synchronous>, transform_indices = @transform_3, window_bounds = array<i64: 1, 32>}, {pipeline_mode = #tpu.pipeline_mode<synchronous>, transform_indices = @transform_4, window_bounds = array<i64: 1, 32>}, {transform_indices = @transform_5, window_bounds = array<i64: 10000, 32>}]} {
    %get3A = arith.constant 0 : index
    %get3A_0 = arith.constant 0 : index
    %get3A_1 = vector.load %arg2[%get3A, %get3A_0] : memref<8x32xf32, #tpu.memory_space<vmem>>, vector<1x32xf32>
    %mul3A = arith.constant 9.99999974E-6 : f32
    %mul3A_2 = vector.broadcast %mul3A : f32 to vector<1x32xf32>
    %mul3A_3 = arith.mulf %get3A_1, %mul3A_2 : vector<1x32xf32>
    %get3A_4 = arith.constant 0 : index
    %get3A_5 = arith.constant 0 : index
    %get3A_6 = vector.load %arg3[%get3A_4, %get3A_5] : memref<8x32xf32, #tpu.memory_space<vmem>>, vector<1x32xf32>
    %mul3A_7 = arith.constant 9.99999974E-6 : f32
    %mul3A_8 = vector.broadcast %mul3A_7 : f32 to vector<1x32xf32>
    %mul3A_9 = arith.mulf %get3A_6, %mul3A_8 : vector<1x32xf32>
    %add3A = arith.constant 9.99999974E-6 : f32
    %add3A_10 = vector.broadcast %add3A : f32 to vector<1x32xf32>
    %add3A_11 = arith.addf %mul3A_9, %add3A_10 : vector<1x32xf32>
    %rsqrt3A = math.rsqrt %add3A_11 : vector<1x32xf32>
    %get3A_12 = arith.constant 0 : index
    %get3A_13 = arith.constant 0 : index
    %get3A_14 = vector.load %arg4[%get3A_12, %get3A_13] : memref<1x32xf32, #tpu.memory_space<vmem>>, vector<1x32xf32>
    %mul3A_15 = arith.mulf %rsqrt3A, %get3A_14 : vector<1x32xf32>
    %get3A_16 = arith.constant 0 : index
    %get3A_17 = arith.constant 0 : index
    %get3A_18 = vector.load %arg1[%get3A_16, %get3A_17] : memref<10000x32xf32, #tpu.memory_space<vmem>>, vector<10000x32xf32>
    %sub3A = vector.broadcast %mul3A_3 : vector<1x32xf32> to vector<10000x32xf32>
    %sub3A_19 = arith.subf %get3A_18, %sub3A : vector<10000x32xf32>
    %mul3A_20 = vector.broadcast %mul3A_15 : vector<1x32xf32> to vector<10000x32xf32>
    %mul3A_21 = arith.mulf %sub3A_19, %mul3A_20 : vector<10000x32xf32>
    %get3A_22 = arith.constant 0 : index
    %get3A_23 = arith.constant 0 : index
    %get3A_24 = vector.load %arg5[%get3A_22, %get3A_23] : memref<1x32xf32, #tpu.memory_space<vmem>>, vector<1x32xf32>
    %add3A_25 = vector.broadcast %get3A_24 : vector<1x32xf32> to vector<10000x32xf32>
    %add3A_26 = arith.addf %mul3A_21, %add3A_25 : vector<10000x32xf32>
    %swap3A = arith.constant 0 : index
    %swap3A_27 = arith.constant 0 : index
    %swap3A_28 = vector.load %arg6[%swap3A, %swap3A_27] : memref<10000x32xf32, #tpu.memory_space<vmem>>, vector<10000x32xf32>
    tpu.vector_store %arg6[%swap3A, %swap3A_27], %add3A_26 {strides = array<i32>} : memref<10000x32xf32, #tpu.memory_space<vmem>>, vector<10000x32xf32>,
    return
  }
  func.func @transform_0(%arg0: i32) -> (i32, i32) {
    %c0_i32 = arith.constant 0 : i32
    %c0_i32_0 = arith.constant 0 : i32
    return %arg0, %c0_i32 : i32, i32
  }
  func.func @transform_1(%arg0: i32) -> (i32, i32) {
    %c0_i32 = arith.constant 0 : i32
    %c0_i32_0 = arith.constant 0 : i32
    %c0_i32_1 = arith.constant 0 : i32
    return %c0_i32, %c0_i32_0 : i32, i32
  }
  func.func @transform_2(%arg0: i32) -> (i32, i32) {
    %c0_i32 = arith.constant 0 : i32
    %c0_i32_0 = arith.constant 0 : i32
    %c0_i32_1 = arith.constant 0 : i32
    return %c0_i32, %c0_i32_0 : i32, i32
  }
  func.func @transform_3(%arg0: i32) -> (i32, i32) {
    %c0_i32 = arith.constant 0 : i32
    %c0_i32_0 = arith.constant 0 : i32
    %c0_i32_1 = arith.constant 0 : i32
    return %c0_i32, %c0_i32_0 : i32, i32
  }
  func.func @transform_4(%arg0: i32) -> (i32, i32) {
    %c0_i32 = arith.constant 0 : i32
    %c0_i32_0 = arith.constant 0 : i32
    %c0_i32_1 = arith.constant 0 : i32
    return %c0_i32, %c0_i32_0 : i32, i32
  }
  func.func @transform_5(%arg0: i32) -> (i32, i32) {
    %c0_i32 = arith.constant 0 : i32
    %c0_i32_0 = arith.constant 0 : i32
    return %arg0, %c0_i32 : i32, i32
  }
}

module attributes {stable_mosaic.version = 14 : i64} {
  func.func @body(%arg0: i32, %arg1: memref<10000x32xf32, #tpu.memory_space<vmem>>, %arg2: memref<10000x32xf32, #tpu.memory_space<vmem>>, %arg3: memref<32x32xf32, #tpu.memory_space<vmem>>, %arg4: memref<1x32xf32, #tpu.memory_space<vmem>>, %arg5: memref<32x32xf32, #tpu.memory_space<vmem>>, %arg6: memref<1x32xf32, #tpu.memory_space<vmem>>, %arg7: memref<10000x32xf32, #tpu.memory_space<vmem>>, %arg8: memref<8x32xf32, #tpu.memory_space<vmem>>, %arg9: memref<8x32xf32, #tpu.memory_space<vmem>>) attributes {dimension_semantics = [#tpu.dimension_semantics<arbitrary>], iteration_bounds = array<i64: 10>, scalar_prefetch = 0 : i64, scratch_operands = 1 : i64, tpu.core_type = #tpu.core_type<tc>, window_params = [{transform_indices = @transform_0, window_bounds = array<i64: 10000, 32>}, {transform_indices = @transform_1, window_bounds = array<i64: 10000, 32>}, {pipeline_mode = #tpu.pipeline_mode<synchronous>, transform_indices = @transform_2, window_bounds = array<i64: 32, 32>}, {pipeline_mode = #tpu.pipeline_mode<synchronous>, transform_indices = @transform_3, window_bounds = array<i64: 1, 32>}, {pipeline_mode = #tpu.pipeline_mode<synchronous>, transform_indices = @transform_4, window_bounds = array<i64: 32, 32>}, {pipeline_mode = #tpu.pipeline_mode<synchronous>, transform_indices = @transform_5, window_bounds = array<i64: 1, 32>}, {transform_indices = @transform_6, window_bounds = array<i64: 10000, 32>}, {pipeline_mode = #tpu.pipeline_mode<synchronous>, transform_indices = @transform_7, window_bounds = array<i64: 8, 32>}]} {
    %eq3A = arith.constant 0 : i32
    %eq3A_0 = arith.cmpi eq, %arg0, %eq3A : i32
    %convert_element_type3A = arith.extui %eq3A_0 : i1 to i32
    %cond3A = arith.constant 0 : i32
    %cond3A_1 = arith.cmpi ne, %convert_element_type3A, %cond3A : i32
    scf.if %cond3A_1 {
      %broadcast_in_dim3A_56 = arith.constant 0.000000e+00 : f32
      %broadcast_in_dim3A_57 = vector.broadcast %broadcast_in_dim3A_56 : f32 to vector<8x32xf32>
      %swap3A_58 = arith.constant 0 : index
      %swap3A_59 = arith.constant 0 : index
      %swap3A_60 = vector.load %arg9[%swap3A_58, %swap3A_59] : memref<8x32xf32, #tpu.memory_space<vmem>>, vector<8x32xf32>
      tpu.vector_store %arg9[%swap3A_58, %swap3A_59], %broadcast_in_dim3A_57 {strides = array<i32>} : memref<8x32xf32, #tpu.memory_space<vmem>>, vector<8x32xf32>,
    } else {
    }
    %get3A = arith.constant 0 : index
    %get3A_2 = arith.constant 0 : index
    %get3A_3 = vector.load %arg1[%get3A, %get3A_2] : memref<10000x32xf32, #tpu.memory_space<vmem>>, vector<10000x32xf32>
    %get3A_4 = arith.constant 0 : index
    %get3A_5 = arith.constant 0 : index
    %get3A_6 = vector.load %arg2[%get3A_4, %get3A_5] : memref<10000x32xf32, #tpu.memory_space<vmem>>, vector<10000x32xf32>
    %add3A = arith.addf %get3A_3, %get3A_6 : vector<10000x32xf32>
    %get3A_7 = arith.constant 0 : index
    %get3A_8 = arith.constant 0 : index
    %get3A_9 = vector.load %arg3[%get3A_7, %get3A_8] : memref<32x32xf32, #tpu.memory_space<vmem>>, vector<32x32xf32>
    %dot_general3A = arith.constant dense<0.000000e+00> : vector<10000x32xf32>
    %dot_general3A_10 = tpu.matmul %add3A, %get3A_9, %dot_general3A {dimension_numbers = #tpu.dot_dimension_numbers<[1], [0], [0], [1], [0, 0, 1, 1], [], []>, transpose_lhs_hint = false} : vector<10000x32xf32>, vector<32x32xf32>, vector<10000x32xf32> -> vector<10000x32xf32>
    %get3A_11 = arith.constant 0 : index
    %get3A_12 = arith.constant 0 : index
    %get3A_13 = vector.load %arg4[%get3A_11, %get3A_12] : memref<1x32xf32, #tpu.memory_space<vmem>>, vector<1x32xf32>
    %add3A_14 = vector.broadcast %get3A_13 : vector<1x32xf32> to vector<10000x32xf32>
    %add3A_15 = arith.addf %dot_general3A_10, %add3A_14 : vector<10000x32xf32>
    %max3A = arith.constant 0.000000e+00 : f32
    %max3A_16 = vector.broadcast %max3A : f32 to vector<10000x32xf32>
    %max3A_17 = arith.maximumf %add3A_15, %max3A_16 : vector<10000x32xf32>
    %get3A_18 = arith.constant 0 : index
    %get3A_19 = arith.constant 0 : index
    %get3A_20 = vector.load %arg5[%get3A_18, %get3A_19] : memref<32x32xf32, #tpu.memory_space<vmem>>, vector<32x32xf32>
    %dot_general3A_21 = arith.constant dense<0.000000e+00> : vector<10000x32xf32>
    %dot_general3A_22 = tpu.matmul %max3A_17, %get3A_20, %dot_general3A_21 {dimension_numbers = #tpu.dot_dimension_numbers<[1], [0], [0], [1], [0, 0, 1, 1], [], []>, transpose_lhs_hint = false} : vector<10000x32xf32>, vector<32x32xf32>, vector<10000x32xf32> -> vector<10000x32xf32>
    %get3A_23 = arith.constant 0 : index
    %get3A_24 = arith.constant 0 : index
    %get3A_25 = vector.load %arg6[%get3A_23, %get3A_24] : memref<1x32xf32, #tpu.memory_space<vmem>>, vector<1x32xf32>
    %add3A_26 = vector.broadcast %get3A_25 : vector<1x32xf32> to vector<10000x32xf32>
    %add3A_27 = arith.addf %dot_general3A_22, %add3A_26 : vector<10000x32xf32>
    %max3A_28 = arith.constant 0.000000e+00 : f32
    %max3A_29 = vector.broadcast %max3A_28 : f32 to vector<10000x32xf32>
    %max3A_30 = arith.maximumf %add3A_27, %max3A_29 : vector<10000x32xf32>
    %swap3A = arith.constant 0 : index
    %swap3A_31 = arith.constant 0 : index
    %swap3A_32 = vector.load %arg7[%swap3A, %swap3A_31] : memref<10000x32xf32, #tpu.memory_space<vmem>>, vector<10000x32xf32>
    tpu.vector_store %arg7[%swap3A, %swap3A_31], %max3A_30 {strides = array<i32>} : memref<10000x32xf32, #tpu.memory_space<vmem>>, vector<10000x32xf32>,
    %get3A_33 = arith.constant 0 : index
    %get3A_34 = arith.constant 0 : index
    %get3A_35 = vector.load %arg9[%get3A_33, %get3A_34] : memref<8x32xf32, #tpu.memory_space<vmem>>, vector<1x32xf32>
    %reduce_sum3A = arith.constant dense<0.000000e+00> : vector<32xf32>
    %reduce_sum3A_36 = vector.multi_reduction <add>, %max3A_30, %reduce_sum3A [0] : vector<10000x32xf32> to vector<32xf32>
    %broadcast_in_dim3A = vector.shape_cast %reduce_sum3A_36 : vector<32xf32> to vector<1x32xf32>
    %add3A_37 = arith.addf %get3A_35, %broadcast_in_dim3A : vector<1x32xf32>
    %swap3A_38 = arith.constant 0 : index
    %swap3A_39 = arith.constant 0 : index
    %swap3A_40 = vector.load %arg9[%swap3A_38, %swap3A_39] : memref<8x32xf32, #tpu.memory_space<vmem>>, vector<1x32xf32>
    tpu.vector_store %arg9[%swap3A_38, %swap3A_39], %add3A_37 {strides = array<i32>} : memref<8x32xf32, #tpu.memory_space<vmem>>, vector<1x32xf32>,
    %get3A_41 = arith.constant 1 : index
    %get3A_42 = arith.constant 0 : index
    %get3A_43 = vector.load %arg9[%get3A_41, %get3A_42] : memref<8x32xf32, #tpu.memory_space<vmem>>, vector<1x32xf32>
    %mul3A = arith.mulf %max3A_30, %max3A_30 : vector<10000x32xf32>
    %reduce_sum3A_44 = arith.constant dense<0.000000e+00> : vector<32xf32>
    %reduce_sum3A_45 = vector.multi_reduction <add>, %mul3A, %reduce_sum3A_44 [0] : vector<10000x32xf32> to vector<32xf32>
    %broadcast_in_dim3A_46 = vector.shape_cast %reduce_sum3A_45 : vector<32xf32> to vector<1x32xf32>
    %add3A_47 = arith.addf %get3A_43, %broadcast_in_dim3A_46 : vector<1x32xf32>
    %swap3A_48 = arith.constant 1 : index
    %swap3A_49 = arith.constant 0 : index
    %swap3A_50 = vector.load %arg9[%swap3A_48, %swap3A_49] : memref<8x32xf32, #tpu.memory_space<vmem>>, vector<1x32xf32>
    tpu.vector_store %arg9[%swap3A_48, %swap3A_49], %add3A_47 {strides = array<i32>} : memref<8x32xf32, #tpu.memory_space<vmem>>, vector<1x32xf32>,
    %eq3A_51 = arith.constant 9 : i32
    %eq3A_52 = arith.cmpi eq, %arg0, %eq3A_51 : i32
    %convert_element_type3A_53 = arith.extui %eq3A_52 : i1 to i32
    %cond3A_54 = arith.constant 0 : i32
    %cond3A_55 = arith.cmpi ne, %convert_element_type3A_53, %cond3A_54 : i32
    scf.if %cond3A_55 {
      %get3A_56 = arith.constant 0 : index
      %get3A_57 = arith.constant 0 : index
      %get3A_58 = vector.load %arg9[%get3A_56, %get3A_57] : memref<8x32xf32, #tpu.memory_space<vmem>>, vector<8x32xf32>
      %swap3A_59 = arith.constant 0 : index
      %swap3A_60 = arith.constant 0 : index
      %swap3A_61 = vector.load %arg8[%swap3A_59, %swap3A_60] : memref<8x32xf32, #tpu.memory_space<vmem>>, vector<8x32xf32>
      tpu.vector_store %arg8[%swap3A_59, %swap3A_60], %get3A_58 {strides = array<i32>} : memref<8x32xf32, #tpu.memory_space<vmem>>, vector<8x32xf32>,
    } else {
    }
    return
  }
  func.func @transform_0(%arg0: i32) -> (i32, i32) {
    %c0_i32 = arith.constant 0 : i32
    %c0_i32_0 = arith.constant 0 : i32
    return %arg0, %c0_i32 : i32, i32
  }
  func.func @transform_1(%arg0: i32) -> (i32, i32) {
    %c0_i32 = arith.constant 0 : i32
    %c0_i32_0 = arith.constant 0 : i32
    return %arg0, %c0_i32 : i32, i32
  }
  func.func @transform_2(%arg0: i32) -> (i32, i32) {
    %c0_i32 = arith.constant 0 : i32
    %c0_i32_0 = arith.constant 0 : i32
    %c0_i32_1 = arith.constant 0 : i32
    return %c0_i32, %c0_i32_0 : i32, i32
  }
  func.func @transform_3(%arg0: i32) -> (i32, i32) {
    %c0_i32 = arith.constant 0 : i32
    %c0_i32_0 = arith.constant 0 : i32
    %c0_i32_1 = arith.constant 0 : i32
    return %c0_i32, %c0_i32_0 : i32, i32
  }
  func.func @transform_4(%arg0: i32) -> (i32, i32) {
    %c0_i32 = arith.constant 0 : i32
    %c0_i32_0 = arith.constant 0 : i32
    %c0_i32_1 = arith.constant 0 : i32
    return %c0_i32, %c0_i32_0 : i32, i32
  }
  func.func @transform_5(%arg0: i32) -> (i32, i32) {
    %c0_i32 = arith.constant 0 : i32
    %c0_i32_0 = arith.constant 0 : i32
    %c0_i32_1 = arith.constant 0 : i32
    return %c0_i32, %c0_i32_0 : i32, i32
  }
  func.func @transform_6(%arg0: i32) -> (i32, i32) {
    %c0_i32 = arith.constant 0 : i32
    %c0_i32_0 = arith.constant 0 : i32
    return %arg0, %c0_i32 : i32, i32
  }
  func.func @transform_7(%arg0: i32) -> (i32, i32) {
    %c0_i32 = arith.constant 0 : i32
    %c0_i32_0 = arith.constant 0 : i32
    %c0_i32_1 = arith.constant 0 : i32
    return %c0_i32, %c0_i32_0 : i32, i32
  }
}

module attributes {stable_mosaic.version = 14 : i64} {
  func.func @body(%arg0: i32, %arg1: memref<10000x32xf32, #tpu.memory_space<vmem>>, %arg2: memref<8x32xf32, #tpu.memory_space<vmem>>, %arg3: memref<8x32xf32, #tpu.memory_space<vmem>>, %arg4: memref<1x32xf32, #tpu.memory_space<vmem>>, %arg5: memref<1x32xf32, #tpu.memory_space<vmem>>, %arg6: memref<32x32xf32, #tpu.memory_space<vmem>>, %arg7: memref<1x32xf32, #tpu.memory_space<vmem>>, %arg8: memref<32x2xf32, #tpu.memory_space<vmem>>, %arg9: memref<1x2xf32, #tpu.memory_space<vmem>>, %arg10: memref<10000x2xf32, #tpu.memory_space<vmem>>) attributes {dimension_semantics = [#tpu.dimension_semantics<arbitrary>], iteration_bounds = array<i64: 10>, scalar_prefetch = 0 : i64, scratch_operands = 0 : i64, tpu.core_type = #tpu.core_type<tc>, window_params = [{transform_indices = @transform_0, window_bounds = array<i64: 10000, 32>}, {pipeline_mode = #tpu.pipeline_mode<synchronous>, transform_indices = @transform_1, window_bounds = array<i64: 8, 32>}, {pipeline_mode = #tpu.pipeline_mode<synchronous>, transform_indices = @transform_2, window_bounds = array<i64: 8, 32>}, {pipeline_mode = #tpu.pipeline_mode<synchronous>, transform_indices = @transform_3, window_bounds = array<i64: 1, 32>}, {pipeline_mode = #tpu.pipeline_mode<synchronous>, transform_indices = @transform_4, window_bounds = array<i64: 1, 32>}, {pipeline_mode = #tpu.pipeline_mode<synchronous>, transform_indices = @transform_5, window_bounds = array<i64: 32, 32>}, {pipeline_mode = #tpu.pipeline_mode<synchronous>, transform_indices = @transform_6, window_bounds = array<i64: 1, 32>}, {pipeline_mode = #tpu.pipeline_mode<synchronous>, transform_indices = @transform_7, window_bounds = array<i64: 32, 2>}, {pipeline_mode = #tpu.pipeline_mode<synchronous>, transform_indices = @transform_8, window_bounds = array<i64: 1, 2>}, {transform_indices = @transform_9, window_bounds = array<i64: 10000, 2>}]} {
    %get3A = arith.constant 0 : index
    %get3A_0 = arith.constant 0 : index
    %get3A_1 = vector.load %arg2[%get3A, %get3A_0] : memref<8x32xf32, #tpu.memory_space<vmem>>, vector<1x32xf32>
    %mul3A = arith.constant 9.99999974E-6 : f32
    %mul3A_2 = vector.broadcast %mul3A : f32 to vector<1x32xf32>
    %mul3A_3 = arith.mulf %get3A_1, %mul3A_2 : vector<1x32xf32>
    %get3A_4 = arith.constant 0 : index
    %get3A_5 = arith.constant 0 : index
    %get3A_6 = vector.load %arg3[%get3A_4, %get3A_5] : memref<8x32xf32, #tpu.memory_space<vmem>>, vector<1x32xf32>
    %mul3A_7 = arith.constant 9.99999974E-6 : f32
    %mul3A_8 = vector.broadcast %mul3A_7 : f32 to vector<1x32xf32>
    %mul3A_9 = arith.mulf %get3A_6, %mul3A_8 : vector<1x32xf32>
    %add3A = arith.constant 9.99999974E-6 : f32
    %add3A_10 = vector.broadcast %add3A : f32 to vector<1x32xf32>
    %add3A_11 = arith.addf %mul3A_9, %add3A_10 : vector<1x32xf32>
    %rsqrt3A = math.rsqrt %add3A_11 : vector<1x32xf32>
    %get3A_12 = arith.constant 0 : index
    %get3A_13 = arith.constant 0 : index
    %get3A_14 = vector.load %arg4[%get3A_12, %get3A_13] : memref<1x32xf32, #tpu.memory_space<vmem>>, vector<1x32xf32>
    %mul3A_15 = arith.mulf %rsqrt3A, %get3A_14 : vector<1x32xf32>
    %get3A_16 = arith.constant 0 : index
    %get3A_17 = arith.constant 0 : index
    %get3A_18 = vector.load %arg1[%get3A_16, %get3A_17] : memref<10000x32xf32, #tpu.memory_space<vmem>>, vector<10000x32xf32>
    %sub3A = vector.broadcast %mul3A_3 : vector<1x32xf32> to vector<10000x32xf32>
    %sub3A_19 = arith.subf %get3A_18, %sub3A : vector<10000x32xf32>
    %mul3A_20 = vector.broadcast %mul3A_15 : vector<1x32xf32> to vector<10000x32xf32>
    %mul3A_21 = arith.mulf %sub3A_19, %mul3A_20 : vector<10000x32xf32>
    %get3A_22 = arith.constant 0 : index
    %get3A_23 = arith.constant 0 : index
    %get3A_24 = vector.load %arg5[%get3A_22, %get3A_23] : memref<1x32xf32, #tpu.memory_space<vmem>>, vector<1x32xf32>
    %add3A_25 = vector.broadcast %get3A_24 : vector<1x32xf32> to vector<10000x32xf32>
    %add3A_26 = arith.addf %mul3A_21, %add3A_25 : vector<10000x32xf32>
    %get3A_27 = arith.constant 0 : index
    %get3A_28 = arith.constant 0 : index
    %get3A_29 = vector.load %arg6[%get3A_27, %get3A_28] : memref<32x32xf32, #tpu.memory_space<vmem>>, vector<32x32xf32>
    %dot_general3A = arith.constant dense<0.000000e+00> : vector<10000x32xf32>
    %dot_general3A_30 = tpu.matmul %add3A_26, %get3A_29, %dot_general3A {dimension_numbers = #tpu.dot_dimension_numbers<[1], [0], [0], [1], [0, 0, 1, 1], [], []>, transpose_lhs_hint = false} : vector<10000x32xf32>, vector<32x32xf32>, vector<10000x32xf32> -> vector<10000x32xf32>
    %get3A_31 = arith.constant 0 : index
    %get3A_32 = arith.constant 0 : index
    %get3A_33 = vector.load %arg7[%get3A_31, %get3A_32] : memref<1x32xf32, #tpu.memory_space<vmem>>, vector<1x32xf32>
    %add3A_34 = vector.broadcast %get3A_33 : vector<1x32xf32> to vector<10000x32xf32>
    %add3A_35 = arith.addf %dot_general3A_30, %add3A_34 : vector<10000x32xf32>
    %max3A = arith.constant 0.000000e+00 : f32
    %max3A_36 = vector.broadcast %max3A : f32 to vector<10000x32xf32>
    %max3A_37 = arith.maximumf %add3A_35, %max3A_36 : vector<10000x32xf32>
    %get3A_38 = arith.constant 0 : index
    %get3A_39 = arith.constant 0 : index
    %get3A_40 = vector.load %arg8[%get3A_38, %get3A_39] : memref<32x2xf32, #tpu.memory_space<vmem>>, vector<32x2xf32>
    %dot_general3A_41 = arith.constant dense<0.000000e+00> : vector<10000x2xf32>
    %dot_general3A_42 = tpu.matmul %max3A_37, %get3A_40, %dot_general3A_41 {dimension_numbers = #tpu.dot_dimension_numbers<[1], [0], [0], [1], [0, 0, 1, 1], [], []>, transpose_lhs_hint = false} : vector<10000x32xf32>, vector<32x2xf32>, vector<10000x2xf32> -> vector<10000x2xf32>
    %get3A_43 = arith.constant 0 : index
    %get3A_44 = arith.constant 0 : index
    %get3A_45 = vector.load %arg9[%get3A_43, %get3A_44] : memref<1x2xf32, #tpu.memory_space<vmem>>, vector<1x2xf32>
    %add3A_46 = vector.broadcast %get3A_45 : vector<1x2xf32> to vector<10000x2xf32>
    %add3A_47 = arith.addf %dot_general3A_42, %add3A_46 : vector<10000x2xf32>
    %reduce_max3A = arith.constant dense<0xFF800000> : vector<10000xf32>
    %reduce_max3A_48 = vector.multi_reduction <maximumf>, %add3A_47, %reduce_max3A [1] : vector<10000x2xf32> to vector<10000xf32>
    %broadcast_in_dim3A = vector.shape_cast %reduce_max3A_48 : vector<10000xf32> to vector<10000x1xf32>
    %sub3A_49 = vector.broadcast %broadcast_in_dim3A : vector<10000x1xf32> to vector<10000x2xf32>
    %sub3A_50 = arith.subf %add3A_47, %sub3A_49 : vector<10000x2xf32>
    %exp3A = math.exp %sub3A_50 : vector<10000x2xf32>
    %reduce_sum3A = arith.constant dense<0.000000e+00> : vector<10000xf32>
    %reduce_sum3A_51 = vector.multi_reduction <add>, %exp3A, %reduce_sum3A [1] : vector<10000x2xf32> to vector<10000xf32>
    %broadcast_in_dim3A_52 = vector.shape_cast %reduce_sum3A_51 : vector<10000xf32> to vector<10000x1xf32>
    %log3A = math.log %broadcast_in_dim3A_52 : vector<10000x1xf32>
    %add3A_53 = arith.addf %broadcast_in_dim3A, %log3A : vector<10000x1xf32>
    %sub3A_54 = vector.broadcast %add3A_53 : vector<10000x1xf32> to vector<10000x2xf32>
    %sub3A_55 = arith.subf %add3A_47, %sub3A_54 : vector<10000x2xf32>
    %swap3A = arith.constant 0 : index
    %swap3A_56 = arith.constant 0 : index
    %swap3A_57 = vector.load %arg10[%swap3A, %swap3A_56] : memref<10000x2xf32, #tpu.memory_space<vmem>>, vector<10000x2xf32>
    tpu.vector_store %arg10[%swap3A, %swap3A_56], %sub3A_55 {strides = array<i32>} : memref<10000x2xf32, #tpu.memory_space<vmem>>, vector<10000x2xf32>,
    return
  }
  func.func @transform_0(%arg0: i32) -> (i32, i32) {
    %c0_i32 = arith.constant 0 : i32
    %c0_i32_0 = arith.constant 0 : i32
    return %arg0, %c0_i32 : i32, i32
  }
  func.func @transform_1(%arg0: i32) -> (i32, i32) {
    %c0_i32 = arith.constant 0 : i32
    %c0_i32_0 = arith.constant 0 : i32
    %c0_i32_1 = arith.constant 0 : i32
    return %c0_i32, %c0_i32_0 : i32, i32
  }
  func.func @transform_2(%arg0: i32) -> (i32, i32) {
    %c0_i32 = arith.constant 0 : i32
    %c0_i32_0 = arith.constant 0 : i32
    %c0_i32_1 = arith.constant 0 : i32
    return %c0_i32, %c0_i32_0 : i32, i32
  }
  func.func @transform_3(%arg0: i32) -> (i32, i32) {
    %c0_i32 = arith.constant 0 : i32
    %c0_i32_0 = arith.constant 0 : i32
    %c0_i32_1 = arith.constant 0 : i32
    return %c0_i32, %c0_i32_0 : i32, i32
  }
  func.func @transform_4(%arg0: i32) -> (i32, i32) {
    %c0_i32 = arith.constant 0 : i32
    %c0_i32_0 = arith.constant 0 : i32
    %c0_i32_1 = arith.constant 0 : i32
    return %c0_i32, %c0_i32_0 : i32, i32
  }
  func.func @transform_5(%arg0: i32) -> (i32, i32) {
    %c0_i32 = arith.constant 0 : i32
    %c0_i32_0 = arith.constant 0 : i32
    %c0_i32_1 = arith.constant 0 : i32
    return %c0_i32, %c0_i32_0 : i32, i32
  }
  func.func @transform_6(%arg0: i32) -> (i32, i32) {
    %c0_i32 = arith.constant 0 : i32
    %c0_i32_0 = arith.constant 0 : i32
    %c0_i32_1 = arith.constant 0 : i32
    return %c0_i32, %c0_i32_0 : i32, i32
  }
  func.func @transform_7(%arg0: i32) -> (i32, i32) {
    %c0_i32 = arith.constant 0 : i32
    %c0_i32_0 = arith.constant 0 : i32
    %c0_i32_1 = arith.constant 0 : i32
    return %c0_i32, %c0_i32_0 : i32, i32
  }
  func.func @transform_8(%arg0: i32) -> (i32, i32) {
    %c0_i32 = arith.constant 0 : i32
    %c0_i32_0 = arith.constant 0 : i32
    %c0_i32_1 = arith.constant 0 : i32
    return %c0_i32, %c0_i32_0 : i32, i32
  }
  func.func @transform_9(%arg0: i32) -> (i32, i32) {
    %c0_i32 = arith.constant 0 : i32
    %c0_i32_0 = arith.constant 0 : i32
    return %arg0, %c0_i32 : i32, i32
  }
}

</mosaic_0001>

<sc_bundles>
// kernel: kernel.23.cloned.1.call-start
scs
__scs_entry_jumppad:
0x0: {  	(pc) =	sbr.rel $0x88, $3  }
0x1: {  	(tag) =	ssettag $0x0;
	lr =	simm.s32 $0x1  }
0x2: {  	[smem:$0x3F7D] =	sst lr;
	_ =	strace $0xD0000000  }
0x3: {  	_ = 	snop  }
0x4: {  	_ = 	snop  }
0x5: {  	_ = 	snop  }
0x6: {  	_ = 	snop  }
0x7: {  	_ = 	snop  }
__scs_overlays_trampoline_lowered:
0x8: {  	[smem:$0x3F8C] =	sst s0  }
0x9: {  	[smem:$0x3F8D] =	sst s1  }
0xa: {  	[smem:$0x3F8E] =	sst s2  }
0xb: {  	[smem:$0x3F8F] =	sst s3  }
0xc: {  	[smem:$0x3F90] =	sst s4  }
0xd: {  	[smem:$0x3F91] =	sst s5  }
0xe: {  	[smem:$0x3F92] =	sst s6  }
0xf: {  	[smem:$0x3F93] =	sst s7  }
0x10: {  	[smem:$0x3F94] =	sst s8  }
0x11: {  	[smem:$0x3F95] =	sst s9;
	s0 =	simm.s32 @!p0 $0x0  }
0x12: {  	s1 =	sld [smem:$0x3F7B];
	s0 =	simm.s32 @p0 $0x1  }
0x13: {  	[smem:$0x3F96] =	sst s0;
	s0 =	simm.s32 @!p1 $0x0  }
0x14: {  	s2 =	sld [smem:$0x3F7A];
	s0 =	simm.s32 @p1 $0x1  }
0x15: {  	[smem:$0x3F97] =	sst s0;
	s0 =	simm.s32 @!p2 $0x0  }
0x16: {  	s3 =	sld [smem:$0x3FDB];
	s0 =	simm.s32 @p2 $0x1  }
0x17: {  	s4 =	simm.s32 $0x1BF5;
	[smem:$0x3F99] =	sst s0  }
0x18: {  	s0 =	sld [smem:$0x3F7C];
	_ =	swait.ge [sflag:s4], $0x0  }
0x19: {  	s7 =	sld [smem:$0x3F7D]  }
0x1a: {  	s8 =	sadd.s32 $0xFFFFE003, lr  }
0x1b: {  	s9 =	sadd.s32 $0xFFFFFEF7, lr;
	s5 =	simm.s32 $0xFFFFFFFF;
	p2 =	slt.u32 s8, $0xFFFFF086  }
0x1c: {  	p1 =	slt.u32 s9, $0xF7A;
	s5 =	simm.s32 @!p2 $0x0  }
0x1d: {  	s5 =	simm.s32 @p1 $0x1;
	p0 =	seq.s32 s7, s2  }
0x1e: {  	s7 =	smul.u32 @!p0 $0xF7A, s2;
	p2 =	seq.s32 @!p0 s5, $0x0  }
0x1f: {  	s9 =	smul.u32 $0xF7A, s1;
	s8 =	simm.s32 @!p0 $0x1BF5;
	p2 =	por !p2, p0  }
0x20: {  	[sflag:s8] =	ssyncset.s32 @!p0 $0xFFFFF086;
	s6 =	sadd.s32 @!p0 s3, s7;
	s7 =	simm.s32 @!p0 $0x108  }
0x21: {  	s3 =	sadd.s32 s3, s9;
	s6 =	sadd.s32 @!p0 $0x88, s6;
	s7 =	simm.s32 @p2 $0x1082  }
0x22: {  	[simem:s7], [sflag:s8] =	dma.local @!p0 [hbm:s6], $0xF7A  }
0x23: {  	s9 =	sor.u32 $0xD0000000, s2;
	s6 =	simm.s32 $0x108;
	_ =	swait.ge @!p0 [sflag:s8], $0x0  }
0x24: {  	s3 =	sadd.s32 $0x88, s3;
	s6 =	simm.s32 @!p1 $0x1082;
	[sflag:s4] =	ssyncset.s32 $0xFFFFF086  }
0x25: {  	[simem:s6], [sflag:s4] =	dma.local [hbm:s3], $0xF7A  }
0x26: {  	[smem:$0x3F7D] =	sst s1;
	(tag) =	ssettag s2;
	_ =	strace s9  }
0x27: {  	s1 =	sld [smem:$0x3F8D]  }
0x28: {  	s2 =	sld [smem:$0x3F8E]  }
0x29: {  	s4 =	sld [smem:$0x3F90]  }
0x2a: {  	p0 =	seq.s32 s5, $0x0;
	s5 =	sld [smem:$0x3F91]  }
0x2b: {  	s6 =	sld [smem:$0x3F92]  }
0x2c: {  	s7 =	sld [smem:$0x3F93]  }
0x2d: {  	s3 =	simm.s32 $0x108;
	s8 =	sld [smem:$0x3F94]  }
0x2e: {  	s3 =	simm.s32 @!p0 $0x1082;
	s9 =	sld [smem:$0x3F95]  }
0x2f: {  	lr =	sadd.s32 s0, s3;
	s0 =	sld [smem:$0x3F8C]  }
0x30: {  	s3 =	sld [smem:$0x3F8F]  }
0x31: {  	[smem:$0x3F98] =	sst s10  }
0x32: {  	s10 =	sld [smem:$0x3F96];
	_ =	sdelay $0x3  }
0x33: {  	p0 =	seq.s32 s10, $0x1;
	s10 =	sld [smem:$0x3F98];
	_ =	sdelay $0x3  }
0x34: {  	[smem:$0x3F98] =	sst s10  }
0x35: {  	s10 =	sld [smem:$0x3F97];
	_ =	sdelay $0x3  }
0x36: {  	p1 =	seq.s32 s10, $0x1;
	s10 =	sld [smem:$0x3F98];
	_ =	sdelay $0x3  }
0x37: {  	[smem:$0x3F98] =	sst s10  }
0x38: {  	s10 =	sld [smem:$0x3F99]  }
0x39: {  	_ = 	snop;
	(pc) =	sbr.ind lr, $3  }
0x3a: {  	_ = 	snop  }
0x3b: {  	_ = 	snop  }
0x3c: {  	p2 =	seq.s32 s10, $0x1;
	s10 =	sld [smem:$0x3F98]  }
0x3d: {  	_ =	shalt  }
0x3e: {  	_ =	shalt  }
0x3f: {  	_ =	shalt  }
0x40: {  	_ =	shalt  }
0x41: {  	_ =	shalt  }
0x42: {  	_ =	shalt  }
0x43: {  	_ =	shalt  }
0x44: {  	_ =	shalt  }
0x45: {  	_ =	shalt  }
0x46: {  	_ =	shalt  }
0x47: {  	_ =	shalt  }
0x48: {  	_ =	shalt  }
0x49: {  	_ =	shalt  }
0x4a: {  	_ =	shalt  }
0x4b: {  	_ =	shalt  }
0x4c: {  	_ =	shalt  }
0x4d: {  	_ =	shalt  }
0x4e: {  	_ =	shalt  }
0x4f: {  	_ =	shalt  }
0x50: {  	_ =	shalt  }
0x51: {  	_ =	shalt  }
0x52: {  	_ =	shalt  }
0x53: {  	_ =	shalt  }
0x54: {  	_ =	shalt  }
0x55: {  	_ =	shalt  }
0x56: {  	_ =	shalt  }
0x57: {  	_ =	shalt  }
0x58: {  	_ =	shalt  }
0x59: {  	_ =	shalt  }
0x5a: {  	_ =	shalt  }
0x5b: {  	_ =	shalt  }
0x5c: {  	_ =	shalt  }
0x5d: {  	_ =	shalt  }
0x5e: {  	_ =	shalt  }
0x5f: {  	_ =	shalt  }
0x60: {  	_ =	shalt  }
0x61: {  	_ =	shalt  }
0x62: {  	_ =	shalt  }
0x63: {  	_ =	shalt  }
0x64: {  	_ =	shalt  }
0x65: {  	_ =	shalt  }
0x66: {  	_ =	shalt  }
0x67: {  	_ =	shalt  }
0x68: {  	_ =	shalt  }
0x69: {  	_ =	shalt  }
0x6a: {  	_ =	shalt  }
0x6b: {  	_ =	shalt  }
0x6c: {  	_ =	shalt  }
0x6d: {  	_ =	shalt  }
0x6e: {  	_ =	shalt  }
0x6f: {  	_ =	shalt  }
0x70: {  	_ =	shalt  }
0x71: {  	_ =	shalt  }
0x72: {  	_ =	shalt  }
0x73: {  	_ =	shalt  }
0x74: {  	_ =	shalt  }
0x75: {  	_ =	shalt  }
0x76: {  	_ =	shalt  }
0x77: {  	_ =	shalt  }
0x78: {  	_ =	shalt  }
0x79: {  	_ =	shalt  }
0x7a: {  	_ =	shalt  }
0x7b: {  	_ =	shalt  }
0x7c: {  	_ =	shalt  }
0x7d: {  	_ =	shalt  }
0x7e: {  	_ =	shalt  }
0x7f: {  	_ =	shalt  }
0x80: {  	_ =	shalt  }
0x81: {  	_ =	shalt  }
0x82: {  	_ =	shalt  }
0x83: {  	_ =	shalt  }
0x84: {  	_ =	shalt  }
0x85: {  	_ =	shalt  }
0x86: {  	_ =	shalt  }
0x87: {  	_ =	shalt  }
.Lfunc_end0:
.L_simem_size_0:
called_computation_lowered:
.L_overlay_start_0:
0x88: {  	s2 =	sld [smem:$0x3FD9]  }
0x89: {  	s3 =	sld [smem:$0x3FFE];
	_ =	sdelay $0x1  }
0x8a: {  	s1 =	srdreg.scid  }
0x8b: {  	s0 =	sand.u32 $0x1, s1  }
0x8c: {  	s16 =	sshll.u32 s0, $0xA;
	s2 =	sadd.s32 s3, s2  }
0x8d: {  	s2 =	sadd.s32 s2, s16  }
0x8e: {  	[smem:$0x3FA4] =	sst s2  }
0x8f: {  	_ = 	snop  }
0x90: {  	(tm) =	ssettm $0x1  }
0x91: {  	s17 =	sld [smem:$0x3FFB];
	_ =	sdelay $0x3  }
0x92: {  	_ =	strace s17  }
0x93: {  	s2 =	sld [smem:$0x3FFC];
	_ =	sdelay $0x3  }
0x94: {  	_ =	strace s2  }
0x95: {  	s2 =	sld [smem:$0x3FFD];
	_ =	sdelay $0x3  }
0x96: {  	_ =	strace s2  }
0x97: {  	_ =	strace $0x8FFFFFFF  }
0x98: {  	s18 =	sld [smem:$0x3FDB];
	_ =	sdelay $0x1  }
0x99: {  	s19 =	simm.s32 $_scs_section_size  }
0x9a: {  	s4 =	simm.s32 $_size__tile_overlayer_lowered;
	s5 =	simm.s32 $_tile_overlayer_lowered  }
0x9b: {  	s22 =	simm.s32 $0x1BFF;
	s21 =	sshll.u32 s5, $0x1;
	s2 =	sadd.s32 s19, s18  }
0x9c: {  	s6 =	simm.s32 $0x0;
	s20 =	sshll.u32 s4, $0x1;
	s4 =	sadd.s32 s21, s2  }
0x9d: {  	[timem:s6], [sflag:s22] =	dma.local [hbm:s4], s20  }
0x9e: {  	_ =	swait.ge [sflag:s22], s20  }
0x9f: {  	s3 =	ssub.s32 $0x0, s20;
	[sflag:s22] =	ssyncset.done $0x0  }
0xa0: {  	[sflag:s22] =	ssyncadd.s32 s3;
	_ =	sdelay $0x1  }
0xa1: {  	s23 =	simm.s32 $0x1B8B  }
0xa2: {  	_ =	swait.ge [sflag:s23], $0x1  }
0xa3: {  	[sflag:s23] =	ssyncset.done $0x0  }
0xa4: {  	s25 =	simm.s32 $0x1B8E;
	s24 =	sld [smem:$0x3FFE];
	[sflag:s23] =	ssyncadd.s32 $0xFFFFFFFF  }
0xa5: {  	s26 =	simm.s32 $execute0_lowered;
	[smem:$0x3FD2] =	sst s25  }
0xa6: {  	s4 =	sshll.u32 s26, $0x1;
	_ =	strace $0x80000046;
	[dreg:$0x1] =	wrdreg $0xFFFFFFFF  }
0xa7: {  	s28 =	simm.s32 $_size_execute0_lowered;
	s2 =	sadd.s32 s2, s4;
	[dreg:$0x0] =	wrdreg $0x0  }
0xa8: {  	s4 =	sshll.u32 s28, $0x1;
	[dreg:$0x2] =	wrdreg s2  }
0xa9: {  	[dreg:$0x3] =	wrdreg s4  }
0xaa: {  	[dreg:$0x4] =	wrdreg $0xC0  }
0xab: {  	_ =	task [dreg:s6], $0x5FFFF  }
0xac: {  	[dreg:$0x1] =	wrdreg $0xFFFFFFFF  }
0xad: {  	[dreg:$0x0] =	wrdreg $0x60  }
0xae: {  	[dreg:$0x2] =	wrdreg s24  }
0xaf: {  	[dreg:$0x3] =	wrdreg $0x0  }
0xb0: {  	[dreg:$0x4] =	wrdreg $0x9  }
0xb1: {  	_ =	task.clear_ibuf [dreg:s6], $0x5FFFF;
	_ =	strace $0x90000046  }
0xb2: {  	s29 =	simm.s32 $0x9;
	_ =	strace $0x80000048  }
0xb3: {  	_ =	swait.ge [sflag:s29], $0x1  }
0xb4: {  	[sflag:s29] =	ssyncadd.s32 $0xFFFFFFFF  }
0xb5: {  	_ =	strace $0x90000048  }
0xb6: {  	_ =	sfence  }
0xb7: {  	s30 =	sld [smem:$0x0];
	_ =	sdelay $0x2  }
0xb8: {  	s31 =	sshll.u32 s1, $0xD;
	s1 =	sshrl.u32 s1, $0x2  }
0xb9: {  	s3 =	sand.u32 $0x4000, s31;
	s1 =	sadd.s32 s1, s30  }
0xba: {  	s0 =	sor.u32 s3, s0;
	s1 =	sshll.u32 s1, $0x11  }
0xbb: {  	s0 =	sor.u32 s1, s0  }
0xbc: {  	s0 =	sadd.s32 $0x8F2B, s0  }
0xbd: {  	[sflag:s0] =	ssyncadd.remote.s32 $0x1  }
0xbe: {  	_ =	sfence.sel $0xFFFF  }
0xbf: {  	[dreg:$0x0] =	wrdreg $0xFFFFFFFF;
	(pc) =	sbr.abs _section_cstart, $3  }
0xc0: {  	[dreg:$0x1] =	wrdreg $0xFFFFFFFF  }
0xc1: {  	_ =	task.clear_ibuf [dreg:s6], $0x2FFFF;
	_ =	strace $0x9FFFFFFF  }
0xc2: {  	(tm) =	ssettm $0x7FFFFFFF  }
0xc3: {  	_ =	shalt  }
tec
execute0_lowered:
.L_overlay_start_1:
0x0: {  	(tag) =	ssettag $0x1  }
0x1: {  	s2 =	rddreg [dreg:$0x0]  }
0x2: {  	s1 =	rddreg [dreg:$0x1];
	s0 =	srdreg.scid  }
0x3: {  	s3 =	simm.s32 $0x0;
	s22 =	stileid.u32;
	s12 =	simm.s32 $0xD  }
0x4: {  	s13 =	simm.s32 $0x19000;
	s21 =	simm.s32 $0x19140;
	s14 =	simm.s32 $0x19050  }
0x5: {  	s23 =	simm.s32 $0x19190;
	s24 =	simm.s32 $0x191E0;
	s25 =	simm.s32 $0x19230  }
0x6: {  	s26 =	simm.s32 $0x19280;
	s28 =	simm.s32 $0x7;
	s29 =	simm.s32 $0x8  }
0x7: {  	s30 =	simm.s32 $0x9;
	s31 =	simm.s32 $0xA;
	s5 =	sand.u32 $0x1, s0  }
0x8: {  	[smem:$0x7FF] =	sst s3;
	s6 =	smul.u32 $0xC80, s22;
	s16 =	sadd.s32 $0x15A800, s2  }
0x9: {  	s17 =	sadd.s32 $0x177000, s1;
	_ =	strace $0x80000047;
	[dreg:$0xe] =	wrdreg s16  }
0xa: {  	s7 =	smul.u32 $0x61A8, s22;
	s4 =	sadd.s32 $0xC9E00, s2;
	[dreg:$0xf] =	wrdreg s17  }
0xb: {  	s10 =	smul.u32 $0x64000, s22;
	p0 =	seq.s32 s22, $0xF;
	[dreg:$0x5] =	wrdreg s21  }
0xc: {  	s22 =	simm.s32 $0x1A7C0;
	s0 =	smul.u32 $0xC380, s5;
	[dreg:$0x6] =	wrdreg s23  }
0xd: {  	s8 =	smul.u32 $0xFFFFFFA0, s5;
	s9 =	ssub.s32 $0x2, s5;
	[dreg:$0x7] =	wrdreg s24  }
0xe: {  	p2 =	seq.s32 s5, $0x1;
	s16 =	simm.s32 $0x190F0;
	[dreg:$0x8] =	wrdreg s25  }
0xf: {  	s17 =	simm.s32 $0x1;
	[dreg:$0x9] =	wrdreg s26;
	s21 =	simm.s32 $0x3  }
0x10: {  	p1 =	sne.s32 @p0 s5, $0x0;
	s23 =	simm.s32 $0x4;
	s24 =	simm.s32 $0x1B1C0  }
0x11: {  	s25 =	simm.s32 $0x5;
	s26 =	simm.s32 $0x6;
	s7 =	sadd.s32 s7, s2  }
0x12: {  	s11 =	sshrl.u32 s9, $0x1;
	s15 =	sshrl.u32 s10, $0x2;
	p1 =	por p1, !p0  }
0x13: {  	p2 =	por !p2, !p0;
	s6 =	sadd.s32 s6, s0;
	s8 =	sadd.s32 $0xC380, s8  }
0x14: {  	s9 =	ssub.s32 s9, s11;
	s18 =	sadd.s32 $0x6600, s7;
	[dreg:$0x13] =	wrdreg s8  }
0x15: {  	s19 =	sadd.s32 $0x68200, s7;
	s11 =	simm.s32 $0x193C0;
	[dreg:$0x3] =	wrdreg s18  }
0x16: {  	s7 =	simm.s32 $0x192D0;
	v0 =	vmov s0;
	s0 =	simm.s32 $0xB;
	[dreg:$0x4] =	wrdreg s19  }
0x17: {  	s6 =	sshll.u32 s6, $0x2;
	s20 =	smax.u32 s9, $0x1;
	[dreg:$0xa] =	wrdreg s7  }
0x18: {  	s18 =	simm.s32 $0x50;
	s8 =	simm.s32 $0x19320;
	[dreg:$0x11] =	wrdreg s20  }
0x19: {  	s19 =	simm.s32 $0x2;
	s9 =	simm.s32 $0x19370;
	[dreg:$0xb] =	wrdreg s8  }
0x1a: {  	s6 =	sadd.s32 s6, s2;
	s2 =	sadd.s32 $0x18B600, s2;
	[dreg:$0xc] =	wrdreg s9  }
0x1b: {  	s20 =	simm.s32 $0x19DC0;
	s10 =	rddreg [dreg:$0x13];
	s8 =	simm.s32 $0x0  }
0x1c: {  	s6 =	sadd.s32 $0x12BA00, s6;
	[dreg:$0x10] =	wrdreg s2;
	s2 =	simm.s32 $0xC  }
0x1d: {  	v2 =	vimm.f32 $0.0e+00;
	v1 =	vmov s10;
	[dreg:$0xd] =	wrdreg s6;
	s6 =	sadd.s32 s15, s1;
	s15 =	simm.s32 $0x190A0  }
.LBB2_1:
0x1e: {  	s7 =	simm.s32 $0x0  }
.LBB2_2:
0x1f: {  	p3 =	sne.s32 s7, $0x2780  }
.Ltmp0:
0x20: {  	_ = 	snop;
	(pc) =	sbr.rel @p3 .LBB2_2-.Ltmp0, $4  }
0x21: {  	_ = 	snop  }
0x22: {  	s9 =	sshra.s32 s7, $0x2  }
0x23: {  	[tilespmem:s9+$0x193C0] =	vst v2  }
0x24: {  	s7 =	sadd.s32 $0x80, s7;
	[tilespmem:s9+$0x193D0] =	vst v2  }
0x25: {  	[dreg:$0x12] =	wrdreg s8;
	s7 =	sadd.s32 $0x0, s6  }
0x26: {  	[spmem:s7] =	stream.linear.scatter [tilespmem:s11], [sflag:$0xD], $0xA00, $0x38;
	[tilespmem:$0x1BBC0] =	vst v63  }
0x27: {  	s7 =	simm.s32 $0x2800;
	_ =	swait.ge [sflag:s12], $0xA00  }
.LBB2_4:
0x28: {  	s9 =	sshra.s32 s7, $0x2;
	[sflag:s12] =	ssyncset.done $0x0;
	p3 =	sne.s32 s7, $0x61800  }
.Ltmp1:
0x29: {  	s9 =	sadd.s32 s9, s6;
	[sflag:s12] =	ssyncadd.s32 $0xFFFFF600;
	(pc) =	sbr.rel @p3 .LBB2_4-.Ltmp1, $3  }
0x2a: {  	[spmem:s9] =	stream.linear.scatter [tilespmem:s11], [sflag:$0xD], $0xA00, $0x38;
	[tilespmem:$0x1BBC0] =	vst v63  }
0x2b: {  	s7 =	sadd.s32 $0x2800, s7;
	_ =	sdelay $0x1  }
0x2c: {  	_ =	swait.ge [sflag:s12], $0xA00  }
0x2d: {  	[sflag:s12] =	ssyncset.done $0x0  }
0x2e: {  	[sflag:s12] =	ssyncadd.s32 $0xFFFFF600  }
0x2f: {  	[bflag:$0x0] =	sbarrier.arrive $0xFFFF  }
0x30: {  	s7 =	rddreg [dreg:$0x4]  }
0x31: {  	s9 =	rddreg [dreg:$0x3];
	s7 =	sadd.s32 $0x0, s7  }
0x32: {  	[tilespmem:s13], [sflag:$0x1] =	stream.linear.gather [hbm4b:s7+s3], $0x50, $0x38;
	[tilespmem:$0x1BBC0] =	vst v63  }
0x33: {  	s10 =	rddreg [dreg:$0x5];
	s9 =	sadd.s32 $0x0, s9  }
0x34: {  	[tilespmem:s10], [sflag:$0x1] =	stream.linear.gather [hbm4b:s9+s3], $0x50, $0x38;
	[tilespmem:$0x1BBC0] =	vst v63  }
0x35: {  	s5 =	sadd.s32 $0xA, s7  }
0x36: {  	[tilespmem:s14], [sflag:$0x2] =	stream.linear.gather [hbm4b:s5+s3], $0x50, $0x38;
	[tilespmem:$0x1BBC0] =	vst v63  }
0x37: {  	s8 =	rddreg [dreg:$0x6];
	s5 =	sadd.s32 $0xA, s9  }
0x38: {  	[tilespmem:s8], [sflag:$0x2] =	stream.linear.gather [hbm4b:s5+s3], $0x50, $0x38;
	[tilespmem:$0x1BBC0] =	vst v63  }
0x39: {  	s5 =	sadd.s32 $0x14, s7  }
0x3a: {  	[tilespmem:s15], [sflag:$0x3] =	stream.linear.gather [hbm4b:s5+s3], $0x50, $0x38;
	[tilespmem:$0x1BBC0] =	vst v63  }
0x3b: {  	s10 =	rddreg [dreg:$0x7];
	s5 =	sadd.s32 $0x14, s9  }
0x3c: {  	[tilespmem:s10], [sflag:$0x3] =	stream.linear.gather [hbm4b:s5+s3], $0x50, $0x38;
	[tilespmem:$0x1BBC0] =	vst v63  }
0x3d: {  	s7 =	sadd.s32 $0x1E, s7  }
0x3e: {  	[tilespmem:s16], [sflag:$0x4] =	stream.linear.gather [hbm4b:s7+s3], $0x50, $0x38;
	[tilespmem:$0x1BBC0] =	vst v63  }
0x3f: {  	s5 =	rddreg [dreg:$0x8];
	s10 =	sadd.s32 $0x1E, s9  }
0x40: {  	[tilespmem:s5], [sflag:$0x4] =	stream.linear.gather [hbm4b:s10+s3], $0x50, $0x38;
	[tilespmem:$0x1BBC0] =	vst v63  }
0x41: {  	_ =	swait.ge [sflag:s17], $0x50  }
0x42: {  	[sflag:s17] =	ssyncset.done $0x0  }
0x43: {  	[sflag:s17] =	ssyncadd.s32 $0xFFFFFFB0  }
0x44: {  	_ =	swait.ge [sflag:s17], $0x50  }
0x45: {  	[sflag:s17] =	ssyncset.done $0x0  }
0x46: {  	[sflag:s17] =	ssyncadd.s32 $0xFFFFFFB0  }
0x47: {  	[tilespmem:s11], [sflag:$0x5] =	stream.indirect.gather [hbm4b:s4+s18], $0x20, s13, s18, $0xb8;
	[tilespmem:$0x1BBC0] =	vst v63  }
0x48: {  	_ =	swait.ge [sflag:s19], $0x50  }
0x49: {  	[sflag:s19] =	ssyncset.done $0x0  }
0x4a: {  	[sflag:s19] =	ssyncadd.s32 $0xFFFFFFB0  }
0x4b: {  	_ =	swait.ge [sflag:s19], $0x50  }
0x4c: {  	[sflag:s19] =	ssyncset.done $0x0  }
0x4d: {  	[sflag:s19] =	ssyncadd.s32 $0xFFFFFFB0  }
0x4e: {  	[tilespmem:s20], [sflag:$0x6] =	stream.indirect.gather [hbm4b:s4+s18], $0x20, s14, s18, $0xb8;
	[tilespmem:$0x1BBC0] =	vst v63  }
0x4f: {  	_ =	swait.ge [sflag:s21], $0x50  }
0x50: {  	[sflag:s21] =	ssyncset.done $0x0  }
0x51: {  	[sflag:s21] =	ssyncadd.s32 $0xFFFFFFB0  }
0x52: {  	_ =	swait.ge [sflag:s21], $0x50  }
0x53: {  	[sflag:s21] =	ssyncset.done $0x0  }
0x54: {  	[sflag:s21] =	ssyncadd.s32 $0xFFFFFFB0  }
0x55: {  	[tilespmem:s22], [sflag:$0x7] =	stream.indirect.gather [hbm4b:s4+s18], $0x20, s15, s18, $0xb8;
	[tilespmem:$0x1BBC0] =	vst v63  }
0x56: {  	_ =	swait.ge [sflag:s23], $0x50  }
0x57: {  	[sflag:s23] =	ssyncset.done $0x0  }
0x58: {  	[sflag:s23] =	ssyncadd.s32 $0xFFFFFFB0  }
0x59: {  	_ =	swait.ge [sflag:s23], $0x50  }
0x5a: {  	[sflag:s23] =	ssyncset.done $0x0  }
0x5b: {  	[sflag:s23] =	ssyncadd.s32 $0xFFFFFFB0  }
0x5c: {  	[tilespmem:s24], [sflag:$0x8] =	stream.indirect.gather [hbm4b:s4+s18], $0x20, s16, s18, $0xb8;
	[tilespmem:$0x1BBC0] =	vst v63  }
0x5d: {  	v3 =	vld [tilespmem:$0x19180]  }
0x5e: {  	v4 =	vld [tilespmem:$0x19150]  }
0x5f: {  	v5 =	vld [tilespmem:$0x19160]  }
0x60: {  	v6 =	vld [tilespmem:$0x191B0]  }
0x61: {  	v7 =	vld [tilespmem:$0x19140]  }
0x62: {  	v8 =	vld [tilespmem:$0x191A0]  }
0x63: {  	v9 =	vld [tilespmem:$0x19190]  }
0x64: {  	v10 =	vld [tilespmem:$0x191E0]  }
0x65: {  	v11 =	vld [tilespmem:$0x191C0]  }
0x66: {  	v12 =	vld [tilespmem:$0x191F0]  }
0x67: {  	v13 =	vld [tilespmem:$0x19200]  }
0x68: {  	v14 =	vld [tilespmem:$0x19210]  }
0x69: {  	v15 =	vld [tilespmem:$0x19240]  }
0x6a: {  	v16 =	vld [tilespmem:$0x19250]  }
0x6b: {  	v17 =	vld [tilespmem:$0x191D0];
	v4 =	vsub.s32 v4, v0  }
0x6c: {  	v3 =	vsub.s32 v3, v0;
	v5 =	vsub.s32 v5, v0;
	v6 =	vsub.s32 v6, v0  }
0x6d: {  	v7 =	vsub.s32 v7, v0;
	v8 =	vsub.s32 v8, v0;
	v9 =	vsub.s32 v9, v0  }
0x6e: {  	v10 =	vsub.s32 v10, v0;
	v12 =	vsub.s32 v12, v0;
	v11 =	vsub.s32 v11, v0  }
0x6f: {  	v13 =	vsub.s32 v13, v0;
	v14 =	vsub.s32 v14, v0;
	v15 =	vsub.s32 v15, v0  }
0x70: {  	v16 =	vsub.s32 v16, v0;
	v17 =	vsub.s32 v17, v0;
	vm1 =	vgt.s32 v4, $0xFFFFFFFF  }
0x71: {  	vm0 =	vgt.s32 v5, $0xFFFFFFFF;
	vm2 =	vlt.s32 v5, v1;
	vm3 =	vgt.s32 v7, $0xFFFFFFFF  }
0x72: {  	vm4 =	vlt.s32 v4, v1;
	vm5 =	vgt.s32 v9, $0xFFFFFFFF;
	vm14 =	vgt.s32 v3, $0xFFFFFFFF  }
0x73: {  	vm15 =	vlt.s32 v3, v1;
	vm6 =	vgt.s32 v12, $0xFFFFFFFF;
	vm7 =	vgt.s32 v13, $0xFFFFFFFF  }
0x74: {  	vm8 =	vlt.s32 v13, v1;
	vm12 =	vlt.s32 v12, v1;
	vm13 =	vlt.s32 v11, v1  }
0x75: {  	vm9 =	vgt.s32 v8, $0xFFFFFFFF;
	vm10 =	vgt.s32 v11, $0xFFFFFFFF;
	vm2 =	vmand vm0, vm2  }
0x76: {  	vm0 =	vlt.s32 v6, v1;
	vm1 =	vmand vm1, vm4;
	vm4 =	vmand vm14, vm15  }
0x77: {  	vm7 =	vmand vm7, vm8;
	vm14 =	vgt.s32 v14, $0xFFFFFFFF;
	vm8 =	vmand vm10, vm13  }
0x78: {  	vm15 =	vlt.s32 v10, v1;
	vm10 =	vgt.s32 v6, $0xFFFFFFFF;
	vm13 =	vgt.s32 v17, $0xFFFFFFFF  }
0x79: {  	v5 =	vnsel vm2, $0xC738, v5;
	vm2 =	vlt.s32 v7, v1;
	v4 =	vnsel vm1, $0xC738, v4  }
0x7a: {  	vm1 =	vlt.s32 v8, v1;
	v13 =	vnsel vm7, $0xC738, v13;
	v11 =	vnsel vm8, $0xC738, v11  }
0x7b: {  	v19 =	vld [tilespmem:$0x19230];
	vm0 =	vmand vm10, vm0;
	vm2 =	vmand vm3, vm2;
	vm3 =	vlt.s32 v9, v1;
	[tilespmem:$0x192A0] =	vst v5  }
0x7c: {  	vm1 =	vmand vm9, vm1;
	[tilespmem:$0x19290] =	vst v4;
	vm9 =	vlt.s32 v15, v1;
	v6 =	vnsel vm0, $0xC738, v6  }
0x7d: {  	v5 =	vld [tilespmem:$0x19220];
	[tilespmem:$0x19340] =	vst v13;
	vm3 =	vmand vm5, vm3;
	v8 =	vnsel vm1, $0xC738, v8;
	vm1 =	vlt.s32 v16, v1  }
0x7e: {  	[tilespmem:$0x19300] =	vst v11;
	v4 =	vnsel vm2, $0xC738, v7;
	vm2 =	vmand vm6, vm12;
	v9 =	vnsel vm3, $0xC738, v9  }
0x7f: {  	vm3 =	vgt.s32 v10, $0xFFFFFFFF;
	v7 =	vnsel vm2, $0xC738, v12;
	vm2 =	vlt.s32 v14, v1;
	[tilespmem:$0x19280] =	vst v4  }
0x80: {  	v4 =	vsub.s32 v19, v0;
	[tilespmem:$0x192D0] =	vst v9;
	v9 =	vnsel vm4, $0xC738, v3;
	vm3 =	vmand vm3, vm15  }
0x81: {  	[tilespmem:$0x192F0] =	vst v6;
	vm0 =	vmand vm14, vm2;
	vm12 =	vlt.s32 v4, v1;
	vm14 =	vlt.s32 v17, v1  }
0x82: {  	v18 =	vld [tilespmem:$0x19170];
	[tilespmem:$0x192E0] =	vst v8;
	vm15 =	vgt.s32 v15, $0xFFFFFFFF;
	v8 =	vnsel vm0, $0xC738, v14;
	v5 =	vsub.s32 v5, v0  }
0x83: {  	v6 =	vld [tilespmem:$0x19260];
	[tilespmem:$0x19330] =	vst v7;
	vm0 =	vgt.s32 v4, $0xFFFFFFFF;
	vm2 =	vgt.s32 v5, $0xFFFFFFFF;
	vm11 =	vlt.s32 v5, v1  }
0x84: {  	[tilespmem:$0x192C0] =	vst v9;
	v7 =	vnsel vm3, $0xC738, v10;
	vm3 =	vmand vm13, vm14;
	vm2 =	vmand vm2, vm11  }
0x85: {  	[tilespmem:$0x19350] =	vst v8;
	vm0 =	vmand vm0, vm12;
	v5 =	vnsel vm2, $0xC738, v5;
	vm2 =	vmand vm15, vm9  }
0x86: {  	[tilespmem:$0x19320] =	vst v7;
	v9 =	vnsel vm0, $0xC738, v4;
	v7 =	vnsel vm2, $0xC738, v15;
	vm2 =	vgt.s32 v16, $0xFFFFFFFF  }
0x87: {  	v3 =	vsub.s32 v18, v0;
	v8 =	vnsel vm3, $0xC738, v17;
	[tilespmem:$0x19370] =	vst v9;
	vm1 =	vmand vm2, vm1  }
0x88: {  	s7 =	simm.s32 $0x28;
	v4 =	vld [tilespmem:$0x19270];
	vm0 =	vgt.s32 v3, $0xFFFFFFFF;
	v6 =	vsub.s32 v6, v0;
	[tilespmem:$0x19380] =	vst v7;
	v7 =	vnsel vm1, $0xC738, v16  }
.LBB2_6:
0x89: {  	_ =	sdelay $0x2  }
0x8a: {  	[tilespmem:$0x19310] =	vst v8;
	vm1 =	vgt.s32 v6, $0xFFFFFFFF;
	vm2 =	vlt.s32 v6, v1;
	vm4 =	vlt.s32 v3, v1  }
0x8b: {  	[tilespmem:$0x19360] =	vst v5;
	vm1 =	vmand vm1, vm2;
	vm0 =	vmand vm0, vm4;
	v4 =	vsub.s32 v4, v0  }
0x8c: {  	[tilespmem:$0x19390] =	vst v7;
	v5 =	vnsel vm1, $0xC738, v6;
	vm2 =	vgt.s32 v4, $0xFFFFFFFF;
	vm3 =	vlt.s32 v4, v1  }
0x8d: {  	v3 =	vnsel vm0, $0xC738, v3;
	[tilespmem:$0x193A0] =	vst v5;
	vm1 =	vmand vm2, vm3  }
0x8e: {  	[tilespmem:$0x192B0] =	vst v3;
	v4 =	vnsel vm1, $0xC738, v4  }
0x8f: {  	[tilespmem:$0x193B0] =	vst v4  }
0x90: {  	_ =	swait.ge [sflag:s25], $0xA00  }
0x91: {  	[sflag:s25] =	ssyncset.done $0x0  }
0x92: {  	s8 =	rddreg [dreg:$0x9];
	[sflag:s25] =	ssyncadd.s32 $0xFFFFF600  }
0x93: {  	[spmem:s1] =	stream.indirect.scatter.add.f32 [tilespmem:s11], [sflag:$0x9], $0x20, s8, s18, $0xb8;
	[tilespmem:$0x1BBC0] =	vst v63  }
0x94: {  	_ =	swait.ge [sflag:s26], $0xA00  }
0x95: {  	[sflag:s26] =	ssyncset.done $0x0  }
0x96: {  	s10 =	rddreg [dreg:$0xa];
	[sflag:s26] =	ssyncadd.s32 $0xFFFFF600  }
0x97: {  	[spmem:s1] =	stream.indirect.scatter.add.f32 [tilespmem:s20], [sflag:$0xA], $0x20, s10, s18, $0xb8;
	[tilespmem:$0x1BBC0] =	vst v63  }
0x98: {  	_ =	swait.ge [sflag:s28], $0xA00  }
0x99: {  	[sflag:s28] =	ssyncset.done $0x0  }
0x9a: {  	s5 =	rddreg [dreg:$0xb];
	[sflag:s28] =	ssyncadd.s32 $0xFFFFF600  }
0x9b: {  	[spmem:s1] =	stream.indirect.scatter.add.f32 [tilespmem:s22], [sflag:$0xB], $0x20, s5, s18, $0xb8;
	[tilespmem:$0x1BBC0] =	vst v63  }
0x9c: {  	_ =	swait.ge [sflag:s29], $0xA00  }
0x9d: {  	[sflag:s29] =	ssyncset.done $0x0  }
0x9e: {  	s10 =	rddreg [dreg:$0xc];
	[sflag:s29] =	ssyncadd.s32 $0xFFFFF600  }
0x9f: {  	[spmem:s1] =	stream.indirect.scatter.add.f32 [tilespmem:s24], [sflag:$0xC], $0x20, s10, s18, $0xb8;
	[tilespmem:$0x1BBC0] =	vst v63  }
0xa0: {  	_ =	swait.ge [sflag:s30], $0xA00  }
0xa1: {  	[sflag:s30] =	ssyncset.done $0x0  }
0xa2: {  	[sflag:s30] =	ssyncadd.s32 $0xFFFFF600  }
0xa3: {  	_ =	swait.ge [sflag:s31], $0xA00  }
0xa4: {  	[sflag:s31] =	ssyncset.done $0x0  }
0xa5: {  	[sflag:s31] =	ssyncadd.s32 $0xFFFFF600  }
0xa6: {  	_ =	swait.ge [sflag:s0], $0xA00  }
0xa7: {  	[sflag:s0] =	ssyncset.done $0x0  }
0xa8: {  	[sflag:s0] =	ssyncadd.s32 $0xFFFFF600  }
0xa9: {  	_ =	swait.ge [sflag:s2], $0xA00  }
0xaa: {  	s9 =	smov.u32 s7;
	s5 =	rddreg [dreg:$0x4];
	[sflag:s2] =	ssyncset.done $0x0  }
0xab: {  	s10 =	rddreg [dreg:$0x3];
	[sflag:s2] =	ssyncadd.s32 $0xFFFFF600;
	s8 =	sadd.s32 s9, s5  }
0xac: {  	[tilespmem:s13], [sflag:$0x1] =	stream.linear.gather [hbm4b:s8+s3], $0x50, $0x38;
	[tilespmem:$0x1BBC0] =	vst v63  }
0xad: {  	s5 =	rddreg [dreg:$0x5];
	s9 =	sadd.s32 s9, s10  }
0xae: {  	[tilespmem:s5], [sflag:$0x1] =	stream.linear.gather [hbm4b:s9+s3], $0x50, $0x38;
	[tilespmem:$0x1BBC0] =	vst v63  }
0xaf: {  	s5 =	sadd.s32 $0xA, s8  }
0xb0: {  	[tilespmem:s14], [sflag:$0x2] =	stream.linear.gather [hbm4b:s5+s3], $0x50, $0x38;
	[tilespmem:$0x1BBC0] =	vst v63  }
0xb1: {  	s10 =	rddreg [dreg:$0x6];
	s5 =	sadd.s32 $0xA, s9  }
0xb2: {  	[tilespmem:s10], [sflag:$0x2] =	stream.linear.gather [hbm4b:s5+s3], $0x50, $0x38;
	[tilespmem:$0x1BBC0] =	vst v63  }
0xb3: {  	s5 =	sadd.s32 $0x14, s8  }
0xb4: {  	[tilespmem:s15], [sflag:$0x3] =	stream.linear.gather [hbm4b:s5+s3], $0x50, $0x38;
	[tilespmem:$0x1BBC0] =	vst v63  }
0xb5: {  	s10 =	rddreg [dreg:$0x7];
	s5 =	sadd.s32 $0x14, s9  }
0xb6: {  	[tilespmem:s10], [sflag:$0x3] =	stream.linear.gather [hbm4b:s5+s3], $0x50, $0x38;
	[tilespmem:$0x1BBC0] =	vst v63  }
0xb7: {  	s10 =	sadd.s32 $0x1E, s8  }
0xb8: {  	[tilespmem:s16], [sflag:$0x4] =	stream.linear.gather [hbm4b:s10+s3], $0x50, $0x38;
	[tilespmem:$0x1BBC0] =	vst v63  }
0xb9: {  	s8 =	rddreg [dreg:$0x8];
	s10 =	sadd.s32 $0x1E, s9  }
0xba: {  	[tilespmem:s8], [sflag:$0x4] =	stream.linear.gather [hbm4b:s10+s3], $0x50, $0x38;
	[tilespmem:$0x1BBC0] =	vst v63  }
0xbb: {  	_ =	swait.ge [sflag:s17], $0x50  }
0xbc: {  	[sflag:s17] =	ssyncset.done $0x0  }
0xbd: {  	[sflag:s17] =	ssyncadd.s32 $0xFFFFFFB0  }
0xbe: {  	_ =	swait.ge [sflag:s17], $0x50  }
0xbf: {  	[sflag:s17] =	ssyncset.done $0x0  }
0xc0: {  	[sflag:s17] =	ssyncadd.s32 $0xFFFFFFB0  }
0xc1: {  	[tilespmem:s11], [sflag:$0x5] =	stream.indirect.gather [hbm4b:s4+s18], $0x20, s13, s18, $0xb8;
	[tilespmem:$0x1BBC0] =	vst v63  }
0xc2: {  	_ =	swait.ge [sflag:s19], $0x50  }
0xc3: {  	[sflag:s19] =	ssyncset.done $0x0  }
0xc4: {  	[sflag:s19] =	ssyncadd.s32 $0xFFFFFFB0  }
0xc5: {  	_ =	swait.ge [sflag:s19], $0x50  }
0xc6: {  	[sflag:s19] =	ssyncset.done $0x0  }
0xc7: {  	[sflag:s19] =	ssyncadd.s32 $0xFFFFFFB0  }
0xc8: {  	[tilespmem:s20], [sflag:$0x6] =	stream.indirect.gather [hbm4b:s4+s18], $0x20, s14, s18, $0xb8;
	[tilespmem:$0x1BBC0] =	vst v63  }
0xc9: {  	_ =	swait.ge [sflag:s21], $0x50  }
0xca: {  	[sflag:s21] =	ssyncset.done $0x0  }
0xcb: {  	[sflag:s21] =	ssyncadd.s32 $0xFFFFFFB0  }
0xcc: {  	_ =	swait.ge [sflag:s21], $0x50  }
0xcd: {  	[sflag:s21] =	ssyncset.done $0x0  }
0xce: {  	[sflag:s21] =	ssyncadd.s32 $0xFFFFFFB0  }
0xcf: {  	[tilespmem:s22], [sflag:$0x7] =	stream.indirect.gather [hbm4b:s4+s18], $0x20, s15, s18, $0xb8;
	[tilespmem:$0x1BBC0] =	vst v63  }
0xd0: {  	_ =	swait.ge [sflag:s23], $0x50  }
0xd1: {  	[sflag:s23] =	ssyncset.done $0x0  }
0xd2: {  	[sflag:s23] =	ssyncadd.s32 $0xFFFFFFB0  }
0xd3: {  	_ =	swait.ge [sflag:s23], $0x50  }
0xd4: {  	[sflag:s23] =	ssyncset.done $0x0  }
0xd5: {  	[sflag:s23] =	ssyncadd.s32 $0xFFFFFFB0  }
0xd6: {  	[tilespmem:s24], [sflag:$0x8] =	stream.indirect.gather [hbm4b:s4+s18], $0x20, s16, s18, $0xb8;
	[tilespmem:$0x1BBC0] =	vst v63  }
0xd7: {  	v3 =	vld [tilespmem:$0x19190]  }
0xd8: {  	v4 =	vld [tilespmem:$0x19180]  }
0xd9: {  	v5 =	vld [tilespmem:$0x19150]  }
0xda: {  	v6 =	vld [tilespmem:$0x19160]  }
0xdb: {  	v7 =	vld [tilespmem:$0x191B0]  }
0xdc: {  	v8 =	vld [tilespmem:$0x19140]  }
0xdd: {  	v9 =	vld [tilespmem:$0x191A0]  }
0xde: {  	v10 =	vld [tilespmem:$0x191C0]  }
0xdf: {  	v14 =	vld [tilespmem:$0x19200]  }
0xe0: {  	v15 =	vld [tilespmem:$0x19210]  }
0xe1: {  	v18 =	vld [tilespmem:$0x19240]  }
0xe2: {  	v5 =	vsub.s32 v5, v0  }
0xe3: {  	v11 =	vsub.s32 v4, v0;
	v4 =	vsub.s32 v6, v0;
	v6 =	vsub.s32 v7, v0  }
0xe4: {  	v8 =	vsub.s32 v8, v0;
	v9 =	vsub.s32 v9, v0;
	v3 =	vsub.s32 v3, v0  }
0xe5: {  	v10 =	vsub.s32 v10, v0;
	v14 =	vsub.s32 v14, v0;
	v15 =	vsub.s32 v15, v0  }
0xe6: {  	v18 =	vsub.s32 v18, v0;
	vm2 =	vgt.s32 v5, $0xFFFFFFFF;
	vm0 =	vgt.s32 v4, $0xFFFFFFFF  }
0xe7: {  	vm1 =	vlt.s32 v4, v1;
	vm3 =	vgt.s32 v8, $0xFFFFFFFF;
	vm13 =	vlt.s32 v5, v1  }
0xe8: {  	vm5 =	vgt.s32 v3, $0xFFFFFFFF;
	vm6 =	vgt.s32 v11, $0xFFFFFFFF;
	vm14 =	vlt.s32 v11, v1  }
0xe9: {  	v7 =	vld [tilespmem:$0x191E0];
	vm15 =	vgt.s32 v14, $0xFFFFFFFF;
	vm7 =	vlt.s32 v14, v1;
	vm12 =	vlt.s32 v10, v1  }
0xea: {  	vm9 =	vgt.s32 v9, $0xFFFFFFFF;
	vm10 =	vgt.s32 v10, $0xFFFFFFFF;
	vm1 =	vmand vm0, vm1  }
0xeb: {  	vm0 =	vlt.s32 v6, v1;
	vm2 =	vmand vm2, vm13;
	vm6 =	vmand vm6, vm14  }
0xec: {  	vm13 =	vgt.s32 v15, $0xFFFFFFFF;
	v4 =	vnsel vm1, $0xC738, v4;
	vm1 =	vlt.s32 v8, v1  }
0xed: {  	v13 =	vld [tilespmem:$0x191F0];
	[tilespmem:$0x192A0] =	vst v4;
	vm1 =	vmand vm3, vm1;
	vm3 =	vlt.s32 v3, v1;
	v4 =	vnsel vm2, $0xC738, v5  }
0xee: {  	vm2 =	vlt.s32 v9, v1;
	v7 =	vsub.s32 v7, v0;
	vm3 =	vmand vm5, vm3  }
0xef: {  	v5 =	vld [tilespmem:$0x19250];
	vm5 =	vmand vm15, vm7;
	vm2 =	vmand vm9, vm2;
	vm7 =	vmand vm10, vm12  }
0xf0: {  	v12 =	vld [tilespmem:$0x191D0];
	vm15 =	vgt.s32 v6, $0xFFFFFFFF;
	vm9 =	vlt.s32 v15, v1;
	v3 =	vnsel vm3, $0xC738, v3  }
0xf1: {  	vm3 =	vgt.s32 v7, $0xFFFFFFFF;
	v14 =	vnsel vm5, $0xC738, v14;
	vm14 =	vlt.s32 v7, v1  }
0xf2: {  	v19 =	vld [tilespmem:$0x19170];
	vm0 =	vmand vm15, vm0;
	vm15 =	vgt.s32 v18, $0xFFFFFFFF;
	[tilespmem:$0x192D0] =	vst v3;
	v3 =	vsub.s32 v13, v0  }
0xf3: {  	v16 =	vld [tilespmem:$0x19220];
	vm3 =	vmand vm3, vm14;
	vm4 =	vgt.s32 v3, $0xFFFFFFFF;
	vm8 =	vlt.s32 v3, v1  }
0xf4: {  	v17 =	vld [tilespmem:$0x19230];
	[tilespmem:$0x19290] =	vst v4;
	v7 =	vnsel vm3, $0xC738, v7;
	v63 =	vsub.s32 v5, v0;
	v5 =	vnsel vm2, $0xC738, v9  }
0xf5: {  	[tilespmem:$0x19340] =	vst v14;
	v9 =	vnsel vm7, $0xC738, v10;
	v10 =	vnsel vm6, $0xC738, v11;
	v11 =	vsub.s32 v12, v0  }
0xf6: {  	vm4 =	vmand vm4, vm8;
	vm2 =	vlt.s32 v63, v1;
	[tilespmem:$0x192E0] =	vst v5;
	v5 =	vnsel vm1, $0xC738, v8  }
0xf7: {  	vm1 =	vlt.s32 v18, v1;
	[tilespmem:$0x192C0] =	vst v10;
	v8 =	vnsel vm4, $0xC738, v3;
	v3 =	vsub.s32 v19, v0  }
0xf8: {  	v10 =	vsub.s32 v16, v0;
	[tilespmem:$0x19280] =	vst v5;
	v5 =	vnsel vm0, $0xC738, v6;
	vm0 =	vmand vm13, vm9  }
0xf9: {  	[tilespmem:$0x19320] =	vst v7;
	v6 =	vsub.s32 v17, v0;
	vm10 =	vgt.s32 v10, $0xFFFFFFFF;
	vm11 =	vlt.s32 v10, v1  }
0xfa: {  	p3 =	sne.s32 s7, $0x6180;
	v62 =	vld [tilespmem:$0x19260];
	vm13 =	vgt.s32 v11, $0xFFFFFFFF;
	vm1 =	vmand vm15, vm1;
	[tilespmem:$0x192F0] =	vst v5;
	v5 =	vnsel vm0, $0xC738, v15  }
.Ltmp2:
0xfb: {  	[tilespmem:$0x19300] =	vst v9;
	vm0 =	vgt.s32 v6, $0xFFFFFFFF;
	vm12 =	vlt.s32 v6, v1;
	vm4 =	vmand vm10, vm11;
	(pc) =	sbr.rel @p3 .LBB2_6-.Ltmp2, $4  }
0xfc: {  	[tilespmem:$0x19330] =	vst v8;
	v7 =	vnsel vm1, $0xC738, v18;
	vm1 =	vgt.s32 v63, $0xFFFFFFFF;
	vm14 =	vmand vm0, vm12  }
0xfd: {  	[tilespmem:$0x19350] =	vst v5;
	vm0 =	vlt.s32 v11, v1;
	v5 =	vnsel vm4, $0xC738, v10;
	vm1 =	vmand vm1, vm2  }
0xfe: {  	[tilespmem:$0x19380] =	vst v7;
	vm0 =	vmand vm13, vm0;
	v6 =	vnsel vm14, $0xC738, v6;
	v7 =	vnsel vm1, $0xC738, v63  }
0xff: {  	s7 =	sadd.s32 $0x28, s7;
	v4 =	vld [tilespmem:$0x19270];
	v8 =	vnsel vm0, $0xC738, v11;
	vm0 =	vgt.s32 v3, $0xFFFFFFFF;
	[tilespmem:$0x19370] =	vst v6;
	v6 =	vsub.s32 v62, v0  }
0x100: {  	_ =	sdelay $0x2  }
0x101: {  	[tilespmem:$0x19310] =	vst v8;
	vm1 =	vgt.s32 v6, $0xFFFFFFFF;
	vm2 =	vlt.s32 v6, v1;
	vm4 =	vlt.s32 v3, v1  }
0x102: {  	[tilespmem:$0x19360] =	vst v5;
	vm1 =	vmand vm1, vm2;
	vm0 =	vmand vm0, vm4;
	v4 =	vsub.s32 v4, v0  }
0x103: {  	[tilespmem:$0x19390] =	vst v7;
	v63 =	vnsel vm1, $0xC738, v6;
	vm14 =	vgt.s32 v4, $0xFFFFFFFF;
	vm3 =	vlt.s32 v4, v1  }
0x104: {  	v3 =	vnsel vm0, $0xC738, v3;
	[tilespmem:$0x193A0] =	vst v63;
	vm15 =	vmand vm14, vm3  }
0x105: {  	[tilespmem:$0x192B0] =	vst v3;
	v4 =	vnsel vm15, $0xC738, v4  }
0x106: {  	[tilespmem:$0x193B0] =	vst v4  }
0x107: {  	_ =	swait.ge [sflag:s25], $0xA00  }
0x108: {  	[sflag:s25] =	ssyncset.done $0x0  }
0x109: {  	s5 =	rddreg [dreg:$0x9];
	[sflag:s25] =	ssyncadd.s32 $0xFFFFF600  }
0x10a: {  	[spmem:s1] =	stream.indirect.scatter.add.f32 [tilespmem:s11], [sflag:$0x9], $0x20, s5, s18, $0xb8;
	[tilespmem:$0x1BBC0] =	vst v63  }
0x10b: {  	_ =	swait.ge [sflag:s26], $0xA00  }
0x10c: {  	[sflag:s26] =	ssyncset.done $0x0  }
0x10d: {  	s10 =	rddreg [dreg:$0xa];
	[sflag:s26] =	ssyncadd.s32 $0xFFFFF600  }
0x10e: {  	[spmem:s1] =	stream.indirect.scatter.add.f32 [tilespmem:s20], [sflag:$0xA], $0x20, s10, s18, $0xb8;
	[tilespmem:$0x1BBC0] =	vst v63  }
0x10f: {  	_ =	swait.ge [sflag:s28], $0xA00  }
0x110: {  	[sflag:s28] =	ssyncset.done $0x0  }
0x111: {  	s7 =	rddreg [dreg:$0xb];
	[sflag:s28] =	ssyncadd.s32 $0xFFFFF600  }
0x112: {  	[spmem:s1] =	stream.indirect.scatter.add.f32 [tilespmem:s22], [sflag:$0xB], $0x20, s7, s18, $0xb8;
	[tilespmem:$0x1BBC0] =	vst v63  }
0x113: {  	_ =	swait.ge [sflag:s29], $0xA00  }
0x114: {  	[sflag:s29] =	ssyncset.done $0x0  }
0x115: {  	s8 =	rddreg [dreg:$0xc];
	[sflag:s29] =	ssyncadd.s32 $0xFFFFF600  }
0x116: {  	[spmem:s1] =	stream.indirect.scatter.add.f32 [tilespmem:s24], [sflag:$0xC], $0x20, s8, s18, $0xb8;
	[tilespmem:$0x1BBC0] =	vst v63  }
0x117: {  	_ =	swait.ge [sflag:s30], $0xA00  }
0x118: {  	[sflag:s30] =	ssyncset.done $0x0  }
0x119: {  	[sflag:s30] =	ssyncadd.s32 $0xFFFFF600  }
0x11a: {  	_ =	swait.ge [sflag:s31], $0xA00  }
0x11b: {  	[sflag:s31] =	ssyncset.done $0x0  }
0x11c: {  	[sflag:s31] =	ssyncadd.s32 $0xFFFFF600  }
0x11d: {  	_ =	swait.ge [sflag:s0], $0xA00  }
0x11e: {  	[sflag:s0] =	ssyncset.done $0x0  }
0x11f: {  	[sflag:s0] =	ssyncadd.s32 $0xFFFFF600  }
0x120: {  	_ =	swait.ge [sflag:s2], $0xA00  }
0x121: {  	[sflag:s2] =	ssyncset.done $0x0  }
0x122: {  	[sflag:s2] =	ssyncadd.s32 $0xFFFFF600  }
0x123: {  	[bflag:$0x0] =	sbarrier.arrive $0xFFFF  }
0x124: {  	s9 =	rddreg [dreg:$0xf]  }
0x125: {  	s7 =	simm.s32 @!p1 $0x1FCD;
	s8 =	rddreg [dreg:$0xe];
	s5 =	sshrl.u32 @!p1 s9, $0x3  }
0x126: {  	[hbm:s8], [sflag:s7] =	dma.local @!p1 [spmem:s5], $0x2000  }
0x127: {  	s5 =	simm.s32 @!p1 $0xD  }
0x128: {  	_ =	swait.ge @!p1 [sflag:s5], $0x2000  }
0x129: {  	s7 =	simm.s32 @!p2 $0x1FCD;
	[sflag:s5] =	ssyncset.done @!p1 $0x0  }
0x12a: {  	s8 =	rddreg [dreg:$0x10];
	[sflag:s5] =	ssyncadd.s32 @!p1 $0xFFFFE000;
	s5 =	sshrl.u32 @!p2 s9, $0x3  }
0x12b: {  	[hbm:s8], [sflag:s7] =	dma.local @!p2 [spmem:s5], $0x1E80  }
0x12c: {  	s5 =	simm.s32 @!p2 $0xD  }
0x12d: {  	s7 =	stileid.u32;
	_ =	swait.ge @!p2 [sflag:s5], $0x1E80  }
0x12e: {  	s7 =	sshll.u32 @!p0 s7, $0x6;
	[sflag:s5] =	ssyncset.done @!p2 $0x0;
	s8 =	rddreg [dreg:$0xd]  }
0x12f: {  	[sflag:s5] =	ssyncadd.s32 @!p2 $0xFFFFE180;
	s5 =	sor.u32 @!p0 $0x1C0D, s7;
	s7 =	sshrl.u32 @!p0 s6, $0x3  }
0x130: {  	[hbm:s8], [sflag:s5] =	dma.local @!p0 [spmem:s7], $0x3200  }
0x131: {  	s5 =	simm.s32 @!p0 $0xD  }
0x132: {  	_ =	swait.ge @!p0 [sflag:s5], $0x3200  }
0x133: {  	s9 =	rddreg [dreg:$0x12]  }
0x134: {  	s10 =	rddreg [dreg:$0x11];
	s8 =	sadd.s32 $0x1, s9  }
0x135: {  	p3 =	sne.s32 s8, s10  }
.Ltmp3:
0x136: {  	_ = 	snop;
	(pc) =	sbr.rel @p3 .LBB2_1-.Ltmp3, $3  }
0x137: {  	_ =	sdelay $0x1  }
0x138: {  	[sflag:s5] =	ssyncset.done @!p0 $0x0  }
0x139: {  	[sflag:s5] =	ssyncadd.s32 @!p0 $0xFFFFCE00  }
0x13a: {  	_ =	sfence.sel $0x180000  }
0x13b: {  	[bflag:$0x0] =	sbarrier.arrive $0xFFFF  }
0x13c: {  	_ =	strace $0x90000047  }
0x13d: {  	s0 =	stileid.u32;
	[bflag:$0x2] =	sbarrier.arrive $0xFFFF  }
0x13e: {  	p0 =	sne.s32 s0, $0x0;
	s0 =	rddreg [dreg:$0x2]  }
0x13f: {  	s0 =	sadd.s32 @!p0 $0x100000, s0  }
0x140: {  	[sflag:s0] =	ssyncadd.tile.s32 @!p0 $0x1;
	_ =	shalt  }
.Lfunc_end2:
_tile_overlayer_lowered:
.L_overlay_start_2:
0x141: {  	(tag) =	ssettag $0x2  }
0x142: {  	s0 =	rddreg [dreg:$0x0];
	s2 =	stileid.u32  }
0x143: {  	s1 =	rddreg [dreg:$0x1];
	p0 =	sne.s32 s2, $0x0  }
0x144: {  	s3 =	rddreg [dreg:$0x2];
	[bflag:$0x3] =	sbarrier.arrive $0xFFFF;
	s2 =	simm.s32 @!p0 $0x1C0D  }
0x145: {  	[timem:s3], [sflag:s2] =	dma.local @!p0 [hbm:s0], s1  }
0x146: {  	s0 =	simm.s32 @!p0 $0xD  }
0x147: {  	_ =	swait.ge @!p0 [sflag:s0], s1  }
0x148: {  	s1 =	ssub.s32 @!p0 $0x0, s1;
	[sflag:s0] =	ssyncset.done @!p0 $0x0  }
0x149: {  	[sflag:s0] =	ssyncadd.s32 @!p0 s1  }
0x14a: {  	[bflag:$0x3] =	sbarrier.arrive $0xFFFF  }
0x14b: {  	_ =	shalt  }

// kernel: kernel.26.cloned.1.call-start
scs
__scs_entry_jumppad:
0x0: {  	(pc) =	sbr.rel $0x88, $3  }
0x1: {  	(tag) =	ssettag $0x0;
	lr =	simm.s32 $0x1  }
0x2: {  	[smem:$0x3F7D] =	sst lr;
	_ =	strace $0xD0000000  }
0x3: {  	_ = 	snop  }
0x4: {  	_ = 	snop  }
0x5: {  	_ = 	snop  }
0x6: {  	_ = 	snop  }
0x7: {  	_ = 	snop  }
__scs_overlays_trampoline_lowered:
0x8: {  	[smem:$0x3F8C] =	sst s0  }
0x9: {  	[smem:$0x3F8D] =	sst s1  }
0xa: {  	[smem:$0x3F8E] =	sst s2  }
0xb: {  	[smem:$0x3F8F] =	sst s3  }
0xc: {  	[smem:$0x3F90] =	sst s4  }
0xd: {  	[smem:$0x3F91] =	sst s5  }
0xe: {  	[smem:$0x3F92] =	sst s6  }
0xf: {  	[smem:$0x3F93] =	sst s7  }
0x10: {  	[smem:$0x3F94] =	sst s8  }
0x11: {  	[smem:$0x3F95] =	sst s9;
	s0 =	simm.s32 @!p0 $0x0  }
0x12: {  	s1 =	sld [smem:$0x3F7B];
	s0 =	simm.s32 @p0 $0x1  }
0x13: {  	[smem:$0x3F96] =	sst s0;
	s0 =	simm.s32 @!p1 $0x0  }
0x14: {  	s2 =	sld [smem:$0x3F7A];
	s0 =	simm.s32 @p1 $0x1  }
0x15: {  	[smem:$0x3F97] =	sst s0;
	s0 =	simm.s32 @!p2 $0x0  }
0x16: {  	s3 =	sld [smem:$0x3FDB];
	s0 =	simm.s32 @p2 $0x1  }
0x17: {  	s4 =	simm.s32 $0x1BF5;
	[smem:$0x3F99] =	sst s0  }
0x18: {  	s0 =	sld [smem:$0x3F7C];
	_ =	swait.ge [sflag:s4], $0x0  }
0x19: {  	s7 =	sld [smem:$0x3F7D]  }
0x1a: {  	s8 =	sadd.s32 $0xFFFFE003, lr  }
0x1b: {  	s9 =	sadd.s32 $0xFFFFFEF7, lr;
	s5 =	simm.s32 $0xFFFFFFFF;
	p2 =	slt.u32 s8, $0xFFFFF086  }
0x1c: {  	p1 =	slt.u32 s9, $0xF7A;
	s5 =	simm.s32 @!p2 $0x0  }
0x1d: {  	s5 =	simm.s32 @p1 $0x1;
	p0 =	seq.s32 s7, s2  }
0x1e: {  	s7 =	smul.u32 @!p0 $0xF7A, s2;
	p2 =	seq.s32 @!p0 s5, $0x0  }
0x1f: {  	s9 =	smul.u32 $0xF7A, s1;
	s8 =	simm.s32 @!p0 $0x1BF5;
	p2 =	por !p2, p0  }
0x20: {  	[sflag:s8] =	ssyncset.s32 @!p0 $0xFFFFF086;
	s6 =	sadd.s32 @!p0 s3, s7;
	s7 =	simm.s32 @!p0 $0x108  }
0x21: {  	s3 =	sadd.s32 s3, s9;
	s6 =	sadd.s32 @!p0 $0x88, s6;
	s7 =	simm.s32 @p2 $0x1082  }
0x22: {  	[simem:s7], [sflag:s8] =	dma.local @!p0 [hbm:s6], $0xF7A  }
0x23: {  	s9 =	sor.u32 $0xD0000000, s2;
	s6 =	simm.s32 $0x108;
	_ =	swait.ge @!p0 [sflag:s8], $0x0  }
0x24: {  	s3 =	sadd.s32 $0x88, s3;
	s6 =	simm.s32 @!p1 $0x1082;
	[sflag:s4] =	ssyncset.s32 $0xFFFFF086  }
0x25: {  	[simem:s6], [sflag:s4] =	dma.local [hbm:s3], $0xF7A  }
0x26: {  	[smem:$0x3F7D] =	sst s1;
	(tag) =	ssettag s2;
	_ =	strace s9  }
0x27: {  	s1 =	sld [smem:$0x3F8D]  }
0x28: {  	s2 =	sld [smem:$0x3F8E]  }
0x29: {  	s4 =	sld [smem:$0x3F90]  }
0x2a: {  	p0 =	seq.s32 s5, $0x0;
	s5 =	sld [smem:$0x3F91]  }
0x2b: {  	s6 =	sld [smem:$0x3F92]  }
0x2c: {  	s7 =	sld [smem:$0x3F93]  }
0x2d: {  	s3 =	simm.s32 $0x108;
	s8 =	sld [smem:$0x3F94]  }
0x2e: {  	s3 =	simm.s32 @!p0 $0x1082;
	s9 =	sld [smem:$0x3F95]  }
0x2f: {  	lr =	sadd.s32 s0, s3;
	s0 =	sld [smem:$0x3F8C]  }
0x30: {  	s3 =	sld [smem:$0x3F8F]  }
0x31: {  	[smem:$0x3F98] =	sst s10  }
0x32: {  	s10 =	sld [smem:$0x3F96];
	_ =	sdelay $0x3  }
0x33: {  	p0 =	seq.s32 s10, $0x1;
	s10 =	sld [smem:$0x3F98];
	_ =	sdelay $0x3  }
0x34: {  	[smem:$0x3F98] =	sst s10  }
0x35: {  	s10 =	sld [smem:$0x3F97];
	_ =	sdelay $0x3  }
0x36: {  	p1 =	seq.s32 s10, $0x1;
	s10 =	sld [smem:$0x3F98];
	_ =	sdelay $0x3  }
0x37: {  	[smem:$0x3F98] =	sst s10  }
0x38: {  	s10 =	sld [smem:$0x3F99]  }
0x39: {  	_ = 	snop;
	(pc) =	sbr.ind lr, $3  }
0x3a: {  	_ = 	snop  }
0x3b: {  	_ = 	snop  }
0x3c: {  	p2 =	seq.s32 s10, $0x1;
	s10 =	sld [smem:$0x3F98]  }
0x3d: {  	_ =	shalt  }
0x3e: {  	_ =	shalt  }
0x3f: {  	_ =	shalt  }
0x40: {  	_ =	shalt  }
0x41: {  	_ =	shalt  }
0x42: {  	_ =	shalt  }
0x43: {  	_ =	shalt  }
0x44: {  	_ =	shalt  }
0x45: {  	_ =	shalt  }
0x46: {  	_ =	shalt  }
0x47: {  	_ =	shalt  }
0x48: {  	_ =	shalt  }
0x49: {  	_ =	shalt  }
0x4a: {  	_ =	shalt  }
0x4b: {  	_ =	shalt  }
0x4c: {  	_ =	shalt  }
0x4d: {  	_ =	shalt  }
0x4e: {  	_ =	shalt  }
0x4f: {  	_ =	shalt  }
0x50: {  	_ =	shalt  }
0x51: {  	_ =	shalt  }
0x52: {  	_ =	shalt  }
0x53: {  	_ =	shalt  }
0x54: {  	_ =	shalt  }
0x55: {  	_ =	shalt  }
0x56: {  	_ =	shalt  }
0x57: {  	_ =	shalt  }
0x58: {  	_ =	shalt  }
0x59: {  	_ =	shalt  }
0x5a: {  	_ =	shalt  }
0x5b: {  	_ =	shalt  }
0x5c: {  	_ =	shalt  }
0x5d: {  	_ =	shalt  }
0x5e: {  	_ =	shalt  }
0x5f: {  	_ =	shalt  }
0x60: {  	_ =	shalt  }
0x61: {  	_ =	shalt  }
0x62: {  	_ =	shalt  }
0x63: {  	_ =	shalt  }
0x64: {  	_ =	shalt  }
0x65: {  	_ =	shalt  }
0x66: {  	_ =	shalt  }
0x67: {  	_ =	shalt  }
0x68: {  	_ =	shalt  }
0x69: {  	_ =	shalt  }
0x6a: {  	_ =	shalt  }
0x6b: {  	_ =	shalt  }
0x6c: {  	_ =	shalt  }
0x6d: {  	_ =	shalt  }
0x6e: {  	_ =	shalt  }
0x6f: {  	_ =	shalt  }
0x70: {  	_ =	shalt  }
0x71: {  	_ =	shalt  }
0x72: {  	_ =	shalt  }
0x73: {  	_ =	shalt  }
0x74: {  	_ =	shalt  }
0x75: {  	_ =	shalt  }
0x76: {  	_ =	shalt  }
0x77: {  	_ =	shalt  }
0x78: {  	_ =	shalt  }
0x79: {  	_ =	shalt  }
0x7a: {  	_ =	shalt  }
0x7b: {  	_ =	shalt  }
0x7c: {  	_ =	shalt  }
0x7d: {  	_ =	shalt  }
0x7e: {  	_ =	shalt  }
0x7f: {  	_ =	shalt  }
0x80: {  	_ =	shalt  }
0x81: {  	_ =	shalt  }
0x82: {  	_ =	shalt  }
0x83: {  	_ =	shalt  }
0x84: {  	_ =	shalt  }
0x85: {  	_ =	shalt  }
0x86: {  	_ =	shalt  }
0x87: {  	_ =	shalt  }
.Lfunc_end0:
.L_simem_size_0:
called_computation.1_lowered:
.L_overlay_start_0:
0x88: {  	s2 =	sld [smem:$0x3FD9]  }
0x89: {  	s3 =	sld [smem:$0x3FFE];
	_ =	sdelay $0x1  }
0x8a: {  	s1 =	srdreg.scid  }
0x8b: {  	s0 =	sand.u32 $0x1, s1  }
0x8c: {  	s16 =	sshll.u32 s0, $0xA;
	s2 =	sadd.s32 s3, s2  }
0x8d: {  	s2 =	sadd.s32 s2, s16  }
0x8e: {  	[smem:$0x3FA4] =	sst s2  }
0x8f: {  	_ = 	snop  }
0x90: {  	(tm) =	ssettm $0x1  }
0x91: {  	s17 =	sld [smem:$0x3FFB];
	_ =	sdelay $0x3  }
0x92: {  	_ =	strace s17  }
0x93: {  	s2 =	sld [smem:$0x3FFC];
	_ =	sdelay $0x3  }
0x94: {  	_ =	strace s2  }
0x95: {  	s2 =	sld [smem:$0x3FFD];
	_ =	sdelay $0x3  }
0x96: {  	_ =	strace s2  }
0x97: {  	_ =	strace $0x8FFFFFFF  }
0x98: {  	s18 =	sld [smem:$0x3FDB];
	_ =	sdelay $0x1  }
0x99: {  	s19 =	simm.s32 $_scs_section_size  }
0x9a: {  	s4 =	simm.s32 $_size__tile_overlayer_lowered;
	s5 =	simm.s32 $_tile_overlayer_lowered  }
0x9b: {  	s22 =	simm.s32 $0x1BFF;
	s21 =	sshll.u32 s5, $0x1;
	s2 =	sadd.s32 s19, s18  }
0x9c: {  	s6 =	simm.s32 $0x0;
	s20 =	sshll.u32 s4, $0x1;
	s4 =	sadd.s32 s21, s2  }
0x9d: {  	[timem:s6], [sflag:s22] =	dma.local [hbm:s4], s20  }
0x9e: {  	_ =	swait.ge [sflag:s22], s20  }
0x9f: {  	s3 =	ssub.s32 $0x0, s20;
	[sflag:s22] =	ssyncset.done $0x0  }
0xa0: {  	[sflag:s22] =	ssyncadd.s32 s3;
	_ =	sdelay $0x1  }
0xa1: {  	s23 =	simm.s32 $0x1B8B  }
0xa2: {  	_ =	swait.ge [sflag:s23], $0x1  }
0xa3: {  	[sflag:s23] =	ssyncset.done $0x0  }
0xa4: {  	s25 =	simm.s32 $0x1B8E;
	s24 =	sld [smem:$0x3FFE];
	[sflag:s23] =	ssyncadd.s32 $0xFFFFFFFF  }
0xa5: {  	s26 =	simm.s32 $execute0_lowered;
	[smem:$0x3FD2] =	sst s25  }
0xa6: {  	s4 =	sshll.u32 s26, $0x1;
	_ =	strace $0x80000049;
	[dreg:$0x1] =	wrdreg $0xFFFFFFFF  }
0xa7: {  	s28 =	simm.s32 $_size_execute0_lowered;
	s2 =	sadd.s32 s2, s4;
	[dreg:$0x0] =	wrdreg $0x0  }
0xa8: {  	s4 =	sshll.u32 s28, $0x1;
	[dreg:$0x2] =	wrdreg s2  }
0xa9: {  	[dreg:$0x3] =	wrdreg s4  }
0xaa: {  	[dreg:$0x4] =	wrdreg $0xC0  }
0xab: {  	_ =	task [dreg:s6], $0x5FFFF  }
0xac: {  	[dreg:$0x1] =	wrdreg $0xFFFFFFFF  }
0xad: {  	[dreg:$0x0] =	wrdreg $0x60  }
0xae: {  	[dreg:$0x2] =	wrdreg s24  }
0xaf: {  	[dreg:$0x3] =	wrdreg $0x0  }
0xb0: {  	[dreg:$0x4] =	wrdreg $0x9  }
0xb1: {  	_ =	task.clear_ibuf [dreg:s6], $0x5FFFF;
	_ =	strace $0x90000049  }
0xb2: {  	s29 =	simm.s32 $0x9;
	_ =	strace $0x8000004B  }
0xb3: {  	_ =	swait.ge [sflag:s29], $0x1  }
0xb4: {  	[sflag:s29] =	ssyncadd.s32 $0xFFFFFFFF  }
0xb5: {  	_ =	strace $0x9000004B  }
0xb6: {  	_ =	sfence  }
0xb7: {  	s30 =	sld [smem:$0x0];
	_ =	sdelay $0x2  }
0xb8: {  	s31 =	sshll.u32 s1, $0xD;
	s1 =	sshrl.u32 s1, $0x2  }
0xb9: {  	s3 =	sand.u32 $0x4000, s31;
	s1 =	sadd.s32 s1, s30  }
0xba: {  	s0 =	sor.u32 s3, s0;
	s1 =	sshll.u32 s1, $0x11  }
0xbb: {  	s0 =	sor.u32 s1, s0  }
0xbc: {  	s0 =	sadd.s32 $0x8F2B, s0  }
0xbd: {  	[sflag:s0] =	ssyncadd.remote.s32 $0x1  }
0xbe: {  	_ =	sfence.sel $0xFFFF  }
0xbf: {  	[dreg:$0x0] =	wrdreg $0xFFFFFFFF;
	(pc) =	sbr.abs _section_cstart, $3  }
0xc0: {  	[dreg:$0x1] =	wrdreg $0xFFFFFFFF  }
0xc1: {  	_ =	task.clear_ibuf [dreg:s6], $0x2FFFF;
	_ =	strace $0x9FFFFFFF  }
0xc2: {  	(tm) =	ssettm $0x7FFFFFFF  }
0xc3: {  	_ =	shalt  }
tec
execute0_lowered:
.L_overlay_start_1:
0x0: {  	(tag) =	ssettag $0x1  }
0x1: {  	s2 =	rddreg [dreg:$0x0]  }
0x2: {  	s1 =	rddreg [dreg:$0x1];
	s0 =	srdreg.scid  }
0x3: {  	s3 =	simm.s32 $0x0;
	s22 =	stileid.u32;
	s12 =	simm.s32 $0xD  }
0x4: {  	s13 =	simm.s32 $0x19000;
	s21 =	simm.s32 $0x19140;
	s14 =	simm.s32 $0x19050  }
0x5: {  	s23 =	simm.s32 $0x19190;
	s24 =	simm.s32 $0x191E0;
	s25 =	simm.s32 $0x19230  }
0x6: {  	s26 =	simm.s32 $0x19280;
	s28 =	simm.s32 $0x7;
	s29 =	simm.s32 $0x8  }
0x7: {  	s30 =	simm.s32 $0x9;
	s31 =	simm.s32 $0xA;
	s5 =	sand.u32 $0x1, s0  }
0x8: {  	[smem:$0x7FF] =	sst s3;
	s6 =	smul.u32 $0xC80, s22;
	s16 =	sadd.s32 $0x15A800, s2  }
0x9: {  	s17 =	sadd.s32 $0x177000, s1;
	_ =	strace $0x8000004A;
	[dreg:$0xe] =	wrdreg s16  }
0xa: {  	s7 =	smul.u32 $0x61A8, s22;
	s4 =	sadd.s32 $0xC9E00, s2;
	[dreg:$0xf] =	wrdreg s17  }
0xb: {  	s10 =	smul.u32 $0x64000, s22;
	p0 =	seq.s32 s22, $0xF;
	[dreg:$0x5] =	wrdreg s21  }
0xc: {  	s22 =	simm.s32 $0x1A7C0;
	s0 =	smul.u32 $0xC380, s5;
	[dreg:$0x6] =	wrdreg s23  }
0xd: {  	s8 =	smul.u32 $0xFFFFFFA0, s5;
	s9 =	ssub.s32 $0x2, s5;
	[dreg:$0x7] =	wrdreg s24  }
0xe: {  	p2 =	seq.s32 s5, $0x1;
	s16 =	simm.s32 $0x190F0;
	[dreg:$0x8] =	wrdreg s25  }
0xf: {  	s17 =	simm.s32 $0x1;
	[dreg:$0x9] =	wrdreg s26;
	s21 =	simm.s32 $0x3  }
0x10: {  	p1 =	sne.s32 @p0 s5, $0x0;
	s23 =	simm.s32 $0x4;
	s24 =	simm.s32 $0x1B1C0  }
0x11: {  	s25 =	simm.s32 $0x5;
	s26 =	simm.s32 $0x6;
	s7 =	sadd.s32 s7, s2  }
0x12: {  	s11 =	sshrl.u32 s9, $0x1;
	s15 =	sshrl.u32 s10, $0x2;
	p1 =	por p1, !p0  }
0x13: {  	p2 =	por !p2, !p0;
	s6 =	sadd.s32 s6, s0;
	s8 =	sadd.s32 $0xC380, s8  }
0x14: {  	s9 =	ssub.s32 s9, s11;
	s18 =	sadd.s32 $0x6600, s7;
	[dreg:$0x13] =	wrdreg s8  }
0x15: {  	s19 =	sadd.s32 $0x68200, s7;
	s11 =	simm.s32 $0x193C0;
	[dreg:$0x3] =	wrdreg s18  }
0x16: {  	s7 =	simm.s32 $0x192D0;
	v0 =	vmov s0;
	s0 =	simm.s32 $0xB;
	[dreg:$0x4] =	wrdreg s19  }
0x17: {  	s6 =	sshll.u32 s6, $0x2;
	s20 =	smax.u32 s9, $0x1;
	[dreg:$0xa] =	wrdreg s7  }
0x18: {  	s18 =	simm.s32 $0x50;
	s8 =	simm.s32 $0x19320;
	[dreg:$0x11] =	wrdreg s20  }
0x19: {  	s19 =	simm.s32 $0x2;
	s9 =	simm.s32 $0x19370;
	[dreg:$0xb] =	wrdreg s8  }
0x1a: {  	s6 =	sadd.s32 s6, s2;
	s2 =	sadd.s32 $0x18B600, s2;
	[dreg:$0xc] =	wrdreg s9  }
0x1b: {  	s20 =	simm.s32 $0x19DC0;
	s10 =	rddreg [dreg:$0x13];
	s8 =	simm.s32 $0x0  }
0x1c: {  	s6 =	sadd.s32 $0x12BA00, s6;
	[dreg:$0x10] =	wrdreg s2;
	s2 =	simm.s32 $0xC  }
0x1d: {  	v2 =	vimm.f32 $0.0e+00;
	v1 =	vmov s10;
	[dreg:$0xd] =	wrdreg s6;
	s6 =	sadd.s32 s15, s1;
	s15 =	simm.s32 $0x190A0  }
.LBB2_1:
0x1e: {  	s7 =	simm.s32 $0x0  }
.LBB2_2:
0x1f: {  	p3 =	sne.s32 s7, $0x2780  }
.Ltmp0:
0x20: {  	_ = 	snop;
	(pc) =	sbr.rel @p3 .LBB2_2-.Ltmp0, $4  }
0x21: {  	_ = 	snop  }
0x22: {  	s9 =	sshra.s32 s7, $0x2  }
0x23: {  	[tilespmem:s9+$0x193C0] =	vst v2  }
0x24: {  	s7 =	sadd.s32 $0x80, s7;
	[tilespmem:s9+$0x193D0] =	vst v2  }
0x25: {  	[dreg:$0x12] =	wrdreg s8;
	s7 =	sadd.s32 $0x0, s6  }
0x26: {  	[spmem:s7] =	stream.linear.scatter [tilespmem:s11], [sflag:$0xD], $0xA00, $0x38;
	[tilespmem:$0x1BBC0] =	vst v63  }
0x27: {  	s7 =	simm.s32 $0x2800;
	_ =	swait.ge [sflag:s12], $0xA00  }
.LBB2_4:
0x28: {  	s9 =	sshra.s32 s7, $0x2;
	[sflag:s12] =	ssyncset.done $0x0;
	p3 =	sne.s32 s7, $0x61800  }
.Ltmp1:
0x29: {  	s9 =	sadd.s32 s9, s6;
	[sflag:s12] =	ssyncadd.s32 $0xFFFFF600;
	(pc) =	sbr.rel @p3 .LBB2_4-.Ltmp1, $3  }
0x2a: {  	[spmem:s9] =	stream.linear.scatter [tilespmem:s11], [sflag:$0xD], $0xA00, $0x38;
	[tilespmem:$0x1BBC0] =	vst v63  }
0x2b: {  	s7 =	sadd.s32 $0x2800, s7;
	_ =	sdelay $0x1  }
0x2c: {  	_ =	swait.ge [sflag:s12], $0xA00  }
0x2d: {  	[sflag:s12] =	ssyncset.done $0x0  }
0x2e: {  	[sflag:s12] =	ssyncadd.s32 $0xFFFFF600  }
0x2f: {  	[bflag:$0x0] =	sbarrier.arrive $0xFFFF  }
0x30: {  	s7 =	rddreg [dreg:$0x4]  }
0x31: {  	s9 =	rddreg [dreg:$0x3];
	s7 =	sadd.s32 $0x0, s7  }
0x32: {  	[tilespmem:s13], [sflag:$0x1] =	stream.linear.gather [hbm4b:s7+s3], $0x50, $0x38;
	[tilespmem:$0x1BBC0] =	vst v63  }
0x33: {  	s10 =	rddreg [dreg:$0x5];
	s9 =	sadd.s32 $0x0, s9  }
0x34: {  	[tilespmem:s10], [sflag:$0x1] =	stream.linear.gather [hbm4b:s9+s3], $0x50, $0x38;
	[tilespmem:$0x1BBC0] =	vst v63  }
0x35: {  	s5 =	sadd.s32 $0xA, s7  }
0x36: {  	[tilespmem:s14], [sflag:$0x2] =	stream.linear.gather [hbm4b:s5+s3], $0x50, $0x38;
	[tilespmem:$0x1BBC0] =	vst v63  }
0x37: {  	s8 =	rddreg [dreg:$0x6];
	s5 =	sadd.s32 $0xA, s9  }
0x38: {  	[tilespmem:s8], [sflag:$0x2] =	stream.linear.gather [hbm4b:s5+s3], $0x50, $0x38;
	[tilespmem:$0x1BBC0] =	vst v63  }
0x39: {  	s5 =	sadd.s32 $0x14, s7  }
0x3a: {  	[tilespmem:s15], [sflag:$0x3] =	stream.linear.gather [hbm4b:s5+s3], $0x50, $0x38;
	[tilespmem:$0x1BBC0] =	vst v63  }
0x3b: {  	s10 =	rddreg [dreg:$0x7];
	s5 =	sadd.s32 $0x14, s9  }
0x3c: {  	[tilespmem:s10], [sflag:$0x3] =	stream.linear.gather [hbm4b:s5+s3], $0x50, $0x38;
	[tilespmem:$0x1BBC0] =	vst v63  }
0x3d: {  	s7 =	sadd.s32 $0x1E, s7  }
0x3e: {  	[tilespmem:s16], [sflag:$0x4] =	stream.linear.gather [hbm4b:s7+s3], $0x50, $0x38;
	[tilespmem:$0x1BBC0] =	vst v63  }
0x3f: {  	s5 =	rddreg [dreg:$0x8];
	s10 =	sadd.s32 $0x1E, s9  }
0x40: {  	[tilespmem:s5], [sflag:$0x4] =	stream.linear.gather [hbm4b:s10+s3], $0x50, $0x38;
	[tilespmem:$0x1BBC0] =	vst v63  }
0x41: {  	_ =	swait.ge [sflag:s17], $0x50  }
0x42: {  	[sflag:s17] =	ssyncset.done $0x0  }
0x43: {  	[sflag:s17] =	ssyncadd.s32 $0xFFFFFFB0  }
0x44: {  	_ =	swait.ge [sflag:s17], $0x50  }
0x45: {  	[sflag:s17] =	ssyncset.done $0x0  }
0x46: {  	[sflag:s17] =	ssyncadd.s32 $0xFFFFFFB0  }
0x47: {  	[tilespmem:s11], [sflag:$0x5] =	stream.indirect.gather [hbm4b:s4+s18], $0x20, s13, s18, $0xb8;
	[tilespmem:$0x1BBC0] =	vst v63  }
0x48: {  	_ =	swait.ge [sflag:s19], $0x50  }
0x49: {  	[sflag:s19] =	ssyncset.done $0x0  }
0x4a: {  	[sflag:s19] =	ssyncadd.s32 $0xFFFFFFB0  }
0x4b: {  	_ =	swait.ge [sflag:s19], $0x50  }
0x4c: {  	[sflag:s19] =	ssyncset.done $0x0  }
0x4d: {  	[sflag:s19] =	ssyncadd.s32 $0xFFFFFFB0  }
0x4e: {  	[tilespmem:s20], [sflag:$0x6] =	stream.indirect.gather [hbm4b:s4+s18], $0x20, s14, s18, $0xb8;
	[tilespmem:$0x1BBC0] =	vst v63  }
0x4f: {  	_ =	swait.ge [sflag:s21], $0x50  }
0x50: {  	[sflag:s21] =	ssyncset.done $0x0  }
0x51: {  	[sflag:s21] =	ssyncadd.s32 $0xFFFFFFB0  }
0x52: {  	_ =	swait.ge [sflag:s21], $0x50  }
0x53: {  	[sflag:s21] =	ssyncset.done $0x0  }
0x54: {  	[sflag:s21] =	ssyncadd.s32 $0xFFFFFFB0  }
0x55: {  	[tilespmem:s22], [sflag:$0x7] =	stream.indirect.gather [hbm4b:s4+s18], $0x20, s15, s18, $0xb8;
	[tilespmem:$0x1BBC0] =	vst v63  }
0x56: {  	_ =	swait.ge [sflag:s23], $0x50  }
0x57: {  	[sflag:s23] =	ssyncset.done $0x0  }
0x58: {  	[sflag:s23] =	ssyncadd.s32 $0xFFFFFFB0  }
0x59: {  	_ =	swait.ge [sflag:s23], $0x50  }
0x5a: {  	[sflag:s23] =	ssyncset.done $0x0  }
0x5b: {  	[sflag:s23] =	ssyncadd.s32 $0xFFFFFFB0  }
0x5c: {  	[tilespmem:s24], [sflag:$0x8] =	stream.indirect.gather [hbm4b:s4+s18], $0x20, s16, s18, $0xb8;
	[tilespmem:$0x1BBC0] =	vst v63  }
0x5d: {  	v3 =	vld [tilespmem:$0x19180]  }
0x5e: {  	v4 =	vld [tilespmem:$0x19150]  }
0x5f: {  	v5 =	vld [tilespmem:$0x19160]  }
0x60: {  	v6 =	vld [tilespmem:$0x191B0]  }
0x61: {  	v7 =	vld [tilespmem:$0x19140]  }
0x62: {  	v8 =	vld [tilespmem:$0x191A0]  }
0x63: {  	v9 =	vld [tilespmem:$0x19190]  }
0x64: {  	v10 =	vld [tilespmem:$0x191E0]  }
0x65: {  	v11 =	vld [tilespmem:$0x191C0]  }
0x66: {  	v12 =	vld [tilespmem:$0x191F0]  }
0x67: {  	v13 =	vld [tilespmem:$0x19200]  }
0x68: {  	v14 =	vld [tilespmem:$0x19210]  }
0x69: {  	v15 =	vld [tilespmem:$0x19240]  }
0x6a: {  	v16 =	vld [tilespmem:$0x19250]  }
0x6b: {  	v17 =	vld [tilespmem:$0x191D0];
	v4 =	vsub.s32 v4, v0  }
0x6c: {  	v3 =	vsub.s32 v3, v0;
	v5 =	vsub.s32 v5, v0;
	v6 =	vsub.s32 v6, v0  }
0x6d: {  	v7 =	vsub.s32 v7, v0;
	v8 =	vsub.s32 v8, v0;
	v9 =	vsub.s32 v9, v0  }
0x6e: {  	v10 =	vsub.s32 v10, v0;
	v12 =	vsub.s32 v12, v0;
	v11 =	vsub.s32 v11, v0  }
0x6f: {  	v13 =	vsub.s32 v13, v0;
	v14 =	vsub.s32 v14, v0;
	v15 =	vsub.s32 v15, v0  }
0x70: {  	v16 =	vsub.s32 v16, v0;
	v17 =	vsub.s32 v17, v0;
	vm1 =	vgt.s32 v4, $0xFFFFFFFF  }
0x71: {  	vm0 =	vgt.s32 v5, $0xFFFFFFFF;
	vm2 =	vlt.s32 v5, v1;
	vm3 =	vgt.s32 v7, $0xFFFFFFFF  }
0x72: {  	vm4 =	vlt.s32 v4, v1;
	vm5 =	vgt.s32 v9, $0xFFFFFFFF;
	vm14 =	vgt.s32 v3, $0xFFFFFFFF  }
0x73: {  	vm15 =	vlt.s32 v3, v1;
	vm6 =	vgt.s32 v12, $0xFFFFFFFF;
	vm7 =	vgt.s32 v13, $0xFFFFFFFF  }
0x74: {  	vm8 =	vlt.s32 v13, v1;
	vm12 =	vlt.s32 v12, v1;
	vm13 =	vlt.s32 v11, v1  }
0x75: {  	vm9 =	vgt.s32 v8, $0xFFFFFFFF;
	vm10 =	vgt.s32 v11, $0xFFFFFFFF;
	vm2 =	vmand vm0, vm2  }
0x76: {  	vm0 =	vlt.s32 v6, v1;
	vm1 =	vmand vm1, vm4;
	vm4 =	vmand vm14, vm15  }
0x77: {  	vm7 =	vmand vm7, vm8;
	vm14 =	vgt.s32 v14, $0xFFFFFFFF;
	vm8 =	vmand vm10, vm13  }
0x78: {  	vm15 =	vlt.s32 v10, v1;
	vm10 =	vgt.s32 v6, $0xFFFFFFFF;
	vm13 =	vgt.s32 v17, $0xFFFFFFFF  }
0x79: {  	v5 =	vnsel vm2, $0xC738, v5;
	vm2 =	vlt.s32 v7, v1;
	v4 =	vnsel vm1, $0xC738, v4  }
0x7a: {  	vm1 =	vlt.s32 v8, v1;
	v13 =	vnsel vm7, $0xC738, v13;
	v11 =	vnsel vm8, $0xC738, v11  }
0x7b: {  	v19 =	vld [tilespmem:$0x19230];
	vm0 =	vmand vm10, vm0;
	vm2 =	vmand vm3, vm2;
	vm3 =	vlt.s32 v9, v1;
	[tilespmem:$0x192A0] =	vst v5  }
0x7c: {  	vm1 =	vmand vm9, vm1;
	[tilespmem:$0x19290] =	vst v4;
	vm9 =	vlt.s32 v15, v1;
	v6 =	vnsel vm0, $0xC738, v6  }
0x7d: {  	v5 =	vld [tilespmem:$0x19220];
	[tilespmem:$0x19340] =	vst v13;
	vm3 =	vmand vm5, vm3;
	v8 =	vnsel vm1, $0xC738, v8;
	vm1 =	vlt.s32 v16, v1  }
0x7e: {  	[tilespmem:$0x19300] =	vst v11;
	v4 =	vnsel vm2, $0xC738, v7;
	vm2 =	vmand vm6, vm12;
	v9 =	vnsel vm3, $0xC738, v9  }
0x7f: {  	vm3 =	vgt.s32 v10, $0xFFFFFFFF;
	v7 =	vnsel vm2, $0xC738, v12;
	vm2 =	vlt.s32 v14, v1;
	[tilespmem:$0x19280] =	vst v4  }
0x80: {  	v4 =	vsub.s32 v19, v0;
	[tilespmem:$0x192D0] =	vst v9;
	v9 =	vnsel vm4, $0xC738, v3;
	vm3 =	vmand vm3, vm15  }
0x81: {  	[tilespmem:$0x192F0] =	vst v6;
	vm0 =	vmand vm14, vm2;
	vm12 =	vlt.s32 v4, v1;
	vm14 =	vlt.s32 v17, v1  }
0x82: {  	v18 =	vld [tilespmem:$0x19170];
	[tilespmem:$0x192E0] =	vst v8;
	vm15 =	vgt.s32 v15, $0xFFFFFFFF;
	v8 =	vnsel vm0, $0xC738, v14;
	v5 =	vsub.s32 v5, v0  }
0x83: {  	v6 =	vld [tilespmem:$0x19260];
	[tilespmem:$0x19330] =	vst v7;
	vm0 =	vgt.s32 v4, $0xFFFFFFFF;
	vm2 =	vgt.s32 v5, $0xFFFFFFFF;
	vm11 =	vlt.s32 v5, v1  }
0x84: {  	[tilespmem:$0x192C0] =	vst v9;
	v7 =	vnsel vm3, $0xC738, v10;
	vm3 =	vmand vm13, vm14;
	vm2 =	vmand vm2, vm11  }
0x85: {  	[tilespmem:$0x19350] =	vst v8;
	vm0 =	vmand vm0, vm12;
	v5 =	vnsel vm2, $0xC738, v5;
	vm2 =	vmand vm15, vm9  }
0x86: {  	[tilespmem:$0x19320] =	vst v7;
	v9 =	vnsel vm0, $0xC738, v4;
	v7 =	vnsel vm2, $0xC738, v15;
	vm2 =	vgt.s32 v16, $0xFFFFFFFF  }
0x87: {  	v3 =	vsub.s32 v18, v0;
	v8 =	vnsel vm3, $0xC738, v17;
	[tilespmem:$0x19370] =	vst v9;
	vm1 =	vmand vm2, vm1  }
0x88: {  	s7 =	simm.s32 $0x28;
	v4 =	vld [tilespmem:$0x19270];
	vm0 =	vgt.s32 v3, $0xFFFFFFFF;
	v6 =	vsub.s32 v6, v0;
	[tilespmem:$0x19380] =	vst v7;
	v7 =	vnsel vm1, $0xC738, v16  }
.LBB2_6:
0x89: {  	_ =	sdelay $0x2  }
0x8a: {  	[tilespmem:$0x19310] =	vst v8;
	vm1 =	vgt.s32 v6, $0xFFFFFFFF;
	vm2 =	vlt.s32 v6, v1;
	vm4 =	vlt.s32 v3, v1  }
0x8b: {  	[tilespmem:$0x19360] =	vst v5;
	vm1 =	vmand vm1, vm2;
	vm0 =	vmand vm0, vm4;
	v4 =	vsub.s32 v4, v0  }
0x8c: {  	[tilespmem:$0x19390] =	vst v7;
	v5 =	vnsel vm1, $0xC738, v6;
	vm2 =	vgt.s32 v4, $0xFFFFFFFF;
	vm3 =	vlt.s32 v4, v1  }
0x8d: {  	v3 =	vnsel vm0, $0xC738, v3;
	[tilespmem:$0x193A0] =	vst v5;
	vm1 =	vmand vm2, vm3  }
0x8e: {  	[tilespmem:$0x192B0] =	vst v3;
	v4 =	vnsel vm1, $0xC738, v4  }
0x8f: {  	[tilespmem:$0x193B0] =	vst v4  }
0x90: {  	_ =	swait.ge [sflag:s25], $0xA00  }
0x91: {  	[sflag:s25] =	ssyncset.done $0x0  }
0x92: {  	s8 =	rddreg [dreg:$0x9];
	[sflag:s25] =	ssyncadd.s32 $0xFFFFF600  }
0x93: {  	[spmem:s1] =	stream.indirect.scatter.add.f32 [tilespmem:s11], [sflag:$0x9], $0x20, s8, s18, $0xb8;
	[tilespmem:$0x1BBC0] =	vst v63  }
0x94: {  	_ =	swait.ge [sflag:s26], $0xA00  }
0x95: {  	[sflag:s26] =	ssyncset.done $0x0  }
0x96: {  	s10 =	rddreg [dreg:$0xa];
	[sflag:s26] =	ssyncadd.s32 $0xFFFFF600  }
0x97: {  	[spmem:s1] =	stream.indirect.scatter.add.f32 [tilespmem:s20], [sflag:$0xA], $0x20, s10, s18, $0xb8;
	[tilespmem:$0x1BBC0] =	vst v63  }
0x98: {  	_ =	swait.ge [sflag:s28], $0xA00  }
0x99: {  	[sflag:s28] =	ssyncset.done $0x0  }
0x9a: {  	s5 =	rddreg [dreg:$0xb];
	[sflag:s28] =	ssyncadd.s32 $0xFFFFF600  }
0x9b: {  	[spmem:s1] =	stream.indirect.scatter.add.f32 [tilespmem:s22], [sflag:$0xB], $0x20, s5, s18, $0xb8;
	[tilespmem:$0x1BBC0] =	vst v63  }
0x9c: {  	_ =	swait.ge [sflag:s29], $0xA00  }
0x9d: {  	[sflag:s29] =	ssyncset.done $0x0  }
0x9e: {  	s10 =	rddreg [dreg:$0xc];
	[sflag:s29] =	ssyncadd.s32 $0xFFFFF600  }
0x9f: {  	[spmem:s1] =	stream.indirect.scatter.add.f32 [tilespmem:s24], [sflag:$0xC], $0x20, s10, s18, $0xb8;
	[tilespmem:$0x1BBC0] =	vst v63  }
0xa0: {  	_ =	swait.ge [sflag:s30], $0xA00  }
0xa1: {  	[sflag:s30] =	ssyncset.done $0x0  }
0xa2: {  	[sflag:s30] =	ssyncadd.s32 $0xFFFFF600  }
0xa3: {  	_ =	swait.ge [sflag:s31], $0xA00  }
0xa4: {  	[sflag:s31] =	ssyncset.done $0x0  }
0xa5: {  	[sflag:s31] =	ssyncadd.s32 $0xFFFFF600  }
0xa6: {  	_ =	swait.ge [sflag:s0], $0xA00  }
0xa7: {  	[sflag:s0] =	ssyncset.done $0x0  }
0xa8: {  	[sflag:s0] =	ssyncadd.s32 $0xFFFFF600  }
0xa9: {  	_ =	swait.ge [sflag:s2], $0xA00  }
0xaa: {  	s9 =	smov.u32 s7;
	s5 =	rddreg [dreg:$0x4];
	[sflag:s2] =	ssyncset.done $0x0  }
0xab: {  	s10 =	rddreg [dreg:$0x3];
	[sflag:s2] =	ssyncadd.s32 $0xFFFFF600;
	s8 =	sadd.s32 s9, s5  }
0xac: {  	[tilespmem:s13], [sflag:$0x1] =	stream.linear.gather [hbm4b:s8+s3], $0x50, $0x38;
	[tilespmem:$0x1BBC0] =	vst v63  }
0xad: {  	s5 =	rddreg [dreg:$0x5];
	s9 =	sadd.s32 s9, s10  }
0xae: {  	[tilespmem:s5], [sflag:$0x1] =	stream.linear.gather [hbm4b:s9+s3], $0x50, $0x38;
	[tilespmem:$0x1BBC0] =	vst v63  }
0xaf: {  	s5 =	sadd.s32 $0xA, s8  }
0xb0: {  	[tilespmem:s14], [sflag:$0x2] =	stream.linear.gather [hbm4b:s5+s3], $0x50, $0x38;
	[tilespmem:$0x1BBC0] =	vst v63  }
0xb1: {  	s10 =	rddreg [dreg:$0x6];
	s5 =	sadd.s32 $0xA, s9  }
0xb2: {  	[tilespmem:s10], [sflag:$0x2] =	stream.linear.gather [hbm4b:s5+s3], $0x50, $0x38;
	[tilespmem:$0x1BBC0] =	vst v63  }
0xb3: {  	s5 =	sadd.s32 $0x14, s8  }
0xb4: {  	[tilespmem:s15], [sflag:$0x3] =	stream.linear.gather [hbm4b:s5+s3], $0x50, $0x38;
	[tilespmem:$0x1BBC0] =	vst v63  }
0xb5: {  	s10 =	rddreg [dreg:$0x7];
	s5 =	sadd.s32 $0x14, s9  }
0xb6: {  	[tilespmem:s10], [sflag:$0x3] =	stream.linear.gather [hbm4b:s5+s3], $0x50, $0x38;
	[tilespmem:$0x1BBC0] =	vst v63  }
0xb7: {  	s10 =	sadd.s32 $0x1E, s8  }
0xb8: {  	[tilespmem:s16], [sflag:$0x4] =	stream.linear.gather [hbm4b:s10+s3], $0x50, $0x38;
	[tilespmem:$0x1BBC0] =	vst v63  }
0xb9: {  	s8 =	rddreg [dreg:$0x8];
	s10 =	sadd.s32 $0x1E, s9  }
0xba: {  	[tilespmem:s8], [sflag:$0x4] =	stream.linear.gather [hbm4b:s10+s3], $0x50, $0x38;
	[tilespmem:$0x1BBC0] =	vst v63  }
0xbb: {  	_ =	swait.ge [sflag:s17], $0x50  }
0xbc: {  	[sflag:s17] =	ssyncset.done $0x0  }
0xbd: {  	[sflag:s17] =	ssyncadd.s32 $0xFFFFFFB0  }
0xbe: {  	_ =	swait.ge [sflag:s17], $0x50  }
0xbf: {  	[sflag:s17] =	ssyncset.done $0x0  }
0xc0: {  	[sflag:s17] =	ssyncadd.s32 $0xFFFFFFB0  }
0xc1: {  	[tilespmem:s11], [sflag:$0x5] =	stream.indirect.gather [hbm4b:s4+s18], $0x20, s13, s18, $0xb8;
	[tilespmem:$0x1BBC0] =	vst v63  }
0xc2: {  	_ =	swait.ge [sflag:s19], $0x50  }
0xc3: {  	[sflag:s19] =	ssyncset.done $0x0  }
0xc4: {  	[sflag:s19] =	ssyncadd.s32 $0xFFFFFFB0  }
0xc5: {  	_ =	swait.ge [sflag:s19], $0x50  }
0xc6: {  	[sflag:s19] =	ssyncset.done $0x0  }
0xc7: {  	[sflag:s19] =	ssyncadd.s32 $0xFFFFFFB0  }
0xc8: {  	[tilespmem:s20], [sflag:$0x6] =	stream.indirect.gather [hbm4b:s4+s18], $0x20, s14, s18, $0xb8;
	[tilespmem:$0x1BBC0] =	vst v63  }
0xc9: {  	_ =	swait.ge [sflag:s21], $0x50  }
0xca: {  	[sflag:s21] =	ssyncset.done $0x0  }
0xcb: {  	[sflag:s21] =	ssyncadd.s32 $0xFFFFFFB0  }
0xcc: {  	_ =	swait.ge [sflag:s21], $0x50  }
0xcd: {  	[sflag:s21] =	ssyncset.done $0x0  }
0xce: {  	[sflag:s21] =	ssyncadd.s32 $0xFFFFFFB0  }
0xcf: {  	[tilespmem:s22], [sflag:$0x7] =	stream.indirect.gather [hbm4b:s4+s18], $0x20, s15, s18, $0xb8;
	[tilespmem:$0x1BBC0] =	vst v63  }
0xd0: {  	_ =	swait.ge [sflag:s23], $0x50  }
0xd1: {  	[sflag:s23] =	ssyncset.done $0x0  }
0xd2: {  	[sflag:s23] =	ssyncadd.s32 $0xFFFFFFB0  }
0xd3: {  	_ =	swait.ge [sflag:s23], $0x50  }
0xd4: {  	[sflag:s23] =	ssyncset.done $0x0  }
0xd5: {  	[sflag:s23] =	ssyncadd.s32 $0xFFFFFFB0  }
0xd6: {  	[tilespmem:s24], [sflag:$0x8] =	stream.indirect.gather [hbm4b:s4+s18], $0x20, s16, s18, $0xb8;
	[tilespmem:$0x1BBC0] =	vst v63  }
0xd7: {  	v3 =	vld [tilespmem:$0x19190]  }
0xd8: {  	v4 =	vld [tilespmem:$0x19180]  }
0xd9: {  	v5 =	vld [tilespmem:$0x19150]  }
0xda: {  	v6 =	vld [tilespmem:$0x19160]  }
0xdb: {  	v7 =	vld [tilespmem:$0x191B0]  }
0xdc: {  	v8 =	vld [tilespmem:$0x19140]  }
0xdd: {  	v9 =	vld [tilespmem:$0x191A0]  }
0xde: {  	v10 =	vld [tilespmem:$0x191C0]  }
0xdf: {  	v14 =	vld [tilespmem:$0x19200]  }
0xe0: {  	v15 =	vld [tilespmem:$0x19210]  }
0xe1: {  	v18 =	vld [tilespmem:$0x19240]  }
0xe2: {  	v5 =	vsub.s32 v5, v0  }
0xe3: {  	v11 =	vsub.s32 v4, v0;
	v4 =	vsub.s32 v6, v0;
	v6 =	vsub.s32 v7, v0  }
0xe4: {  	v8 =	vsub.s32 v8, v0;
	v9 =	vsub.s32 v9, v0;
	v3 =	vsub.s32 v3, v0  }
0xe5: {  	v10 =	vsub.s32 v10, v0;
	v14 =	vsub.s32 v14, v0;
	v15 =	vsub.s32 v15, v0  }
0xe6: {  	v18 =	vsub.s32 v18, v0;
	vm2 =	vgt.s32 v5, $0xFFFFFFFF;
	vm0 =	vgt.s32 v4, $0xFFFFFFFF  }
0xe7: {  	vm1 =	vlt.s32 v4, v1;
	vm3 =	vgt.s32 v8, $0xFFFFFFFF;
	vm13 =	vlt.s32 v5, v1  }
0xe8: {  	vm5 =	vgt.s32 v3, $0xFFFFFFFF;
	vm6 =	vgt.s32 v11, $0xFFFFFFFF;
	vm14 =	vlt.s32 v11, v1  }
0xe9: {  	v7 =	vld [tilespmem:$0x191E0];
	vm15 =	vgt.s32 v14, $0xFFFFFFFF;
	vm7 =	vlt.s32 v14, v1;
	vm12 =	vlt.s32 v10, v1  }
0xea: {  	vm9 =	vgt.s32 v9, $0xFFFFFFFF;
	vm10 =	vgt.s32 v10, $0xFFFFFFFF;
	vm1 =	vmand vm0, vm1  }
0xeb: {  	vm0 =	vlt.s32 v6, v1;
	vm2 =	vmand vm2, vm13;
	vm6 =	vmand vm6, vm14  }
0xec: {  	vm13 =	vgt.s32 v15, $0xFFFFFFFF;
	v4 =	vnsel vm1, $0xC738, v4;
	vm1 =	vlt.s32 v8, v1  }
0xed: {  	v13 =	vld [tilespmem:$0x191F0];
	[tilespmem:$0x192A0] =	vst v4;
	vm1 =	vmand vm3, vm1;
	vm3 =	vlt.s32 v3, v1;
	v4 =	vnsel vm2, $0xC738, v5  }
0xee: {  	vm2 =	vlt.s32 v9, v1;
	v7 =	vsub.s32 v7, v0;
	vm3 =	vmand vm5, vm3  }
0xef: {  	v5 =	vld [tilespmem:$0x19250];
	vm5 =	vmand vm15, vm7;
	vm2 =	vmand vm9, vm2;
	vm7 =	vmand vm10, vm12  }
0xf0: {  	v12 =	vld [tilespmem:$0x191D0];
	vm15 =	vgt.s32 v6, $0xFFFFFFFF;
	vm9 =	vlt.s32 v15, v1;
	v3 =	vnsel vm3, $0xC738, v3  }
0xf1: {  	vm3 =	vgt.s32 v7, $0xFFFFFFFF;
	v14 =	vnsel vm5, $0xC738, v14;
	vm14 =	vlt.s32 v7, v1  }
0xf2: {  	v19 =	vld [tilespmem:$0x19170];
	vm0 =	vmand vm15, vm0;
	vm15 =	vgt.s32 v18, $0xFFFFFFFF;
	[tilespmem:$0x192D0] =	vst v3;
	v3 =	vsub.s32 v13, v0  }
0xf3: {  	v16 =	vld [tilespmem:$0x19220];
	vm3 =	vmand vm3, vm14;
	vm4 =	vgt.s32 v3, $0xFFFFFFFF;
	vm8 =	vlt.s32 v3, v1  }
0xf4: {  	v17 =	vld [tilespmem:$0x19230];
	[tilespmem:$0x19290] =	vst v4;
	v7 =	vnsel vm3, $0xC738, v7;
	v63 =	vsub.s32 v5, v0;
	v5 =	vnsel vm2, $0xC738, v9  }
0xf5: {  	[tilespmem:$0x19340] =	vst v14;
	v9 =	vnsel vm7, $0xC738, v10;
	v10 =	vnsel vm6, $0xC738, v11;
	v11 =	vsub.s32 v12, v0  }
0xf6: {  	vm4 =	vmand vm4, vm8;
	vm2 =	vlt.s32 v63, v1;
	[tilespmem:$0x192E0] =	vst v5;
	v5 =	vnsel vm1, $0xC738, v8  }
0xf7: {  	vm1 =	vlt.s32 v18, v1;
	[tilespmem:$0x192C0] =	vst v10;
	v8 =	vnsel vm4, $0xC738, v3;
	v3 =	vsub.s32 v19, v0  }
0xf8: {  	v10 =	vsub.s32 v16, v0;
	[tilespmem:$0x19280] =	vst v5;
	v5 =	vnsel vm0, $0xC738, v6;
	vm0 =	vmand vm13, vm9  }
0xf9: {  	[tilespmem:$0x19320] =	vst v7;
	v6 =	vsub.s32 v17, v0;
	vm10 =	vgt.s32 v10, $0xFFFFFFFF;
	vm11 =	vlt.s32 v10, v1  }
0xfa: {  	p3 =	sne.s32 s7, $0x6180;
	v62 =	vld [tilespmem:$0x19260];
	vm13 =	vgt.s32 v11, $0xFFFFFFFF;
	vm1 =	vmand vm15, vm1;
	[tilespmem:$0x192F0] =	vst v5;
	v5 =	vnsel vm0, $0xC738, v15  }
.Ltmp2:
0xfb: {  	[tilespmem:$0x19300] =	vst v9;
	vm0 =	vgt.s32 v6, $0xFFFFFFFF;
	vm12 =	vlt.s32 v6, v1;
	vm4 =	vmand vm10, vm11;
	(pc) =	sbr.rel @p3 .LBB2_6-.Ltmp2, $4  }
0xfc: {  	[tilespmem:$0x19330] =	vst v8;
	v7 =	vnsel vm1, $0xC738, v18;
	vm1 =	vgt.s32 v63, $0xFFFFFFFF;
	vm14 =	vmand vm0, vm12  }
0xfd: {  	[tilespmem:$0x19350] =	vst v5;
	vm0 =	vlt.s32 v11, v1;
	v5 =	vnsel vm4, $0xC738, v10;
	vm1 =	vmand vm1, vm2  }
0xfe: {  	[tilespmem:$0x19380] =	vst v7;
	vm0 =	vmand vm13, vm0;
	v6 =	vnsel vm14, $0xC738, v6;
	v7 =	vnsel vm1, $0xC738, v63  }
0xff: {  	s7 =	sadd.s32 $0x28, s7;
	v4 =	vld [tilespmem:$0x19270];
	v8 =	vnsel vm0, $0xC738, v11;
	vm0 =	vgt.s32 v3, $0xFFFFFFFF;
	[tilespmem:$0x19370] =	vst v6;
	v6 =	vsub.s32 v62, v0  }
0x100: {  	_ =	sdelay $0x2  }
0x101: {  	[tilespmem:$0x19310] =	vst v8;
	vm1 =	vgt.s32 v6, $0xFFFFFFFF;
	vm2 =	vlt.s32 v6, v1;
	vm4 =	vlt.s32 v3, v1  }
0x102: {  	[tilespmem:$0x19360] =	vst v5;
	vm1 =	vmand vm1, vm2;
	vm0 =	vmand vm0, vm4;
	v4 =	vsub.s32 v4, v0  }
0x103: {  	[tilespmem:$0x19390] =	vst v7;
	v63 =	vnsel vm1, $0xC738, v6;
	vm14 =	vgt.s32 v4, $0xFFFFFFFF;
	vm3 =	vlt.s32 v4, v1  }
0x104: {  	v3 =	vnsel vm0, $0xC738, v3;
	[tilespmem:$0x193A0] =	vst v63;
	vm15 =	vmand vm14, vm3  }
0x105: {  	[tilespmem:$0x192B0] =	vst v3;
	v4 =	vnsel vm15, $0xC738, v4  }
0x106: {  	[tilespmem:$0x193B0] =	vst v4  }
0x107: {  	_ =	swait.ge [sflag:s25], $0xA00  }
0x108: {  	[sflag:s25] =	ssyncset.done $0x0  }
0x109: {  	s5 =	rddreg [dreg:$0x9];
	[sflag:s25] =	ssyncadd.s32 $0xFFFFF600  }
0x10a: {  	[spmem:s1] =	stream.indirect.scatter.add.f32 [tilespmem:s11], [sflag:$0x9], $0x20, s5, s18, $0xb8;
	[tilespmem:$0x1BBC0] =	vst v63  }
0x10b: {  	_ =	swait.ge [sflag:s26], $0xA00  }
0x10c: {  	[sflag:s26] =	ssyncset.done $0x0  }
0x10d: {  	s10 =	rddreg [dreg:$0xa];
	[sflag:s26] =	ssyncadd.s32 $0xFFFFF600  }
0x10e: {  	[spmem:s1] =	stream.indirect.scatter.add.f32 [tilespmem:s20], [sflag:$0xA], $0x20, s10, s18, $0xb8;
	[tilespmem:$0x1BBC0] =	vst v63  }
0x10f: {  	_ =	swait.ge [sflag:s28], $0xA00  }
0x110: {  	[sflag:s28] =	ssyncset.done $0x0  }
0x111: {  	s7 =	rddreg [dreg:$0xb];
	[sflag:s28] =	ssyncadd.s32 $0xFFFFF600  }
0x112: {  	[spmem:s1] =	stream.indirect.scatter.add.f32 [tilespmem:s22], [sflag:$0xB], $0x20, s7, s18, $0xb8;
	[tilespmem:$0x1BBC0] =	vst v63  }
0x113: {  	_ =	swait.ge [sflag:s29], $0xA00  }
0x114: {  	[sflag:s29] =	ssyncset.done $0x0  }
0x115: {  	s8 =	rddreg [dreg:$0xc];
	[sflag:s29] =	ssyncadd.s32 $0xFFFFF600  }
0x116: {  	[spmem:s1] =	stream.indirect.scatter.add.f32 [tilespmem:s24], [sflag:$0xC], $0x20, s8, s18, $0xb8;
	[tilespmem:$0x1BBC0] =	vst v63  }
0x117: {  	_ =	swait.ge [sflag:s30], $0xA00  }
0x118: {  	[sflag:s30] =	ssyncset.done $0x0  }
0x119: {  	[sflag:s30] =	ssyncadd.s32 $0xFFFFF600  }
0x11a: {  	_ =	swait.ge [sflag:s31], $0xA00  }
0x11b: {  	[sflag:s31] =	ssyncset.done $0x0  }
0x11c: {  	[sflag:s31] =	ssyncadd.s32 $0xFFFFF600  }
0x11d: {  	_ =	swait.ge [sflag:s0], $0xA00  }
0x11e: {  	[sflag:s0] =	ssyncset.done $0x0  }
0x11f: {  	[sflag:s0] =	ssyncadd.s32 $0xFFFFF600  }
0x120: {  	_ =	swait.ge [sflag:s2], $0xA00  }
0x121: {  	[sflag:s2] =	ssyncset.done $0x0  }
0x122: {  	[sflag:s2] =	ssyncadd.s32 $0xFFFFF600  }
0x123: {  	[bflag:$0x0] =	sbarrier.arrive $0xFFFF  }
0x124: {  	s9 =	rddreg [dreg:$0xf]  }
0x125: {  	s7 =	simm.s32 @!p1 $0x1FCD;
	s8 =	rddreg [dreg:$0xe];
	s5 =	sshrl.u32 @!p1 s9, $0x3  }
0x126: {  	[hbm:s8], [sflag:s7] =	dma.local @!p1 [spmem:s5], $0x2000  }
0x127: {  	s5 =	simm.s32 @!p1 $0xD  }
0x128: {  	_ =	swait.ge @!p1 [sflag:s5], $0x2000  }
0x129: {  	s7 =	simm.s32 @!p2 $0x1FCD;
	[sflag:s5] =	ssyncset.done @!p1 $0x0  }
0x12a: {  	s8 =	rddreg [dreg:$0x10];
	[sflag:s5] =	ssyncadd.s32 @!p1 $0xFFFFE000;
	s5 =	sshrl.u32 @!p2 s9, $0x3  }
0x12b: {  	[hbm:s8], [sflag:s7] =	dma.local @!p2 [spmem:s5], $0x1E80  }
0x12c: {  	s5 =	simm.s32 @!p2 $0xD  }
0x12d: {  	s7 =	stileid.u32;
	_ =	swait.ge @!p2 [sflag:s5], $0x1E80  }
0x12e: {  	s7 =	sshll.u32 @!p0 s7, $0x6;
	[sflag:s5] =	ssyncset.done @!p2 $0x0;
	s8 =	rddreg [dreg:$0xd]  }
0x12f: {  	[sflag:s5] =	ssyncadd.s32 @!p2 $0xFFFFE180;
	s5 =	sor.u32 @!p0 $0x1C0D, s7;
	s7 =	sshrl.u32 @!p0 s6, $0x3  }
0x130: {  	[hbm:s8], [sflag:s5] =	dma.local @!p0 [spmem:s7], $0x3200  }
0x131: {  	s5 =	simm.s32 @!p0 $0xD  }
0x132: {  	_ =	swait.ge @!p0 [sflag:s5], $0x3200  }
0x133: {  	s9 =	rddreg [dreg:$0x12]  }
0x134: {  	s10 =	rddreg [dreg:$0x11];
	s8 =	sadd.s32 $0x1, s9  }
0x135: {  	p3 =	sne.s32 s8, s10  }
.Ltmp3:
0x136: {  	_ = 	snop;
	(pc) =	sbr.rel @p3 .LBB2_1-.Ltmp3, $3  }
0x137: {  	_ =	sdelay $0x1  }
0x138: {  	[sflag:s5] =	ssyncset.done @!p0 $0x0  }
0x139: {  	[sflag:s5] =	ssyncadd.s32 @!p0 $0xFFFFCE00  }
0x13a: {  	_ =	sfence.sel $0x180000  }
0x13b: {  	[bflag:$0x0] =	sbarrier.arrive $0xFFFF  }
0x13c: {  	_ =	strace $0x9000004A  }
0x13d: {  	s0 =	stileid.u32;
	[bflag:$0x2] =	sbarrier.arrive $0xFFFF  }
0x13e: {  	p0 =	sne.s32 s0, $0x0;
	s0 =	rddreg [dreg:$0x2]  }
0x13f: {  	s0 =	sadd.s32 @!p0 $0x100000, s0  }
0x140: {  	[sflag:s0] =	ssyncadd.tile.s32 @!p0 $0x1;
	_ =	shalt  }
.Lfunc_end2:
_tile_overlayer_lowered:
.L_overlay_start_2:
0x141: {  	(tag) =	ssettag $0x2  }
0x142: {  	s0 =	rddreg [dreg:$0x0];
	s2 =	stileid.u32  }
0x143: {  	s1 =	rddreg [dreg:$0x1];
	p0 =	sne.s32 s2, $0x0  }
0x144: {  	s3 =	rddreg [dreg:$0x2];
	[bflag:$0x3] =	sbarrier.arrive $0xFFFF;
	s2 =	simm.s32 @!p0 $0x1C0D  }
0x145: {  	[timem:s3], [sflag:s2] =	dma.local @!p0 [hbm:s0], s1  }
0x146: {  	s0 =	simm.s32 @!p0 $0xD  }
0x147: {  	_ =	swait.ge @!p0 [sflag:s0], s1  }
0x148: {  	s1 =	ssub.s32 @!p0 $0x0, s1;
	[sflag:s0] =	ssyncset.done @!p0 $0x0  }
0x149: {  	[sflag:s0] =	ssyncadd.s32 @!p0 s1  }
0x14a: {  	[bflag:$0x3] =	sbarrier.arrive $0xFFFF  }
0x14b: {  	_ =	shalt  }

// kernel: kernel.29.cloned.1.call-start
scs
__scs_entry_jumppad:
0x0: {  	(pc) =	sbr.rel $0x88, $3  }
0x1: {  	(tag) =	ssettag $0x0;
	lr =	simm.s32 $0x1  }
0x2: {  	[smem:$0x3F7D] =	sst lr;
	_ =	strace $0xD0000000  }
0x3: {  	_ = 	snop  }
0x4: {  	_ = 	snop  }
0x5: {  	_ = 	snop  }
0x6: {  	_ = 	snop  }
0x7: {  	_ = 	snop  }
__scs_overlays_trampoline_lowered:
0x8: {  	[smem:$0x3F8C] =	sst s0  }
0x9: {  	[smem:$0x3F8D] =	sst s1  }
0xa: {  	[smem:$0x3F8E] =	sst s2  }
0xb: {  	[smem:$0x3F8F] =	sst s3  }
0xc: {  	[smem:$0x3F90] =	sst s4  }
0xd: {  	[smem:$0x3F91] =	sst s5  }
0xe: {  	[smem:$0x3F92] =	sst s6  }
0xf: {  	[smem:$0x3F93] =	sst s7  }
0x10: {  	[smem:$0x3F94] =	sst s8  }
0x11: {  	[smem:$0x3F95] =	sst s9;
	s0 =	simm.s32 @!p0 $0x0  }
0x12: {  	s1 =	sld [smem:$0x3F7B];
	s0 =	simm.s32 @p0 $0x1  }
0x13: {  	[smem:$0x3F96] =	sst s0;
	s0 =	simm.s32 @!p1 $0x0  }
0x14: {  	s2 =	sld [smem:$0x3F7A];
	s0 =	simm.s32 @p1 $0x1  }
0x15: {  	[smem:$0x3F97] =	sst s0;
	s0 =	simm.s32 @!p2 $0x0  }
0x16: {  	s3 =	sld [smem:$0x3FDB];
	s0 =	simm.s32 @p2 $0x1  }
0x17: {  	s4 =	simm.s32 $0x1BF5;
	[smem:$0x3F99] =	sst s0  }
0x18: {  	s0 =	sld [smem:$0x3F7C];
	_ =	swait.ge [sflag:s4], $0x0  }
0x19: {  	s7 =	sld [smem:$0x3F7D]  }
0x1a: {  	s8 =	sadd.s32 $0xFFFFE003, lr  }
0x1b: {  	s9 =	sadd.s32 $0xFFFFFEF7, lr;
	s5 =	simm.s32 $0xFFFFFFFF;
	p2 =	slt.u32 s8, $0xFFFFF086  }
0x1c: {  	p1 =	slt.u32 s9, $0xF7A;
	s5 =	simm.s32 @!p2 $0x0  }
0x1d: {  	s5 =	simm.s32 @p1 $0x1;
	p0 =	seq.s32 s7, s2  }
0x1e: {  	s7 =	smul.u32 @!p0 $0xF7A, s2;
	p2 =	seq.s32 @!p0 s5, $0x0  }
0x1f: {  	s9 =	smul.u32 $0xF7A, s1;
	s8 =	simm.s32 @!p0 $0x1BF5;
	p2 =	por !p2, p0  }
0x20: {  	[sflag:s8] =	ssyncset.s32 @!p0 $0xFFFFF086;
	s6 =	sadd.s32 @!p0 s3, s7;
	s7 =	simm.s32 @!p0 $0x108  }
0x21: {  	s3 =	sadd.s32 s3, s9;
	s6 =	sadd.s32 @!p0 $0x88, s6;
	s7 =	simm.s32 @p2 $0x1082  }
0x22: {  	[simem:s7], [sflag:s8] =	dma.local @!p0 [hbm:s6], $0xF7A  }
0x23: {  	s9 =	sor.u32 $0xD0000000, s2;
	s6 =	simm.s32 $0x108;
	_ =	swait.ge @!p0 [sflag:s8], $0x0  }
0x24: {  	s3 =	sadd.s32 $0x88, s3;
	s6 =	simm.s32 @!p1 $0x1082;
	[sflag:s4] =	ssyncset.s32 $0xFFFFF086  }
0x25: {  	[simem:s6], [sflag:s4] =	dma.local [hbm:s3], $0xF7A  }
0x26: {  	[smem:$0x3F7D] =	sst s1;
	(tag) =	ssettag s2;
	_ =	strace s9  }
0x27: {  	s1 =	sld [smem:$0x3F8D]  }
0x28: {  	s2 =	sld [smem:$0x3F8E]  }
0x29: {  	s4 =	sld [smem:$0x3F90]  }
0x2a: {  	p0 =	seq.s32 s5, $0x0;
	s5 =	sld [smem:$0x3F91]  }
0x2b: {  	s6 =	sld [smem:$0x3F92]  }
0x2c: {  	s7 =	sld [smem:$0x3F93]  }
0x2d: {  	s3 =	simm.s32 $0x108;
	s8 =	sld [smem:$0x3F94]  }
0x2e: {  	s3 =	simm.s32 @!p0 $0x1082;
	s9 =	sld [smem:$0x3F95]  }
0x2f: {  	lr =	sadd.s32 s0, s3;
	s0 =	sld [smem:$0x3F8C]  }
0x30: {  	s3 =	sld [smem:$0x3F8F]  }
0x31: {  	[smem:$0x3F98] =	sst s10  }
0x32: {  	s10 =	sld [smem:$0x3F96];
	_ =	sdelay $0x3  }
0x33: {  	p0 =	seq.s32 s10, $0x1;
	s10 =	sld [smem:$0x3F98];
	_ =	sdelay $0x3  }
0x34: {  	[smem:$0x3F98] =	sst s10  }
0x35: {  	s10 =	sld [smem:$0x3F97];
	_ =	sdelay $0x3  }
0x36: {  	p1 =	seq.s32 s10, $0x1;
	s10 =	sld [smem:$0x3F98];
	_ =	sdelay $0x3  }
0x37: {  	[smem:$0x3F98] =	sst s10  }
0x38: {  	s10 =	sld [smem:$0x3F99]  }
0x39: {  	_ = 	snop;
	(pc) =	sbr.ind lr, $3  }
0x3a: {  	_ = 	snop  }
0x3b: {  	_ = 	snop  }
0x3c: {  	p2 =	seq.s32 s10, $0x1;
	s10 =	sld [smem:$0x3F98]  }
0x3d: {  	_ =	shalt  }
0x3e: {  	_ =	shalt  }
0x3f: {  	_ =	shalt  }
0x40: {  	_ =	shalt  }
0x41: {  	_ =	shalt  }
0x42: {  	_ =	shalt  }
0x43: {  	_ =	shalt  }
0x44: {  	_ =	shalt  }
0x45: {  	_ =	shalt  }
0x46: {  	_ =	shalt  }
0x47: {  	_ =	shalt  }
0x48: {  	_ =	shalt  }
0x49: {  	_ =	shalt  }
0x4a: {  	_ =	shalt  }
0x4b: {  	_ =	shalt  }
0x4c: {  	_ =	shalt  }
0x4d: {  	_ =	shalt  }
0x4e: {  	_ =	shalt  }
0x4f: {  	_ =	shalt  }
0x50: {  	_ =	shalt  }
0x51: {  	_ =	shalt  }
0x52: {  	_ =	shalt  }
0x53: {  	_ =	shalt  }
0x54: {  	_ =	shalt  }
0x55: {  	_ =	shalt  }
0x56: {  	_ =	shalt  }
0x57: {  	_ =	shalt  }
0x58: {  	_ =	shalt  }
0x59: {  	_ =	shalt  }
0x5a: {  	_ =	shalt  }
0x5b: {  	_ =	shalt  }
0x5c: {  	_ =	shalt  }
0x5d: {  	_ =	shalt  }
0x5e: {  	_ =	shalt  }
0x5f: {  	_ =	shalt  }
0x60: {  	_ =	shalt  }
0x61: {  	_ =	shalt  }
0x62: {  	_ =	shalt  }
0x63: {  	_ =	shalt  }
0x64: {  	_ =	shalt  }
0x65: {  	_ =	shalt  }
0x66: {  	_ =	shalt  }
0x67: {  	_ =	shalt  }
0x68: {  	_ =	shalt  }
0x69: {  	_ =	shalt  }
0x6a: {  	_ =	shalt  }
0x6b: {  	_ =	shalt  }
0x6c: {  	_ =	shalt  }
0x6d: {  	_ =	shalt  }
0x6e: {  	_ =	shalt  }
0x6f: {  	_ =	shalt  }
0x70: {  	_ =	shalt  }
0x71: {  	_ =	shalt  }
0x72: {  	_ =	shalt  }
0x73: {  	_ =	shalt  }
0x74: {  	_ =	shalt  }
0x75: {  	_ =	shalt  }
0x76: {  	_ =	shalt  }
0x77: {  	_ =	shalt  }
0x78: {  	_ =	shalt  }
0x79: {  	_ =	shalt  }
0x7a: {  	_ =	shalt  }
0x7b: {  	_ =	shalt  }
0x7c: {  	_ =	shalt  }
0x7d: {  	_ =	shalt  }
0x7e: {  	_ =	shalt  }
0x7f: {  	_ =	shalt  }
0x80: {  	_ =	shalt  }
0x81: {  	_ =	shalt  }
0x82: {  	_ =	shalt  }
0x83: {  	_ =	shalt  }
0x84: {  	_ =	shalt  }
0x85: {  	_ =	shalt  }
0x86: {  	_ =	shalt  }
0x87: {  	_ =	shalt  }
.Lfunc_end0:
.L_simem_size_0:
called_computation.2_lowered:
.L_overlay_start_0:
0x88: {  	s2 =	sld [smem:$0x3FD9]  }
0x89: {  	s3 =	sld [smem:$0x3FFE];
	_ =	sdelay $0x1  }
0x8a: {  	s1 =	srdreg.scid  }
0x8b: {  	s0 =	sand.u32 $0x1, s1  }
0x8c: {  	s16 =	sshll.u32 s0, $0xA;
	s2 =	sadd.s32 s3, s2  }
0x8d: {  	s2 =	sadd.s32 s2, s16  }
0x8e: {  	[smem:$0x3FA4] =	sst s2  }
0x8f: {  	_ = 	snop  }
0x90: {  	(tm) =	ssettm $0x1  }
0x91: {  	s17 =	sld [smem:$0x3FFB];
	_ =	sdelay $0x3  }
0x92: {  	_ =	strace s17  }
0x93: {  	s2 =	sld [smem:$0x3FFC];
	_ =	sdelay $0x3  }
0x94: {  	_ =	strace s2  }
0x95: {  	s2 =	sld [smem:$0x3FFD];
	_ =	sdelay $0x3  }
0x96: {  	_ =	strace s2  }
0x97: {  	_ =	strace $0x8FFFFFFF  }
0x98: {  	s18 =	sld [smem:$0x3FDB];
	_ =	sdelay $0x1  }
0x99: {  	s19 =	simm.s32 $_scs_section_size  }
0x9a: {  	s4 =	simm.s32 $_size__tile_overlayer_lowered;
	s5 =	simm.s32 $_tile_overlayer_lowered  }
0x9b: {  	s22 =	simm.s32 $0x1BFF;
	s21 =	sshll.u32 s5, $0x1;
	s2 =	sadd.s32 s19, s18  }
0x9c: {  	s6 =	simm.s32 $0x0;
	s20 =	sshll.u32 s4, $0x1;
	s4 =	sadd.s32 s21, s2  }
0x9d: {  	[timem:s6], [sflag:s22] =	dma.local [hbm:s4], s20  }
0x9e: {  	_ =	swait.ge [sflag:s22], s20  }
0x9f: {  	s3 =	ssub.s32 $0x0, s20;
	[sflag:s22] =	ssyncset.done $0x0  }
0xa0: {  	[sflag:s22] =	ssyncadd.s32 s3;
	_ =	sdelay $0x1  }
0xa1: {  	s23 =	simm.s32 $0x1B8B  }
0xa2: {  	_ =	swait.ge [sflag:s23], $0x1  }
0xa3: {  	[sflag:s23] =	ssyncset.done $0x0  }
0xa4: {  	s25 =	simm.s32 $0x1B8E;
	s24 =	sld [smem:$0x3FFE];
	[sflag:s23] =	ssyncadd.s32 $0xFFFFFFFF  }
0xa5: {  	s26 =	simm.s32 $execute0_lowered;
	[smem:$0x3FD2] =	sst s25  }
0xa6: {  	s4 =	sshll.u32 s26, $0x1;
	_ =	strace $0x8000004C;
	[dreg:$0x1] =	wrdreg $0xFFFFFFFF  }
0xa7: {  	s28 =	simm.s32 $_size_execute0_lowered;
	s2 =	sadd.s32 s2, s4;
	[dreg:$0x0] =	wrdreg $0x0  }
0xa8: {  	s4 =	sshll.u32 s28, $0x1;
	[dreg:$0x2] =	wrdreg s2  }
0xa9: {  	[dreg:$0x3] =	wrdreg s4  }
0xaa: {  	[dreg:$0x4] =	wrdreg $0xC0  }
0xab: {  	_ =	task [dreg:s6], $0x5FFFF  }
0xac: {  	[dreg:$0x1] =	wrdreg $0xFFFFFFFF  }
0xad: {  	[dreg:$0x0] =	wrdreg $0x60  }
0xae: {  	[dreg:$0x2] =	wrdreg s24  }
0xaf: {  	[dreg:$0x3] =	wrdreg $0x0  }
0xb0: {  	[dreg:$0x4] =	wrdreg $0x9  }
0xb1: {  	_ =	task.clear_ibuf [dreg:s6], $0x5FFFF;
	_ =	strace $0x9000004C  }
0xb2: {  	s29 =	simm.s32 $0x9;
	_ =	strace $0x8000004E  }
0xb3: {  	_ =	swait.ge [sflag:s29], $0x1  }
0xb4: {  	[sflag:s29] =	ssyncadd.s32 $0xFFFFFFFF  }
0xb5: {  	_ =	strace $0x9000004E  }
0xb6: {  	_ =	sfence  }
0xb7: {  	s30 =	sld [smem:$0x0];
	_ =	sdelay $0x2  }
0xb8: {  	s31 =	sshll.u32 s1, $0xD;
	s1 =	sshrl.u32 s1, $0x2  }
0xb9: {  	s3 =	sand.u32 $0x4000, s31;
	s1 =	sadd.s32 s1, s30  }
0xba: {  	s0 =	sor.u32 s3, s0;
	s1 =	sshll.u32 s1, $0x11  }
0xbb: {  	s0 =	sor.u32 s1, s0  }
0xbc: {  	s0 =	sadd.s32 $0x8F2B, s0  }
0xbd: {  	[sflag:s0] =	ssyncadd.remote.s32 $0x1  }
0xbe: {  	_ =	sfence.sel $0xFFFF  }
0xbf: {  	[dreg:$0x0] =	wrdreg $0xFFFFFFFF;
	(pc) =	sbr.abs _section_cstart, $3  }
0xc0: {  	[dreg:$0x1] =	wrdreg $0xFFFFFFFF  }
0xc1: {  	_ =	task.clear_ibuf [dreg:s6], $0x2FFFF;
	_ =	strace $0x9FFFFFFF  }
0xc2: {  	(tm) =	ssettm $0x7FFFFFFF  }
0xc3: {  	_ =	shalt  }
tec
execute0_lowered:
.L_overlay_start_1:
0x0: {  	(tag) =	ssettag $0x1  }
0x1: {  	s2 =	rddreg [dreg:$0x0]  }
0x2: {  	s1 =	rddreg [dreg:$0x1];
	s0 =	srdreg.scid  }
0x3: {  	s3 =	simm.s32 $0x0;
	s22 =	stileid.u32;
	s12 =	simm.s32 $0xD  }
0x4: {  	s13 =	simm.s32 $0x19000;
	s21 =	simm.s32 $0x19140;
	s14 =	simm.s32 $0x19050  }
0x5: {  	s23 =	simm.s32 $0x19190;
	s24 =	simm.s32 $0x191E0;
	s25 =	simm.s32 $0x19230  }
0x6: {  	s26 =	simm.s32 $0x19280;
	s28 =	simm.s32 $0x7;
	s29 =	simm.s32 $0x8  }
0x7: {  	s30 =	simm.s32 $0x9;
	s31 =	simm.s32 $0xA;
	s5 =	sand.u32 $0x1, s0  }
0x8: {  	[smem:$0x7FF] =	sst s3;
	s6 =	smul.u32 $0xC80, s22;
	s16 =	sadd.s32 $0x15A800, s2  }
0x9: {  	s17 =	sadd.s32 $0x177000, s1;
	_ =	strace $0x8000004D;
	[dreg:$0xe] =	wrdreg s16  }
0xa: {  	s7 =	smul.u32 $0x61A8, s22;
	s4 =	sadd.s32 $0xC9E00, s2;
	[dreg:$0xf] =	wrdreg s17  }
0xb: {  	s10 =	smul.u32 $0x64000, s22;
	p0 =	seq.s32 s22, $0xF;
	[dreg:$0x5] =	wrdreg s21  }
0xc: {  	s22 =	simm.s32 $0x1A7C0;
	s0 =	smul.u32 $0xC380, s5;
	[dreg:$0x6] =	wrdreg s23  }
0xd: {  	s8 =	smul.u32 $0xFFFFFFA0, s5;
	s9 =	ssub.s32 $0x2, s5;
	[dreg:$0x7] =	wrdreg s24  }
0xe: {  	p2 =	seq.s32 s5, $0x1;
	s16 =	simm.s32 $0x190F0;
	[dreg:$0x8] =	wrdreg s25  }
0xf: {  	s17 =	simm.s32 $0x1;
	[dreg:$0x9] =	wrdreg s26;
	s21 =	simm.s32 $0x3  }
0x10: {  	p1 =	sne.s32 @p0 s5, $0x0;
	s23 =	simm.s32 $0x4;
	s24 =	simm.s32 $0x1B1C0  }
0x11: {  	s25 =	simm.s32 $0x5;
	s26 =	simm.s32 $0x6;
	s7 =	sadd.s32 s7, s2  }
0x12: {  	s11 =	sshrl.u32 s9, $0x1;
	s15 =	sshrl.u32 s10, $0x2;
	p1 =	por p1, !p0  }
0x13: {  	p2 =	por !p2, !p0;
	s6 =	sadd.s32 s6, s0;
	s8 =	sadd.s32 $0xC380, s8  }
0x14: {  	s9 =	ssub.s32 s9, s11;
	s18 =	sadd.s32 $0x6600, s7;
	[dreg:$0x13] =	wrdreg s8  }
0x15: {  	s19 =	sadd.s32 $0x68200, s7;
	s11 =	simm.s32 $0x193C0;
	[dreg:$0x3] =	wrdreg s18  }
0x16: {  	s7 =	simm.s32 $0x192D0;
	v0 =	vmov s0;
	s0 =	simm.s32 $0xB;
	[dreg:$0x4] =	wrdreg s19  }
0x17: {  	s6 =	sshll.u32 s6, $0x2;
	s20 =	smax.u32 s9, $0x1;
	[dreg:$0xa] =	wrdreg s7  }
0x18: {  	s18 =	simm.s32 $0x50;
	s8 =	simm.s32 $0x19320;
	[dreg:$0x11] =	wrdreg s20  }
0x19: {  	s19 =	simm.s32 $0x2;
	s9 =	simm.s32 $0x19370;
	[dreg:$0xb] =	wrdreg s8  }
0x1a: {  	s6 =	sadd.s32 s6, s2;
	s2 =	sadd.s32 $0x18B600, s2;
	[dreg:$0xc] =	wrdreg s9  }
0x1b: {  	s20 =	simm.s32 $0x19DC0;
	s10 =	rddreg [dreg:$0x13];
	s8 =	simm.s32 $0x0  }
0x1c: {  	s6 =	sadd.s32 $0x12BA00, s6;
	[dreg:$0x10] =	wrdreg s2;
	s2 =	simm.s32 $0xC  }
0x1d: {  	v2 =	vimm.f32 $0.0e+00;
	v1 =	vmov s10;
	[dreg:$0xd] =	wrdreg s6;
	s6 =	sadd.s32 s15, s1;
	s15 =	simm.s32 $0x190A0  }
.LBB2_1:
0x1e: {  	s7 =	simm.s32 $0x0  }
.LBB2_2:
0x1f: {  	p3 =	sne.s32 s7, $0x2780  }
.Ltmp0:
0x20: {  	_ = 	snop;
	(pc) =	sbr.rel @p3 .LBB2_2-.Ltmp0, $4  }
0x21: {  	_ = 	snop  }
0x22: {  	s9 =	sshra.s32 s7, $0x2  }
0x23: {  	[tilespmem:s9+$0x193C0] =	vst v2  }
0x24: {  	s7 =	sadd.s32 $0x80, s7;
	[tilespmem:s9+$0x193D0] =	vst v2  }
0x25: {  	[dreg:$0x12] =	wrdreg s8;
	s7 =	sadd.s32 $0x0, s6  }
0x26: {  	[spmem:s7] =	stream.linear.scatter [tilespmem:s11], [sflag:$0xD], $0xA00, $0x38;
	[tilespmem:$0x1BBC0] =	vst v63  }
0x27: {  	s7 =	simm.s32 $0x2800;
	_ =	swait.ge [sflag:s12], $0xA00  }
.LBB2_4:
0x28: {  	s9 =	sshra.s32 s7, $0x2;
	[sflag:s12] =	ssyncset.done $0x0;
	p3 =	sne.s32 s7, $0x61800  }
.Ltmp1:
0x29: {  	s9 =	sadd.s32 s9, s6;
	[sflag:s12] =	ssyncadd.s32 $0xFFFFF600;
	(pc) =	sbr.rel @p3 .LBB2_4-.Ltmp1, $3  }
0x2a: {  	[spmem:s9] =	stream.linear.scatter [tilespmem:s11], [sflag:$0xD], $0xA00, $0x38;
	[tilespmem:$0x1BBC0] =	vst v63  }
0x2b: {  	s7 =	sadd.s32 $0x2800, s7;
	_ =	sdelay $0x1  }
0x2c: {  	_ =	swait.ge [sflag:s12], $0xA00  }
0x2d: {  	[sflag:s12] =	ssyncset.done $0x0  }
0x2e: {  	[sflag:s12] =	ssyncadd.s32 $0xFFFFF600  }
0x2f: {  	[bflag:$0x0] =	sbarrier.arrive $0xFFFF  }
0x30: {  	s7 =	rddreg [dreg:$0x4]  }
0x31: {  	s9 =	rddreg [dreg:$0x3];
	s7 =	sadd.s32 $0x0, s7  }
0x32: {  	[tilespmem:s13], [sflag:$0x1] =	stream.linear.gather [hbm4b:s7+s3], $0x50, $0x38;
	[tilespmem:$0x1BBC0] =	vst v63  }
0x33: {  	s10 =	rddreg [dreg:$0x5];
	s9 =	sadd.s32 $0x0, s9  }
0x34: {  	[tilespmem:s10], [sflag:$0x1] =	stream.linear.gather [hbm4b:s9+s3], $0x50, $0x38;
	[tilespmem:$0x1BBC0] =	vst v63  }
0x35: {  	s5 =	sadd.s32 $0xA, s7  }
0x36: {  	[tilespmem:s14], [sflag:$0x2] =	stream.linear.gather [hbm4b:s5+s3], $0x50, $0x38;
	[tilespmem:$0x1BBC0] =	vst v63  }
0x37: {  	s8 =	rddreg [dreg:$0x6];
	s5 =	sadd.s32 $0xA, s9  }
0x38: {  	[tilespmem:s8], [sflag:$0x2] =	stream.linear.gather [hbm4b:s5+s3], $0x50, $0x38;
	[tilespmem:$0x1BBC0] =	vst v63  }
0x39: {  	s5 =	sadd.s32 $0x14, s7  }
0x3a: {  	[tilespmem:s15], [sflag:$0x3] =	stream.linear.gather [hbm4b:s5+s3], $0x50, $0x38;
	[tilespmem:$0x1BBC0] =	vst v63  }
0x3b: {  	s10 =	rddreg [dreg:$0x7];
	s5 =	sadd.s32 $0x14, s9  }
0x3c: {  	[tilespmem:s10], [sflag:$0x3] =	stream.linear.gather [hbm4b:s5+s3], $0x50, $0x38;
	[tilespmem:$0x1BBC0] =	vst v63  }
0x3d: {  	s7 =	sadd.s32 $0x1E, s7  }
0x3e: {  	[tilespmem:s16], [sflag:$0x4] =	stream.linear.gather [hbm4b:s7+s3], $0x50, $0x38;
	[tilespmem:$0x1BBC0] =	vst v63  }
0x3f: {  	s5 =	rddreg [dreg:$0x8];
	s10 =	sadd.s32 $0x1E, s9  }
0x40: {  	[tilespmem:s5], [sflag:$0x4] =	stream.linear.gather [hbm4b:s10+s3], $0x50, $0x38;
	[tilespmem:$0x1BBC0] =	vst v63  }
0x41: {  	_ =	swait.ge [sflag:s17], $0x50  }
0x42: {  	[sflag:s17] =	ssyncset.done $0x0  }
0x43: {  	[sflag:s17] =	ssyncadd.s32 $0xFFFFFFB0  }
0x44: {  	_ =	swait.ge [sflag:s17], $0x50  }
0x45: {  	[sflag:s17] =	ssyncset.done $0x0  }
0x46: {  	[sflag:s17] =	ssyncadd.s32 $0xFFFFFFB0  }
0x47: {  	[tilespmem:s11], [sflag:$0x5] =	stream.indirect.gather [hbm4b:s4+s18], $0x20, s13, s18, $0xb8;
	[tilespmem:$0x1BBC0] =	vst v63  }
0x48: {  	_ =	swait.ge [sflag:s19], $0x50  }
0x49: {  	[sflag:s19] =	ssyncset.done $0x0  }
0x4a: {  	[sflag:s19] =	ssyncadd.s32 $0xFFFFFFB0  }
0x4b: {  	_ =	swait.ge [sflag:s19], $0x50  }
0x4c: {  	[sflag:s19] =	ssyncset.done $0x0  }
0x4d: {  	[sflag:s19] =	ssyncadd.s32 $0xFFFFFFB0  }
0x4e: {  	[tilespmem:s20], [sflag:$0x6] =	stream.indirect.gather [hbm4b:s4+s18], $0x20, s14, s18, $0xb8;
	[tilespmem:$0x1BBC0] =	vst v63  }
0x4f: {  	_ =	swait.ge [sflag:s21], $0x50  }
0x50: {  	[sflag:s21] =	ssyncset.done $0x0  }
0x51: {  	[sflag:s21] =	ssyncadd.s32 $0xFFFFFFB0  }
0x52: {  	_ =	swait.ge [sflag:s21], $0x50  }
0x53: {  	[sflag:s21] =	ssyncset.done $0x0  }
0x54: {  	[sflag:s21] =	ssyncadd.s32 $0xFFFFFFB0  }
0x55: {  	[tilespmem:s22], [sflag:$0x7] =	stream.indirect.gather [hbm4b:s4+s18], $0x20, s15, s18, $0xb8;
	[tilespmem:$0x1BBC0] =	vst v63  }
0x56: {  	_ =	swait.ge [sflag:s23], $0x50  }
0x57: {  	[sflag:s23] =	ssyncset.done $0x0  }
0x58: {  	[sflag:s23] =	ssyncadd.s32 $0xFFFFFFB0  }
0x59: {  	_ =	swait.ge [sflag:s23], $0x50  }
0x5a: {  	[sflag:s23] =	ssyncset.done $0x0  }
0x5b: {  	[sflag:s23] =	ssyncadd.s32 $0xFFFFFFB0  }
0x5c: {  	[tilespmem:s24], [sflag:$0x8] =	stream.indirect.gather [hbm4b:s4+s18], $0x20, s16, s18, $0xb8;
	[tilespmem:$0x1BBC0] =	vst v63  }
0x5d: {  	v3 =	vld [tilespmem:$0x19180]  }
0x5e: {  	v4 =	vld [tilespmem:$0x19150]  }
0x5f: {  	v5 =	vld [tilespmem:$0x19160]  }
0x60: {  	v6 =	vld [tilespmem:$0x191B0]  }
0x61: {  	v7 =	vld [tilespmem:$0x19140]  }
0x62: {  	v8 =	vld [tilespmem:$0x191A0]  }
0x63: {  	v9 =	vld [tilespmem:$0x19190]  }
0x64: {  	v10 =	vld [tilespmem:$0x191E0]  }
0x65: {  	v11 =	vld [tilespmem:$0x191C0]  }
0x66: {  	v12 =	vld [tilespmem:$0x191F0]  }
0x67: {  	v13 =	vld [tilespmem:$0x19200]  }
0x68: {  	v14 =	vld [tilespmem:$0x19210]  }
0x69: {  	v15 =	vld [tilespmem:$0x19240]  }
0x6a: {  	v16 =	vld [tilespmem:$0x19250]  }
0x6b: {  	v17 =	vld [tilespmem:$0x191D0];
	v4 =	vsub.s32 v4, v0  }
0x6c: {  	v3 =	vsub.s32 v3, v0;
	v5 =	vsub.s32 v5, v0;
	v6 =	vsub.s32 v6, v0  }
0x6d: {  	v7 =	vsub.s32 v7, v0;
	v8 =	vsub.s32 v8, v0;
	v9 =	vsub.s32 v9, v0  }
0x6e: {  	v10 =	vsub.s32 v10, v0;
	v12 =	vsub.s32 v12, v0;
	v11 =	vsub.s32 v11, v0  }
0x6f: {  	v13 =	vsub.s32 v13, v0;
	v14 =	vsub.s32 v14, v0;
	v15 =	vsub.s32 v15, v0  }
0x70: {  	v16 =	vsub.s32 v16, v0;
	v17 =	vsub.s32 v17, v0;
	vm1 =	vgt.s32 v4, $0xFFFFFFFF  }
0x71: {  	vm0 =	vgt.s32 v5, $0xFFFFFFFF;
	vm2 =	vlt.s32 v5, v1;
	vm3 =	vgt.s32 v7, $0xFFFFFFFF  }
0x72: {  	vm4 =	vlt.s32 v4, v1;
	vm5 =	vgt.s32 v9, $0xFFFFFFFF;
	vm14 =	vgt.s32 v3, $0xFFFFFFFF  }
0x73: {  	vm15 =	vlt.s32 v3, v1;
	vm6 =	vgt.s32 v12, $0xFFFFFFFF;
	vm7 =	vgt.s32 v13, $0xFFFFFFFF  }
0x74: {  	vm8 =	vlt.s32 v13, v1;
	vm12 =	vlt.s32 v12, v1;
	vm13 =	vlt.s32 v11, v1  }
0x75: {  	vm9 =	vgt.s32 v8, $0xFFFFFFFF;
	vm10 =	vgt.s32 v11, $0xFFFFFFFF;
	vm2 =	vmand vm0, vm2  }
0x76: {  	vm0 =	vlt.s32 v6, v1;
	vm1 =	vmand vm1, vm4;
	vm4 =	vmand vm14, vm15  }
0x77: {  	vm7 =	vmand vm7, vm8;
	vm14 =	vgt.s32 v14, $0xFFFFFFFF;
	vm8 =	vmand vm10, vm13  }
0x78: {  	vm15 =	vlt.s32 v10, v1;
	vm10 =	vgt.s32 v6, $0xFFFFFFFF;
	vm13 =	vgt.s32 v17, $0xFFFFFFFF  }
0x79: {  	v5 =	vnsel vm2, $0xC738, v5;
	vm2 =	vlt.s32 v7, v1;
	v4 =	vnsel vm1, $0xC738, v4  }
0x7a: {  	vm1 =	vlt.s32 v8, v1;
	v13 =	vnsel vm7, $0xC738, v13;
	v11 =	vnsel vm8, $0xC738, v11  }
0x7b: {  	v19 =	vld [tilespmem:$0x19230];
	vm0 =	vmand vm10, vm0;
	vm2 =	vmand vm3, vm2;
	vm3 =	vlt.s32 v9, v1;
	[tilespmem:$0x192A0] =	vst v5  }
0x7c: {  	vm1 =	vmand vm9, vm1;
	[tilespmem:$0x19290] =	vst v4;
	vm9 =	vlt.s32 v15, v1;
	v6 =	vnsel vm0, $0xC738, v6  }
0x7d: {  	v5 =	vld [tilespmem:$0x19220];
	[tilespmem:$0x19340] =	vst v13;
	vm3 =	vmand vm5, vm3;
	v8 =	vnsel vm1, $0xC738, v8;
	vm1 =	vlt.s32 v16, v1  }
0x7e: {  	[tilespmem:$0x19300] =	vst v11;
	v4 =	vnsel vm2, $0xC738, v7;
	vm2 =	vmand vm6, vm12;
	v9 =	vnsel vm3, $0xC738, v9  }
0x7f: {  	vm3 =	vgt.s32 v10, $0xFFFFFFFF;
	v7 =	vnsel vm2, $0xC738, v12;
	vm2 =	vlt.s32 v14, v1;
	[tilespmem:$0x19280] =	vst v4  }
0x80: {  	v4 =	vsub.s32 v19, v0;
	[tilespmem:$0x192D0] =	vst v9;
	v9 =	vnsel vm4, $0xC738, v3;
	vm3 =	vmand vm3, vm15  }
0x81: {  	[tilespmem:$0x192F0] =	vst v6;
	vm0 =	vmand vm14, vm2;
	vm12 =	vlt.s32 v4, v1;
	vm14 =	vlt.s32 v17, v1  }
0x82: {  	v18 =	vld [tilespmem:$0x19170];
	[tilespmem:$0x192E0] =	vst v8;
	vm15 =	vgt.s32 v15, $0xFFFFFFFF;
	v8 =	vnsel vm0, $0xC738, v14;
	v5 =	vsub.s32 v5, v0  }
0x83: {  	v6 =	vld [tilespmem:$0x19260];
	[tilespmem:$0x19330] =	vst v7;
	vm0 =	vgt.s32 v4, $0xFFFFFFFF;
	vm2 =	vgt.s32 v5, $0xFFFFFFFF;
	vm11 =	vlt.s32 v5, v1  }
0x84: {  	[tilespmem:$0x192C0] =	vst v9;
	v7 =	vnsel vm3, $0xC738, v10;
	vm3 =	vmand vm13, vm14;
	vm2 =	vmand vm2, vm11  }
0x85: {  	[tilespmem:$0x19350] =	vst v8;
	vm0 =	vmand vm0, vm12;
	v5 =	vnsel vm2, $0xC738, v5;
	vm2 =	vmand vm15, vm9  }
0x86: {  	[tilespmem:$0x19320] =	vst v7;
	v9 =	vnsel vm0, $0xC738, v4;
	v7 =	vnsel vm2, $0xC738, v15;
	vm2 =	vgt.s32 v16, $0xFFFFFFFF  }
0x87: {  	v3 =	vsub.s32 v18, v0;
	v8 =	vnsel vm3, $0xC738, v17;
	[tilespmem:$0x19370] =	vst v9;
	vm1 =	vmand vm2, vm1  }
0x88: {  	s7 =	simm.s32 $0x28;
	v4 =	vld [tilespmem:$0x19270];
	vm0 =	vgt.s32 v3, $0xFFFFFFFF;
	v6 =	vsub.s32 v6, v0;
	[tilespmem:$0x19380] =	vst v7;
	v7 =	vnsel vm1, $0xC738, v16  }
.LBB2_6:
0x89: {  	_ =	sdelay $0x2  }
0x8a: {  	[tilespmem:$0x19310] =	vst v8;
	vm1 =	vgt.s32 v6, $0xFFFFFFFF;
	vm2 =	vlt.s32 v6, v1;
	vm4 =	vlt.s32 v3, v1  }
0x8b: {  	[tilespmem:$0x19360] =	vst v5;
	vm1 =	vmand vm1, vm2;
	vm0 =	vmand vm0, vm4;
	v4 =	vsub.s32 v4, v0  }
0x8c: {  	[tilespmem:$0x19390] =	vst v7;
	v5 =	vnsel vm1, $0xC738, v6;
	vm2 =	vgt.s32 v4, $0xFFFFFFFF;
	vm3 =	vlt.s32 v4, v1  }
0x8d: {  	v3 =	vnsel vm0, $0xC738, v3;
	[tilespmem:$0x193A0] =	vst v5;
	vm1 =	vmand vm2, vm3  }
0x8e: {  	[tilespmem:$0x192B0] =	vst v3;
	v4 =	vnsel vm1, $0xC738, v4  }
0x8f: {  	[tilespmem:$0x193B0] =	vst v4  }
0x90: {  	_ =	swait.ge [sflag:s25], $0xA00  }
0x91: {  	[sflag:s25] =	ssyncset.done $0x0  }
0x92: {  	s8 =	rddreg [dreg:$0x9];
	[sflag:s25] =	ssyncadd.s32 $0xFFFFF600  }
0x93: {  	[spmem:s1] =	stream.indirect.scatter.add.f32 [tilespmem:s11], [sflag:$0x9], $0x20, s8, s18, $0xb8;
	[tilespmem:$0x1BBC0] =	vst v63  }
0x94: {  	_ =	swait.ge [sflag:s26], $0xA00  }
0x95: {  	[sflag:s26] =	ssyncset.done $0x0  }
0x96: {  	s10 =	rddreg [dreg:$0xa];
	[sflag:s26] =	ssyncadd.s32 $0xFFFFF600  }
0x97: {  	[spmem:s1] =	stream.indirect.scatter.add.f32 [tilespmem:s20], [sflag:$0xA], $0x20, s10, s18, $0xb8;
	[tilespmem:$0x1BBC0] =	vst v63  }
0x98: {  	_ =	swait.ge [sflag:s28], $0xA00  }
0x99: {  	[sflag:s28] =	ssyncset.done $0x0  }
0x9a: {  	s5 =	rddreg [dreg:$0xb];
	[sflag:s28] =	ssyncadd.s32 $0xFFFFF600  }
0x9b: {  	[spmem:s1] =	stream.indirect.scatter.add.f32 [tilespmem:s22], [sflag:$0xB], $0x20, s5, s18, $0xb8;
	[tilespmem:$0x1BBC0] =	vst v63  }
0x9c: {  	_ =	swait.ge [sflag:s29], $0xA00  }
0x9d: {  	[sflag:s29] =	ssyncset.done $0x0  }
0x9e: {  	s10 =	rddreg [dreg:$0xc];
	[sflag:s29] =	ssyncadd.s32 $0xFFFFF600  }
0x9f: {  	[spmem:s1] =	stream.indirect.scatter.add.f32 [tilespmem:s24], [sflag:$0xC], $0x20, s10, s18, $0xb8;
	[tilespmem:$0x1BBC0] =	vst v63  }
0xa0: {  	_ =	swait.ge [sflag:s30], $0xA00  }
0xa1: {  	[sflag:s30] =	ssyncset.done $0x0  }
0xa2: {  	[sflag:s30] =	ssyncadd.s32 $0xFFFFF600  }
0xa3: {  	_ =	swait.ge [sflag:s31], $0xA00  }
0xa4: {  	[sflag:s31] =	ssyncset.done $0x0  }
0xa5: {  	[sflag:s31] =	ssyncadd.s32 $0xFFFFF600  }
0xa6: {  	_ =	swait.ge [sflag:s0], $0xA00  }
0xa7: {  	[sflag:s0] =	ssyncset.done $0x0  }
0xa8: {  	[sflag:s0] =	ssyncadd.s32 $0xFFFFF600  }
0xa9: {  	_ =	swait.ge [sflag:s2], $0xA00  }
0xaa: {  	s9 =	smov.u32 s7;
	s5 =	rddreg [dreg:$0x4];
	[sflag:s2] =	ssyncset.done $0x0  }
0xab: {  	s10 =	rddreg [dreg:$0x3];
	[sflag:s2] =	ssyncadd.s32 $0xFFFFF600;
	s8 =	sadd.s32 s9, s5  }
0xac: {  	[tilespmem:s13], [sflag:$0x1] =	stream.linear.gather [hbm4b:s8+s3], $0x50, $0x38;
	[tilespmem:$0x1BBC0] =	vst v63  }
0xad: {  	s5 =	rddreg [dreg:$0x5];
	s9 =	sadd.s32 s9, s10  }
0xae: {  	[tilespmem:s5], [sflag:$0x1] =	stream.linear.gather [hbm4b:s9+s3], $0x50, $0x38;
	[tilespmem:$0x1BBC0] =	vst v63  }
0xaf: {  	s5 =	sadd.s32 $0xA, s8  }
0xb0: {  	[tilespmem:s14], [sflag:$0x2] =	stream.linear.gather [hbm4b:s5+s3], $0x50, $0x38;
	[tilespmem:$0x1BBC0] =	vst v63  }
0xb1: {  	s10 =	rddreg [dreg:$0x6];
	s5 =	sadd.s32 $0xA, s9  }
0xb2: {  	[tilespmem:s10], [sflag:$0x2] =	stream.linear.gather [hbm4b:s5+s3], $0x50, $0x38;
	[tilespmem:$0x1BBC0] =	vst v63  }
0xb3: {  	s5 =	sadd.s32 $0x14, s8  }
0xb4: {  	[tilespmem:s15], [sflag:$0x3] =	stream.linear.gather [hbm4b:s5+s3], $0x50, $0x38;
	[tilespmem:$0x1BBC0] =	vst v63  }
0xb5: {  	s10 =	rddreg [dreg:$0x7];
	s5 =	sadd.s32 $0x14, s9  }
0xb6: {  	[tilespmem:s10], [sflag:$0x3] =	stream.linear.gather [hbm4b:s5+s3], $0x50, $0x38;
	[tilespmem:$0x1BBC0] =	vst v63  }
0xb7: {  	s10 =	sadd.s32 $0x1E, s8  }
0xb8: {  	[tilespmem:s16], [sflag:$0x4] =	stream.linear.gather [hbm4b:s10+s3], $0x50, $0x38;
	[tilespmem:$0x1BBC0] =	vst v63  }
0xb9: {  	s8 =	rddreg [dreg:$0x8];
	s10 =	sadd.s32 $0x1E, s9  }
0xba: {  	[tilespmem:s8], [sflag:$0x4] =	stream.linear.gather [hbm4b:s10+s3], $0x50, $0x38;
	[tilespmem:$0x1BBC0] =	vst v63  }
0xbb: {  	_ =	swait.ge [sflag:s17], $0x50  }
0xbc: {  	[sflag:s17] =	ssyncset.done $0x0  }
0xbd: {  	[sflag:s17] =	ssyncadd.s32 $0xFFFFFFB0  }
0xbe: {  	_ =	swait.ge [sflag:s17], $0x50  }
0xbf: {  	[sflag:s17] =	ssyncset.done $0x0  }
0xc0: {  	[sflag:s17] =	ssyncadd.s32 $0xFFFFFFB0  }
0xc1: {  	[tilespmem:s11], [sflag:$0x5] =	stream.indirect.gather [hbm4b:s4+s18], $0x20, s13, s18, $0xb8;
	[tilespmem:$0x1BBC0] =	vst v63  }
0xc2: {  	_ =	swait.ge [sflag:s19], $0x50  }
0xc3: {  	[sflag:s19] =	ssyncset.done $0x0  }
0xc4: {  	[sflag:s19] =	ssyncadd.s32 $0xFFFFFFB0  }
0xc5: {  	_ =	swait.ge [sflag:s19], $0x50  }
0xc6: {  	[sflag:s19] =	ssyncset.done $0x0  }
0xc7: {  	[sflag:s19] =	ssyncadd.s32 $0xFFFFFFB0  }
0xc8: {  	[tilespmem:s20], [sflag:$0x6] =	stream.indirect.gather [hbm4b:s4+s18], $0x20, s14, s18, $0xb8;
	[tilespmem:$0x1BBC0] =	vst v63  }
0xc9: {  	_ =	swait.ge [sflag:s21], $0x50  }
0xca: {  	[sflag:s21] =	ssyncset.done $0x0  }
0xcb: {  	[sflag:s21] =	ssyncadd.s32 $0xFFFFFFB0  }
0xcc: {  	_ =	swait.ge [sflag:s21], $0x50  }
0xcd: {  	[sflag:s21] =	ssyncset.done $0x0  }
0xce: {  	[sflag:s21] =	ssyncadd.s32 $0xFFFFFFB0  }
0xcf: {  	[tilespmem:s22], [sflag:$0x7] =	stream.indirect.gather [hbm4b:s4+s18], $0x20, s15, s18, $0xb8;
	[tilespmem:$0x1BBC0] =	vst v63  }
0xd0: {  	_ =	swait.ge [sflag:s23], $0x50  }
0xd1: {  	[sflag:s23] =	ssyncset.done $0x0  }
0xd2: {  	[sflag:s23] =	ssyncadd.s32 $0xFFFFFFB0  }
0xd3: {  	_ =	swait.ge [sflag:s23], $0x50  }
0xd4: {  	[sflag:s23] =	ssyncset.done $0x0  }
0xd5: {  	[sflag:s23] =	ssyncadd.s32 $0xFFFFFFB0  }
0xd6: {  	[tilespmem:s24], [sflag:$0x8] =	stream.indirect.gather [hbm4b:s4+s18], $0x20, s16, s18, $0xb8;
	[tilespmem:$0x1BBC0] =	vst v63  }
0xd7: {  	v3 =	vld [tilespmem:$0x19190]  }
0xd8: {  	v4 =	vld [tilespmem:$0x19180]  }
0xd9: {  	v5 =	vld [tilespmem:$0x19150]  }
0xda: {  	v6 =	vld [tilespmem:$0x19160]  }
0xdb: {  	v7 =	vld [tilespmem:$0x191B0]  }
0xdc: {  	v8 =	vld [tilespmem:$0x19140]  }
0xdd: {  	v9 =	vld [tilespmem:$0x191A0]  }
0xde: {  	v10 =	vld [tilespmem:$0x191C0]  }
0xdf: {  	v14 =	vld [tilespmem:$0x19200]  }
0xe0: {  	v15 =	vld [tilespmem:$0x19210]  }
0xe1: {  	v18 =	vld [tilespmem:$0x19240]  }
0xe2: {  	v5 =	vsub.s32 v5, v0  }
0xe3: {  	v11 =	vsub.s32 v4, v0;
	v4 =	vsub.s32 v6, v0;
	v6 =	vsub.s32 v7, v0  }
0xe4: {  	v8 =	vsub.s32 v8, v0;
	v9 =	vsub.s32 v9, v0;
	v3 =	vsub.s32 v3, v0  }
0xe5: {  	v10 =	vsub.s32 v10, v0;
	v14 =	vsub.s32 v14, v0;
	v15 =	vsub.s32 v15, v0  }
0xe6: {  	v18 =	vsub.s32 v18, v0;
	vm2 =	vgt.s32 v5, $0xFFFFFFFF;
	vm0 =	vgt.s32 v4, $0xFFFFFFFF  }
0xe7: {  	vm1 =	vlt.s32 v4, v1;
	vm3 =	vgt.s32 v8, $0xFFFFFFFF;
	vm13 =	vlt.s32 v5, v1  }
0xe8: {  	vm5 =	vgt.s32 v3, $0xFFFFFFFF;
	vm6 =	vgt.s32 v11, $0xFFFFFFFF;
	vm14 =	vlt.s32 v11, v1  }
0xe9: {  	v7 =	vld [tilespmem:$0x191E0];
	vm15 =	vgt.s32 v14, $0xFFFFFFFF;
	vm7 =	vlt.s32 v14, v1;
	vm12 =	vlt.s32 v10, v1  }
0xea: {  	vm9 =	vgt.s32 v9, $0xFFFFFFFF;
	vm10 =	vgt.s32 v10, $0xFFFFFFFF;
	vm1 =	vmand vm0, vm1  }
0xeb: {  	vm0 =	vlt.s32 v6, v1;
	vm2 =	vmand vm2, vm13;
	vm6 =	vmand vm6, vm14  }
0xec: {  	vm13 =	vgt.s32 v15, $0xFFFFFFFF;
	v4 =	vnsel vm1, $0xC738, v4;
	vm1 =	vlt.s32 v8, v1  }
0xed: {  	v13 =	vld [tilespmem:$0x191F0];
	[tilespmem:$0x192A0] =	vst v4;
	vm1 =	vmand vm3, vm1;
	vm3 =	vlt.s32 v3, v1;
	v4 =	vnsel vm2, $0xC738, v5  }
0xee: {  	vm2 =	vlt.s32 v9, v1;
	v7 =	vsub.s32 v7, v0;
	vm3 =	vmand vm5, vm3  }
0xef: {  	v5 =	vld [tilespmem:$0x19250];
	vm5 =	vmand vm15, vm7;
	vm2 =	vmand vm9, vm2;
	vm7 =	vmand vm10, vm12  }
0xf0: {  	v12 =	vld [tilespmem:$0x191D0];
	vm15 =	vgt.s32 v6, $0xFFFFFFFF;
	vm9 =	vlt.s32 v15, v1;
	v3 =	vnsel vm3, $0xC738, v3  }
0xf1: {  	vm3 =	vgt.s32 v7, $0xFFFFFFFF;
	v14 =	vnsel vm5, $0xC738, v14;
	vm14 =	vlt.s32 v7, v1  }
0xf2: {  	v19 =	vld [tilespmem:$0x19170];
	vm0 =	vmand vm15, vm0;
	vm15 =	vgt.s32 v18, $0xFFFFFFFF;
	[tilespmem:$0x192D0] =	vst v3;
	v3 =	vsub.s32 v13, v0  }
0xf3: {  	v16 =	vld [tilespmem:$0x19220];
	vm3 =	vmand vm3, vm14;
	vm4 =	vgt.s32 v3, $0xFFFFFFFF;
	vm8 =	vlt.s32 v3, v1  }
0xf4: {  	v17 =	vld [tilespmem:$0x19230];
	[tilespmem:$0x19290] =	vst v4;
	v7 =	vnsel vm3, $0xC738, v7;
	v63 =	vsub.s32 v5, v0;
	v5 =	vnsel vm2, $0xC738, v9  }
0xf5: {  	[tilespmem:$0x19340] =	vst v14;
	v9 =	vnsel vm7, $0xC738, v10;
	v10 =	vnsel vm6, $0xC738, v11;
	v11 =	vsub.s32 v12, v0  }
0xf6: {  	vm4 =	vmand vm4, vm8;
	vm2 =	vlt.s32 v63, v1;
	[tilespmem:$0x192E0] =	vst v5;
	v5 =	vnsel vm1, $0xC738, v8  }
0xf7: {  	vm1 =	vlt.s32 v18, v1;
	[tilespmem:$0x192C0] =	vst v10;
	v8 =	vnsel vm4, $0xC738, v3;
	v3 =	vsub.s32 v19, v0  }
0xf8: {  	v10 =	vsub.s32 v16, v0;
	[tilespmem:$0x19280] =	vst v5;
	v5 =	vnsel vm0, $0xC738, v6;
	vm0 =	vmand vm13, vm9  }
0xf9: {  	[tilespmem:$0x19320] =	vst v7;
	v6 =	vsub.s32 v17, v0;
	vm10 =	vgt.s32 v10, $0xFFFFFFFF;
	vm11 =	vlt.s32 v10, v1  }
0xfa: {  	p3 =	sne.s32 s7, $0x6180;
	v62 =	vld [tilespmem:$0x19260];
	vm13 =	vgt.s32 v11, $0xFFFFFFFF;
	vm1 =	vmand vm15, vm1;
	[tilespmem:$0x192F0] =	vst v5;
	v5 =	vnsel vm0, $0xC738, v15  }
.Ltmp2:
0xfb: {  	[tilespmem:$0x19300] =	vst v9;
	vm0 =	vgt.s32 v6, $0xFFFFFFFF;
	vm12 =	vlt.s32 v6, v1;
	vm4 =	vmand vm10, vm11;
	(pc) =	sbr.rel @p3 .LBB2_6-.Ltmp2, $4  }
0xfc: {  	[tilespmem:$0x19330] =	vst v8;
	v7 =	vnsel vm1, $0xC738, v18;
	vm1 =	vgt.s32 v63, $0xFFFFFFFF;
	vm14 =	vmand vm0, vm12  }
0xfd: {  	[tilespmem:$0x19350] =	vst v5;
	vm0 =	vlt.s32 v11, v1;
	v5 =	vnsel vm4, $0xC738, v10;
	vm1 =	vmand vm1, vm2  }
0xfe: {  	[tilespmem:$0x19380] =	vst v7;
	vm0 =	vmand vm13, vm0;
	v6 =	vnsel vm14, $0xC738, v6;
	v7 =	vnsel vm1, $0xC738, v63  }
0xff: {  	s7 =	sadd.s32 $0x28, s7;
	v4 =	vld [tilespmem:$0x19270];
	v8 =	vnsel vm0, $0xC738, v11;
	vm0 =	vgt.s32 v3, $0xFFFFFFFF;
	[tilespmem:$0x19370] =	vst v6;
	v6 =	vsub.s32 v62, v0  }
0x100: {  	_ =	sdelay $0x2  }
0x101: {  	[tilespmem:$0x19310] =	vst v8;
	vm1 =	vgt.s32 v6, $0xFFFFFFFF;
	vm2 =	vlt.s32 v6, v1;
	vm4 =	vlt.s32 v3, v1  }
0x102: {  	[tilespmem:$0x19360] =	vst v5;
	vm1 =	vmand vm1, vm2;
	vm0 =	vmand vm0, vm4;
	v4 =	vsub.s32 v4, v0  }
0x103: {  	[tilespmem:$0x19390] =	vst v7;
	v63 =	vnsel vm1, $0xC738, v6;
	vm14 =	vgt.s32 v4, $0xFFFFFFFF;
	vm3 =	vlt.s32 v4, v1  }
0x104: {  	v3 =	vnsel vm0, $0xC738, v3;
	[tilespmem:$0x193A0] =	vst v63;
	vm15 =	vmand vm14, vm3  }
0x105: {  	[tilespmem:$0x192B0] =	vst v3;
	v4 =	vnsel vm15, $0xC738, v4  }
0x106: {  	[tilespmem:$0x193B0] =	vst v4  }
0x107: {  	_ =	swait.ge [sflag:s25], $0xA00  }
0x108: {  	[sflag:s25] =	ssyncset.done $0x0  }
0x109: {  	s5 =	rddreg [dreg:$0x9];
	[sflag:s25] =	ssyncadd.s32 $0xFFFFF600  }
0x10a: {  	[spmem:s1] =	stream.indirect.scatter.add.f32 [tilespmem:s11], [sflag:$0x9], $0x20, s5, s18, $0xb8;
	[tilespmem:$0x1BBC0] =	vst v63  }
0x10b: {  	_ =	swait.ge [sflag:s26], $0xA00  }
0x10c: {  	[sflag:s26] =	ssyncset.done $0x0  }
0x10d: {  	s10 =	rddreg [dreg:$0xa];
	[sflag:s26] =	ssyncadd.s32 $0xFFFFF600  }
0x10e: {  	[spmem:s1] =	stream.indirect.scatter.add.f32 [tilespmem:s20], [sflag:$0xA], $0x20, s10, s18, $0xb8;
	[tilespmem:$0x1BBC0] =	vst v63  }
0x10f: {  	_ =	swait.ge [sflag:s28], $0xA00  }
0x110: {  	[sflag:s28] =	ssyncset.done $0x0  }
0x111: {  	s7 =	rddreg [dreg:$0xb];
	[sflag:s28] =	ssyncadd.s32 $0xFFFFF600  }
0x112: {  	[spmem:s1] =	stream.indirect.scatter.add.f32 [tilespmem:s22], [sflag:$0xB], $0x20, s7, s18, $0xb8;
	[tilespmem:$0x1BBC0] =	vst v63  }
0x113: {  	_ =	swait.ge [sflag:s29], $0xA00  }
0x114: {  	[sflag:s29] =	ssyncset.done $0x0  }
0x115: {  	s8 =	rddreg [dreg:$0xc];
	[sflag:s29] =	ssyncadd.s32 $0xFFFFF600  }
0x116: {  	[spmem:s1] =	stream.indirect.scatter.add.f32 [tilespmem:s24], [sflag:$0xC], $0x20, s8, s18, $0xb8;
	[tilespmem:$0x1BBC0] =	vst v63  }
0x117: {  	_ =	swait.ge [sflag:s30], $0xA00  }
0x118: {  	[sflag:s30] =	ssyncset.done $0x0  }
0x119: {  	[sflag:s30] =	ssyncadd.s32 $0xFFFFF600  }
0x11a: {  	_ =	swait.ge [sflag:s31], $0xA00  }
0x11b: {  	[sflag:s31] =	ssyncset.done $0x0  }
0x11c: {  	[sflag:s31] =	ssyncadd.s32 $0xFFFFF600  }
0x11d: {  	_ =	swait.ge [sflag:s0], $0xA00  }
0x11e: {  	[sflag:s0] =	ssyncset.done $0x0  }
0x11f: {  	[sflag:s0] =	ssyncadd.s32 $0xFFFFF600  }
0x120: {  	_ =	swait.ge [sflag:s2], $0xA00  }
0x121: {  	[sflag:s2] =	ssyncset.done $0x0  }
0x122: {  	[sflag:s2] =	ssyncadd.s32 $0xFFFFF600  }
0x123: {  	[bflag:$0x0] =	sbarrier.arrive $0xFFFF  }
0x124: {  	s9 =	rddreg [dreg:$0xf]  }
0x125: {  	s7 =	simm.s32 @!p1 $0x1FCD;
	s8 =	rddreg [dreg:$0xe];
	s5 =	sshrl.u32 @!p1 s9, $0x3  }
0x126: {  	[hbm:s8], [sflag:s7] =	dma.local @!p1 [spmem:s5], $0x2000  }
0x127: {  	s5 =	simm.s32 @!p1 $0xD  }
0x128: {  	_ =	swait.ge @!p1 [sflag:s5], $0x2000  }
0x129: {  	s7 =	simm.s32 @!p2 $0x1FCD;
	[sflag:s5] =	ssyncset.done @!p1 $0x0  }
0x12a: {  	s8 =	rddreg [dreg:$0x10];
	[sflag:s5] =	ssyncadd.s32 @!p1 $0xFFFFE000;
	s5 =	sshrl.u32 @!p2 s9, $0x3  }
0x12b: {  	[hbm:s8], [sflag:s7] =	dma.local @!p2 [spmem:s5], $0x1E80  }
0x12c: {  	s5 =	simm.s32 @!p2 $0xD  }
0x12d: {  	s7 =	stileid.u32;
	_ =	swait.ge @!p2 [sflag:s5], $0x1E80  }
0x12e: {  	s7 =	sshll.u32 @!p0 s7, $0x6;
	[sflag:s5] =	ssyncset.done @!p2 $0x0;
	s8 =	rddreg [dreg:$0xd]  }
0x12f: {  	[sflag:s5] =	ssyncadd.s32 @!p2 $0xFFFFE180;
	s5 =	sor.u32 @!p0 $0x1C0D, s7;
	s7 =	sshrl.u32 @!p0 s6, $0x3  }
0x130: {  	[hbm:s8], [sflag:s5] =	dma.local @!p0 [spmem:s7], $0x3200  }
0x131: {  	s5 =	simm.s32 @!p0 $0xD  }
0x132: {  	_ =	swait.ge @!p0 [sflag:s5], $0x3200  }
0x133: {  	s9 =	rddreg [dreg:$0x12]  }
0x134: {  	s10 =	rddreg [dreg:$0x11];
	s8 =	sadd.s32 $0x1, s9  }
0x135: {  	p3 =	sne.s32 s8, s10  }
.Ltmp3:
0x136: {  	_ = 	snop;
	(pc) =	sbr.rel @p3 .LBB2_1-.Ltmp3, $3  }
0x137: {  	_ =	sdelay $0x1  }
0x138: {  	[sflag:s5] =	ssyncset.done @!p0 $0x0  }
0x139: {  	[sflag:s5] =	ssyncadd.s32 @!p0 $0xFFFFCE00  }
0x13a: {  	_ =	sfence.sel $0x180000  }
0x13b: {  	[bflag:$0x0] =	sbarrier.arrive $0xFFFF  }
0x13c: {  	_ =	strace $0x9000004D  }
0x13d: {  	s0 =	stileid.u32;
	[bflag:$0x2] =	sbarrier.arrive $0xFFFF  }
0x13e: {  	p0 =	sne.s32 s0, $0x0;
	s0 =	rddreg [dreg:$0x2]  }
0x13f: {  	s0 =	sadd.s32 @!p0 $0x100000, s0  }
0x140: {  	[sflag:s0] =	ssyncadd.tile.s32 @!p0 $0x1;
	_ =	shalt  }
.Lfunc_end2:
_tile_overlayer_lowered:
.L_overlay_start_2:
0x141: {  	(tag) =	ssettag $0x2  }
0x142: {  	s0 =	rddreg [dreg:$0x0];
	s2 =	stileid.u32  }
0x143: {  	s1 =	rddreg [dreg:$0x1];
	p0 =	sne.s32 s2, $0x0  }
0x144: {  	s3 =	rddreg [dreg:$0x2];
	[bflag:$0x3] =	sbarrier.arrive $0xFFFF;
	s2 =	simm.s32 @!p0 $0x1C0D  }
0x145: {  	[timem:s3], [sflag:s2] =	dma.local @!p0 [hbm:s0], s1  }
0x146: {  	s0 =	simm.s32 @!p0 $0xD  }
0x147: {  	_ =	swait.ge @!p0 [sflag:s0], s1  }
0x148: {  	s1 =	ssub.s32 @!p0 $0x0, s1;
	[sflag:s0] =	ssyncset.done @!p0 $0x0  }
0x149: {  	[sflag:s0] =	ssyncadd.s32 @!p0 s1  }
0x14a: {  	[bflag:$0x3] =	sbarrier.arrive $0xFFFF  }
0x14b: {  	_ =	shalt  }

// kernel: kernel.32.cloned.1.call-start
scs
__scs_entry_jumppad:
0x0: {  	(pc) =	sbr.rel $0x88, $3  }
0x1: {  	(tag) =	ssettag $0x0;
	lr =	simm.s32 $0x1  }
0x2: {  	[smem:$0x3F7D] =	sst lr;
	_ =	strace $0xD0000000  }
0x3: {  	_ = 	snop  }
0x4: {  	_ = 	snop  }
0x5: {  	_ = 	snop  }
0x6: {  	_ = 	snop  }
0x7: {  	_ = 	snop  }
__scs_overlays_trampoline_lowered:
0x8: {  	[smem:$0x3F8C] =	sst s0  }
0x9: {  	[smem:$0x3F8D] =	sst s1  }
0xa: {  	[smem:$0x3F8E] =	sst s2  }
0xb: {  	[smem:$0x3F8F] =	sst s3  }
0xc: {  	[smem:$0x3F90] =	sst s4  }
0xd: {  	[smem:$0x3F91] =	sst s5  }
0xe: {  	[smem:$0x3F92] =	sst s6  }
0xf: {  	[smem:$0x3F93] =	sst s7  }
0x10: {  	[smem:$0x3F94] =	sst s8  }
0x11: {  	[smem:$0x3F95] =	sst s9;
	s0 =	simm.s32 @!p0 $0x0  }
0x12: {  	s1 =	sld [smem:$0x3F7B];
	s0 =	simm.s32 @p0 $0x1  }
0x13: {  	[smem:$0x3F96] =	sst s0;
	s0 =	simm.s32 @!p1 $0x0  }
0x14: {  	s2 =	sld [smem:$0x3F7A];
	s0 =	simm.s32 @p1 $0x1  }
0x15: {  	[smem:$0x3F97] =	sst s0;
	s0 =	simm.s32 @!p2 $0x0  }
0x16: {  	s3 =	sld [smem:$0x3FDB];
	s0 =	simm.s32 @p2 $0x1  }
0x17: {  	s4 =	simm.s32 $0x1BF5;
	[smem:$0x3F99] =	sst s0  }
0x18: {  	s0 =	sld [smem:$0x3F7C];
	_ =	swait.ge [sflag:s4], $0x0  }
0x19: {  	s7 =	sld [smem:$0x3F7D]  }
0x1a: {  	s8 =	sadd.s32 $0xFFFFE003, lr  }
0x1b: {  	s9 =	sadd.s32 $0xFFFFFEF7, lr;
	s5 =	simm.s32 $0xFFFFFFFF;
	p2 =	slt.u32 s8, $0xFFFFF086  }
0x1c: {  	p1 =	slt.u32 s9, $0xF7A;
	s5 =	simm.s32 @!p2 $0x0  }
0x1d: {  	s5 =	simm.s32 @p1 $0x1;
	p0 =	seq.s32 s7, s2  }
0x1e: {  	s7 =	smul.u32 @!p0 $0xF7A, s2;
	p2 =	seq.s32 @!p0 s5, $0x0  }
0x1f: {  	s9 =	smul.u32 $0xF7A, s1;
	s8 =	simm.s32 @!p0 $0x1BF5;
	p2 =	por !p2, p0  }
0x20: {  	[sflag:s8] =	ssyncset.s32 @!p0 $0xFFFFF086;
	s6 =	sadd.s32 @!p0 s3, s7;
	s7 =	simm.s32 @!p0 $0x108  }
0x21: {  	s3 =	sadd.s32 s3, s9;
	s6 =	sadd.s32 @!p0 $0x88, s6;
	s7 =	simm.s32 @p2 $0x1082  }
0x22: {  	[simem:s7], [sflag:s8] =	dma.local @!p0 [hbm:s6], $0xF7A  }
0x23: {  	s9 =	sor.u32 $0xD0000000, s2;
	s6 =	simm.s32 $0x108;
	_ =	swait.ge @!p0 [sflag:s8], $0x0  }
0x24: {  	s3 =	sadd.s32 $0x88, s3;
	s6 =	simm.s32 @!p1 $0x1082;
	[sflag:s4] =	ssyncset.s32 $0xFFFFF086  }
0x25: {  	[simem:s6], [sflag:s4] =	dma.local [hbm:s3], $0xF7A  }
0x26: {  	[smem:$0x3F7D] =	sst s1;
	(tag) =	ssettag s2;
	_ =	strace s9  }
0x27: {  	s1 =	sld [smem:$0x3F8D]  }
0x28: {  	s2 =	sld [smem:$0x3F8E]  }
0x29: {  	s4 =	sld [smem:$0x3F90]  }
0x2a: {  	p0 =	seq.s32 s5, $0x0;
	s5 =	sld [smem:$0x3F91]  }
0x2b: {  	s6 =	sld [smem:$0x3F92]  }
0x2c: {  	s7 =	sld [smem:$0x3F93]  }
0x2d: {  	s3 =	simm.s32 $0x108;
	s8 =	sld [smem:$0x3F94]  }
0x2e: {  	s3 =	simm.s32 @!p0 $0x1082;
	s9 =	sld [smem:$0x3F95]  }
0x2f: {  	lr =	sadd.s32 s0, s3;
	s0 =	sld [smem:$0x3F8C]  }
0x30: {  	s3 =	sld [smem:$0x3F8F]  }
0x31: {  	[smem:$0x3F98] =	sst s10  }
0x32: {  	s10 =	sld [smem:$0x3F96];
	_ =	sdelay $0x3  }
0x33: {  	p0 =	seq.s32 s10, $0x1;
	s10 =	sld [smem:$0x3F98];
	_ =	sdelay $0x3  }
0x34: {  	[smem:$0x3F98] =	sst s10  }
0x35: {  	s10 =	sld [smem:$0x3F97];
	_ =	sdelay $0x3  }
0x36: {  	p1 =	seq.s32 s10, $0x1;
	s10 =	sld [smem:$0x3F98];
	_ =	sdelay $0x3  }
0x37: {  	[smem:$0x3F98] =	sst s10  }
0x38: {  	s10 =	sld [smem:$0x3F99]  }
0x39: {  	_ = 	snop;
	(pc) =	sbr.ind lr, $3  }
0x3a: {  	_ = 	snop  }
0x3b: {  	_ = 	snop  }
0x3c: {  	p2 =	seq.s32 s10, $0x1;
	s10 =	sld [smem:$0x3F98]  }
0x3d: {  	_ =	shalt  }
0x3e: {  	_ =	shalt  }
0x3f: {  	_ =	shalt  }
0x40: {  	_ =	shalt  }
0x41: {  	_ =	shalt  }
0x42: {  	_ =	shalt  }
0x43: {  	_ =	shalt  }
0x44: {  	_ =	shalt  }
0x45: {  	_ =	shalt  }
0x46: {  	_ =	shalt  }
0x47: {  	_ =	shalt  }
0x48: {  	_ =	shalt  }
0x49: {  	_ =	shalt  }
0x4a: {  	_ =	shalt  }
0x4b: {  	_ =	shalt  }
0x4c: {  	_ =	shalt  }
0x4d: {  	_ =	shalt  }
0x4e: {  	_ =	shalt  }
0x4f: {  	_ =	shalt  }
0x50: {  	_ =	shalt  }
0x51: {  	_ =	shalt  }
0x52: {  	_ =	shalt  }
0x53: {  	_ =	shalt  }
0x54: {  	_ =	shalt  }
0x55: {  	_ =	shalt  }
0x56: {  	_ =	shalt  }
0x57: {  	_ =	shalt  }
0x58: {  	_ =	shalt  }
0x59: {  	_ =	shalt  }
0x5a: {  	_ =	shalt  }
0x5b: {  	_ =	shalt  }
0x5c: {  	_ =	shalt  }
0x5d: {  	_ =	shalt  }
0x5e: {  	_ =	shalt  }
0x5f: {  	_ =	shalt  }
0x60: {  	_ =	shalt  }
0x61: {  	_ =	shalt  }
0x62: {  	_ =	shalt  }
0x63: {  	_ =	shalt  }
0x64: {  	_ =	shalt  }
0x65: {  	_ =	shalt  }
0x66: {  	_ =	shalt  }
0x67: {  	_ =	shalt  }
0x68: {  	_ =	shalt  }
0x69: {  	_ =	shalt  }
0x6a: {  	_ =	shalt  }
0x6b: {  	_ =	shalt  }
0x6c: {  	_ =	shalt  }
0x6d: {  	_ =	shalt  }
0x6e: {  	_ =	shalt  }
0x6f: {  	_ =	shalt  }
0x70: {  	_ =	shalt  }
0x71: {  	_ =	shalt  }
0x72: {  	_ =	shalt  }
0x73: {  	_ =	shalt  }
0x74: {  	_ =	shalt  }
0x75: {  	_ =	shalt  }
0x76: {  	_ =	shalt  }
0x77: {  	_ =	shalt  }
0x78: {  	_ =	shalt  }
0x79: {  	_ =	shalt  }
0x7a: {  	_ =	shalt  }
0x7b: {  	_ =	shalt  }
0x7c: {  	_ =	shalt  }
0x7d: {  	_ =	shalt  }
0x7e: {  	_ =	shalt  }
0x7f: {  	_ =	shalt  }
0x80: {  	_ =	shalt  }
0x81: {  	_ =	shalt  }
0x82: {  	_ =	shalt  }
0x83: {  	_ =	shalt  }
0x84: {  	_ =	shalt  }
0x85: {  	_ =	shalt  }
0x86: {  	_ =	shalt  }
0x87: {  	_ =	shalt  }
.Lfunc_end0:
.L_simem_size_0:
called_computation.3_lowered:
.L_overlay_start_0:
0x88: {  	s2 =	sld [smem:$0x3FD9]  }
0x89: {  	s3 =	sld [smem:$0x3FFE];
	_ =	sdelay $0x1  }
0x8a: {  	s1 =	srdreg.scid  }
0x8b: {  	s0 =	sand.u32 $0x1, s1  }
0x8c: {  	s16 =	sshll.u32 s0, $0xA;
	s2 =	sadd.s32 s3, s2  }
0x8d: {  	s2 =	sadd.s32 s2, s16  }
0x8e: {  	[smem:$0x3FA4] =	sst s2  }
0x8f: {  	_ = 	snop  }
0x90: {  	(tm) =	ssettm $0x1  }
0x91: {  	s17 =	sld [smem:$0x3FFB];
	_ =	sdelay $0x3  }
0x92: {  	_ =	strace s17  }
0x93: {  	s2 =	sld [smem:$0x3FFC];
	_ =	sdelay $0x3  }
0x94: {  	_ =	strace s2  }
0x95: {  	s2 =	sld [smem:$0x3FFD];
	_ =	sdelay $0x3  }
0x96: {  	_ =	strace s2  }
0x97: {  	_ =	strace $0x8FFFFFFF  }
0x98: {  	s18 =	sld [smem:$0x3FDB];
	_ =	sdelay $0x1  }
0x99: {  	s19 =	simm.s32 $_scs_section_size  }
0x9a: {  	s4 =	simm.s32 $_size__tile_overlayer_lowered;
	s5 =	simm.s32 $_tile_overlayer_lowered  }
0x9b: {  	s22 =	simm.s32 $0x1BFF;
	s21 =	sshll.u32 s5, $0x1;
	s2 =	sadd.s32 s19, s18  }
0x9c: {  	s6 =	simm.s32 $0x0;
	s20 =	sshll.u32 s4, $0x1;
	s4 =	sadd.s32 s21, s2  }
0x9d: {  	[timem:s6], [sflag:s22] =	dma.local [hbm:s4], s20  }
0x9e: {  	_ =	swait.ge [sflag:s22], s20  }
0x9f: {  	s3 =	ssub.s32 $0x0, s20;
	[sflag:s22] =	ssyncset.done $0x0  }
0xa0: {  	[sflag:s22] =	ssyncadd.s32 s3;
	_ =	sdelay $0x1  }
0xa1: {  	s23 =	simm.s32 $0x1B8B  }
0xa2: {  	_ =	swait.ge [sflag:s23], $0x1  }
0xa3: {  	[sflag:s23] =	ssyncset.done $0x0  }
0xa4: {  	s25 =	simm.s32 $0x1B8E;
	s24 =	sld [smem:$0x3FFE];
	[sflag:s23] =	ssyncadd.s32 $0xFFFFFFFF  }
0xa5: {  	s26 =	simm.s32 $execute0_lowered;
	[smem:$0x3FD2] =	sst s25  }
0xa6: {  	s4 =	sshll.u32 s26, $0x1;
	_ =	strace $0x8000004F;
	[dreg:$0x1] =	wrdreg $0xFFFFFFFF  }
0xa7: {  	s28 =	simm.s32 $_size_execute0_lowered;
	s2 =	sadd.s32 s2, s4;
	[dreg:$0x0] =	wrdreg $0x0  }
0xa8: {  	s4 =	sshll.u32 s28, $0x1;
	[dreg:$0x2] =	wrdreg s2  }
0xa9: {  	[dreg:$0x3] =	wrdreg s4  }
0xaa: {  	[dreg:$0x4] =	wrdreg $0xC0  }
0xab: {  	_ =	task [dreg:s6], $0x5FFFF  }
0xac: {  	[dreg:$0x1] =	wrdreg $0xFFFFFFFF  }
0xad: {  	[dreg:$0x0] =	wrdreg $0x60  }
0xae: {  	[dreg:$0x2] =	wrdreg s24  }
0xaf: {  	[dreg:$0x3] =	wrdreg $0x0  }
0xb0: {  	[dreg:$0x4] =	wrdreg $0x9  }
0xb1: {  	_ =	task.clear_ibuf [dreg:s6], $0x5FFFF;
	_ =	strace $0x9000004F  }
0xb2: {  	s29 =	simm.s32 $0x9;
	_ =	strace $0x80000051  }
0xb3: {  	_ =	swait.ge [sflag:s29], $0x1  }
0xb4: {  	[sflag:s29] =	ssyncadd.s32 $0xFFFFFFFF  }
0xb5: {  	_ =	strace $0x90000051  }
0xb6: {  	_ =	sfence  }
0xb7: {  	s30 =	sld [smem:$0x0];
	_ =	sdelay $0x2  }
0xb8: {  	s31 =	sshll.u32 s1, $0xD;
	s1 =	sshrl.u32 s1, $0x2  }
0xb9: {  	s3 =	sand.u32 $0x4000, s31;
	s1 =	sadd.s32 s1, s30  }
0xba: {  	s0 =	sor.u32 s3, s0;
	s1 =	sshll.u32 s1, $0x11  }
0xbb: {  	s0 =	sor.u32 s1, s0  }
0xbc: {  	s0 =	sadd.s32 $0x8F2B, s0  }
0xbd: {  	[sflag:s0] =	ssyncadd.remote.s32 $0x1  }
0xbe: {  	_ =	sfence.sel $0xFFFF  }
0xbf: {  	[dreg:$0x0] =	wrdreg $0xFFFFFFFF;
	(pc) =	sbr.abs _section_cstart, $3  }
0xc0: {  	[dreg:$0x1] =	wrdreg $0xFFFFFFFF  }
0xc1: {  	_ =	task.clear_ibuf [dreg:s6], $0x2FFFF;
	_ =	strace $0x9FFFFFFF  }
0xc2: {  	(tm) =	ssettm $0x7FFFFFFF  }
0xc3: {  	_ =	shalt  }
tec
execute0_lowered:
.L_overlay_start_1:
0x0: {  	(tag) =	ssettag $0x1  }
0x1: {  	s2 =	rddreg [dreg:$0x0]  }
0x2: {  	s1 =	rddreg [dreg:$0x1];
	s0 =	srdreg.scid  }
0x3: {  	s3 =	simm.s32 $0x0;
	s22 =	stileid.u32;
	s12 =	simm.s32 $0xD  }
0x4: {  	s13 =	simm.s32 $0x19000;
	s21 =	simm.s32 $0x19140;
	s14 =	simm.s32 $0x19050  }
0x5: {  	s23 =	simm.s32 $0x19190;
	s24 =	simm.s32 $0x191E0;
	s25 =	simm.s32 $0x19230  }
0x6: {  	s26 =	simm.s32 $0x19280;
	s28 =	simm.s32 $0x7;
	s29 =	simm.s32 $0x8  }
0x7: {  	s30 =	simm.s32 $0x9;
	s31 =	simm.s32 $0xA;
	s5 =	sand.u32 $0x1, s0  }
0x8: {  	[smem:$0x7FF] =	sst s3;
	s6 =	smul.u32 $0xC80, s22;
	s16 =	sadd.s32 $0x15A800, s2  }
0x9: {  	s17 =	sadd.s32 $0x177000, s1;
	_ =	strace $0x80000050;
	[dreg:$0xe] =	wrdreg s16  }
0xa: {  	s7 =	smul.u32 $0x61A8, s22;
	s4 =	sadd.s32 $0xC9E00, s2;
	[dreg:$0xf] =	wrdreg s17  }
0xb: {  	s10 =	smul.u32 $0x64000, s22;
	p0 =	seq.s32 s22, $0xF;
	[dreg:$0x5] =	wrdreg s21  }
0xc: {  	s22 =	simm.s32 $0x1A7C0;
	s0 =	smul.u32 $0xC380, s5;
	[dreg:$0x6] =	wrdreg s23  }
0xd: {  	s8 =	smul.u32 $0xFFFFFFA0, s5;
	s9 =	ssub.s32 $0x2, s5;
	[dreg:$0x7] =	wrdreg s24  }
0xe: {  	p2 =	seq.s32 s5, $0x1;
	s16 =	simm.s32 $0x190F0;
	[dreg:$0x8] =	wrdreg s25  }
0xf: {  	s17 =	simm.s32 $0x1;
	[dreg:$0x9] =	wrdreg s26;
	s21 =	simm.s32 $0x3  }
0x10: {  	p1 =	sne.s32 @p0 s5, $0x0;
	s23 =	simm.s32 $0x4;
	s24 =	simm.s32 $0x1B1C0  }
0x11: {  	s25 =	simm.s32 $0x5;
	s26 =	simm.s32 $0x6;
	s7 =	sadd.s32 s7, s2  }
0x12: {  	s11 =	sshrl.u32 s9, $0x1;
	s15 =	sshrl.u32 s10, $0x2;
	p1 =	por p1, !p0  }
0x13: {  	p2 =	por !p2, !p0;
	s6 =	sadd.s32 s6, s0;
	s8 =	sadd.s32 $0xC380, s8  }
0x14: {  	s9 =	ssub.s32 s9, s11;
	s18 =	sadd.s32 $0x6600, s7;
	[dreg:$0x13] =	wrdreg s8  }
0x15: {  	s19 =	sadd.s32 $0x68200, s7;
	s11 =	simm.s32 $0x193C0;
	[dreg:$0x3] =	wrdreg s18  }
0x16: {  	s7 =	simm.s32 $0x192D0;
	v0 =	vmov s0;
	s0 =	simm.s32 $0xB;
	[dreg:$0x4] =	wrdreg s19  }
0x17: {  	s6 =	sshll.u32 s6, $0x2;
	s20 =	smax.u32 s9, $0x1;
	[dreg:$0xa] =	wrdreg s7  }
0x18: {  	s18 =	simm.s32 $0x50;
	s8 =	simm.s32 $0x19320;
	[dreg:$0x11] =	wrdreg s20  }
0x19: {  	s19 =	simm.s32 $0x2;
	s9 =	simm.s32 $0x19370;
	[dreg:$0xb] =	wrdreg s8  }
0x1a: {  	s6 =	sadd.s32 s6, s2;
	s2 =	sadd.s32 $0x18B600, s2;
	[dreg:$0xc] =	wrdreg s9  }
0x1b: {  	s20 =	simm.s32 $0x19DC0;
	s10 =	rddreg [dreg:$0x13];
	s8 =	simm.s32 $0x0  }
0x1c: {  	s6 =	sadd.s32 $0x12BA00, s6;
	[dreg:$0x10] =	wrdreg s2;
	s2 =	simm.s32 $0xC  }
0x1d: {  	v2 =	vimm.f32 $0.0e+00;
	v1 =	vmov s10;
	[dreg:$0xd] =	wrdreg s6;
	s6 =	sadd.s32 s15, s1;
	s15 =	simm.s32 $0x190A0  }
.LBB2_1:
0x1e: {  	s7 =	simm.s32 $0x0  }
.LBB2_2:
0x1f: {  	p3 =	sne.s32 s7, $0x2780  }
.Ltmp0:
0x20: {  	_ = 	snop;
	(pc) =	sbr.rel @p3 .LBB2_2-.Ltmp0, $4  }
0x21: {  	_ = 	snop  }
0x22: {  	s9 =	sshra.s32 s7, $0x2  }
0x23: {  	[tilespmem:s9+$0x193C0] =	vst v2  }
0x24: {  	s7 =	sadd.s32 $0x80, s7;
	[tilespmem:s9+$0x193D0] =	vst v2  }
0x25: {  	[dreg:$0x12] =	wrdreg s8;
	s7 =	sadd.s32 $0x0, s6  }
0x26: {  	[spmem:s7] =	stream.linear.scatter [tilespmem:s11], [sflag:$0xD], $0xA00, $0x38;
	[tilespmem:$0x1BBC0] =	vst v63  }
0x27: {  	s7 =	simm.s32 $0x2800;
	_ =	swait.ge [sflag:s12], $0xA00  }
.LBB2_4:
0x28: {  	s9 =	sshra.s32 s7, $0x2;
	[sflag:s12] =	ssyncset.done $0x0;
	p3 =	sne.s32 s7, $0x61800  }
.Ltmp1:
0x29: {  	s9 =	sadd.s32 s9, s6;
	[sflag:s12] =	ssyncadd.s32 $0xFFFFF600;
	(pc) =	sbr.rel @p3 .LBB2_4-.Ltmp1, $3  }
0x2a: {  	[spmem:s9] =	stream.linear.scatter [tilespmem:s11], [sflag:$0xD], $0xA00, $0x38;
	[tilespmem:$0x1BBC0] =	vst v63  }
0x2b: {  	s7 =	sadd.s32 $0x2800, s7;
	_ =	sdelay $0x1  }
0x2c: {  	_ =	swait.ge [sflag:s12], $0xA00  }
0x2d: {  	[sflag:s12] =	ssyncset.done $0x0  }
0x2e: {  	[sflag:s12] =	ssyncadd.s32 $0xFFFFF600  }
0x2f: {  	[bflag:$0x0] =	sbarrier.arrive $0xFFFF  }
0x30: {  	s7 =	rddreg [dreg:$0x4]  }
0x31: {  	s9 =	rddreg [dreg:$0x3];
	s7 =	sadd.s32 $0x0, s7  }
0x32: {  	[tilespmem:s13], [sflag:$0x1] =	stream.linear.gather [hbm4b:s7+s3], $0x50, $0x38;
	[tilespmem:$0x1BBC0] =	vst v63  }
0x33: {  	s10 =	rddreg [dreg:$0x5];
	s9 =	sadd.s32 $0x0, s9  }
0x34: {  	[tilespmem:s10], [sflag:$0x1] =	stream.linear.gather [hbm4b:s9+s3], $0x50, $0x38;
	[tilespmem:$0x1BBC0] =	vst v63  }
0x35: {  	s5 =	sadd.s32 $0xA, s7  }
0x36: {  	[tilespmem:s14], [sflag:$0x2] =	stream.linear.gather [hbm4b:s5+s3], $0x50, $0x38;
	[tilespmem:$0x1BBC0] =	vst v63  }
0x37: {  	s8 =	rddreg [dreg:$0x6];
	s5 =	sadd.s32 $0xA, s9  }
0x38: {  	[tilespmem:s8], [sflag:$0x2] =	stream.linear.gather [hbm4b:s5+s3], $0x50, $0x38;
	[tilespmem:$0x1BBC0] =	vst v63  }
0x39: {  	s5 =	sadd.s32 $0x14, s7  }
0x3a: {  	[tilespmem:s15], [sflag:$0x3] =	stream.linear.gather [hbm4b:s5+s3], $0x50, $0x38;
	[tilespmem:$0x1BBC0] =	vst v63  }
0x3b: {  	s10 =	rddreg [dreg:$0x7];
	s5 =	sadd.s32 $0x14, s9  }
0x3c: {  	[tilespmem:s10], [sflag:$0x3] =	stream.linear.gather [hbm4b:s5+s3], $0x50, $0x38;
	[tilespmem:$0x1BBC0] =	vst v63  }
0x3d: {  	s7 =	sadd.s32 $0x1E, s7  }
0x3e: {  	[tilespmem:s16], [sflag:$0x4] =	stream.linear.gather [hbm4b:s7+s3], $0x50, $0x38;
	[tilespmem:$0x1BBC0] =	vst v63  }
0x3f: {  	s5 =	rddreg [dreg:$0x8];
	s10 =	sadd.s32 $0x1E, s9  }
0x40: {  	[tilespmem:s5], [sflag:$0x4] =	stream.linear.gather [hbm4b:s10+s3], $0x50, $0x38;
	[tilespmem:$0x1BBC0] =	vst v63  }
0x41: {  	_ =	swait.ge [sflag:s17], $0x50  }
0x42: {  	[sflag:s17] =	ssyncset.done $0x0  }
0x43: {  	[sflag:s17] =	ssyncadd.s32 $0xFFFFFFB0  }
0x44: {  	_ =	swait.ge [sflag:s17], $0x50  }
0x45: {  	[sflag:s17] =	ssyncset.done $0x0  }
0x46: {  	[sflag:s17] =	ssyncadd.s32 $0xFFFFFFB0  }
0x47: {  	[tilespmem:s11], [sflag:$0x5] =	stream.indirect.gather [hbm4b:s4+s18], $0x20, s13, s18, $0xb8;
	[tilespmem:$0x1BBC0] =	vst v63  }
0x48: {  	_ =	swait.ge [sflag:s19], $0x50  }
0x49: {  	[sflag:s19] =	ssyncset.done $0x0  }
0x4a: {  	[sflag:s19] =	ssyncadd.s32 $0xFFFFFFB0  }
0x4b: {  	_ =	swait.ge [sflag:s19], $0x50  }
0x4c: {  	[sflag:s19] =	ssyncset.done $0x0  }
0x4d: {  	[sflag:s19] =	ssyncadd.s32 $0xFFFFFFB0  }
0x4e: {  	[tilespmem:s20], [sflag:$0x6] =	stream.indirect.gather [hbm4b:s4+s18], $0x20, s14, s18, $0xb8;
	[tilespmem:$0x1BBC0] =	vst v63  }
0x4f: {  	_ =	swait.ge [sflag:s21], $0x50  }
0x50: {  	[sflag:s21] =	ssyncset.done $0x0  }
0x51: {  	[sflag:s21] =	ssyncadd.s32 $0xFFFFFFB0  }
0x52: {  	_ =	swait.ge [sflag:s21], $0x50  }
0x53: {  	[sflag:s21] =	ssyncset.done $0x0  }
0x54: {  	[sflag:s21] =	ssyncadd.s32 $0xFFFFFFB0  }
0x55: {  	[tilespmem:s22], [sflag:$0x7] =	stream.indirect.gather [hbm4b:s4+s18], $0x20, s15, s18, $0xb8;
	[tilespmem:$0x1BBC0] =	vst v63  }
0x56: {  	_ =	swait.ge [sflag:s23], $0x50  }
0x57: {  	[sflag:s23] =	ssyncset.done $0x0  }
0x58: {  	[sflag:s23] =	ssyncadd.s32 $0xFFFFFFB0  }
0x59: {  	_ =	swait.ge [sflag:s23], $0x50  }
0x5a: {  	[sflag:s23] =	ssyncset.done $0x0  }
0x5b: {  	[sflag:s23] =	ssyncadd.s32 $0xFFFFFFB0  }
0x5c: {  	[tilespmem:s24], [sflag:$0x8] =	stream.indirect.gather [hbm4b:s4+s18], $0x20, s16, s18, $0xb8;
	[tilespmem:$0x1BBC0] =	vst v63  }
0x5d: {  	v3 =	vld [tilespmem:$0x19180]  }
0x5e: {  	v4 =	vld [tilespmem:$0x19150]  }
0x5f: {  	v5 =	vld [tilespmem:$0x19160]  }
0x60: {  	v6 =	vld [tilespmem:$0x191B0]  }
0x61: {  	v7 =	vld [tilespmem:$0x19140]  }
0x62: {  	v8 =	vld [tilespmem:$0x191A0]  }
0x63: {  	v9 =	vld [tilespmem:$0x19190]  }
0x64: {  	v10 =	vld [tilespmem:$0x191E0]  }
0x65: {  	v11 =	vld [tilespmem:$0x191C0]  }
0x66: {  	v12 =	vld [tilespmem:$0x191F0]  }
0x67: {  	v13 =	vld [tilespmem:$0x19200]  }
0x68: {  	v14 =	vld [tilespmem:$0x19210]  }
0x69: {  	v15 =	vld [tilespmem:$0x19240]  }
0x6a: {  	v16 =	vld [tilespmem:$0x19250]  }
0x6b: {  	v17 =	vld [tilespmem:$0x191D0];
	v4 =	vsub.s32 v4, v0  }
0x6c: {  	v3 =	vsub.s32 v3, v0;
	v5 =	vsub.s32 v5, v0;
	v6 =	vsub.s32 v6, v0  }
0x6d: {  	v7 =	vsub.s32 v7, v0;
	v8 =	vsub.s32 v8, v0;
	v9 =	vsub.s32 v9, v0  }
0x6e: {  	v10 =	vsub.s32 v10, v0;
	v12 =	vsub.s32 v12, v0;
	v11 =	vsub.s32 v11, v0  }
0x6f: {  	v13 =	vsub.s32 v13, v0;
	v14 =	vsub.s32 v14, v0;
	v15 =	vsub.s32 v15, v0  }
0x70: {  	v16 =	vsub.s32 v16, v0;
	v17 =	vsub.s32 v17, v0;
	vm1 =	vgt.s32 v4, $0xFFFFFFFF  }
0x71: {  	vm0 =	vgt.s32 v5, $0xFFFFFFFF;
	vm2 =	vlt.s32 v5, v1;
	vm3 =	vgt.s32 v7, $0xFFFFFFFF  }
0x72: {  	vm4 =	vlt.s32 v4, v1;
	vm5 =	vgt.s32 v9, $0xFFFFFFFF;
	vm14 =	vgt.s32 v3, $0xFFFFFFFF  }
0x73: {  	vm15 =	vlt.s32 v3, v1;
	vm6 =	vgt.s32 v12, $0xFFFFFFFF;
	vm7 =	vgt.s32 v13, $0xFFFFFFFF  }
0x74: {  	vm8 =	vlt.s32 v13, v1;
	vm12 =	vlt.s32 v12, v1;
	vm13 =	vlt.s32 v11, v1  }
0x75: {  	vm9 =	vgt.s32 v8, $0xFFFFFFFF;
	vm10 =	vgt.s32 v11, $0xFFFFFFFF;
	vm2 =	vmand vm0, vm2  }
0x76: {  	vm0 =	vlt.s32 v6, v1;
	vm1 =	vmand vm1, vm4;
	vm4 =	vmand vm14, vm15  }
0x77: {  	vm7 =	vmand vm7, vm8;
	vm14 =	vgt.s32 v14, $0xFFFFFFFF;
	vm8 =	vmand vm10, vm13  }
0x78: {  	vm15 =	vlt.s32 v10, v1;
	vm10 =	vgt.s32 v6, $0xFFFFFFFF;
	vm13 =	vgt.s32 v17, $0xFFFFFFFF  }
0x79: {  	v5 =	vnsel vm2, $0xC738, v5;
	vm2 =	vlt.s32 v7, v1;
	v4 =	vnsel vm1, $0xC738, v4  }
0x7a: {  	vm1 =	vlt.s32 v8, v1;
	v13 =	vnsel vm7, $0xC738, v13;
	v11 =	vnsel vm8, $0xC738, v11  }
0x7b: {  	v19 =	vld [tilespmem:$0x19230];
	vm0 =	vmand vm10, vm0;
	vm2 =	vmand vm3, vm2;
	vm3 =	vlt.s32 v9, v1;
	[tilespmem:$0x192A0] =	vst v5  }
0x7c: {  	vm1 =	vmand vm9, vm1;
	[tilespmem:$0x19290] =	vst v4;
	vm9 =	vlt.s32 v15, v1;
	v6 =	vnsel vm0, $0xC738, v6  }
0x7d: {  	v5 =	vld [tilespmem:$0x19220];
	[tilespmem:$0x19340] =	vst v13;
	vm3 =	vmand vm5, vm3;
	v8 =	vnsel vm1, $0xC738, v8;
	vm1 =	vlt.s32 v16, v1  }
0x7e: {  	[tilespmem:$0x19300] =	vst v11;
	v4 =	vnsel vm2, $0xC738, v7;
	vm2 =	vmand vm6, vm12;
	v9 =	vnsel vm3, $0xC738, v9  }
0x7f: {  	vm3 =	vgt.s32 v10, $0xFFFFFFFF;
	v7 =	vnsel vm2, $0xC738, v12;
	vm2 =	vlt.s32 v14, v1;
	[tilespmem:$0x19280] =	vst v4  }
0x80: {  	v4 =	vsub.s32 v19, v0;
	[tilespmem:$0x192D0] =	vst v9;
	v9 =	vnsel vm4, $0xC738, v3;
	vm3 =	vmand vm3, vm15  }
0x81: {  	[tilespmem:$0x192F0] =	vst v6;
	vm0 =	vmand vm14, vm2;
	vm12 =	vlt.s32 v4, v1;
	vm14 =	vlt.s32 v17, v1  }
0x82: {  	v18 =	vld [tilespmem:$0x19170];
	[tilespmem:$0x192E0] =	vst v8;
	vm15 =	vgt.s32 v15, $0xFFFFFFFF;
	v8 =	vnsel vm0, $0xC738, v14;
	v5 =	vsub.s32 v5, v0  }
0x83: {  	v6 =	vld [tilespmem:$0x19260];
	[tilespmem:$0x19330] =	vst v7;
	vm0 =	vgt.s32 v4, $0xFFFFFFFF;
	vm2 =	vgt.s32 v5, $0xFFFFFFFF;
	vm11 =	vlt.s32 v5, v1  }
0x84: {  	[tilespmem:$0x192C0] =	vst v9;
	v7 =	vnsel vm3, $0xC738, v10;
	vm3 =	vmand vm13, vm14;
	vm2 =	vmand vm2, vm11  }
0x85: {  	[tilespmem:$0x19350] =	vst v8;
	vm0 =	vmand vm0, vm12;
	v5 =	vnsel vm2, $0xC738, v5;
	vm2 =	vmand vm15, vm9  }
0x86: {  	[tilespmem:$0x19320] =	vst v7;
	v9 =	vnsel vm0, $0xC738, v4;
	v7 =	vnsel vm2, $0xC738, v15;
	vm2 =	vgt.s32 v16, $0xFFFFFFFF  }
0x87: {  	v3 =	vsub.s32 v18, v0;
	v8 =	vnsel vm3, $0xC738, v17;
	[tilespmem:$0x19370] =	vst v9;
	vm1 =	vmand vm2, vm1  }
0x88: {  	s7 =	simm.s32 $0x28;
	v4 =	vld [tilespmem:$0x19270];
	vm0 =	vgt.s32 v3, $0xFFFFFFFF;
	v6 =	vsub.s32 v6, v0;
	[tilespmem:$0x19380] =	vst v7;
	v7 =	vnsel vm1, $0xC738, v16  }
.LBB2_6:
0x89: {  	_ =	sdelay $0x2  }
0x8a: {  	[tilespmem:$0x19310] =	vst v8;
	vm1 =	vgt.s32 v6, $0xFFFFFFFF;
	vm2 =	vlt.s32 v6, v1;
	vm4 =	vlt.s32 v3, v1  }
0x8b: {  	[tilespmem:$0x19360] =	vst v5;
	vm1 =	vmand vm1, vm2;
	vm0 =	vmand vm0, vm4;
	v4 =	vsub.s32 v4, v0  }
0x8c: {  	[tilespmem:$0x19390] =	vst v7;
	v5 =	vnsel vm1, $0xC738, v6;
	vm2 =	vgt.s32 v4, $0xFFFFFFFF;
	vm3 =	vlt.s32 v4, v1  }
0x8d: {  	v3 =	vnsel vm0, $0xC738, v3;
	[tilespmem:$0x193A0] =	vst v5;
	vm1 =	vmand vm2, vm3  }
0x8e: {  	[tilespmem:$0x192B0] =	vst v3;
	v4 =	vnsel vm1, $0xC738, v4  }
0x8f: {  	[tilespmem:$0x193B0] =	vst v4  }
0x90: {  	_ =	swait.ge [sflag:s25], $0xA00  }
0x91: {  	[sflag:s25] =	ssyncset.done $0x0  }
0x92: {  	s8 =	rddreg [dreg:$0x9];
	[sflag:s25] =	ssyncadd.s32 $0xFFFFF600  }
0x93: {  	[spmem:s1] =	stream.indirect.scatter.add.f32 [tilespmem:s11], [sflag:$0x9], $0x20, s8, s18, $0xb8;
	[tilespmem:$0x1BBC0] =	vst v63  }
0x94: {  	_ =	swait.ge [sflag:s26], $0xA00  }
0x95: {  	[sflag:s26] =	ssyncset.done $0x0  }
0x96: {  	s10 =	rddreg [dreg:$0xa];
	[sflag:s26] =	ssyncadd.s32 $0xFFFFF600  }
0x97: {  	[spmem:s1] =	stream.indirect.scatter.add.f32 [tilespmem:s20], [sflag:$0xA], $0x20, s10, s18, $0xb8;
	[tilespmem:$0x1BBC0] =	vst v63  }
0x98: {  	_ =	swait.ge [sflag:s28], $0xA00  }
0x99: {  	[sflag:s28] =	ssyncset.done $0x0  }
0x9a: {  	s5 =	rddreg [dreg:$0xb];
	[sflag:s28] =	ssyncadd.s32 $0xFFFFF600  }
0x9b: {  	[spmem:s1] =	stream.indirect.scatter.add.f32 [tilespmem:s22], [sflag:$0xB], $0x20, s5, s18, $0xb8;
	[tilespmem:$0x1BBC0] =	vst v63  }
0x9c: {  	_ =	swait.ge [sflag:s29], $0xA00  }
0x9d: {  	[sflag:s29] =	ssyncset.done $0x0  }
0x9e: {  	s10 =	rddreg [dreg:$0xc];
	[sflag:s29] =	ssyncadd.s32 $0xFFFFF600  }
0x9f: {  	[spmem:s1] =	stream.indirect.scatter.add.f32 [tilespmem:s24], [sflag:$0xC], $0x20, s10, s18, $0xb8;
	[tilespmem:$0x1BBC0] =	vst v63  }
0xa0: {  	_ =	swait.ge [sflag:s30], $0xA00  }
0xa1: {  	[sflag:s30] =	ssyncset.done $0x0  }
0xa2: {  	[sflag:s30] =	ssyncadd.s32 $0xFFFFF600  }
0xa3: {  	_ =	swait.ge [sflag:s31], $0xA00  }
0xa4: {  	[sflag:s31] =	ssyncset.done $0x0  }
0xa5: {  	[sflag:s31] =	ssyncadd.s32 $0xFFFFF600  }
0xa6: {  	_ =	swait.ge [sflag:s0], $0xA00  }
0xa7: {  	[sflag:s0] =	ssyncset.done $0x0  }
0xa8: {  	[sflag:s0] =	ssyncadd.s32 $0xFFFFF600  }
0xa9: {  	_ =	swait.ge [sflag:s2], $0xA00  }
0xaa: {  	s9 =	smov.u32 s7;
	s5 =	rddreg [dreg:$0x4];
	[sflag:s2] =	ssyncset.done $0x0  }
0xab: {  	s10 =	rddreg [dreg:$0x3];
	[sflag:s2] =	ssyncadd.s32 $0xFFFFF600;
	s8 =	sadd.s32 s9, s5  }
0xac: {  	[tilespmem:s13], [sflag:$0x1] =	stream.linear.gather [hbm4b:s8+s3], $0x50, $0x38;
	[tilespmem:$0x1BBC0] =	vst v63  }
0xad: {  	s5 =	rddreg [dreg:$0x5];
	s9 =	sadd.s32 s9, s10  }
0xae: {  	[tilespmem:s5], [sflag:$0x1] =	stream.linear.gather [hbm4b:s9+s3], $0x50, $0x38;
	[tilespmem:$0x1BBC0] =	vst v63  }
0xaf: {  	s5 =	sadd.s32 $0xA, s8  }
0xb0: {  	[tilespmem:s14], [sflag:$0x2] =	stream.linear.gather [hbm4b:s5+s3], $0x50, $0x38;
	[tilespmem:$0x1BBC0] =	vst v63  }
0xb1: {  	s10 =	rddreg [dreg:$0x6];
	s5 =	sadd.s32 $0xA, s9  }
0xb2: {  	[tilespmem:s10], [sflag:$0x2] =	stream.linear.gather [hbm4b:s5+s3], $0x50, $0x38;
	[tilespmem:$0x1BBC0] =	vst v63  }
0xb3: {  	s5 =	sadd.s32 $0x14, s8  }
0xb4: {  	[tilespmem:s15], [sflag:$0x3] =	stream.linear.gather [hbm4b:s5+s3], $0x50, $0x38;
	[tilespmem:$0x1BBC0] =	vst v63  }
0xb5: {  	s10 =	rddreg [dreg:$0x7];
	s5 =	sadd.s32 $0x14, s9  }
0xb6: {  	[tilespmem:s10], [sflag:$0x3] =	stream.linear.gather [hbm4b:s5+s3], $0x50, $0x38;
	[tilespmem:$0x1BBC0] =	vst v63  }
0xb7: {  	s10 =	sadd.s32 $0x1E, s8  }
0xb8: {  	[tilespmem:s16], [sflag:$0x4] =	stream.linear.gather [hbm4b:s10+s3], $0x50, $0x38;
	[tilespmem:$0x1BBC0] =	vst v63  }
0xb9: {  	s8 =	rddreg [dreg:$0x8];
	s10 =	sadd.s32 $0x1E, s9  }
0xba: {  	[tilespmem:s8], [sflag:$0x4] =	stream.linear.gather [hbm4b:s10+s3], $0x50, $0x38;
	[tilespmem:$0x1BBC0] =	vst v63  }
0xbb: {  	_ =	swait.ge [sflag:s17], $0x50  }
0xbc: {  	[sflag:s17] =	ssyncset.done $0x0  }
0xbd: {  	[sflag:s17] =	ssyncadd.s32 $0xFFFFFFB0  }
0xbe: {  	_ =	swait.ge [sflag:s17], $0x50  }
0xbf: {  	[sflag:s17] =	ssyncset.done $0x0  }
0xc0: {  	[sflag:s17] =	ssyncadd.s32 $0xFFFFFFB0  }
0xc1: {  	[tilespmem:s11], [sflag:$0x5] =	stream.indirect.gather [hbm4b:s4+s18], $0x20, s13, s18, $0xb8;
	[tilespmem:$0x1BBC0] =	vst v63  }
0xc2: {  	_ =	swait.ge [sflag:s19], $0x50  }
0xc3: {  	[sflag:s19] =	ssyncset.done $0x0  }
0xc4: {  	[sflag:s19] =	ssyncadd.s32 $0xFFFFFFB0  }
0xc5: {  	_ =	swait.ge [sflag:s19], $0x50  }
0xc6: {  	[sflag:s19] =	ssyncset.done $0x0  }
0xc7: {  	[sflag:s19] =	ssyncadd.s32 $0xFFFFFFB0  }
0xc8: {  	[tilespmem:s20], [sflag:$0x6] =	stream.indirect.gather [hbm4b:s4+s18], $0x20, s14, s18, $0xb8;
	[tilespmem:$0x1BBC0] =	vst v63  }
0xc9: {  	_ =	swait.ge [sflag:s21], $0x50  }
0xca: {  	[sflag:s21] =	ssyncset.done $0x0  }
0xcb: {  	[sflag:s21] =	ssyncadd.s32 $0xFFFFFFB0  }
0xcc: {  	_ =	swait.ge [sflag:s21], $0x50  }
0xcd: {  	[sflag:s21] =	ssyncset.done $0x0  }
0xce: {  	[sflag:s21] =	ssyncadd.s32 $0xFFFFFFB0  }
0xcf: {  	[tilespmem:s22], [sflag:$0x7] =	stream.indirect.gather [hbm4b:s4+s18], $0x20, s15, s18, $0xb8;
	[tilespmem:$0x1BBC0] =	vst v63  }
0xd0: {  	_ =	swait.ge [sflag:s23], $0x50  }
0xd1: {  	[sflag:s23] =	ssyncset.done $0x0  }
0xd2: {  	[sflag:s23] =	ssyncadd.s32 $0xFFFFFFB0  }
0xd3: {  	_ =	swait.ge [sflag:s23], $0x50  }
0xd4: {  	[sflag:s23] =	ssyncset.done $0x0  }
0xd5: {  	[sflag:s23] =	ssyncadd.s32 $0xFFFFFFB0  }
0xd6: {  	[tilespmem:s24], [sflag:$0x8] =	stream.indirect.gather [hbm4b:s4+s18], $0x20, s16, s18, $0xb8;
	[tilespmem:$0x1BBC0] =	vst v63  }
0xd7: {  	v3 =	vld [tilespmem:$0x19190]  }
0xd8: {  	v4 =	vld [tilespmem:$0x19180]  }
0xd9: {  	v5 =	vld [tilespmem:$0x19150]  }
0xda: {  	v6 =	vld [tilespmem:$0x19160]  }
0xdb: {  	v7 =	vld [tilespmem:$0x191B0]  }
0xdc: {  	v8 =	vld [tilespmem:$0x19140]  }
0xdd: {  	v9 =	vld [tilespmem:$0x191A0]  }
0xde: {  	v10 =	vld [tilespmem:$0x191C0]  }
0xdf: {  	v14 =	vld [tilespmem:$0x19200]  }
0xe0: {  	v15 =	vld [tilespmem:$0x19210]  }
0xe1: {  	v18 =	vld [tilespmem:$0x19240]  }
0xe2: {  	v5 =	vsub.s32 v5, v0  }
0xe3: {  	v11 =	vsub.s32 v4, v0;
	v4 =	vsub.s32 v6, v0;
	v6 =	vsub.s32 v7, v0  }
0xe4: {  	v8 =	vsub.s32 v8, v0;
	v9 =	vsub.s32 v9, v0;
	v3 =	vsub.s32 v3, v0  }
0xe5: {  	v10 =	vsub.s32 v10, v0;
	v14 =	vsub.s32 v14, v0;
	v15 =	vsub.s32 v15, v0  }
0xe6: {  	v18 =	vsub.s32 v18, v0;
	vm2 =	vgt.s32 v5, $0xFFFFFFFF;
	vm0 =	vgt.s32 v4, $0xFFFFFFFF  }
0xe7: {  	vm1 =	vlt.s32 v4, v1;
	vm3 =	vgt.s32 v8, $0xFFFFFFFF;
	vm13 =	vlt.s32 v5, v1  }
0xe8: {  	vm5 =	vgt.s32 v3, $0xFFFFFFFF;
	vm6 =	vgt.s32 v11, $0xFFFFFFFF;
	vm14 =	vlt.s32 v11, v1  }
0xe9: {  	v7 =	vld [tilespmem:$0x191E0];
	vm15 =	vgt.s32 v14, $0xFFFFFFFF;
	vm7 =	vlt.s32 v14, v1;
	vm12 =	vlt.s32 v10, v1  }
0xea: {  	vm9 =	vgt.s32 v9, $0xFFFFFFFF;
	vm10 =	vgt.s32 v10, $0xFFFFFFFF;
	vm1 =	vmand vm0, vm1  }
0xeb: {  	vm0 =	vlt.s32 v6, v1;
	vm2 =	vmand vm2, vm13;
	vm6 =	vmand vm6, vm14  }
0xec: {  	vm13 =	vgt.s32 v15, $0xFFFFFFFF;
	v4 =	vnsel vm1, $0xC738, v4;
	vm1 =	vlt.s32 v8, v1  }
0xed: {  	v13 =	vld [tilespmem:$0x191F0];
	[tilespmem:$0x192A0] =	vst v4;
	vm1 =	vmand vm3, vm1;
	vm3 =	vlt.s32 v3, v1;
	v4 =	vnsel vm2, $0xC738, v5  }
0xee: {  	vm2 =	vlt.s32 v9, v1;
	v7 =	vsub.s32 v7, v0;
	vm3 =	vmand vm5, vm3  }
0xef: {  	v5 =	vld [tilespmem:$0x19250];
	vm5 =	vmand vm15, vm7;
	vm2 =	vmand vm9, vm2;
	vm7 =	vmand vm10, vm12  }
0xf0: {  	v12 =	vld [tilespmem:$0x191D0];
	vm15 =	vgt.s32 v6, $0xFFFFFFFF;
	vm9 =	vlt.s32 v15, v1;
	v3 =	vnsel vm3, $0xC738, v3  }
0xf1: {  	vm3 =	vgt.s32 v7, $0xFFFFFFFF;
	v14 =	vnsel vm5, $0xC738, v14;
	vm14 =	vlt.s32 v7, v1  }
0xf2: {  	v19 =	vld [tilespmem:$0x19170];
	vm0 =	vmand vm15, vm0;
	vm15 =	vgt.s32 v18, $0xFFFFFFFF;
	[tilespmem:$0x192D0] =	vst v3;
	v3 =	vsub.s32 v13, v0  }
0xf3: {  	v16 =	vld [tilespmem:$0x19220];
	vm3 =	vmand vm3, vm14;
	vm4 =	vgt.s32 v3, $0xFFFFFFFF;
	vm8 =	vlt.s32 v3, v1  }
0xf4: {  	v17 =	vld [tilespmem:$0x19230];
	[tilespmem:$0x19290] =	vst v4;
	v7 =	vnsel vm3, $0xC738, v7;
	v63 =	vsub.s32 v5, v0;
	v5 =	vnsel vm2, $0xC738, v9  }
0xf5: {  	[tilespmem:$0x19340] =	vst v14;
	v9 =	vnsel vm7, $0xC738, v10;
	v10 =	vnsel vm6, $0xC738, v11;
	v11 =	vsub.s32 v12, v0  }
0xf6: {  	vm4 =	vmand vm4, vm8;
	vm2 =	vlt.s32 v63, v1;
	[tilespmem:$0x192E0] =	vst v5;
	v5 =	vnsel vm1, $0xC738, v8  }
0xf7: {  	vm1 =	vlt.s32 v18, v1;
	[tilespmem:$0x192C0] =	vst v10;
	v8 =	vnsel vm4, $0xC738, v3;
	v3 =	vsub.s32 v19, v0  }
0xf8: {  	v10 =	vsub.s32 v16, v0;
	[tilespmem:$0x19280] =	vst v5;
	v5 =	vnsel vm0, $0xC738, v6;
	vm0 =	vmand vm13, vm9  }
0xf9: {  	[tilespmem:$0x19320] =	vst v7;
	v6 =	vsub.s32 v17, v0;
	vm10 =	vgt.s32 v10, $0xFFFFFFFF;
	vm11 =	vlt.s32 v10, v1  }
0xfa: {  	p3 =	sne.s32 s7, $0x6180;
	v62 =	vld [tilespmem:$0x19260];
	vm13 =	vgt.s32 v11, $0xFFFFFFFF;
	vm1 =	vmand vm15, vm1;
	[tilespmem:$0x192F0] =	vst v5;
	v5 =	vnsel vm0, $0xC738, v15  }
.Ltmp2:
0xfb: {  	[tilespmem:$0x19300] =	vst v9;
	vm0 =	vgt.s32 v6, $0xFFFFFFFF;
	vm12 =	vlt.s32 v6, v1;
	vm4 =	vmand vm10, vm11;
	(pc) =	sbr.rel @p3 .LBB2_6-.Ltmp2, $4  }
0xfc: {  	[tilespmem:$0x19330] =	vst v8;
	v7 =	vnsel vm1, $0xC738, v18;
	vm1 =	vgt.s32 v63, $0xFFFFFFFF;
	vm14 =	vmand vm0, vm12  }
0xfd: {  	[tilespmem:$0x19350] =	vst v5;
	vm0 =	vlt.s32 v11, v1;
	v5 =	vnsel vm4, $0xC738, v10;
	vm1 =	vmand vm1, vm2  }
0xfe: {  	[tilespmem:$0x19380] =	vst v7;
	vm0 =	vmand vm13, vm0;
	v6 =	vnsel vm14, $0xC738, v6;
	v7 =	vnsel vm1, $0xC738, v63  }
0xff: {  	s7 =	sadd.s32 $0x28, s7;
	v4 =	vld [tilespmem:$0x19270];
	v8 =	vnsel vm0, $0xC738, v11;
	vm0 =	vgt.s32 v3, $0xFFFFFFFF;
	[tilespmem:$0x19370] =	vst v6;
	v6 =	vsub.s32 v62, v0  }
0x100: {  	_ =	sdelay $0x2  }
0x101: {  	[tilespmem:$0x19310] =	vst v8;
	vm1 =	vgt.s32 v6, $0xFFFFFFFF;
	vm2 =	vlt.s32 v6, v1;
	vm4 =	vlt.s32 v3, v1  }
0x102: {  	[tilespmem:$0x19360] =	vst v5;
	vm1 =	vmand vm1, vm2;
	vm0 =	vmand vm0, vm4;
	v4 =	vsub.s32 v4, v0  }
0x103: {  	[tilespmem:$0x19390] =	vst v7;
	v63 =	vnsel vm1, $0xC738, v6;
	vm14 =	vgt.s32 v4, $0xFFFFFFFF;
	vm3 =	vlt.s32 v4, v1  }
0x104: {  	v3 =	vnsel vm0, $0xC738, v3;
	[tilespmem:$0x193A0] =	vst v63;
	vm15 =	vmand vm14, vm3  }
0x105: {  	[tilespmem:$0x192B0] =	vst v3;
	v4 =	vnsel vm15, $0xC738, v4  }
0x106: {  	[tilespmem:$0x193B0] =	vst v4  }
0x107: {  	_ =	swait.ge [sflag:s25], $0xA00  }
0x108: {  	[sflag:s25] =	ssyncset.done $0x0  }
0x109: {  	s5 =	rddreg [dreg:$0x9];
	[sflag:s25] =	ssyncadd.s32 $0xFFFFF600  }
0x10a: {  	[spmem:s1] =	stream.indirect.scatter.add.f32 [tilespmem:s11], [sflag:$0x9], $0x20, s5, s18, $0xb8;
	[tilespmem:$0x1BBC0] =	vst v63  }
0x10b: {  	_ =	swait.ge [sflag:s26], $0xA00  }
0x10c: {  	[sflag:s26] =	ssyncset.done $0x0  }
0x10d: {  	s10 =	rddreg [dreg:$0xa];
	[sflag:s26] =	ssyncadd.s32 $0xFFFFF600  }
0x10e: {  	[spmem:s1] =	stream.indirect.scatter.add.f32 [tilespmem:s20], [sflag:$0xA], $0x20, s10, s18, $0xb8;
	[tilespmem:$0x1BBC0] =	vst v63  }
0x10f: {  	_ =	swait.ge [sflag:s28], $0xA00  }
0x110: {  	[sflag:s28] =	ssyncset.done $0x0  }
0x111: {  	s7 =	rddreg [dreg:$0xb];
	[sflag:s28] =	ssyncadd.s32 $0xFFFFF600  }
0x112: {  	[spmem:s1] =	stream.indirect.scatter.add.f32 [tilespmem:s22], [sflag:$0xB], $0x20, s7, s18, $0xb8;
	[tilespmem:$0x1BBC0] =	vst v63  }
0x113: {  	_ =	swait.ge [sflag:s29], $0xA00  }
0x114: {  	[sflag:s29] =	ssyncset.done $0x0  }
0x115: {  	s8 =	rddreg [dreg:$0xc];
	[sflag:s29] =	ssyncadd.s32 $0xFFFFF600  }
0x116: {  	[spmem:s1] =	stream.indirect.scatter.add.f32 [tilespmem:s24], [sflag:$0xC], $0x20, s8, s18, $0xb8;
	[tilespmem:$0x1BBC0] =	vst v63  }
0x117: {  	_ =	swait.ge [sflag:s30], $0xA00  }
0x118: {  	[sflag:s30] =	ssyncset.done $0x0  }
0x119: {  	[sflag:s30] =	ssyncadd.s32 $0xFFFFF600  }
0x11a: {  	_ =	swait.ge [sflag:s31], $0xA00  }
0x11b: {  	[sflag:s31] =	ssyncset.done $0x0  }
0x11c: {  	[sflag:s31] =	ssyncadd.s32 $0xFFFFF600  }
0x11d: {  	_ =	swait.ge [sflag:s0], $0xA00  }
0x11e: {  	[sflag:s0] =	ssyncset.done $0x0  }
0x11f: {  	[sflag:s0] =	ssyncadd.s32 $0xFFFFF600  }
0x120: {  	_ =	swait.ge [sflag:s2], $0xA00  }
0x121: {  	[sflag:s2] =	ssyncset.done $0x0  }
0x122: {  	[sflag:s2] =	ssyncadd.s32 $0xFFFFF600  }
0x123: {  	[bflag:$0x0] =	sbarrier.arrive $0xFFFF  }
0x124: {  	s9 =	rddreg [dreg:$0xf]  }
0x125: {  	s7 =	simm.s32 @!p1 $0x1FCD;
	s8 =	rddreg [dreg:$0xe];
	s5 =	sshrl.u32 @!p1 s9, $0x3  }
0x126: {  	[hbm:s8], [sflag:s7] =	dma.local @!p1 [spmem:s5], $0x2000  }
0x127: {  	s5 =	simm.s32 @!p1 $0xD  }
0x128: {  	_ =	swait.ge @!p1 [sflag:s5], $0x2000  }
0x129: {  	s7 =	simm.s32 @!p2 $0x1FCD;
	[sflag:s5] =	ssyncset.done @!p1 $0x0  }
0x12a: {  	s8 =	rddreg [dreg:$0x10];
	[sflag:s5] =	ssyncadd.s32 @!p1 $0xFFFFE000;
	s5 =	sshrl.u32 @!p2 s9, $0x3  }
0x12b: {  	[hbm:s8], [sflag:s7] =	dma.local @!p2 [spmem:s5], $0x1E80  }
0x12c: {  	s5 =	simm.s32 @!p2 $0xD  }
0x12d: {  	s7 =	stileid.u32;
	_ =	swait.ge @!p2 [sflag:s5], $0x1E80  }
0x12e: {  	s7 =	sshll.u32 @!p0 s7, $0x6;
	[sflag:s5] =	ssyncset.done @!p2 $0x0;
	s8 =	rddreg [dreg:$0xd]  }
0x12f: {  	[sflag:s5] =	ssyncadd.s32 @!p2 $0xFFFFE180;
	s5 =	sor.u32 @!p0 $0x1C0D, s7;
	s7 =	sshrl.u32 @!p0 s6, $0x3  }
0x130: {  	[hbm:s8], [sflag:s5] =	dma.local @!p0 [spmem:s7], $0x3200  }
0x131: {  	s5 =	simm.s32 @!p0 $0xD  }
0x132: {  	_ =	swait.ge @!p0 [sflag:s5], $0x3200  }
0x133: {  	s9 =	rddreg [dreg:$0x12]  }
0x134: {  	s10 =	rddreg [dreg:$0x11];
	s8 =	sadd.s32 $0x1, s9  }
0x135: {  	p3 =	sne.s32 s8, s10  }
.Ltmp3:
0x136: {  	_ = 	snop;
	(pc) =	sbr.rel @p3 .LBB2_1-.Ltmp3, $3  }
0x137: {  	_ =	sdelay $0x1  }
0x138: {  	[sflag:s5] =	ssyncset.done @!p0 $0x0  }
0x139: {  	[sflag:s5] =	ssyncadd.s32 @!p0 $0xFFFFCE00  }
0x13a: {  	_ =	sfence.sel $0x180000  }
0x13b: {  	[bflag:$0x0] =	sbarrier.arrive $0xFFFF  }
0x13c: {  	_ =	strace $0x90000050  }
0x13d: {  	s0 =	stileid.u32;
	[bflag:$0x2] =	sbarrier.arrive $0xFFFF  }
0x13e: {  	p0 =	sne.s32 s0, $0x0;
	s0 =	rddreg [dreg:$0x2]  }
0x13f: {  	s0 =	sadd.s32 @!p0 $0x100000, s0  }
0x140: {  	[sflag:s0] =	ssyncadd.tile.s32 @!p0 $0x1;
	_ =	shalt  }
.Lfunc_end2:
_tile_overlayer_lowered:
.L_overlay_start_2:
0x141: {  	(tag) =	ssettag $0x2  }
0x142: {  	s0 =	rddreg [dreg:$0x0];
	s2 =	stileid.u32  }
0x143: {  	s1 =	rddreg [dreg:$0x1];
	p0 =	sne.s32 s2, $0x0  }
0x144: {  	s3 =	rddreg [dreg:$0x2];
	[bflag:$0x3] =	sbarrier.arrive $0xFFFF;
	s2 =	simm.s32 @!p0 $0x1C0D  }
0x145: {  	[timem:s3], [sflag:s2] =	dma.local @!p0 [hbm:s0], s1  }
0x146: {  	s0 =	simm.s32 @!p0 $0xD  }
0x147: {  	_ =	swait.ge @!p0 [sflag:s0], s1  }
0x148: {  	s1 =	ssub.s32 @!p0 $0x0, s1;
	[sflag:s0] =	ssyncset.done @!p0 $0x0  }
0x149: {  	[sflag:s0] =	ssyncadd.s32 @!p0 s1  }
0x14a: {  	[bflag:$0x3] =	sbarrier.arrive $0xFFFF  }
0x14b: {  	_ =	shalt  }

// kernel: kernel.35.cloned.1.call-start
scs
__scs_entry_jumppad:
0x0: {  	(pc) =	sbr.rel $0x88, $3  }
0x1: {  	(tag) =	ssettag $0x0;
	lr =	simm.s32 $0x1  }
0x2: {  	[smem:$0x3F7D] =	sst lr;
	_ =	strace $0xD0000000  }
0x3: {  	_ = 	snop  }
0x4: {  	_ = 	snop  }
0x5: {  	_ = 	snop  }
0x6: {  	_ = 	snop  }
0x7: {  	_ = 	snop  }
__scs_overlays_trampoline_lowered:
0x8: {  	[smem:$0x3F8C] =	sst s0  }
0x9: {  	[smem:$0x3F8D] =	sst s1  }
0xa: {  	[smem:$0x3F8E] =	sst s2  }
0xb: {  	[smem:$0x3F8F] =	sst s3  }
0xc: {  	[smem:$0x3F90] =	sst s4  }
0xd: {  	[smem:$0x3F91] =	sst s5  }
0xe: {  	[smem:$0x3F92] =	sst s6  }
0xf: {  	[smem:$0x3F93] =	sst s7  }
0x10: {  	[smem:$0x3F94] =	sst s8  }
0x11: {  	[smem:$0x3F95] =	sst s9;
	s0 =	simm.s32 @!p0 $0x0  }
0x12: {  	s1 =	sld [smem:$0x3F7B];
	s0 =	simm.s32 @p0 $0x1  }
0x13: {  	[smem:$0x3F96] =	sst s0;
	s0 =	simm.s32 @!p1 $0x0  }
0x14: {  	s2 =	sld [smem:$0x3F7A];
	s0 =	simm.s32 @p1 $0x1  }
0x15: {  	[smem:$0x3F97] =	sst s0;
	s0 =	simm.s32 @!p2 $0x0  }
0x16: {  	s3 =	sld [smem:$0x3FDB];
	s0 =	simm.s32 @p2 $0x1  }
0x17: {  	s4 =	simm.s32 $0x1BF5;
	[smem:$0x3F99] =	sst s0  }
0x18: {  	s0 =	sld [smem:$0x3F7C];
	_ =	swait.ge [sflag:s4], $0x0  }
0x19: {  	s7 =	sld [smem:$0x3F7D]  }
0x1a: {  	s8 =	sadd.s32 $0xFFFFE003, lr  }
0x1b: {  	s9 =	sadd.s32 $0xFFFFFEF7, lr;
	s5 =	simm.s32 $0xFFFFFFFF;
	p2 =	slt.u32 s8, $0xFFFFF086  }
0x1c: {  	p1 =	slt.u32 s9, $0xF7A;
	s5 =	simm.s32 @!p2 $0x0  }
0x1d: {  	s5 =	simm.s32 @p1 $0x1;
	p0 =	seq.s32 s7, s2  }
0x1e: {  	s7 =	smul.u32 @!p0 $0xF7A, s2;
	p2 =	seq.s32 @!p0 s5, $0x0  }
0x1f: {  	s9 =	smul.u32 $0xF7A, s1;
	s8 =	simm.s32 @!p0 $0x1BF5;
	p2 =	por !p2, p0  }
0x20: {  	[sflag:s8] =	ssyncset.s32 @!p0 $0xFFFFF086;
	s6 =	sadd.s32 @!p0 s3, s7;
	s7 =	simm.s32 @!p0 $0x108  }
0x21: {  	s3 =	sadd.s32 s3, s9;
	s6 =	sadd.s32 @!p0 $0x88, s6;
	s7 =	simm.s32 @p2 $0x1082  }
0x22: {  	[simem:s7], [sflag:s8] =	dma.local @!p0 [hbm:s6], $0xF7A  }
0x23: {  	s9 =	sor.u32 $0xD0000000, s2;
	s6 =	simm.s32 $0x108;
	_ =	swait.ge @!p0 [sflag:s8], $0x0  }
0x24: {  	s3 =	sadd.s32 $0x88, s3;
	s6 =	simm.s32 @!p1 $0x1082;
	[sflag:s4] =	ssyncset.s32 $0xFFFFF086  }
0x25: {  	[simem:s6], [sflag:s4] =	dma.local [hbm:s3], $0xF7A  }
0x26: {  	[smem:$0x3F7D] =	sst s1;
	(tag) =	ssettag s2;
	_ =	strace s9  }
0x27: {  	s1 =	sld [smem:$0x3F8D]  }
0x28: {  	s2 =	sld [smem:$0x3F8E]  }
0x29: {  	s4 =	sld [smem:$0x3F90]  }
0x2a: {  	p0 =	seq.s32 s5, $0x0;
	s5 =	sld [smem:$0x3F91]  }
0x2b: {  	s6 =	sld [smem:$0x3F92]  }
0x2c: {  	s7 =	sld [smem:$0x3F93]  }
0x2d: {  	s3 =	simm.s32 $0x108;
	s8 =	sld [smem:$0x3F94]  }
0x2e: {  	s3 =	simm.s32 @!p0 $0x1082;
	s9 =	sld [smem:$0x3F95]  }
0x2f: {  	lr =	sadd.s32 s0, s3;
	s0 =	sld [smem:$0x3F8C]  }
0x30: {  	s3 =	sld [smem:$0x3F8F]  }
0x31: {  	[smem:$0x3F98] =	sst s10  }
0x32: {  	s10 =	sld [smem:$0x3F96];
	_ =	sdelay $0x3  }
0x33: {  	p0 =	seq.s32 s10, $0x1;
	s10 =	sld [smem:$0x3F98];
	_ =	sdelay $0x3  }
0x34: {  	[smem:$0x3F98] =	sst s10  }
0x35: {  	s10 =	sld [smem:$0x3F97];
	_ =	sdelay $0x3  }
0x36: {  	p1 =	seq.s32 s10, $0x1;
	s10 =	sld [smem:$0x3F98];
	_ =	sdelay $0x3  }
0x37: {  	[smem:$0x3F98] =	sst s10  }
0x38: {  	s10 =	sld [smem:$0x3F99]  }
0x39: {  	_ = 	snop;
	(pc) =	sbr.ind lr, $3  }
0x3a: {  	_ = 	snop  }
0x3b: {  	_ = 	snop  }
0x3c: {  	p2 =	seq.s32 s10, $0x1;
	s10 =	sld [smem:$0x3F98]  }
0x3d: {  	_ =	shalt  }
0x3e: {  	_ =	shalt  }
0x3f: {  	_ =	shalt  }
0x40: {  	_ =	shalt  }
0x41: {  	_ =	shalt  }
0x42: {  	_ =	shalt  }
0x43: {  	_ =	shalt  }
0x44: {  	_ =	shalt  }
0x45: {  	_ =	shalt  }
0x46: {  	_ =	shalt  }
0x47: {  	_ =	shalt  }
0x48: {  	_ =	shalt  }
0x49: {  	_ =	shalt  }
0x4a: {  	_ =	shalt  }
0x4b: {  	_ =	shalt  }
0x4c: {  	_ =	shalt  }
0x4d: {  	_ =	shalt  }
0x4e: {  	_ =	shalt  }
0x4f: {  	_ =	shalt  }
0x50: {  	_ =	shalt  }
0x51: {  	_ =	shalt  }
0x52: {  	_ =	shalt  }
0x53: {  	_ =	shalt  }
0x54: {  	_ =	shalt  }
0x55: {  	_ =	shalt  }
0x56: {  	_ =	shalt  }
0x57: {  	_ =	shalt  }
0x58: {  	_ =	shalt  }
0x59: {  	_ =	shalt  }
0x5a: {  	_ =	shalt  }
0x5b: {  	_ =	shalt  }
0x5c: {  	_ =	shalt  }
0x5d: {  	_ =	shalt  }
0x5e: {  	_ =	shalt  }
0x5f: {  	_ =	shalt  }
0x60: {  	_ =	shalt  }
0x61: {  	_ =	shalt  }
0x62: {  	_ =	shalt  }
0x63: {  	_ =	shalt  }
0x64: {  	_ =	shalt  }
0x65: {  	_ =	shalt  }
0x66: {  	_ =	shalt  }
0x67: {  	_ =	shalt  }
0x68: {  	_ =	shalt  }
0x69: {  	_ =	shalt  }
0x6a: {  	_ =	shalt  }
0x6b: {  	_ =	shalt  }
0x6c: {  	_ =	shalt  }
0x6d: {  	_ =	shalt  }
0x6e: {  	_ =	shalt  }
0x6f: {  	_ =	shalt  }
0x70: {  	_ =	shalt  }
0x71: {  	_ =	shalt  }
0x72: {  	_ =	shalt  }
0x73: {  	_ =	shalt  }
0x74: {  	_ =	shalt  }
0x75: {  	_ =	shalt  }
0x76: {  	_ =	shalt  }
0x77: {  	_ =	shalt  }
0x78: {  	_ =	shalt  }
0x79: {  	_ =	shalt  }
0x7a: {  	_ =	shalt  }
0x7b: {  	_ =	shalt  }
0x7c: {  	_ =	shalt  }
0x7d: {  	_ =	shalt  }
0x7e: {  	_ =	shalt  }
0x7f: {  	_ =	shalt  }
0x80: {  	_ =	shalt  }
0x81: {  	_ =	shalt  }
0x82: {  	_ =	shalt  }
0x83: {  	_ =	shalt  }
0x84: {  	_ =	shalt  }
0x85: {  	_ =	shalt  }
0x86: {  	_ =	shalt  }
0x87: {  	_ =	shalt  }
.Lfunc_end0:
.L_simem_size_0:
called_computation.4_lowered:
.L_overlay_start_0:
0x88: {  	s2 =	sld [smem:$0x3FD9]  }
0x89: {  	s3 =	sld [smem:$0x3FFE];
	_ =	sdelay $0x1  }
0x8a: {  	s1 =	srdreg.scid  }
0x8b: {  	s0 =	sand.u32 $0x1, s1  }
0x8c: {  	s16 =	sshll.u32 s0, $0xA;
	s2 =	sadd.s32 s3, s2  }
0x8d: {  	s2 =	sadd.s32 s2, s16  }
0x8e: {  	[smem:$0x3FA4] =	sst s2  }
0x8f: {  	_ = 	snop  }
0x90: {  	(tm) =	ssettm $0x1  }
0x91: {  	s17 =	sld [smem:$0x3FFB];
	_ =	sdelay $0x3  }
0x92: {  	_ =	strace s17  }
0x93: {  	s2 =	sld [smem:$0x3FFC];
	_ =	sdelay $0x3  }
0x94: {  	_ =	strace s2  }
0x95: {  	s2 =	sld [smem:$0x3FFD];
	_ =	sdelay $0x3  }
0x96: {  	_ =	strace s2  }
0x97: {  	_ =	strace $0x8FFFFFFF  }
0x98: {  	s18 =	sld [smem:$0x3FDB];
	_ =	sdelay $0x1  }
0x99: {  	s19 =	simm.s32 $_scs_section_size  }
0x9a: {  	s4 =	simm.s32 $_size__tile_overlayer_lowered;
	s5 =	simm.s32 $_tile_overlayer_lowered  }
0x9b: {  	s22 =	simm.s32 $0x1BFF;
	s21 =	sshll.u32 s5, $0x1;
	s2 =	sadd.s32 s19, s18  }
0x9c: {  	s6 =	simm.s32 $0x0;
	s20 =	sshll.u32 s4, $0x1;
	s4 =	sadd.s32 s21, s2  }
0x9d: {  	[timem:s6], [sflag:s22] =	dma.local [hbm:s4], s20  }
0x9e: {  	_ =	swait.ge [sflag:s22], s20  }
0x9f: {  	s3 =	ssub.s32 $0x0, s20;
	[sflag:s22] =	ssyncset.done $0x0  }
0xa0: {  	[sflag:s22] =	ssyncadd.s32 s3;
	_ =	sdelay $0x1  }
0xa1: {  	s23 =	simm.s32 $0x1B8B  }
0xa2: {  	_ =	swait.ge [sflag:s23], $0x1  }
0xa3: {  	[sflag:s23] =	ssyncset.done $0x0  }
0xa4: {  	s25 =	simm.s32 $0x1B8E;
	s24 =	sld [smem:$0x3FFE];
	[sflag:s23] =	ssyncadd.s32 $0xFFFFFFFF  }
0xa5: {  	s26 =	simm.s32 $execute0_lowered;
	[smem:$0x3FD2] =	sst s25  }
0xa6: {  	s4 =	sshll.u32 s26, $0x1;
	_ =	strace $0x80000052;
	[dreg:$0x1] =	wrdreg $0xFFFFFFFF  }
0xa7: {  	s28 =	simm.s32 $_size_execute0_lowered;
	s2 =	sadd.s32 s2, s4;
	[dreg:$0x0] =	wrdreg $0x0  }
0xa8: {  	s4 =	sshll.u32 s28, $0x1;
	[dreg:$0x2] =	wrdreg s2  }
0xa9: {  	[dreg:$0x3] =	wrdreg s4  }
0xaa: {  	[dreg:$0x4] =	wrdreg $0xC0  }
0xab: {  	_ =	task [dreg:s6], $0x5FFFF  }
0xac: {  	[dreg:$0x1] =	wrdreg $0xFFFFFFFF  }
0xad: {  	[dreg:$0x0] =	wrdreg $0x60  }
0xae: {  	[dreg:$0x2] =	wrdreg s24  }
0xaf: {  	[dreg:$0x3] =	wrdreg $0x0  }
0xb0: {  	[dreg:$0x4] =	wrdreg $0x9  }
0xb1: {  	_ =	task.clear_ibuf [dreg:s6], $0x5FFFF;
	_ =	strace $0x90000052  }
0xb2: {  	s29 =	simm.s32 $0x9;
	_ =	strace $0x80000054  }
0xb3: {  	_ =	swait.ge [sflag:s29], $0x1  }
0xb4: {  	[sflag:s29] =	ssyncadd.s32 $0xFFFFFFFF  }
0xb5: {  	_ =	strace $0x90000054  }
0xb6: {  	_ =	sfence  }
0xb7: {  	s30 =	sld [smem:$0x0];
	_ =	sdelay $0x2  }
0xb8: {  	s31 =	sshll.u32 s1, $0xD;
	s1 =	sshrl.u32 s1, $0x2  }
0xb9: {  	s3 =	sand.u32 $0x4000, s31;
	s1 =	sadd.s32 s1, s30  }
0xba: {  	s0 =	sor.u32 s3, s0;
	s1 =	sshll.u32 s1, $0x11  }
0xbb: {  	s0 =	sor.u32 s1, s0  }
0xbc: {  	s0 =	sadd.s32 $0x8F2B, s0  }
0xbd: {  	[sflag:s0] =	ssyncadd.remote.s32 $0x1  }
0xbe: {  	_ =	sfence.sel $0xFFFF  }
0xbf: {  	[dreg:$0x0] =	wrdreg $0xFFFFFFFF;
	(pc) =	sbr.abs _section_cstart, $3  }
0xc0: {  	[dreg:$0x1] =	wrdreg $0xFFFFFFFF  }
0xc1: {  	_ =	task.clear_ibuf [dreg:s6], $0x2FFFF;
	_ =	strace $0x9FFFFFFF  }
0xc2: {  	(tm) =	ssettm $0x7FFFFFFF  }
0xc3: {  	_ =	shalt  }
tec
execute0_lowered:
.L_overlay_start_1:
0x0: {  	(tag) =	ssettag $0x1  }
0x1: {  	s2 =	rddreg [dreg:$0x0]  }
0x2: {  	s1 =	rddreg [dreg:$0x1];
	s0 =	srdreg.scid  }
0x3: {  	s3 =	simm.s32 $0x0;
	s22 =	stileid.u32;
	s12 =	simm.s32 $0xD  }
0x4: {  	s13 =	simm.s32 $0x19000;
	s21 =	simm.s32 $0x19140;
	s14 =	simm.s32 $0x19050  }
0x5: {  	s23 =	simm.s32 $0x19190;
	s24 =	simm.s32 $0x191E0;
	s25 =	simm.s32 $0x19230  }
0x6: {  	s26 =	simm.s32 $0x19280;
	s28 =	simm.s32 $0x7;
	s29 =	simm.s32 $0x8  }
0x7: {  	s30 =	simm.s32 $0x9;
	s31 =	simm.s32 $0xA;
	s5 =	sand.u32 $0x1, s0  }
0x8: {  	[smem:$0x7FF] =	sst s3;
	s6 =	smul.u32 $0xC80, s22;
	s16 =	sadd.s32 $0x15A800, s2  }
0x9: {  	s17 =	sadd.s32 $0x177000, s1;
	_ =	strace $0x80000053;
	[dreg:$0xe] =	wrdreg s16  }
0xa: {  	s7 =	smul.u32 $0x61A8, s22;
	s4 =	sadd.s32 $0xC9E00, s2;
	[dreg:$0xf] =	wrdreg s17  }
0xb: {  	s10 =	smul.u32 $0x64000, s22;
	p0 =	seq.s32 s22, $0xF;
	[dreg:$0x5] =	wrdreg s21  }
0xc: {  	s22 =	simm.s32 $0x1A7C0;
	s0 =	smul.u32 $0xC380, s5;
	[dreg:$0x6] =	wrdreg s23  }
0xd: {  	s8 =	smul.u32 $0xFFFFFFA0, s5;
	s9 =	ssub.s32 $0x2, s5;
	[dreg:$0x7] =	wrdreg s24  }
0xe: {  	p2 =	seq.s32 s5, $0x1;
	s16 =	simm.s32 $0x190F0;
	[dreg:$0x8] =	wrdreg s25  }
0xf: {  	s17 =	simm.s32 $0x1;
	[dreg:$0x9] =	wrdreg s26;
	s21 =	simm.s32 $0x3  }
0x10: {  	p1 =	sne.s32 @p0 s5, $0x0;
	s23 =	simm.s32 $0x4;
	s24 =	simm.s32 $0x1B1C0  }
0x11: {  	s25 =	simm.s32 $0x5;
	s26 =	simm.s32 $0x6;
	s7 =	sadd.s32 s7, s2  }
0x12: {  	s11 =	sshrl.u32 s9, $0x1;
	s15 =	sshrl.u32 s10, $0x2;
	p1 =	por p1, !p0  }
0x13: {  	p2 =	por !p2, !p0;
	s6 =	sadd.s32 s6, s0;
	s8 =	sadd.s32 $0xC380, s8  }
0x14: {  	s9 =	ssub.s32 s9, s11;
	s18 =	sadd.s32 $0x6600, s7;
	[dreg:$0x13] =	wrdreg s8  }
0x15: {  	s19 =	sadd.s32 $0x68200, s7;
	s11 =	simm.s32 $0x193C0;
	[dreg:$0x3] =	wrdreg s18  }
0x16: {  	s7 =	simm.s32 $0x192D0;
	v0 =	vmov s0;
	s0 =	simm.s32 $0xB;
	[dreg:$0x4] =	wrdreg s19  }
0x17: {  	s6 =	sshll.u32 s6, $0x2;
	s20 =	smax.u32 s9, $0x1;
	[dreg:$0xa] =	wrdreg s7  }
0x18: {  	s18 =	simm.s32 $0x50;
	s8 =	simm.s32 $0x19320;
	[dreg:$0x11] =	wrdreg s20  }
0x19: {  	s19 =	simm.s32 $0x2;
	s9 =	simm.s32 $0x19370;
	[dreg:$0xb] =	wrdreg s8  }
0x1a: {  	s6 =	sadd.s32 s6, s2;
	s2 =	sadd.s32 $0x18B600, s2;
	[dreg:$0xc] =	wrdreg s9  }
0x1b: {  	s20 =	simm.s32 $0x19DC0;
	s10 =	rddreg [dreg:$0x13];
	s8 =	simm.s32 $0x0  }
0x1c: {  	s6 =	sadd.s32 $0x12BA00, s6;
	[dreg:$0x10] =	wrdreg s2;
	s2 =	simm.s32 $0xC  }
0x1d: {  	v2 =	vimm.f32 $0.0e+00;
	v1 =	vmov s10;
	[dreg:$0xd] =	wrdreg s6;
	s6 =	sadd.s32 s15, s1;
	s15 =	simm.s32 $0x190A0  }
.LBB2_1:
0x1e: {  	s7 =	simm.s32 $0x0  }
.LBB2_2:
0x1f: {  	p3 =	sne.s32 s7, $0x2780  }
.Ltmp0:
0x20: {  	_ = 	snop;
	(pc) =	sbr.rel @p3 .LBB2_2-.Ltmp0, $4  }
0x21: {  	_ = 	snop  }
0x22: {  	s9 =	sshra.s32 s7, $0x2  }
0x23: {  	[tilespmem:s9+$0x193C0] =	vst v2  }
0x24: {  	s7 =	sadd.s32 $0x80, s7;
	[tilespmem:s9+$0x193D0] =	vst v2  }
0x25: {  	[dreg:$0x12] =	wrdreg s8;
	s7 =	sadd.s32 $0x0, s6  }
0x26: {  	[spmem:s7] =	stream.linear.scatter [tilespmem:s11], [sflag:$0xD], $0xA00, $0x38;
	[tilespmem:$0x1BBC0] =	vst v63  }
0x27: {  	s7 =	simm.s32 $0x2800;
	_ =	swait.ge [sflag:s12], $0xA00  }
.LBB2_4:
0x28: {  	s9 =	sshra.s32 s7, $0x2;
	[sflag:s12] =	ssyncset.done $0x0;
	p3 =	sne.s32 s7, $0x61800  }
.Ltmp1:
0x29: {  	s9 =	sadd.s32 s9, s6;
	[sflag:s12] =	ssyncadd.s32 $0xFFFFF600;
	(pc) =	sbr.rel @p3 .LBB2_4-.Ltmp1, $3  }
0x2a: {  	[spmem:s9] =	stream.linear.scatter [tilespmem:s11], [sflag:$0xD], $0xA00, $0x38;
	[tilespmem:$0x1BBC0] =	vst v63  }
0x2b: {  	s7 =	sadd.s32 $0x2800, s7;
	_ =	sdelay $0x1  }
0x2c: {  	_ =	swait.ge [sflag:s12], $0xA00  }
0x2d: {  	[sflag:s12] =	ssyncset.done $0x0  }
0x2e: {  	[sflag:s12] =	ssyncadd.s32 $0xFFFFF600  }
0x2f: {  	[bflag:$0x0] =	sbarrier.arrive $0xFFFF  }
0x30: {  	s7 =	rddreg [dreg:$0x4]  }
0x31: {  	s9 =	rddreg [dreg:$0x3];
	s7 =	sadd.s32 $0x0, s7  }
0x32: {  	[tilespmem:s13], [sflag:$0x1] =	stream.linear.gather [hbm4b:s7+s3], $0x50, $0x38;
	[tilespmem:$0x1BBC0] =	vst v63  }
0x33: {  	s10 =	rddreg [dreg:$0x5];
	s9 =	sadd.s32 $0x0, s9  }
0x34: {  	[tilespmem:s10], [sflag:$0x1] =	stream.linear.gather [hbm4b:s9+s3], $0x50, $0x38;
	[tilespmem:$0x1BBC0] =	vst v63  }
0x35: {  	s5 =	sadd.s32 $0xA, s7  }
0x36: {  	[tilespmem:s14], [sflag:$0x2] =	stream.linear.gather [hbm4b:s5+s3], $0x50, $0x38;
	[tilespmem:$0x1BBC0] =	vst v63  }
0x37: {  	s8 =	rddreg [dreg:$0x6];
	s5 =	sadd.s32 $0xA, s9  }
0x38: {  	[tilespmem:s8], [sflag:$0x2] =	stream.linear.gather [hbm4b:s5+s3], $0x50, $0x38;
	[tilespmem:$0x1BBC0] =	vst v63  }
0x39: {  	s5 =	sadd.s32 $0x14, s7  }
0x3a: {  	[tilespmem:s15], [sflag:$0x3] =	stream.linear.gather [hbm4b:s5+s3], $0x50, $0x38;
	[tilespmem:$0x1BBC0] =	vst v63  }
0x3b: {  	s10 =	rddreg [dreg:$0x7];
	s5 =	sadd.s32 $0x14, s9  }
0x3c: {  	[tilespmem:s10], [sflag:$0x3] =	stream.linear.gather [hbm4b:s5+s3], $0x50, $0x38;
	[tilespmem:$0x1BBC0] =	vst v63  }
0x3d: {  	s7 =	sadd.s32 $0x1E, s7  }
0x3e: {  	[tilespmem:s16], [sflag:$0x4] =	stream.linear.gather [hbm4b:s7+s3], $0x50, $0x38;
	[tilespmem:$0x1BBC0] =	vst v63  }
0x3f: {  	s5 =	rddreg [dreg:$0x8];
	s10 =	sadd.s32 $0x1E, s9  }
0x40: {  	[tilespmem:s5], [sflag:$0x4] =	stream.linear.gather [hbm4b:s10+s3], $0x50, $0x38;
	[tilespmem:$0x1BBC0] =	vst v63  }
0x41: {  	_ =	swait.ge [sflag:s17], $0x50  }
0x42: {  	[sflag:s17] =	ssyncset.done $0x0  }
0x43: {  	[sflag:s17] =	ssyncadd.s32 $0xFFFFFFB0  }
0x44: {  	_ =	swait.ge [sflag:s17], $0x50  }
0x45: {  	[sflag:s17] =	ssyncset.done $0x0  }
0x46: {  	[sflag:s17] =	ssyncadd.s32 $0xFFFFFFB0  }
0x47: {  	[tilespmem:s11], [sflag:$0x5] =	stream.indirect.gather [hbm4b:s4+s18], $0x20, s13, s18, $0xb8;
	[tilespmem:$0x1BBC0] =	vst v63  }
0x48: {  	_ =	swait.ge [sflag:s19], $0x50  }
0x49: {  	[sflag:s19] =	ssyncset.done $0x0  }
0x4a: {  	[sflag:s19] =	ssyncadd.s32 $0xFFFFFFB0  }
0x4b: {  	_ =	swait.ge [sflag:s19], $0x50  }
0x4c: {  	[sflag:s19] =	ssyncset.done $0x0  }
0x4d: {  	[sflag:s19] =	ssyncadd.s32 $0xFFFFFFB0  }
0x4e: {  	[tilespmem:s20], [sflag:$0x6] =	stream.indirect.gather [hbm4b:s4+s18], $0x20, s14, s18, $0xb8;
	[tilespmem:$0x1BBC0] =	vst v63  }
0x4f: {  	_ =	swait.ge [sflag:s21], $0x50  }
0x50: {  	[sflag:s21] =	ssyncset.done $0x0  }
0x51: {  	[sflag:s21] =	ssyncadd.s32 $0xFFFFFFB0  }
0x52: {  	_ =	swait.ge [sflag:s21], $0x50  }
0x53: {  	[sflag:s21] =	ssyncset.done $0x0  }
0x54: {  	[sflag:s21] =	ssyncadd.s32 $0xFFFFFFB0  }
0x55: {  	[tilespmem:s22], [sflag:$0x7] =	stream.indirect.gather [hbm4b:s4+s18], $0x20, s15, s18, $0xb8;
	[tilespmem:$0x1BBC0] =	vst v63  }
0x56: {  	_ =	swait.ge [sflag:s23], $0x50  }
0x57: {  	[sflag:s23] =	ssyncset.done $0x0  }
0x58: {  	[sflag:s23] =	ssyncadd.s32 $0xFFFFFFB0  }
0x59: {  	_ =	swait.ge [sflag:s23], $0x50  }
0x5a: {  	[sflag:s23] =	ssyncset.done $0x0  }
0x5b: {  	[sflag:s23] =	ssyncadd.s32 $0xFFFFFFB0  }
0x5c: {  	[tilespmem:s24], [sflag:$0x8] =	stream.indirect.gather [hbm4b:s4+s18], $0x20, s16, s18, $0xb8;
	[tilespmem:$0x1BBC0] =	vst v63  }
0x5d: {  	v3 =	vld [tilespmem:$0x19180]  }
0x5e: {  	v4 =	vld [tilespmem:$0x19150]  }
0x5f: {  	v5 =	vld [tilespmem:$0x19160]  }
0x60: {  	v6 =	vld [tilespmem:$0x191B0]  }
0x61: {  	v7 =	vld [tilespmem:$0x19140]  }
0x62: {  	v8 =	vld [tilespmem:$0x191A0]  }
0x63: {  	v9 =	vld [tilespmem:$0x19190]  }
0x64: {  	v10 =	vld [tilespmem:$0x191E0]  }
0x65: {  	v11 =	vld [tilespmem:$0x191C0]  }
0x66: {  	v12 =	vld [tilespmem:$0x191F0]  }
0x67: {  	v13 =	vld [tilespmem:$0x19200]  }
0x68: {  	v14 =	vld [tilespmem:$0x19210]  }
0x69: {  	v15 =	vld [tilespmem:$0x19240]  }
0x6a: {  	v16 =	vld [tilespmem:$0x19250]  }
0x6b: {  	v17 =	vld [tilespmem:$0x191D0];
	v4 =	vsub.s32 v4, v0  }
0x6c: {  	v3 =	vsub.s32 v3, v0;
	v5 =	vsub.s32 v5, v0;
	v6 =	vsub.s32 v6, v0  }
0x6d: {  	v7 =	vsub.s32 v7, v0;
	v8 =	vsub.s32 v8, v0;
	v9 =	vsub.s32 v9, v0  }
0x6e: {  	v10 =	vsub.s32 v10, v0;
	v12 =	vsub.s32 v12, v0;
	v11 =	vsub.s32 v11, v0  }
0x6f: {  	v13 =	vsub.s32 v13, v0;
	v14 =	vsub.s32 v14, v0;
	v15 =	vsub.s32 v15, v0  }
0x70: {  	v16 =	vsub.s32 v16, v0;
	v17 =	vsub.s32 v17, v0;
	vm1 =	vgt.s32 v4, $0xFFFFFFFF  }
0x71: {  	vm0 =	vgt.s32 v5, $0xFFFFFFFF;
	vm2 =	vlt.s32 v5, v1;
	vm3 =	vgt.s32 v7, $0xFFFFFFFF  }
0x72: {  	vm4 =	vlt.s32 v4, v1;
	vm5 =	vgt.s32 v9, $0xFFFFFFFF;
	vm14 =	vgt.s32 v3, $0xFFFFFFFF  }
0x73: {  	vm15 =	vlt.s32 v3, v1;
	vm6 =	vgt.s32 v12, $0xFFFFFFFF;
	vm7 =	vgt.s32 v13, $0xFFFFFFFF  }
0x74: {  	vm8 =	vlt.s32 v13, v1;
	vm12 =	vlt.s32 v12, v1;
	vm13 =	vlt.s32 v11, v1  }
0x75: {  	vm9 =	vgt.s32 v8, $0xFFFFFFFF;
	vm10 =	vgt.s32 v11, $0xFFFFFFFF;
	vm2 =	vmand vm0, vm2  }
0x76: {  	vm0 =	vlt.s32 v6, v1;
	vm1 =	vmand vm1, vm4;
	vm4 =	vmand vm14, vm15  }
0x77: {  	vm7 =	vmand vm7, vm8;
	vm14 =	vgt.s32 v14, $0xFFFFFFFF;
	vm8 =	vmand vm10, vm13  }
0x78: {  	vm15 =	vlt.s32 v10, v1;
	vm10 =	vgt.s32 v6, $0xFFFFFFFF;
	vm13 =	vgt.s32 v17, $0xFFFFFFFF  }
0x79: {  	v5 =	vnsel vm2, $0xC738, v5;
	vm2 =	vlt.s32 v7, v1;
	v4 =	vnsel vm1, $0xC738, v4  }
0x7a: {  	vm1 =	vlt.s32 v8, v1;
	v13 =	vnsel vm7, $0xC738, v13;
	v11 =	vnsel vm8, $0xC738, v11  }
0x7b: {  	v19 =	vld [tilespmem:$0x19230];
	vm0 =	vmand vm10, vm0;
	vm2 =	vmand vm3, vm2;
	vm3 =	vlt.s32 v9, v1;
	[tilespmem:$0x192A0] =	vst v5  }
0x7c: {  	vm1 =	vmand vm9, vm1;
	[tilespmem:$0x19290] =	vst v4;
	vm9 =	vlt.s32 v15, v1;
	v6 =	vnsel vm0, $0xC738, v6  }
0x7d: {  	v5 =	vld [tilespmem:$0x19220];
	[tilespmem:$0x19340] =	vst v13;
	vm3 =	vmand vm5, vm3;
	v8 =	vnsel vm1, $0xC738, v8;
	vm1 =	vlt.s32 v16, v1  }
0x7e: {  	[tilespmem:$0x19300] =	vst v11;
	v4 =	vnsel vm2, $0xC738, v7;
	vm2 =	vmand vm6, vm12;
	v9 =	vnsel vm3, $0xC738, v9  }
0x7f: {  	vm3 =	vgt.s32 v10, $0xFFFFFFFF;
	v7 =	vnsel vm2, $0xC738, v12;
	vm2 =	vlt.s32 v14, v1;
	[tilespmem:$0x19280] =	vst v4  }
0x80: {  	v4 =	vsub.s32 v19, v0;
	[tilespmem:$0x192D0] =	vst v9;
	v9 =	vnsel vm4, $0xC738, v3;
	vm3 =	vmand vm3, vm15  }
0x81: {  	[tilespmem:$0x192F0] =	vst v6;
	vm0 =	vmand vm14, vm2;
	vm12 =	vlt.s32 v4, v1;
	vm14 =	vlt.s32 v17, v1  }
0x82: {  	v18 =	vld [tilespmem:$0x19170];
	[tilespmem:$0x192E0] =	vst v8;
	vm15 =	vgt.s32 v15, $0xFFFFFFFF;
	v8 =	vnsel vm0, $0xC738, v14;
	v5 =	vsub.s32 v5, v0  }
0x83: {  	v6 =	vld [tilespmem:$0x19260];
	[tilespmem:$0x19330] =	vst v7;
	vm0 =	vgt.s32 v4, $0xFFFFFFFF;
	vm2 =	vgt.s32 v5, $0xFFFFFFFF;
	vm11 =	vlt.s32 v5, v1  }
0x84: {  	[tilespmem:$0x192C0] =	vst v9;
	v7 =	vnsel vm3, $0xC738, v10;
	vm3 =	vmand vm13, vm14;
	vm2 =	vmand vm2, vm11  }
0x85: {  	[tilespmem:$0x19350] =	vst v8;
	vm0 =	vmand vm0, vm12;
	v5 =	vnsel vm2, $0xC738, v5;
	vm2 =	vmand vm15, vm9  }
0x86: {  	[tilespmem:$0x19320] =	vst v7;
	v9 =	vnsel vm0, $0xC738, v4;
	v7 =	vnsel vm2, $0xC738, v15;
	vm2 =	vgt.s32 v16, $0xFFFFFFFF  }
0x87: {  	v3 =	vsub.s32 v18, v0;
	v8 =	vnsel vm3, $0xC738, v17;
	[tilespmem:$0x19370] =	vst v9;
	vm1 =	vmand vm2, vm1  }
0x88: {  	s7 =	simm.s32 $0x28;
	v4 =	vld [tilespmem:$0x19270];
	vm0 =	vgt.s32 v3, $0xFFFFFFFF;
	v6 =	vsub.s32 v6, v0;
	[tilespmem:$0x19380] =	vst v7;
	v7 =	vnsel vm1, $0xC738, v16  }
.LBB2_6:
0x89: {  	_ =	sdelay $0x2  }
0x8a: {  	[tilespmem:$0x19310] =	vst v8;
	vm1 =	vgt.s32 v6, $0xFFFFFFFF;
	vm2 =	vlt.s32 v6, v1;
	vm4 =	vlt.s32 v3, v1  }
0x8b: {  	[tilespmem:$0x19360] =	vst v5;
	vm1 =	vmand vm1, vm2;
	vm0 =	vmand vm0, vm4;
	v4 =	vsub.s32 v4, v0  }
0x8c: {  	[tilespmem:$0x19390] =	vst v7;
	v5 =	vnsel vm1, $0xC738, v6;
	vm2 =	vgt.s32 v4, $0xFFFFFFFF;
	vm3 =	vlt.s32 v4, v1  }
0x8d: {  	v3 =	vnsel vm0, $0xC738, v3;
	[tilespmem:$0x193A0] =	vst v5;
	vm1 =	vmand vm2, vm3  }
0x8e: {  	[tilespmem:$0x192B0] =	vst v3;
	v4 =	vnsel vm1, $0xC738, v4  }
0x8f: {  	[tilespmem:$0x193B0] =	vst v4  }
0x90: {  	_ =	swait.ge [sflag:s25], $0xA00  }
0x91: {  	[sflag:s25] =	ssyncset.done $0x0  }
0x92: {  	s8 =	rddreg [dreg:$0x9];
	[sflag:s25] =	ssyncadd.s32 $0xFFFFF600  }
0x93: {  	[spmem:s1] =	stream.indirect.scatter.add.f32 [tilespmem:s11], [sflag:$0x9], $0x20, s8, s18, $0xb8;
	[tilespmem:$0x1BBC0] =	vst v63  }
0x94: {  	_ =	swait.ge [sflag:s26], $0xA00  }
0x95: {  	[sflag:s26] =	ssyncset.done $0x0  }
0x96: {  	s10 =	rddreg [dreg:$0xa];
	[sflag:s26] =	ssyncadd.s32 $0xFFFFF600  }
0x97: {  	[spmem:s1] =	stream.indirect.scatter.add.f32 [tilespmem:s20], [sflag:$0xA], $0x20, s10, s18, $0xb8;
	[tilespmem:$0x1BBC0] =	vst v63  }
0x98: {  	_ =	swait.ge [sflag:s28], $0xA00  }
0x99: {  	[sflag:s28] =	ssyncset.done $0x0  }
0x9a: {  	s5 =	rddreg [dreg:$0xb];
	[sflag:s28] =	ssyncadd.s32 $0xFFFFF600  }
0x9b: {  	[spmem:s1] =	stream.indirect.scatter.add.f32 [tilespmem:s22], [sflag:$0xB], $0x20, s5, s18, $0xb8;
	[tilespmem:$0x1BBC0] =	vst v63  }
0x9c: {  	_ =	swait.ge [sflag:s29], $0xA00  }
0x9d: {  	[sflag:s29] =	ssyncset.done $0x0  }
0x9e: {  	s10 =	rddreg [dreg:$0xc];
	[sflag:s29] =	ssyncadd.s32 $0xFFFFF600  }
0x9f: {  	[spmem:s1] =	stream.indirect.scatter.add.f32 [tilespmem:s24], [sflag:$0xC], $0x20, s10, s18, $0xb8;
	[tilespmem:$0x1BBC0] =	vst v63  }
0xa0: {  	_ =	swait.ge [sflag:s30], $0xA00  }
0xa1: {  	[sflag:s30] =	ssyncset.done $0x0  }
0xa2: {  	[sflag:s30] =	ssyncadd.s32 $0xFFFFF600  }
0xa3: {  	_ =	swait.ge [sflag:s31], $0xA00  }
0xa4: {  	[sflag:s31] =	ssyncset.done $0x0  }
0xa5: {  	[sflag:s31] =	ssyncadd.s32 $0xFFFFF600  }
0xa6: {  	_ =	swait.ge [sflag:s0], $0xA00  }
0xa7: {  	[sflag:s0] =	ssyncset.done $0x0  }
0xa8: {  	[sflag:s0] =	ssyncadd.s32 $0xFFFFF600  }
0xa9: {  	_ =	swait.ge [sflag:s2], $0xA00  }
0xaa: {  	s9 =	smov.u32 s7;
	s5 =	rddreg [dreg:$0x4];
	[sflag:s2] =	ssyncset.done $0x0  }
0xab: {  	s10 =	rddreg [dreg:$0x3];
	[sflag:s2] =	ssyncadd.s32 $0xFFFFF600;
	s8 =	sadd.s32 s9, s5  }
0xac: {  	[tilespmem:s13], [sflag:$0x1] =	stream.linear.gather [hbm4b:s8+s3], $0x50, $0x38;
	[tilespmem:$0x1BBC0] =	vst v63  }
0xad: {  	s5 =	rddreg [dreg:$0x5];
	s9 =	sadd.s32 s9, s10  }
0xae: {  	[tilespmem:s5], [sflag:$0x1] =	stream.linear.gather [hbm4b:s9+s3], $0x50, $0x38;
	[tilespmem:$0x1BBC0] =	vst v63  }
0xaf: {  	s5 =	sadd.s32 $0xA, s8  }
0xb0: {  	[tilespmem:s14], [sflag:$0x2] =	stream.linear.gather [hbm4b:s5+s3], $0x50, $0x38;
	[tilespmem:$0x1BBC0] =	vst v63  }
0xb1: {  	s10 =	rddreg [dreg:$0x6];
	s5 =	sadd.s32 $0xA, s9  }
0xb2: {  	[tilespmem:s10], [sflag:$0x2] =	stream.linear.gather [hbm4b:s5+s3], $0x50, $0x38;
	[tilespmem:$0x1BBC0] =	vst v63  }
0xb3: {  	s5 =	sadd.s32 $0x14, s8  }
0xb4: {  	[tilespmem:s15], [sflag:$0x3] =	stream.linear.gather [hbm4b:s5+s3], $0x50, $0x38;
	[tilespmem:$0x1BBC0] =	vst v63  }
0xb5: {  	s10 =	rddreg [dreg:$0x7];
	s5 =	sadd.s32 $0x14, s9  }
0xb6: {  	[tilespmem:s10], [sflag:$0x3] =	stream.linear.gather [hbm4b:s5+s3], $0x50, $0x38;
	[tilespmem:$0x1BBC0] =	vst v63  }
0xb7: {  	s10 =	sadd.s32 $0x1E, s8  }
0xb8: {  	[tilespmem:s16], [sflag:$0x4] =	stream.linear.gather [hbm4b:s10+s3], $0x50, $0x38;
	[tilespmem:$0x1BBC0] =	vst v63  }
0xb9: {  	s8 =	rddreg [dreg:$0x8];
	s10 =	sadd.s32 $0x1E, s9  }
0xba: {  	[tilespmem:s8], [sflag:$0x4] =	stream.linear.gather [hbm4b:s10+s3], $0x50, $0x38;
	[tilespmem:$0x1BBC0] =	vst v63  }
0xbb: {  	_ =	swait.ge [sflag:s17], $0x50  }
0xbc: {  	[sflag:s17] =	ssyncset.done $0x0  }
0xbd: {  	[sflag:s17] =	ssyncadd.s32 $0xFFFFFFB0  }
0xbe: {  	_ =	swait.ge [sflag:s17], $0x50  }
0xbf: {  	[sflag:s17] =	ssyncset.done $0x0  }
0xc0: {  	[sflag:s17] =	ssyncadd.s32 $0xFFFFFFB0  }
0xc1: {  	[tilespmem:s11], [sflag:$0x5] =	stream.indirect.gather [hbm4b:s4+s18], $0x20, s13, s18, $0xb8;
	[tilespmem:$0x1BBC0] =	vst v63  }
0xc2: {  	_ =	swait.ge [sflag:s19], $0x50  }
0xc3: {  	[sflag:s19] =	ssyncset.done $0x0  }
0xc4: {  	[sflag:s19] =	ssyncadd.s32 $0xFFFFFFB0  }
0xc5: {  	_ =	swait.ge [sflag:s19], $0x50  }
0xc6: {  	[sflag:s19] =	ssyncset.done $0x0  }
0xc7: {  	[sflag:s19] =	ssyncadd.s32 $0xFFFFFFB0  }
0xc8: {  	[tilespmem:s20], [sflag:$0x6] =	stream.indirect.gather [hbm4b:s4+s18], $0x20, s14, s18, $0xb8;
	[tilespmem:$0x1BBC0] =	vst v63  }
0xc9: {  	_ =	swait.ge [sflag:s21], $0x50  }
0xca: {  	[sflag:s21] =	ssyncset.done $0x0  }
0xcb: {  	[sflag:s21] =	ssyncadd.s32 $0xFFFFFFB0  }
0xcc: {  	_ =	swait.ge [sflag:s21], $0x50  }
0xcd: {  	[sflag:s21] =	ssyncset.done $0x0  }
0xce: {  	[sflag:s21] =	ssyncadd.s32 $0xFFFFFFB0  }
0xcf: {  	[tilespmem:s22], [sflag:$0x7] =	stream.indirect.gather [hbm4b:s4+s18], $0x20, s15, s18, $0xb8;
	[tilespmem:$0x1BBC0] =	vst v63  }
0xd0: {  	_ =	swait.ge [sflag:s23], $0x50  }
0xd1: {  	[sflag:s23] =	ssyncset.done $0x0  }
0xd2: {  	[sflag:s23] =	ssyncadd.s32 $0xFFFFFFB0  }
0xd3: {  	_ =	swait.ge [sflag:s23], $0x50  }
0xd4: {  	[sflag:s23] =	ssyncset.done $0x0  }
0xd5: {  	[sflag:s23] =	ssyncadd.s32 $0xFFFFFFB0  }
0xd6: {  	[tilespmem:s24], [sflag:$0x8] =	stream.indirect.gather [hbm4b:s4+s18], $0x20, s16, s18, $0xb8;
	[tilespmem:$0x1BBC0] =	vst v63  }
0xd7: {  	v3 =	vld [tilespmem:$0x19190]  }
0xd8: {  	v4 =	vld [tilespmem:$0x19180]  }
0xd9: {  	v5 =	vld [tilespmem:$0x19150]  }
0xda: {  	v6 =	vld [tilespmem:$0x19160]  }
0xdb: {  	v7 =	vld [tilespmem:$0x191B0]  }
0xdc: {  	v8 =	vld [tilespmem:$0x19140]  }
0xdd: {  	v9 =	vld [tilespmem:$0x191A0]  }
0xde: {  	v10 =	vld [tilespmem:$0x191C0]  }
0xdf: {  	v14 =	vld [tilespmem:$0x19200]  }
0xe0: {  	v15 =	vld [tilespmem:$0x19210]  }
0xe1: {  	v18 =	vld [tilespmem:$0x19240]  }
0xe2: {  	v5 =	vsub.s32 v5, v0  }
0xe3: {  	v11 =	vsub.s32 v4, v0;
	v4 =	vsub.s32 v6, v0;
	v6 =	vsub.s32 v7, v0  }
0xe4: {  	v8 =	vsub.s32 v8, v0;
	v9 =	vsub.s32 v9, v0;
	v3 =	vsub.s32 v3, v0  }
0xe5: {  	v10 =	vsub.s32 v10, v0;
	v14 =	vsub.s32 v14, v0;
	v15 =	vsub.s32 v15, v0  }
0xe6: {  	v18 =	vsub.s32 v18, v0;
	vm2 =	vgt.s32 v5, $0xFFFFFFFF;
	vm0 =	vgt.s32 v4, $0xFFFFFFFF  }
0xe7: {  	vm1 =	vlt.s32 v4, v1;
	vm3 =	vgt.s32 v8, $0xFFFFFFFF;
	vm13 =	vlt.s32 v5, v1  }
0xe8: {  	vm5 =	vgt.s32 v3, $0xFFFFFFFF;
	vm6 =	vgt.s32 v11, $0xFFFFFFFF;
	vm14 =	vlt.s32 v11, v1  }
0xe9: {  	v7 =	vld [tilespmem:$0x191E0];
	vm15 =	vgt.s32 v14, $0xFFFFFFFF;
	vm7 =	vlt.s32 v14, v1;
	vm12 =	vlt.s32 v10, v1  }
0xea: {  	vm9 =	vgt.s32 v9, $0xFFFFFFFF;
	vm10 =	vgt.s32 v10, $0xFFFFFFFF;
	vm1 =	vmand vm0, vm1  }
0xeb: {  	vm0 =	vlt.s32 v6, v1;
	vm2 =	vmand vm2, vm13;
	vm6 =	vmand vm6, vm14  }
0xec: {  	vm13 =	vgt.s32 v15, $0xFFFFFFFF;
	v4 =	vnsel vm1, $0xC738, v4;
	vm1 =	vlt.s32 v8, v1  }
0xed: {  	v13 =	vld [tilespmem:$0x191F0];
	[tilespmem:$0x192A0] =	vst v4;
	vm1 =	vmand vm3, vm1;
	vm3 =	vlt.s32 v3, v1;
	v4 =	vnsel vm2, $0xC738, v5  }
0xee: {  	vm2 =	vlt.s32 v9, v1;
	v7 =	vsub.s32 v7, v0;
	vm3 =	vmand vm5, vm3  }
0xef: {  	v5 =	vld [tilespmem:$0x19250];
	vm5 =	vmand vm15, vm7;
	vm2 =	vmand vm9, vm2;
	vm7 =	vmand vm10, vm12  }
0xf0: {  	v12 =	vld [tilespmem:$0x191D0];
	vm15 =	vgt.s32 v6, $0xFFFFFFFF;
	vm9 =	vlt.s32 v15, v1;
	v3 =	vnsel vm3, $0xC738, v3  }
0xf1: {  	vm3 =	vgt.s32 v7, $0xFFFFFFFF;
	v14 =	vnsel vm5, $0xC738, v14;
	vm14 =	vlt.s32 v7, v1  }
0xf2: {  	v19 =	vld [tilespmem:$0x19170];
	vm0 =	vmand vm15, vm0;
	vm15 =	vgt.s32 v18, $0xFFFFFFFF;
	[tilespmem:$0x192D0] =	vst v3;
	v3 =	vsub.s32 v13, v0  }
0xf3: {  	v16 =	vld [tilespmem:$0x19220];
	vm3 =	vmand vm3, vm14;
	vm4 =	vgt.s32 v3, $0xFFFFFFFF;
	vm8 =	vlt.s32 v3, v1  }
0xf4: {  	v17 =	vld [tilespmem:$0x19230];
	[tilespmem:$0x19290] =	vst v4;
	v7 =	vnsel vm3, $0xC738, v7;
	v63 =	vsub.s32 v5, v0;
	v5 =	vnsel vm2, $0xC738, v9  }
0xf5: {  	[tilespmem:$0x19340] =	vst v14;
	v9 =	vnsel vm7, $0xC738, v10;
	v10 =	vnsel vm6, $0xC738, v11;
	v11 =	vsub.s32 v12, v0  }
0xf6: {  	vm4 =	vmand vm4, vm8;
	vm2 =	vlt.s32 v63, v1;
	[tilespmem:$0x192E0] =	vst v5;
	v5 =	vnsel vm1, $0xC738, v8  }
0xf7: {  	vm1 =	vlt.s32 v18, v1;
	[tilespmem:$0x192C0] =	vst v10;
	v8 =	vnsel vm4, $0xC738, v3;
	v3 =	vsub.s32 v19, v0  }
0xf8: {  	v10 =	vsub.s32 v16, v0;
	[tilespmem:$0x19280] =	vst v5;
	v5 =	vnsel vm0, $0xC738, v6;
	vm0 =	vmand vm13, vm9  }
0xf9: {  	[tilespmem:$0x19320] =	vst v7;
	v6 =	vsub.s32 v17, v0;
	vm10 =	vgt.s32 v10, $0xFFFFFFFF;
	vm11 =	vlt.s32 v10, v1  }
0xfa: {  	p3 =	sne.s32 s7, $0x6180;
	v62 =	vld [tilespmem:$0x19260];
	vm13 =	vgt.s32 v11, $0xFFFFFFFF;
	vm1 =	vmand vm15, vm1;
	[tilespmem:$0x192F0] =	vst v5;
	v5 =	vnsel vm0, $0xC738, v15  }
.Ltmp2:
0xfb: {  	[tilespmem:$0x19300] =	vst v9;
	vm0 =	vgt.s32 v6, $0xFFFFFFFF;
	vm12 =	vlt.s32 v6, v1;
	vm4 =	vmand vm10, vm11;
	(pc) =	sbr.rel @p3 .LBB2_6-.Ltmp2, $4  }
0xfc: {  	[tilespmem:$0x19330] =	vst v8;
	v7 =	vnsel vm1, $0xC738, v18;
	vm1 =	vgt.s32 v63, $0xFFFFFFFF;
	vm14 =	vmand vm0, vm12  }
0xfd: {  	[tilespmem:$0x19350] =	vst v5;
	vm0 =	vlt.s32 v11, v1;
	v5 =	vnsel vm4, $0xC738, v10;
	vm1 =	vmand vm1, vm2  }
0xfe: {  	[tilespmem:$0x19380] =	vst v7;
	vm0 =	vmand vm13, vm0;
	v6 =	vnsel vm14, $0xC738, v6;
	v7 =	vnsel vm1, $0xC738, v63  }
0xff: {  	s7 =	sadd.s32 $0x28, s7;
	v4 =	vld [tilespmem:$0x19270];
	v8 =	vnsel vm0, $0xC738, v11;
	vm0 =	vgt.s32 v3, $0xFFFFFFFF;
	[tilespmem:$0x19370] =	vst v6;
	v6 =	vsub.s32 v62, v0  }
0x100: {  	_ =	sdelay $0x2  }
0x101: {  	[tilespmem:$0x19310] =	vst v8;
	vm1 =	vgt.s32 v6, $0xFFFFFFFF;
	vm2 =	vlt.s32 v6, v1;
	vm4 =	vlt.s32 v3, v1  }
0x102: {  	[tilespmem:$0x19360] =	vst v5;
	vm1 =	vmand vm1, vm2;
	vm0 =	vmand vm0, vm4;
	v4 =	vsub.s32 v4, v0  }
0x103: {  	[tilespmem:$0x19390] =	vst v7;
	v63 =	vnsel vm1, $0xC738, v6;
	vm14 =	vgt.s32 v4, $0xFFFFFFFF;
	vm3 =	vlt.s32 v4, v1  }
0x104: {  	v3 =	vnsel vm0, $0xC738, v3;
	[tilespmem:$0x193A0] =	vst v63;
	vm15 =	vmand vm14, vm3  }
0x105: {  	[tilespmem:$0x192B0] =	vst v3;
	v4 =	vnsel vm15, $0xC738, v4  }
0x106: {  	[tilespmem:$0x193B0] =	vst v4  }
0x107: {  	_ =	swait.ge [sflag:s25], $0xA00  }
0x108: {  	[sflag:s25] =	ssyncset.done $0x0  }
0x109: {  	s5 =	rddreg [dreg:$0x9];
	[sflag:s25] =	ssyncadd.s32 $0xFFFFF600  }
0x10a: {  	[spmem:s1] =	stream.indirect.scatter.add.f32 [tilespmem:s11], [sflag:$0x9], $0x20, s5, s18, $0xb8;
	[tilespmem:$0x1BBC0] =	vst v63  }
0x10b: {  	_ =	swait.ge [sflag:s26], $0xA00  }
0x10c: {  	[sflag:s26] =	ssyncset.done $0x0  }
0x10d: {  	s10 =	rddreg [dreg:$0xa];
	[sflag:s26] =	ssyncadd.s32 $0xFFFFF600  }
0x10e: {  	[spmem:s1] =	stream.indirect.scatter.add.f32 [tilespmem:s20], [sflag:$0xA], $0x20, s10, s18, $0xb8;
	[tilespmem:$0x1BBC0] =	vst v63  }
0x10f: {  	_ =	swait.ge [sflag:s28], $0xA00  }
0x110: {  	[sflag:s28] =	ssyncset.done $0x0  }
0x111: {  	s7 =	rddreg [dreg:$0xb];
	[sflag:s28] =	ssyncadd.s32 $0xFFFFF600  }
0x112: {  	[spmem:s1] =	stream.indirect.scatter.add.f32 [tilespmem:s22], [sflag:$0xB], $0x20, s7, s18, $0xb8;
	[tilespmem:$0x1BBC0] =	vst v63  }
0x113: {  	_ =	swait.ge [sflag:s29], $0xA00  }
0x114: {  	[sflag:s29] =	ssyncset.done $0x0  }
0x115: {  	s8 =	rddreg [dreg:$0xc];
	[sflag:s29] =	ssyncadd.s32 $0xFFFFF600  }
0x116: {  	[spmem:s1] =	stream.indirect.scatter.add.f32 [tilespmem:s24], [sflag:$0xC], $0x20, s8, s18, $0xb8;
	[tilespmem:$0x1BBC0] =	vst v63  }
0x117: {  	_ =	swait.ge [sflag:s30], $0xA00  }
0x118: {  	[sflag:s30] =	ssyncset.done $0x0  }
0x119: {  	[sflag:s30] =	ssyncadd.s32 $0xFFFFF600  }
0x11a: {  	_ =	swait.ge [sflag:s31], $0xA00  }
0x11b: {  	[sflag:s31] =	ssyncset.done $0x0  }
0x11c: {  	[sflag:s31] =	ssyncadd.s32 $0xFFFFF600  }
0x11d: {  	_ =	swait.ge [sflag:s0], $0xA00  }
0x11e: {  	[sflag:s0] =	ssyncset.done $0x0  }
0x11f: {  	[sflag:s0] =	ssyncadd.s32 $0xFFFFF600  }
0x120: {  	_ =	swait.ge [sflag:s2], $0xA00  }
0x121: {  	[sflag:s2] =	ssyncset.done $0x0  }
0x122: {  	[sflag:s2] =	ssyncadd.s32 $0xFFFFF600  }
0x123: {  	[bflag:$0x0] =	sbarrier.arrive $0xFFFF  }
0x124: {  	s9 =	rddreg [dreg:$0xf]  }
0x125: {  	s7 =	simm.s32 @!p1 $0x1FCD;
	s8 =	rddreg [dreg:$0xe];
	s5 =	sshrl.u32 @!p1 s9, $0x3  }
0x126: {  	[hbm:s8], [sflag:s7] =	dma.local @!p1 [spmem:s5], $0x2000  }
0x127: {  	s5 =	simm.s32 @!p1 $0xD  }
0x128: {  	_ =	swait.ge @!p1 [sflag:s5], $0x2000  }
0x129: {  	s7 =	simm.s32 @!p2 $0x1FCD;
	[sflag:s5] =	ssyncset.done @!p1 $0x0  }
0x12a: {  	s8 =	rddreg [dreg:$0x10];
	[sflag:s5] =	ssyncadd.s32 @!p1 $0xFFFFE000;
	s5 =	sshrl.u32 @!p2 s9, $0x3  }
0x12b: {  	[hbm:s8], [sflag:s7] =	dma.local @!p2 [spmem:s5], $0x1E80  }
0x12c: {  	s5 =	simm.s32 @!p2 $0xD  }
0x12d: {  	s7 =	stileid.u32;
	_ =	swait.ge @!p2 [sflag:s5], $0x1E80  }
0x12e: {  	s7 =	sshll.u32 @!p0 s7, $0x6;
	[sflag:s5] =	ssyncset.done @!p2 $0x0;
	s8 =	rddreg [dreg:$0xd]  }
0x12f: {  	[sflag:s5] =	ssyncadd.s32 @!p2 $0xFFFFE180;
	s5 =	sor.u32 @!p0 $0x1C0D, s7;
	s7 =	sshrl.u32 @!p0 s6, $0x3  }
0x130: {  	[hbm:s8], [sflag:s5] =	dma.local @!p0 [spmem:s7], $0x3200  }
0x131: {  	s5 =	simm.s32 @!p0 $0xD  }
0x132: {  	_ =	swait.ge @!p0 [sflag:s5], $0x3200  }
0x133: {  	s9 =	rddreg [dreg:$0x12]  }
0x134: {  	s10 =	rddreg [dreg:$0x11];
	s8 =	sadd.s32 $0x1, s9  }
0x135: {  	p3 =	sne.s32 s8, s10  }
.Ltmp3:
0x136: {  	_ = 	snop;
	(pc) =	sbr.rel @p3 .LBB2_1-.Ltmp3, $3  }
0x137: {  	_ =	sdelay $0x1  }
0x138: {  	[sflag:s5] =	ssyncset.done @!p0 $0x0  }
0x139: {  	[sflag:s5] =	ssyncadd.s32 @!p0 $0xFFFFCE00  }
0x13a: {  	_ =	sfence.sel $0x180000  }
0x13b: {  	[bflag:$0x0] =	sbarrier.arrive $0xFFFF  }
0x13c: {  	_ =	strace $0x90000053  }
0x13d: {  	s0 =	stileid.u32;
	[bflag:$0x2] =	sbarrier.arrive $0xFFFF  }
0x13e: {  	p0 =	sne.s32 s0, $0x0;
	s0 =	rddreg [dreg:$0x2]  }
0x13f: {  	s0 =	sadd.s32 @!p0 $0x100000, s0  }
0x140: {  	[sflag:s0] =	ssyncadd.tile.s32 @!p0 $0x1;
	_ =	shalt  }
.Lfunc_end2:
_tile_overlayer_lowered:
.L_overlay_start_2:
0x141: {  	(tag) =	ssettag $0x2  }
0x142: {  	s0 =	rddreg [dreg:$0x0];
	s2 =	stileid.u32  }
0x143: {  	s1 =	rddreg [dreg:$0x1];
	p0 =	sne.s32 s2, $0x0  }
0x144: {  	s3 =	rddreg [dreg:$0x2];
	[bflag:$0x3] =	sbarrier.arrive $0xFFFF;
	s2 =	simm.s32 @!p0 $0x1C0D  }
0x145: {  	[timem:s3], [sflag:s2] =	dma.local @!p0 [hbm:s0], s1  }
0x146: {  	s0 =	simm.s32 @!p0 $0xD  }
0x147: {  	_ =	swait.ge @!p0 [sflag:s0], s1  }
0x148: {  	s1 =	ssub.s32 @!p0 $0x0, s1;
	[sflag:s0] =	ssyncset.done @!p0 $0x0  }
0x149: {  	[sflag:s0] =	ssyncadd.s32 @!p0 s1  }
0x14a: {  	[bflag:$0x3] =	sbarrier.arrive $0xFFFF  }
0x14b: {  	_ =	shalt  }

</sc_bundles>
